<compile_context>
chip_gen: v7x
topology: tpu7x:2x2x1
jax: 0.10.2.dev20260603
libtpu: 0.0.44.dev20260713+nightly
codegen_flags: <defaults>
</compile_context>

<pallas_src>
import functools

import jax
import jax.numpy as jnp
from jax import lax
from jax.experimental import pallas as pl
from jax.experimental.pallas import tpu as pltpu
from jax.experimental.pallas import tpu_sc as plsc

_H = 512
_LANES = 16
_NCORES = 2
_NSUB = 16
_NW = _NCORES * _NSUB
_CH = _H // _LANES
_C = 16


def _tc_body(f0, f1, f2, f3, f4, f5, f6, f7, f8, w_ref, out_ref):
    w = w_ref[0, :][None, :]
    feats = [r[...] for r in (f0, f1, f2, f3, f4, f5, f6, f7, f8)]
    scores = [jnp.sum(f * w, axis=1, keepdims=True) for f in feats]
    m = scores[0]
    for s in scores[1:]:
        m = jnp.maximum(m, s)
    exps = [jnp.exp(s - m) for s in scores]
    denom = exps[0]
    for e in exps[1:]:
        denom = denom + e
    inv = 1.0 / denom
    acc = feats[0] * (exps[0] * inv)
    for i in range(1, 9):
        acc = acc + feats[i] * (exps[i] * inv)
    out_ref[...] = acc


def _tc_fuse(feats, w2, n_rows, blk, out_rows):
    feat_spec = pl.BlockSpec((blk, _H), lambda i: (i, 0))
    return pl.pallas_call(
        _tc_body,
        grid=(n_rows // blk,),
        in_specs=[feat_spec] * 9 + [pl.BlockSpec((1, _H), lambda i: (0, 0))],
        out_specs=feat_spec,
        out_shape=jax.ShapeDtypeStruct((out_rows, _H), jnp.float32),
    )(*feats, w2)


def _make_sc(n_rows_sc, row0):
    C = 8
    rpw = n_rows_sc // _NW
    nch = rpw // C
    mesh = plsc.VectorSubcoreMesh(core_axis_name="c", subcore_axis_name="s")
    scratch = ([pltpu.VMEM((C, _H), jnp.float32) for _ in range(18)]
               + [pltpu.VMEM((_H,), jnp.float32),
                  pltpu.VMEM((C, _H), jnp.float32),
                  pltpu.VMEM((C, _H), jnp.float32),
                  pltpu.SemaphoreType.DMA,
                  pltpu.SemaphoreType.DMA,
                  pltpu.SemaphoreType.DMA,
                  pltpu.SemaphoreType.DMA])

    @functools.partial(
        pl.kernel, mesh=mesh,
        out_type=jax.ShapeDtypeStruct((n_rows_sc, _H), jnp.float32),
        scratch_types=scratch,
        compiler_params=pltpu.CompilerParams(needs_layout_passes=False),
    )
    def sc_kernel(f0, f1, f2, f3, f4, f5, f6, f7, f8, w_hbm, out_hbm, *sc):
        fhs = (f0, f1, f2, f3, f4, f5, f6, f7, f8)
        buf_a, buf_b = sc[0:9], sc[9:18]
        wv, ov_a, ov_b, s_ia, s_ib, s_oa, s_ob = sc[18:]
        wid = lax.axis_index("s") * _NCORES + lax.axis_index("c")
        pltpu.sync_copy(w_hbm, wv)
        base0 = row0 + wid * rpw
        last_base = row0 + n_rows_sc - C

        def start_in(base, bufs, sem):
            for i in range(9):
                pltpu.async_copy(fhs[i].at[pl.ds(base, C), :], bufs[i], sem)

        def wait_in(bufs, sem):
            for i in range(9):
                pltpu.make_async_copy(
                    fhs[i].at[pl.ds(0, C), :], bufs[i], sem).wait()

        def start_out(ov, base, sem):
            pltpu.async_copy(ov, out_hbm.at[pl.ds(base - row0, C), :], sem)

        def wait_out(ov, sem):
            pltpu.make_async_copy(
                ov, out_hbm.at[pl.ds(0, C), :], sem).wait()

        def compute_chunk(bufs, ov):
            def row_body(r, c2):
                def score_k(kk, accs):
                    res = list(accs)
                    for u in range(8):
                        k = (kk * 8 + u) * _LANES
                        wk = wv[pl.ds(k, _LANES)]
                        for i in range(9):
                            res[i] = res[i] + bufs[i][r, pl.ds(k, _LANES)] * wk
                    return tuple(res)
                zero = jnp.zeros((_LANES,), jnp.float32)
                accs = lax.fori_loop(0, _CH // 8, score_k, (zero,) * 9)
                ss = [jnp.sum(a) for a in accs]
                m = ss[0]
                for s in ss[1:]:
                    m = jnp.maximum(m, s)
                es = [jnp.exp(jnp.full((_LANES,), s - m)) for s in ss]
                den = es[0]
                for e in es[1:]:
                    den = den + e
                atts = [e / den for e in es]

                def weight_k(kk, c3):
                    for u in range(8):
                        k = (kk * 8 + u) * _LANES
                        a0 = bufs[0][r, pl.ds(k, _LANES)] * atts[0]
                        a1 = bufs[1][r, pl.ds(k, _LANES)] * atts[1]
                        a2 = bufs[2][r, pl.ds(k, _LANES)] * atts[2]
                        for i in range(3, 9):
                            t = bufs[i][r, pl.ds(k, _LANES)] * atts[i]
                            if i % 3 == 0:
                                a0 = a0 + t
                            elif i % 3 == 1:
                                a1 = a1 + t
                            else:
                                a2 = a2 + t
                        ov[r, pl.ds(k, _LANES)] = a0 + (a1 + a2)
                    return c3
                lax.fori_loop(0, _CH // 8, weight_k, 0)
                return c2
            lax.fori_loop(0, C, row_body, 0)

        start_in(base0, buf_a, s_ia)

        def super_body(g, carry):
            base_a = base0 + (2 * g) * C
            base_b = base_a + C
            base_a2 = jnp.minimum(base_a + 2 * C, last_base)
            start_in(base_b, buf_b, s_ib)
            wait_in(buf_a, s_ia)

            @pl.when(g > 0)
            def _():
                wait_out(ov_a, s_oa)
            compute_chunk(buf_a, ov_a)
            start_out(ov_a, base_a, s_oa)

            start_in(base_a2, buf_a, s_ia)
            wait_in(buf_b, s_ib)

            @pl.when(g > 0)
            def _():
                wait_out(ov_b, s_ob)
            compute_chunk(buf_b, ov_b)
            start_out(ov_b, base_b, s_ob)
            return carry
        lax.fori_loop(0, nch // 2, super_body, 0)

        wait_in(buf_a, s_ia)
        wait_out(ov_a, s_oa)
        wait_out(ov_b, s_ob)

    return sc_kernel


def kernel(feat_0, feat_1, feat_2, feat_3, feat_4, feat_5, feat_6, feat_7,
           feat_8, W):
    S, B, H = feat_0.shape
    R = S * B
    feats = [f.reshape(R, H) for f in (feat_0, feat_1, feat_2, feat_3, feat_4,
                                       feat_5, feat_6, feat_7, feat_8)]
    w2 = W.reshape(1, H)

    n_sc = 3584 if R == 16384 else 0
    n_tc = R - n_sc

    if n_sc == 0:
        tc_out = _tc_fuse(feats, w2, n_tc, min(512, n_tc), n_tc)
        return tc_out.reshape(S, B, H)

    tc_out = _tc_fuse(feats, w2, n_tc, 512, R)
    sc_out = _make_sc(n_sc, n_tc)(*feats, W)
    full = lax.dynamic_update_slice(tc_out, sc_out, (n_tc, 0))
    return full.reshape(S, B, H)

# --- scband reference (transcript-rebuilt; emitter-appended) ---
"""Pipeline reference for scband-commonsense-graph-smile-43044162240786 (READ-ONLY COPY).

The authoritative reference and input builder live on the scoring server;
editing this copy changes nothing except your own understanding.
"""

import jax, jax.numpy as jnp
import numpy as np

S, B, H, N = 512, 32, 512, 9

def setup_inputs(seed: int = 0) -> dict:
    key = jax.random.key(seed)
    ks = jax.random.split(key, N + 1)
    inp = {}
    for i in range(N):
        inp[f"feat_{i}"] = jax.random.normal(ks[i], (S, B, H), dtype=jnp.float32)
    # attention_weights: nn.Linear(hidden_dim, 1, bias=False) -> weight vector [H]
    inp["W"] = jax.random.normal(ks[N], (H,), dtype=jnp.float32) * (1.0 / np.sqrt(H))
    return inp

def reference(feat_0, feat_1, feat_2, feat_3, feat_4, feat_5, feat_6, feat_7, feat_8, W):
    # CommonsenseAttention.forward
    stacked = jnp.stack([feat_0, feat_1, feat_2, feat_3, feat_4,
                         feat_5, feat_6, feat_7, feat_8], axis=0)  # [N, S, B, H]
    # attention_scores = Linear(H -> 1, no bias) applied per element
    scores = jnp.einsum('nsbh,h->nsb', stacked, W)                 # [N, S, B]
    attn = jax.nn.softmax(scores, axis=0)                          # softmax over feature axis
    weighted = stacked * attn[..., None]                           # [N, S, B, H]
    fused = jnp.sum(weighted, axis=0)                              # [S, B, H]
    return fused

if __name__ == "__main__":
    import jax
    _d = setup_inputs()
    print(jax.jit(kernel)(*tuple(_d.values())))

</pallas_src>

<mosaic_0001>
#map = affine_map<(d0, d1) -> (0, 0)>
#map1 = affine_map<(d0, d1) -> (0)>
module attributes {stable_mosaic.version = 14 : i64} {
  func.func @sc_kernel(%arg0: i32, %arg1: i32, %arg2: memref<16384x512xf32, #tpu.memory_space<hbm>>, %arg3: memref<16384x512xf32, #tpu.memory_space<hbm>>, %arg4: memref<16384x512xf32, #tpu.memory_space<hbm>>, %arg5: memref<16384x512xf32, #tpu.memory_space<hbm>>, %arg6: memref<16384x512xf32, #tpu.memory_space<hbm>>, %arg7: memref<16384x512xf32, #tpu.memory_space<hbm>>, %arg8: memref<16384x512xf32, #tpu.memory_space<hbm>>, %arg9: memref<16384x512xf32, #tpu.memory_space<hbm>>, %arg10: memref<16384x512xf32, #tpu.memory_space<hbm>>, %arg11: memref<512xf32, #tpu.memory_space<hbm>>, %arg12: memref<3584x512xf32, #tpu.memory_space<hbm>>, %arg13: memref<8x512xf32, #tpu.memory_space<vmem>>, %arg14: memref<8x512xf32, #tpu.memory_space<vmem>>, %arg15: memref<8x512xf32, #tpu.memory_space<vmem>>, %arg16: memref<8x512xf32, #tpu.memory_space<vmem>>, %arg17: memref<8x512xf32, #tpu.memory_space<vmem>>, %arg18: memref<8x512xf32, #tpu.memory_space<vmem>>, %arg19: memref<8x512xf32, #tpu.memory_space<vmem>>, %arg20: memref<8x512xf32, #tpu.memory_space<vmem>>, %arg21: memref<8x512xf32, #tpu.memory_space<vmem>>, %arg22: memref<8x512xf32, #tpu.memory_space<vmem>>, %arg23: memref<8x512xf32, #tpu.memory_space<vmem>>, %arg24: memref<8x512xf32, #tpu.memory_space<vmem>>, %arg25: memref<8x512xf32, #tpu.memory_space<vmem>>, %arg26: memref<8x512xf32, #tpu.memory_space<vmem>>, %arg27: memref<8x512xf32, #tpu.memory_space<vmem>>, %arg28: memref<8x512xf32, #tpu.memory_space<vmem>>, %arg29: memref<8x512xf32, #tpu.memory_space<vmem>>, %arg30: memref<8x512xf32, #tpu.memory_space<vmem>>, %arg31: memref<512xf32, #tpu.memory_space<vmem>>, %arg32: memref<8x512xf32, #tpu.memory_space<vmem>>, %arg33: memref<8x512xf32, #tpu.memory_space<vmem>>, %arg34: memref<!tpu.dma_semaphore, #tpu.memory_space<semaphore_mem>>, %arg35: memref<!tpu.dma_semaphore, #tpu.memory_space<semaphore_mem>>, %arg36: memref<!tpu.dma_semaphore, #tpu.memory_space<semaphore_mem>>, %arg37: memref<!tpu.dma_semaphore, #tpu.memory_space<semaphore_mem>>) attributes {dimension_semantics = [#tpu.dimension_semantics<core_parallel>, #tpu.dimension_semantics<subcore_parallel>], iteration_bounds = array<i64: 2, 16>, scalar_prefetch = 0 : i64, scratch_operands = 25 : i64, tpu.core_type = #tpu.core_type<sc_vector_subcore>, window_params = [{transform_indices = #map}, {transform_indices = #map}, {transform_indices = #map}, {transform_indices = #map}, {transform_indices = #map}, {transform_indices = #map}, {transform_indices = #map}, {transform_indices = #map}, {transform_indices = #map}, {transform_indices = #map1}, {transform_indices = #map}]} {
    %mul3A = arith.constant 2 : i32
    %mul3A_0 = arith.muli %arg1, %mul3A : i32
    %add3A = arith.addi %mul3A_0, %arg0 : i32
    "tpu.region"() ({
      %run_scoped3A = tpu.sem_alloc : memref<!tpu.dma_semaphore, #tpu.memory_space<semaphore_mem>>
      tpu.enqueue_dma source(%arg11 : memref<512xf32, #tpu.memory_space<hbm>>) target(%arg31 : memref<512xf32, #tpu.memory_space<vmem>>) target_semaphore(%run_scoped3A : memref<!tpu.dma_semaphore, #tpu.memory_space<semaphore_mem>>)
      tpu.wait_dma2 semaphore(%run_scoped3A : memref<!tpu.dma_semaphore, #tpu.memory_space<semaphore_mem>>) src(%arg11 : memref<512xf32, #tpu.memory_space<hbm>>) dst(%arg31 : memref<512xf32, #tpu.memory_space<vmem>>)
      tpu.yield
    }) : () -> ()
    %mul3A_1 = arith.constant 112 : i32
    %mul3A_2 = arith.muli %add3A, %mul3A_1 : i32
    %add3A_3 = arith.constant 12800 : i32
    %add3A_4 = arith.addi %add3A_3, %mul3A_2 : i32
    %dma_start3A = arith.constant 0 : i32
    %dma_start3A_5 = tpu.memref_slice %arg2[%add3A_4, %dma_start3A] : memref<16384x512xf32, #tpu.memory_space<hbm>> -> memref<8x512xf32, #tpu.memory_space<hbm>>
    %dma_start3A_6 = arith.constant 0 : i32
    %dma_start3A_7 = tpu.memref_slice %arg2[%add3A_4, %dma_start3A_6] : memref<16384x512xf32, #tpu.memory_space<hbm>> -> memref<8x512xf32, #tpu.memory_space<hbm>>
    tpu.enqueue_dma source(%dma_start3A_7 : memref<8x512xf32, #tpu.memory_space<hbm>>) target(%arg13 : memref<8x512xf32, #tpu.memory_space<vmem>>) target_semaphore(%arg34 : memref<!tpu.dma_semaphore, #tpu.memory_space<semaphore_mem>>)
    %dma_start3A_8 = arith.constant 0 : i32
    %dma_start3A_9 = tpu.memref_slice %arg3[%add3A_4, %dma_start3A_8] : memref<16384x512xf32, #tpu.memory_space<hbm>> -> memref<8x512xf32, #tpu.memory_space<hbm>>
    %dma_start3A_10 = arith.constant 0 : i32
    %dma_start3A_11 = tpu.memref_slice %arg3[%add3A_4, %dma_start3A_10] : memref<16384x512xf32, #tpu.memory_space<hbm>> -> memref<8x512xf32, #tpu.memory_space<hbm>>
    tpu.enqueue_dma source(%dma_start3A_11 : memref<8x512xf32, #tpu.memory_space<hbm>>) target(%arg14 : memref<8x512xf32, #tpu.memory_space<vmem>>) target_semaphore(%arg34 : memref<!tpu.dma_semaphore, #tpu.memory_space<semaphore_mem>>)
    %dma_start3A_12 = arith.constant 0 : i32
    %dma_start3A_13 = tpu.memref_slice %arg4[%add3A_4, %dma_start3A_12] : memref<16384x512xf32, #tpu.memory_space<hbm>> -> memref<8x512xf32, #tpu.memory_space<hbm>>
    %dma_start3A_14 = arith.constant 0 : i32
    %dma_start3A_15 = tpu.memref_slice %arg4[%add3A_4, %dma_start3A_14] : memref<16384x512xf32, #tpu.memory_space<hbm>> -> memref<8x512xf32, #tpu.memory_space<hbm>>
    tpu.enqueue_dma source(%dma_start3A_15 : memref<8x512xf32, #tpu.memory_space<hbm>>) target(%arg15 : memref<8x512xf32, #tpu.memory_space<vmem>>) target_semaphore(%arg34 : memref<!tpu.dma_semaphore, #tpu.memory_space<semaphore_mem>>)
    %dma_start3A_16 = arith.constant 0 : i32
    %dma_start3A_17 = tpu.memref_slice %arg5[%add3A_4, %dma_start3A_16] : memref<16384x512xf32, #tpu.memory_space<hbm>> -> memref<8x512xf32, #tpu.memory_space<hbm>>
    %dma_start3A_18 = arith.constant 0 : i32
    %dma_start3A_19 = tpu.memref_slice %arg5[%add3A_4, %dma_start3A_18] : memref<16384x512xf32, #tpu.memory_space<hbm>> -> memref<8x512xf32, #tpu.memory_space<hbm>>
    tpu.enqueue_dma source(%dma_start3A_19 : memref<8x512xf32, #tpu.memory_space<hbm>>) target(%arg16 : memref<8x512xf32, #tpu.memory_space<vmem>>) target_semaphore(%arg34 : memref<!tpu.dma_semaphore, #tpu.memory_space<semaphore_mem>>)
    %dma_start3A_20 = arith.constant 0 : i32
    %dma_start3A_21 = tpu.memref_slice %arg6[%add3A_4, %dma_start3A_20] : memref<16384x512xf32, #tpu.memory_space<hbm>> -> memref<8x512xf32, #tpu.memory_space<hbm>>
    %dma_start3A_22 = arith.constant 0 : i32
    %dma_start3A_23 = tpu.memref_slice %arg6[%add3A_4, %dma_start3A_22] : memref<16384x512xf32, #tpu.memory_space<hbm>> -> memref<8x512xf32, #tpu.memory_space<hbm>>
    tpu.enqueue_dma source(%dma_start3A_23 : memref<8x512xf32, #tpu.memory_space<hbm>>) target(%arg17 : memref<8x512xf32, #tpu.memory_space<vmem>>) target_semaphore(%arg34 : memref<!tpu.dma_semaphore, #tpu.memory_space<semaphore_mem>>)
    %dma_start3A_24 = arith.constant 0 : i32
    %dma_start3A_25 = tpu.memref_slice %arg7[%add3A_4, %dma_start3A_24] : memref<16384x512xf32, #tpu.memory_space<hbm>> -> memref<8x512xf32, #tpu.memory_space<hbm>>
    %dma_start3A_26 = arith.constant 0 : i32
    %dma_start3A_27 = tpu.memref_slice %arg7[%add3A_4, %dma_start3A_26] : memref<16384x512xf32, #tpu.memory_space<hbm>> -> memref<8x512xf32, #tpu.memory_space<hbm>>
    tpu.enqueue_dma source(%dma_start3A_27 : memref<8x512xf32, #tpu.memory_space<hbm>>) target(%arg18 : memref<8x512xf32, #tpu.memory_space<vmem>>) target_semaphore(%arg34 : memref<!tpu.dma_semaphore, #tpu.memory_space<semaphore_mem>>)
    %dma_start3A_28 = arith.constant 0 : i32
    %dma_start3A_29 = tpu.memref_slice %arg8[%add3A_4, %dma_start3A_28] : memref<16384x512xf32, #tpu.memory_space<hbm>> -> memref<8x512xf32, #tpu.memory_space<hbm>>
    %dma_start3A_30 = arith.constant 0 : i32
    %dma_start3A_31 = tpu.memref_slice %arg8[%add3A_4, %dma_start3A_30] : memref<16384x512xf32, #tpu.memory_space<hbm>> -> memref<8x512xf32, #tpu.memory_space<hbm>>
    tpu.enqueue_dma source(%dma_start3A_31 : memref<8x512xf32, #tpu.memory_space<hbm>>) target(%arg19 : memref<8x512xf32, #tpu.memory_space<vmem>>) target_semaphore(%arg34 : memref<!tpu.dma_semaphore, #tpu.memory_space<semaphore_mem>>)
    %dma_start3A_32 = arith.constant 0 : i32
    %dma_start3A_33 = tpu.memref_slice %arg9[%add3A_4, %dma_start3A_32] : memref<16384x512xf32, #tpu.memory_space<hbm>> -> memref<8x512xf32, #tpu.memory_space<hbm>>
    %dma_start3A_34 = arith.constant 0 : i32
    %dma_start3A_35 = tpu.memref_slice %arg9[%add3A_4, %dma_start3A_34] : memref<16384x512xf32, #tpu.memory_space<hbm>> -> memref<8x512xf32, #tpu.memory_space<hbm>>
    tpu.enqueue_dma source(%dma_start3A_35 : memref<8x512xf32, #tpu.memory_space<hbm>>) target(%arg20 : memref<8x512xf32, #tpu.memory_space<vmem>>) target_semaphore(%arg34 : memref<!tpu.dma_semaphore, #tpu.memory_space<semaphore_mem>>)
    %dma_start3A_36 = arith.constant 0 : i32
    %dma_start3A_37 = tpu.memref_slice %arg10[%add3A_4, %dma_start3A_36] : memref<16384x512xf32, #tpu.memory_space<hbm>> -> memref<8x512xf32, #tpu.memory_space<hbm>>
    %dma_start3A_38 = arith.constant 0 : i32
    %dma_start3A_39 = tpu.memref_slice %arg10[%add3A_4, %dma_start3A_38] : memref<16384x512xf32, #tpu.memory_space<hbm>> -> memref<8x512xf32, #tpu.memory_space<hbm>>
    tpu.enqueue_dma source(%dma_start3A_39 : memref<8x512xf32, #tpu.memory_space<hbm>>) target(%arg21 : memref<8x512xf32, #tpu.memory_space<vmem>>) target_semaphore(%arg34 : memref<!tpu.dma_semaphore, #tpu.memory_space<semaphore_mem>>)
    %scan3A = arith.constant 0 : i32
    %scan3A_40 = arith.constant 0 : i32
    %scan3A_41 = arith.constant 7 : i32
    %scan3A_42 = arith.addi %scan3A_40, %scan3A_41 : i32
    %scan3A_43 = arith.constant 1 : i32
    scf.for %scan3A_110 = %scan3A_40 to %scan3A_42 step %scan3A_43  : i32 {
      %mul3A_111 = arith.constant 2 : i32
      %mul3A_112 = arith.muli %mul3A_111, %scan3A_110 : i32
      %mul3A_113 = arith.constant 8 : i32
      %mul3A_114 = arith.muli %mul3A_112, %mul3A_113 : i32
      %add3A_115 = arith.addi %add3A_4, %mul3A_114 : i32
      %add3A_116 = arith.constant 8 : i32
      %add3A_117 = arith.addi %add3A_115, %add3A_116 : i32
      %add3A_118 = arith.constant 16 : i32
      %add3A_119 = arith.addi %add3A_115, %add3A_118 : i32
      %min3A = arith.constant 16376 : i32
      %min3A_120 = arith.minsi %add3A_119, %min3A : i32
      %dma_start3A_121 = arith.constant 0 : i32
      %dma_start3A_122 = tpu.memref_slice %arg2[%add3A_117, %dma_start3A_121] : memref<16384x512xf32, #tpu.memory_space<hbm>> -> memref<8x512xf32, #tpu.memory_space<hbm>>
      %dma_start3A_123 = arith.constant 0 : i32
      %dma_start3A_124 = tpu.memref_slice %arg2[%add3A_117, %dma_start3A_123] : memref<16384x512xf32, #tpu.memory_space<hbm>> -> memref<8x512xf32, #tpu.memory_space<hbm>>
      tpu.enqueue_dma source(%dma_start3A_124 : memref<8x512xf32, #tpu.memory_space<hbm>>) target(%arg22 : memref<8x512xf32, #tpu.memory_space<vmem>>) target_semaphore(%arg35 : memref<!tpu.dma_semaphore, #tpu.memory_space<semaphore_mem>>)
      %dma_start3A_125 = arith.constant 0 : i32
      %dma_start3A_126 = tpu.memref_slice %arg3[%add3A_117, %dma_start3A_125] : memref<16384x512xf32, #tpu.memory_space<hbm>> -> memref<8x512xf32, #tpu.memory_space<hbm>>
      %dma_start3A_127 = arith.constant 0 : i32
      %dma_start3A_128 = tpu.memref_slice %arg3[%add3A_117, %dma_start3A_127] : memref<16384x512xf32, #tpu.memory_space<hbm>> -> memref<8x512xf32, #tpu.memory_space<hbm>>
      tpu.enqueue_dma source(%dma_start3A_128 : memref<8x512xf32, #tpu.memory_space<hbm>>) target(%arg23 : memref<8x512xf32, #tpu.memory_space<vmem>>) target_semaphore(%arg35 : memref<!tpu.dma_semaphore, #tpu.memory_space<semaphore_mem>>)
      %dma_start3A_129 = arith.constant 0 : i32
      %dma_start3A_130 = tpu.memref_slice %arg4[%add3A_117, %dma_start3A_129] : memref<16384x512xf32, #tpu.memory_space<hbm>> -> memref<8x512xf32, #tpu.memory_space<hbm>>
      %dma_start3A_131 = arith.constant 0 : i32
      %dma_start3A_132 = tpu.memref_slice %arg4[%add3A_117, %dma_start3A_131] : memref<16384x512xf32, #tpu.memory_space<hbm>> -> memref<8x512xf32, #tpu.memory_space<hbm>>
      tpu.enqueue_dma source(%dma_start3A_132 : memref<8x512xf32, #tpu.memory_space<hbm>>) target(%arg24 : memref<8x512xf32, #tpu.memory_space<vmem>>) target_semaphore(%arg35 : memref<!tpu.dma_semaphore, #tpu.memory_space<semaphore_mem>>)
      %dma_start3A_133 = arith.constant 0 : i32
      %dma_start3A_134 = tpu.memref_slice %arg5[%add3A_117, %dma_start3A_133] : memref<16384x512xf32, #tpu.memory_space<hbm>> -> memref<8x512xf32, #tpu.memory_space<hbm>>
      %dma_start3A_135 = arith.constant 0 : i32
      %dma_start3A_136 = tpu.memref_slice %arg5[%add3A_117, %dma_start3A_135] : memref<16384x512xf32, #tpu.memory_space<hbm>> -> memref<8x512xf32, #tpu.memory_space<hbm>>
      tpu.enqueue_dma source(%dma_start3A_136 : memref<8x512xf32, #tpu.memory_space<hbm>>) target(%arg25 : memref<8x512xf32, #tpu.memory_space<vmem>>) target_semaphore(%arg35 : memref<!tpu.dma_semaphore, #tpu.memory_space<semaphore_mem>>)
      %dma_start3A_137 = arith.constant 0 : i32
      %dma_start3A_138 = tpu.memref_slice %arg6[%add3A_117, %dma_start3A_137] : memref<16384x512xf32, #tpu.memory_space<hbm>> -> memref<8x512xf32, #tpu.memory_space<hbm>>
      %dma_start3A_139 = arith.constant 0 : i32
      %dma_start3A_140 = tpu.memref_slice %arg6[%add3A_117, %dma_start3A_139] : memref<16384x512xf32, #tpu.memory_space<hbm>> -> memref<8x512xf32, #tpu.memory_space<hbm>>
      tpu.enqueue_dma source(%dma_start3A_140 : memref<8x512xf32, #tpu.memory_space<hbm>>) target(%arg26 : memref<8x512xf32, #tpu.memory_space<vmem>>) target_semaphore(%arg35 : memref<!tpu.dma_semaphore, #tpu.memory_space<semaphore_mem>>)
      %dma_start3A_141 = arith.constant 0 : i32
      %dma_start3A_142 = tpu.memref_slice %arg7[%add3A_117, %dma_start3A_141] : memref<16384x512xf32, #tpu.memory_space<hbm>> -> memref<8x512xf32, #tpu.memory_space<hbm>>
      %dma_start3A_143 = arith.constant 0 : i32
      %dma_start3A_144 = tpu.memref_slice %arg7[%add3A_117, %dma_start3A_143] : memref<16384x512xf32, #tpu.memory_space<hbm>> -> memref<8x512xf32, #tpu.memory_space<hbm>>
      tpu.enqueue_dma source(%dma_start3A_144 : memref<8x512xf32, #tpu.memory_space<hbm>>) target(%arg27 : memref<8x512xf32, #tpu.memory_space<vmem>>) target_semaphore(%arg35 : memref<!tpu.dma_semaphore, #tpu.memory_space<semaphore_mem>>)
      %dma_start3A_145 = arith.constant 0 : i32
      %dma_start3A_146 = tpu.memref_slice %arg8[%add3A_117, %dma_start3A_145] : memref<16384x512xf32, #tpu.memory_space<hbm>> -> memref<8x512xf32, #tpu.memory_space<hbm>>
      %dma_start3A_147 = arith.constant 0 : i32
      %dma_start3A_148 = tpu.memref_slice %arg8[%add3A_117, %dma_start3A_147] : memref<16384x512xf32, #tpu.memory_space<hbm>> -> memref<8x512xf32, #tpu.memory_space<hbm>>
      tpu.enqueue_dma source(%dma_start3A_148 : memref<8x512xf32, #tpu.memory_space<hbm>>) target(%arg28 : memref<8x512xf32, #tpu.memory_space<vmem>>) target_semaphore(%arg35 : memref<!tpu.dma_semaphore, #tpu.memory_space<semaphore_mem>>)
      %dma_start3A_149 = arith.constant 0 : i32
      %dma_start3A_150 = tpu.memref_slice %arg9[%add3A_117, %dma_start3A_149] : memref<16384x512xf32, #tpu.memory_space<hbm>> -> memref<8x512xf32, #tpu.memory_space<hbm>>
      %dma_start3A_151 = arith.constant 0 : i32
      %dma_start3A_152 = tpu.memref_slice %arg9[%add3A_117, %dma_start3A_151] : memref<16384x512xf32, #tpu.memory_space<hbm>> -> memref<8x512xf32, #tpu.memory_space<hbm>>
      tpu.enqueue_dma source(%dma_start3A_152 : memref<8x512xf32, #tpu.memory_space<hbm>>) target(%arg29 : memref<8x512xf32, #tpu.memory_space<vmem>>) target_semaphore(%arg35 : memref<!tpu.dma_semaphore, #tpu.memory_space<semaphore_mem>>)
      %dma_start3A_153 = arith.constant 0 : i32
      %dma_start3A_154 = tpu.memref_slice %arg10[%add3A_117, %dma_start3A_153] : memref<16384x512xf32, #tpu.memory_space<hbm>> -> memref<8x512xf32, #tpu.memory_space<hbm>>
      %dma_start3A_155 = arith.constant 0 : i32
      %dma_start3A_156 = tpu.memref_slice %arg10[%add3A_117, %dma_start3A_155] : memref<16384x512xf32, #tpu.memory_space<hbm>> -> memref<8x512xf32, #tpu.memory_space<hbm>>
      tpu.enqueue_dma source(%dma_start3A_156 : memref<8x512xf32, #tpu.memory_space<hbm>>) target(%arg30 : memref<8x512xf32, #tpu.memory_space<vmem>>) target_semaphore(%arg35 : memref<!tpu.dma_semaphore, #tpu.memory_space<semaphore_mem>>)
      %dma_wait3A_157 = arith.constant 0 : i32
      %dma_wait3A_158 = arith.constant 0 : i32
      %dma_wait3A_159 = tpu.memref_slice %arg2[%dma_wait3A_157, %dma_wait3A_158] : memref<16384x512xf32, #tpu.memory_space<hbm>> -> memref<8x512xf32, #tpu.memory_space<hbm>>
      %dma_wait3A_160 = arith.constant 0 : i32
      %dma_wait3A_161 = arith.constant 0 : i32
      %dma_wait3A_162 = tpu.memref_slice %arg2[%dma_wait3A_160, %dma_wait3A_161] : memref<16384x512xf32, #tpu.memory_space<hbm>> -> memref<8x512xf32, #tpu.memory_space<hbm>>
      tpu.wait_dma2 semaphore(%arg34 : memref<!tpu.dma_semaphore, #tpu.memory_space<semaphore_mem>>) src(%dma_wait3A_162 : memref<8x512xf32, #tpu.memory_space<hbm>>) dst(%arg13 : memref<8x512xf32, #tpu.memory_space<vmem>>)
      %dma_wait3A_163 = arith.constant 0 : i32
      %dma_wait3A_164 = arith.constant 0 : i32
      %dma_wait3A_165 = tpu.memref_slice %arg3[%dma_wait3A_163, %dma_wait3A_164] : memref<16384x512xf32, #tpu.memory_space<hbm>> -> memref<8x512xf32, #tpu.memory_space<hbm>>
      %dma_wait3A_166 = arith.constant 0 : i32
      %dma_wait3A_167 = arith.constant 0 : i32
      %dma_wait3A_168 = tpu.memref_slice %arg3[%dma_wait3A_166, %dma_wait3A_167] : memref<16384x512xf32, #tpu.memory_space<hbm>> -> memref<8x512xf32, #tpu.memory_space<hbm>>
      tpu.wait_dma2 semaphore(%arg34 : memref<!tpu.dma_semaphore, #tpu.memory_space<semaphore_mem>>) src(%dma_wait3A_168 : memref<8x512xf32, #tpu.memory_space<hbm>>) dst(%arg14 : memref<8x512xf32, #tpu.memory_space<vmem>>)
      %dma_wait3A_169 = arith.constant 0 : i32
      %dma_wait3A_170 = arith.constant 0 : i32
      %dma_wait3A_171 = tpu.memref_slice %arg4[%dma_wait3A_169, %dma_wait3A_170] : memref<16384x512xf32, #tpu.memory_space<hbm>> -> memref<8x512xf32, #tpu.memory_space<hbm>>
      %dma_wait3A_172 = arith.constant 0 : i32
      %dma_wait3A_173 = arith.constant 0 : i32
      %dma_wait3A_174 = tpu.memref_slice %arg4[%dma_wait3A_172, %dma_wait3A_173] : memref<16384x512xf32, #tpu.memory_space<hbm>> -> memref<8x512xf32, #tpu.memory_space<hbm>>
      tpu.wait_dma2 semaphore(%arg34 : memref<!tpu.dma_semaphore, #tpu.memory_space<semaphore_mem>>) src(%dma_wait3A_174 : memref<8x512xf32, #tpu.memory_space<hbm>>) dst(%arg15 : memref<8x512xf32, #tpu.memory_space<vmem>>)
      %dma_wait3A_175 = arith.constant 0 : i32
      %dma_wait3A_176 = arith.constant 0 : i32
      %dma_wait3A_177 = tpu.memref_slice %arg5[%dma_wait3A_175, %dma_wait3A_176] : memref<16384x512xf32, #tpu.memory_space<hbm>> -> memref<8x512xf32, #tpu.memory_space<hbm>>
      %dma_wait3A_178 = arith.constant 0 : i32
      %dma_wait3A_179 = arith.constant 0 : i32
      %dma_wait3A_180 = tpu.memref_slice %arg5[%dma_wait3A_178, %dma_wait3A_179] : memref<16384x512xf32, #tpu.memory_space<hbm>> -> memref<8x512xf32, #tpu.memory_space<hbm>>
      tpu.wait_dma2 semaphore(%arg34 : memref<!tpu.dma_semaphore, #tpu.memory_space<semaphore_mem>>) src(%dma_wait3A_180 : memref<8x512xf32, #tpu.memory_space<hbm>>) dst(%arg16 : memref<8x512xf32, #tpu.memory_space<vmem>>)
      %dma_wait3A_181 = arith.constant 0 : i32
      %dma_wait3A_182 = arith.constant 0 : i32
      %dma_wait3A_183 = tpu.memref_slice %arg6[%dma_wait3A_181, %dma_wait3A_182] : memref<16384x512xf32, #tpu.memory_space<hbm>> -> memref<8x512xf32, #tpu.memory_space<hbm>>
      %dma_wait3A_184 = arith.constant 0 : i32
      %dma_wait3A_185 = arith.constant 0 : i32
      %dma_wait3A_186 = tpu.memref_slice %arg6[%dma_wait3A_184, %dma_wait3A_185] : memref<16384x512xf32, #tpu.memory_space<hbm>> -> memref<8x512xf32, #tpu.memory_space<hbm>>
      tpu.wait_dma2 semaphore(%arg34 : memref<!tpu.dma_semaphore, #tpu.memory_space<semaphore_mem>>) src(%dma_wait3A_186 : memref<8x512xf32, #tpu.memory_space<hbm>>) dst(%arg17 : memref<8x512xf32, #tpu.memory_space<vmem>>)
      %dma_wait3A_187 = arith.constant 0 : i32
      %dma_wait3A_188 = arith.constant 0 : i32
      %dma_wait3A_189 = tpu.memref_slice %arg7[%dma_wait3A_187, %dma_wait3A_188] : memref<16384x512xf32, #tpu.memory_space<hbm>> -> memref<8x512xf32, #tpu.memory_space<hbm>>
      %dma_wait3A_190 = arith.constant 0 : i32
      %dma_wait3A_191 = arith.constant 0 : i32
      %dma_wait3A_192 = tpu.memref_slice %arg7[%dma_wait3A_190, %dma_wait3A_191] : memref<16384x512xf32, #tpu.memory_space<hbm>> -> memref<8x512xf32, #tpu.memory_space<hbm>>
      tpu.wait_dma2 semaphore(%arg34 : memref<!tpu.dma_semaphore, #tpu.memory_space<semaphore_mem>>) src(%dma_wait3A_192 : memref<8x512xf32, #tpu.memory_space<hbm>>) dst(%arg18 : memref<8x512xf32, #tpu.memory_space<vmem>>)
      %dma_wait3A_193 = arith.constant 0 : i32
      %dma_wait3A_194 = arith.constant 0 : i32
      %dma_wait3A_195 = tpu.memref_slice %arg8[%dma_wait3A_193, %dma_wait3A_194] : memref<16384x512xf32, #tpu.memory_space<hbm>> -> memref<8x512xf32, #tpu.memory_space<hbm>>
      %dma_wait3A_196 = arith.constant 0 : i32
      %dma_wait3A_197 = arith.constant 0 : i32
      %dma_wait3A_198 = tpu.memref_slice %arg8[%dma_wait3A_196, %dma_wait3A_197] : memref<16384x512xf32, #tpu.memory_space<hbm>> -> memref<8x512xf32, #tpu.memory_space<hbm>>
      tpu.wait_dma2 semaphore(%arg34 : memref<!tpu.dma_semaphore, #tpu.memory_space<semaphore_mem>>) src(%dma_wait3A_198 : memref<8x512xf32, #tpu.memory_space<hbm>>) dst(%arg19 : memref<8x512xf32, #tpu.memory_space<vmem>>)
      %dma_wait3A_199 = arith.constant 0 : i32
      %dma_wait3A_200 = arith.constant 0 : i32
      %dma_wait3A_201 = tpu.memref_slice %arg9[%dma_wait3A_199, %dma_wait3A_200] : memref<16384x512xf32, #tpu.memory_space<hbm>> -> memref<8x512xf32, #tpu.memory_space<hbm>>
      %dma_wait3A_202 = arith.constant 0 : i32
      %dma_wait3A_203 = arith.constant 0 : i32
      %dma_wait3A_204 = tpu.memref_slice %arg9[%dma_wait3A_202, %dma_wait3A_203] : memref<16384x512xf32, #tpu.memory_space<hbm>> -> memref<8x512xf32, #tpu.memory_space<hbm>>
      tpu.wait_dma2 semaphore(%arg34 : memref<!tpu.dma_semaphore, #tpu.memory_space<semaphore_mem>>) src(%dma_wait3A_204 : memref<8x512xf32, #tpu.memory_space<hbm>>) dst(%arg20 : memref<8x512xf32, #tpu.memory_space<vmem>>)
      %dma_wait3A_205 = arith.constant 0 : i32
      %dma_wait3A_206 = arith.constant 0 : i32
      %dma_wait3A_207 = tpu.memref_slice %arg10[%dma_wait3A_205, %dma_wait3A_206] : memref<16384x512xf32, #tpu.memory_space<hbm>> -> memref<8x512xf32, #tpu.memory_space<hbm>>
      %dma_wait3A_208 = arith.constant 0 : i32
      %dma_wait3A_209 = arith.constant 0 : i32
      %dma_wait3A_210 = tpu.memref_slice %arg10[%dma_wait3A_208, %dma_wait3A_209] : memref<16384x512xf32, #tpu.memory_space<hbm>> -> memref<8x512xf32, #tpu.memory_space<hbm>>
      tpu.wait_dma2 semaphore(%arg34 : memref<!tpu.dma_semaphore, #tpu.memory_space<semaphore_mem>>) src(%dma_wait3A_210 : memref<8x512xf32, #tpu.memory_space<hbm>>) dst(%arg21 : memref<8x512xf32, #tpu.memory_space<vmem>>)
      %gt3A = arith.constant 0 : i32
      %gt3A_211 = arith.cmpi sgt, %scan3A_110, %gt3A : i32
      %convert_element_type3A = arith.extui %gt3A_211 : i1 to i32
      %cond3A = arith.constant 0 : i32
      %cond3A_212 = arith.cmpi ne, %convert_element_type3A, %cond3A : i32
      scf.if %cond3A_212 {
        %dma_wait3A_331 = arith.constant 0 : i32
        %dma_wait3A_332 = arith.constant 0 : i32
        %dma_wait3A_333 = tpu.memref_slice %arg12[%dma_wait3A_331, %dma_wait3A_332] : memref<3584x512xf32, #tpu.memory_space<hbm>> -> memref<8x512xf32, #tpu.memory_space<hbm>>
        %dma_wait3A_334 = arith.constant 0 : i32
        %dma_wait3A_335 = arith.constant 0 : i32
        %dma_wait3A_336 = tpu.memref_slice %arg12[%dma_wait3A_334, %dma_wait3A_335] : memref<3584x512xf32, #tpu.memory_space<hbm>> -> memref<8x512xf32, #tpu.memory_space<hbm>>
        tpu.wait_dma2 semaphore(%arg36 : memref<!tpu.dma_semaphore, #tpu.memory_space<semaphore_mem>>) src(%arg32 : memref<8x512xf32, #tpu.memory_space<vmem>>) dst(%dma_wait3A_336 : memref<8x512xf32, #tpu.memory_space<hbm>>)
      } else {
      }
      %scan3A_213 = arith.constant 0 : i32
      %scan3A_214 = arith.constant 0 : i32
      %scan3A_215 = arith.constant 8 : i32
      %scan3A_216 = arith.addi %scan3A_214, %scan3A_215 : i32
      %scan3A_217 = arith.constant 1 : i32
      scf.for %scan3A_331 = %scan3A_214 to %scan3A_216 step %scan3A_217  : i32 {
        %broadcast_in_dim3A = arith.constant 0.000000e+00 : f32
        %broadcast_in_dim3A_332 = vector.broadcast %broadcast_in_dim3A : f32 to vector<16xf32>
        %scan3A_333 = arith.constant 0 : i32
        %scan3A_334 = arith.constant 4 : i32
        %scan3A_335 = arith.addi %scan3A_333, %scan3A_334 : i32
        %scan3A_336 = arith.constant 1 : i32
        %scan3A_337:9 = scf.for %scan3A_429 = %scan3A_333 to %scan3A_335 step %scan3A_336 iter_args(%scan3A_430 = %broadcast_in_dim3A_332, %scan3A_431 = %broadcast_in_dim3A_332, %scan3A_432 = %broadcast_in_dim3A_332, %scan3A_433 = %broadcast_in_dim3A_332, %scan3A_434 = %broadcast_in_dim3A_332, %scan3A_435 = %broadcast_in_dim3A_332, %scan3A_436 = %broadcast_in_dim3A_332, %scan3A_437 = %broadcast_in_dim3A_332, %scan3A_438 = %broadcast_in_dim3A_332) -> (vector<16xf32>, vector<16xf32>, vector<16xf32>, vector<16xf32>, vector<16xf32>, vector<16xf32>, vector<16xf32>, vector<16xf32>, vector<16xf32>)  : i32 {
          %mul3A_439 = arith.constant 8 : i32
          %mul3A_440 = arith.muli %scan3A_429, %mul3A_439 : i32
          %add3A_441 = arith.constant 0 : i32
          %add3A_442 = arith.addi %mul3A_440, %add3A_441 : i32
          %mul3A_443 = arith.constant 16 : i32
          %mul3A_444 = arith.muli %add3A_442, %mul3A_443 : i32
          %get3A = arith.index_cast %mul3A_444 : i32 to index
          %get3A_445 = tpu.vector_load %arg31[%get3A] {strides = array<i32>} : memref<512xf32, #tpu.memory_space<vmem>>, vector<16xf32>,
          %get3A_446 = arith.index_cast %scan3A_331 : i32 to index
          %get3A_447 = arith.index_cast %mul3A_444 : i32 to index
          %get3A_448 = tpu.vector_load %arg13[%get3A_446, %get3A_447] {strides = array<i32>} : memref<8x512xf32, #tpu.memory_space<vmem>>, vector<16xf32>,
          %mul3A_449 = arith.mulf %get3A_448, %get3A_445 : vector<16xf32>
          %add3A_450 = arith.addf %scan3A_430, %mul3A_449 : vector<16xf32>
          %get3A_451 = arith.index_cast %scan3A_331 : i32 to index
          %get3A_452 = arith.index_cast %mul3A_444 : i32 to index
          %get3A_453 = tpu.vector_load %arg14[%get3A_451, %get3A_452] {strides = array<i32>} : memref<8x512xf32, #tpu.memory_space<vmem>>, vector<16xf32>,
          %mul3A_454 = arith.mulf %get3A_453, %get3A_445 : vector<16xf32>
          %add3A_455 = arith.addf %scan3A_431, %mul3A_454 : vector<16xf32>
          %get3A_456 = arith.index_cast %scan3A_331 : i32 to index
          %get3A_457 = arith.index_cast %mul3A_444 : i32 to index
          %get3A_458 = tpu.vector_load %arg15[%get3A_456, %get3A_457] {strides = array<i32>} : memref<8x512xf32, #tpu.memory_space<vmem>>, vector<16xf32>,
          %mul3A_459 = arith.mulf %get3A_458, %get3A_445 : vector<16xf32>
          %add3A_460 = arith.addf %scan3A_432, %mul3A_459 : vector<16xf32>
          %get3A_461 = arith.index_cast %scan3A_331 : i32 to index
          %get3A_462 = arith.index_cast %mul3A_444 : i32 to index
          %get3A_463 = tpu.vector_load %arg16[%get3A_461, %get3A_462] {strides = array<i32>} : memref<8x512xf32, #tpu.memory_space<vmem>>, vector<16xf32>,
          %mul3A_464 = arith.mulf %get3A_463, %get3A_445 : vector<16xf32>
          %add3A_465 = arith.addf %scan3A_433, %mul3A_464 : vector<16xf32>
          %get3A_466 = arith.index_cast %scan3A_331 : i32 to index
          %get3A_467 = arith.index_cast %mul3A_444 : i32 to index
          %get3A_468 = tpu.vector_load %arg17[%get3A_466, %get3A_467] {strides = array<i32>} : memref<8x512xf32, #tpu.memory_space<vmem>>, vector<16xf32>,
          %mul3A_469 = arith.mulf %get3A_468, %get3A_445 : vector<16xf32>
          %add3A_470 = arith.addf %scan3A_434, %mul3A_469 : vector<16xf32>
          %get3A_471 = arith.index_cast %scan3A_331 : i32 to index
          %get3A_472 = arith.index_cast %mul3A_444 : i32 to index
          %get3A_473 = tpu.vector_load %arg18[%get3A_471, %get3A_472] {strides = array<i32>} : memref<8x512xf32, #tpu.memory_space<vmem>>, vector<16xf32>,
          %mul3A_474 = arith.mulf %get3A_473, %get3A_445 : vector<16xf32>
          %add3A_475 = arith.addf %scan3A_435, %mul3A_474 : vector<16xf32>
          %get3A_476 = arith.index_cast %scan3A_331 : i32 to index
          %get3A_477 = arith.index_cast %mul3A_444 : i32 to index
          %get3A_478 = tpu.vector_load %arg19[%get3A_476, %get3A_477] {strides = array<i32>} : memref<8x512xf32, #tpu.memory_space<vmem>>, vector<16xf32>,
          %mul3A_479 = arith.mulf %get3A_478, %get3A_445 : vector<16xf32>
          %add3A_480 = arith.addf %scan3A_436, %mul3A_479 : vector<16xf32>
          %get3A_481 = arith.index_cast %scan3A_331 : i32 to index
          %get3A_482 = arith.index_cast %mul3A_444 : i32 to index
          %get3A_483 = tpu.vector_load %arg20[%get3A_481, %get3A_482] {strides = array<i32>} : memref<8x512xf32, #tpu.memory_space<vmem>>, vector<16xf32>,
          %mul3A_484 = arith.mulf %get3A_483, %get3A_445 : vector<16xf32>
          %add3A_485 = arith.addf %scan3A_437, %mul3A_484 : vector<16xf32>
          %get3A_486 = arith.index_cast %scan3A_331 : i32 to index
          %get3A_487 = arith.index_cast %mul3A_444 : i32 to index
          %get3A_488 = tpu.vector_load %arg21[%get3A_486, %get3A_487] {strides = array<i32>} : memref<8x512xf32, #tpu.memory_space<vmem>>, vector<16xf32>,
          %mul3A_489 = arith.mulf %get3A_488, %get3A_445 : vector<16xf32>
          %add3A_490 = arith.addf %scan3A_438, %mul3A_489 : vector<16xf32>
          %mul3A_491 = arith.constant 8 : i32
          %mul3A_492 = arith.muli %scan3A_429, %mul3A_491 : i32
          %add3A_493 = arith.constant 1 : i32
          %add3A_494 = arith.addi %mul3A_492, %add3A_493 : i32
          %mul3A_495 = arith.constant 16 : i32
          %mul3A_496 = arith.muli %add3A_494, %mul3A_495 : i32
          %get3A_497 = arith.index_cast %mul3A_496 : i32 to index
          %get3A_498 = tpu.vector_load %arg31[%get3A_497] {strides = array<i32>} : memref<512xf32, #tpu.memory_space<vmem>>, vector<16xf32>,
          %get3A_499 = arith.index_cast %scan3A_331 : i32 to index
          %get3A_500 = arith.index_cast %mul3A_496 : i32 to index
          %get3A_501 = tpu.vector_load %arg13[%get3A_499, %get3A_500] {strides = array<i32>} : memref<8x512xf32, #tpu.memory_space<vmem>>, vector<16xf32>,
          %mul3A_502 = arith.mulf %get3A_501, %get3A_498 : vector<16xf32>
          %add3A_503 = arith.addf %add3A_450, %mul3A_502 : vector<16xf32>
          %get3A_504 = arith.index_cast %scan3A_331 : i32 to index
          %get3A_505 = arith.index_cast %mul3A_496 : i32 to index
          %get3A_506 = tpu.vector_load %arg14[%get3A_504, %get3A_505] {strides = array<i32>} : memref<8x512xf32, #tpu.memory_space<vmem>>, vector<16xf32>,
          %mul3A_507 = arith.mulf %get3A_506, %get3A_498 : vector<16xf32>
          %add3A_508 = arith.addf %add3A_455, %mul3A_507 : vector<16xf32>
          %get3A_509 = arith.index_cast %scan3A_331 : i32 to index
          %get3A_510 = arith.index_cast %mul3A_496 : i32 to index
          %get3A_511 = tpu.vector_load %arg15[%get3A_509, %get3A_510] {strides = array<i32>} : memref<8x512xf32, #tpu.memory_space<vmem>>, vector<16xf32>,
          %mul3A_512 = arith.mulf %get3A_511, %get3A_498 : vector<16xf32>
          %add3A_513 = arith.addf %add3A_460, %mul3A_512 : vector<16xf32>
          %get3A_514 = arith.index_cast %scan3A_331 : i32 to index
          %get3A_515 = arith.index_cast %mul3A_496 : i32 to index
          %get3A_516 = tpu.vector_load %arg16[%get3A_514, %get3A_515] {strides = array<i32>} : memref<8x512xf32, #tpu.memory_space<vmem>>, vector<16xf32>,
          %mul3A_517 = arith.mulf %get3A_516, %get3A_498 : vector<16xf32>
          %add3A_518 = arith.addf %add3A_465, %mul3A_517 : vector<16xf32>
          %get3A_519 = arith.index_cast %scan3A_331 : i32 to index
          %get3A_520 = arith.index_cast %mul3A_496 : i32 to index
          %get3A_521 = tpu.vector_load %arg17[%get3A_519, %get3A_520] {strides = array<i32>} : memref<8x512xf32, #tpu.memory_space<vmem>>, vector<16xf32>,
          %mul3A_522 = arith.mulf %get3A_521, %get3A_498 : vector<16xf32>
          %add3A_523 = arith.addf %add3A_470, %mul3A_522 : vector<16xf32>
          %get3A_524 = arith.index_cast %scan3A_331 : i32 to index
          %get3A_525 = arith.index_cast %mul3A_496 : i32 to index
          %get3A_526 = tpu.vector_load %arg18[%get3A_524, %get3A_525] {strides = array<i32>} : memref<8x512xf32, #tpu.memory_space<vmem>>, vector<16xf32>,
          %mul3A_527 = arith.mulf %get3A_526, %get3A_498 : vector<16xf32>
          %add3A_528 = arith.addf %add3A_475, %mul3A_527 : vector<16xf32>
          %get3A_529 = arith.index_cast %scan3A_331 : i32 to index
          %get3A_530 = arith.index_cast %mul3A_496 : i32 to index
          %get3A_531 = tpu.vector_load %arg19[%get3A_529, %get3A_530] {strides = array<i32>} : memref<8x512xf32, #tpu.memory_space<vmem>>, vector<16xf32>,
          %mul3A_532 = arith.mulf %get3A_531, %get3A_498 : vector<16xf32>
          %add3A_533 = arith.addf %add3A_480, %mul3A_532 : vector<16xf32>
          %get3A_534 = arith.index_cast %scan3A_331 : i32 to index
          %get3A_535 = arith.index_cast %mul3A_496 : i32 to index
          %get3A_536 = tpu.vector_load %arg20[%get3A_534, %get3A_535] {strides = array<i32>} : memref<8x512xf32, #tpu.memory_space<vmem>>, vector<16xf32>,
          %mul3A_537 = arith.mulf %get3A_536, %get3A_498 : vector<16xf32>
          %add3A_538 = arith.addf %add3A_485, %mul3A_537 : vector<16xf32>
          %get3A_539 = arith.index_cast %scan3A_331 : i32 to index
          %get3A_540 = arith.index_cast %mul3A_496 : i32 to index
          %get3A_541 = tpu.vector_load %arg21[%get3A_539, %get3A_540] {strides = array<i32>} : memref<8x512xf32, #tpu.memory_space<vmem>>, vector<16xf32>,
          %mul3A_542 = arith.mulf %get3A_541, %get3A_498 : vector<16xf32>
          %add3A_543 = arith.addf %add3A_490, %mul3A_542 : vector<16xf32>
          %mul3A_544 = arith.constant 8 : i32
          %mul3A_545 = arith.muli %scan3A_429, %mul3A_544 : i32
          %add3A_546 = arith.constant 2 : i32
          %add3A_547 = arith.addi %mul3A_545, %add3A_546 : i32
          %mul3A_548 = arith.constant 16 : i32
          %mul3A_549 = arith.muli %add3A_547, %mul3A_548 : i32
          %get3A_550 = arith.index_cast %mul3A_549 : i32 to index
          %get3A_551 = tpu.vector_load %arg31[%get3A_550] {strides = array<i32>} : memref<512xf32, #tpu.memory_space<vmem>>, vector<16xf32>,
          %get3A_552 = arith.index_cast %scan3A_331 : i32 to index
          %get3A_553 = arith.index_cast %mul3A_549 : i32 to index
          %get3A_554 = tpu.vector_load %arg13[%get3A_552, %get3A_553] {strides = array<i32>} : memref<8x512xf32, #tpu.memory_space<vmem>>, vector<16xf32>,
          %mul3A_555 = arith.mulf %get3A_554, %get3A_551 : vector<16xf32>
          %add3A_556 = arith.addf %add3A_503, %mul3A_555 : vector<16xf32>
          %get3A_557 = arith.index_cast %scan3A_331 : i32 to index
          %get3A_558 = arith.index_cast %mul3A_549 : i32 to index
          %get3A_559 = tpu.vector_load %arg14[%get3A_557, %get3A_558] {strides = array<i32>} : memref<8x512xf32, #tpu.memory_space<vmem>>, vector<16xf32>,
          %mul3A_560 = arith.mulf %get3A_559, %get3A_551 : vector<16xf32>
          %add3A_561 = arith.addf %add3A_508, %mul3A_560 : vector<16xf32>
          %get3A_562 = arith.index_cast %scan3A_331 : i32 to index
          %get3A_563 = arith.index_cast %mul3A_549 : i32 to index
          %get3A_564 = tpu.vector_load %arg15[%get3A_562, %get3A_563] {strides = array<i32>} : memref<8x512xf32, #tpu.memory_space<vmem>>, vector<16xf32>,
          %mul3A_565 = arith.mulf %get3A_564, %get3A_551 : vector<16xf32>
          %add3A_566 = arith.addf %add3A_513, %mul3A_565 : vector<16xf32>
          %get3A_567 = arith.index_cast %scan3A_331 : i32 to index
          %get3A_568 = arith.index_cast %mul3A_549 : i32 to index
          %get3A_569 = tpu.vector_load %arg16[%get3A_567, %get3A_568] {strides = array<i32>} : memref<8x512xf32, #tpu.memory_space<vmem>>, vector<16xf32>,
          %mul3A_570 = arith.mulf %get3A_569, %get3A_551 : vector<16xf32>
          %add3A_571 = arith.addf %add3A_518, %mul3A_570 : vector<16xf32>
          %get3A_572 = arith.index_cast %scan3A_331 : i32 to index
          %get3A_573 = arith.index_cast %mul3A_549 : i32 to index
          %get3A_574 = tpu.vector_load %arg17[%get3A_572, %get3A_573] {strides = array<i32>} : memref<8x512xf32, #tpu.memory_space<vmem>>, vector<16xf32>,
          %mul3A_575 = arith.mulf %get3A_574, %get3A_551 : vector<16xf32>
          %add3A_576 = arith.addf %add3A_523, %mul3A_575 : vector<16xf32>
          %get3A_577 = arith.index_cast %scan3A_331 : i32 to index
          %get3A_578 = arith.index_cast %mul3A_549 : i32 to index
          %get3A_579 = tpu.vector_load %arg18[%get3A_577, %get3A_578] {strides = array<i32>} : memref<8x512xf32, #tpu.memory_space<vmem>>, vector<16xf32>,
          %mul3A_580 = arith.mulf %get3A_579, %get3A_551 : vector<16xf32>
          %add3A_581 = arith.addf %add3A_528, %mul3A_580 : vector<16xf32>
          %get3A_582 = arith.index_cast %scan3A_331 : i32 to index
          %get3A_583 = arith.index_cast %mul3A_549 : i32 to index
          %get3A_584 = tpu.vector_load %arg19[%get3A_582, %get3A_583] {strides = array<i32>} : memref<8x512xf32, #tpu.memory_space<vmem>>, vector<16xf32>,
          %mul3A_585 = arith.mulf %get3A_584, %get3A_551 : vector<16xf32>
          %add3A_586 = arith.addf %add3A_533, %mul3A_585 : vector<16xf32>
          %get3A_587 = arith.index_cast %scan3A_331 : i32 to index
          %get3A_588 = arith.index_cast %mul3A_549 : i32 to index
          %get3A_589 = tpu.vector_load %arg20[%get3A_587, %get3A_588] {strides = array<i32>} : memref<8x512xf32, #tpu.memory_space<vmem>>, vector<16xf32>,
          %mul3A_590 = arith.mulf %get3A_589, %get3A_551 : vector<16xf32>
          %add3A_591 = arith.addf %add3A_538, %mul3A_590 : vector<16xf32>
          %get3A_592 = arith.index_cast %scan3A_331 : i32 to index
          %get3A_593 = arith.index_cast %mul3A_549 : i32 to index
          %get3A_594 = tpu.vector_load %arg21[%get3A_592, %get3A_593] {strides = array<i32>} : memref<8x512xf32, #tpu.memory_space<vmem>>, vector<16xf32>,
          %mul3A_595 = arith.mulf %get3A_594, %get3A_551 : vector<16xf32>
          %add3A_596 = arith.addf %add3A_543, %mul3A_595 : vector<16xf32>
          %mul3A_597 = arith.constant 8 : i32
          %mul3A_598 = arith.muli %scan3A_429, %mul3A_597 : i32
          %add3A_599 = arith.constant 3 : i32
          %add3A_600 = arith.addi %mul3A_598, %add3A_599 : i32
          %mul3A_601 = arith.constant 16 : i32
          %mul3A_602 = arith.muli %add3A_600, %mul3A_601 : i32
          %get3A_603 = arith.index_cast %mul3A_602 : i32 to index
          %get3A_604 = tpu.vector_load %arg31[%get3A_603] {strides = array<i32>} : memref<512xf32, #tpu.memory_space<vmem>>, vector<16xf32>,
          %get3A_605 = arith.index_cast %scan3A_331 : i32 to index
          %get3A_606 = arith.index_cast %mul3A_602 : i32 to index
          %get3A_607 = tpu.vector_load %arg13[%get3A_605, %get3A_606] {strides = array<i32>} : memref<8x512xf32, #tpu.memory_space<vmem>>, vector<16xf32>,
          %mul3A_608 = arith.mulf %get3A_607, %get3A_604 : vector<16xf32>
          %add3A_609 = arith.addf %add3A_556, %mul3A_608 : vector<16xf32>
          %get3A_610 = arith.index_cast %scan3A_331 : i32 to index
          %get3A_611 = arith.index_cast %mul3A_602 : i32 to index
          %get3A_612 = tpu.vector_load %arg14[%get3A_610, %get3A_611] {strides = array<i32>} : memref<8x512xf32, #tpu.memory_space<vmem>>, vector<16xf32>,
          %mul3A_613 = arith.mulf %get3A_612, %get3A_604 : vector<16xf32>
          %add3A_614 = arith.addf %add3A_561, %mul3A_613 : vector<16xf32>
          %get3A_615 = arith.index_cast %scan3A_331 : i32 to index
          %get3A_616 = arith.index_cast %mul3A_602 : i32 to index
          %get3A_617 = tpu.vector_load %arg15[%get3A_615, %get3A_616] {strides = array<i32>} : memref<8x512xf32, #tpu.memory_space<vmem>>, vector<16xf32>,
          %mul3A_618 = arith.mulf %get3A_617, %get3A_604 : vector<16xf32>
          %add3A_619 = arith.addf %add3A_566, %mul3A_618 : vector<16xf32>
          %get3A_620 = arith.index_cast %scan3A_331 : i32 to index
          %get3A_621 = arith.index_cast %mul3A_602 : i32 to index
          %get3A_622 = tpu.vector_load %arg16[%get3A_620, %get3A_621] {strides = array<i32>} : memref<8x512xf32, #tpu.memory_space<vmem>>, vector<16xf32>,
          %mul3A_623 = arith.mulf %get3A_622, %get3A_604 : vector<16xf32>
          %add3A_624 = arith.addf %add3A_571, %mul3A_623 : vector<16xf32>
          %get3A_625 = arith.index_cast %scan3A_331 : i32 to index
          %get3A_626 = arith.index_cast %mul3A_602 : i32 to index
          %get3A_627 = tpu.vector_load %arg17[%get3A_625, %get3A_626] {strides = array<i32>} : memref<8x512xf32, #tpu.memory_space<vmem>>, vector<16xf32>,
          %mul3A_628 = arith.mulf %get3A_627, %get3A_604 : vector<16xf32>
          %add3A_629 = arith.addf %add3A_576, %mul3A_628 : vector<16xf32>
          %get3A_630 = arith.index_cast %scan3A_331 : i32 to index
          %get3A_631 = arith.index_cast %mul3A_602 : i32 to index
          %get3A_632 = tpu.vector_load %arg18[%get3A_630, %get3A_631] {strides = array<i32>} : memref<8x512xf32, #tpu.memory_space<vmem>>, vector<16xf32>,
          %mul3A_633 = arith.mulf %get3A_632, %get3A_604 : vector<16xf32>
          %add3A_634 = arith.addf %add3A_581, %mul3A_633 : vector<16xf32>
          %get3A_635 = arith.index_cast %scan3A_331 : i32 to index
          %get3A_636 = arith.index_cast %mul3A_602 : i32 to index
          %get3A_637 = tpu.vector_load %arg19[%get3A_635, %get3A_636] {strides = array<i32>} : memref<8x512xf32, #tpu.memory_space<vmem>>, vector<16xf32>,
          %mul3A_638 = arith.mulf %get3A_637, %get3A_604 : vector<16xf32>
          %add3A_639 = arith.addf %add3A_586, %mul3A_638 : vector<16xf32>
          %get3A_640 = arith.index_cast %scan3A_331 : i32 to index
          %get3A_641 = arith.index_cast %mul3A_602 : i32 to index
          %get3A_642 = tpu.vector_load %arg20[%get3A_640, %get3A_641] {strides = array<i32>} : memref<8x512xf32, #tpu.memory_space<vmem>>, vector<16xf32>,
          %mul3A_643 = arith.mulf %get3A_642, %get3A_604 : vector<16xf32>
          %add3A_644 = arith.addf %add3A_591, %mul3A_643 : vector<16xf32>
          %get3A_645 = arith.index_cast %scan3A_331 : i32 to index
          %get3A_646 = arith.index_cast %mul3A_602 : i32 to index
          %get3A_647 = tpu.vector_load %arg21[%get3A_645, %get3A_646] {strides = array<i32>} : memref<8x512xf32, #tpu.memory_space<vmem>>, vector<16xf32>,
          %mul3A_648 = arith.mulf %get3A_647, %get3A_604 : vector<16xf32>
          %add3A_649 = arith.addf %add3A_596, %mul3A_648 : vector<16xf32>
          %mul3A_650 = arith.constant 8 : i32
          %mul3A_651 = arith.muli %scan3A_429, %mul3A_650 : i32
          %add3A_652 = arith.constant 4 : i32
          %add3A_653 = arith.addi %mul3A_651, %add3A_652 : i32
          %mul3A_654 = arith.constant 16 : i32
          %mul3A_655 = arith.muli %add3A_653, %mul3A_654 : i32
          %get3A_656 = arith.index_cast %mul3A_655 : i32 to index
          %get3A_657 = tpu.vector_load %arg31[%get3A_656] {strides = array<i32>} : memref<512xf32, #tpu.memory_space<vmem>>, vector<16xf32>,
          %get3A_658 = arith.index_cast %scan3A_331 : i32 to index
          %get3A_659 = arith.index_cast %mul3A_655 : i32 to index
          %get3A_660 = tpu.vector_load %arg13[%get3A_658, %get3A_659] {strides = array<i32>} : memref<8x512xf32, #tpu.memory_space<vmem>>, vector<16xf32>,
          %mul3A_661 = arith.mulf %get3A_660, %get3A_657 : vector<16xf32>
          %add3A_662 = arith.addf %add3A_609, %mul3A_661 : vector<16xf32>
          %get3A_663 = arith.index_cast %scan3A_331 : i32 to index
          %get3A_664 = arith.index_cast %mul3A_655 : i32 to index
          %get3A_665 = tpu.vector_load %arg14[%get3A_663, %get3A_664] {strides = array<i32>} : memref<8x512xf32, #tpu.memory_space<vmem>>, vector<16xf32>,
          %mul3A_666 = arith.mulf %get3A_665, %get3A_657 : vector<16xf32>
          %add3A_667 = arith.addf %add3A_614, %mul3A_666 : vector<16xf32>
          %get3A_668 = arith.index_cast %scan3A_331 : i32 to index
          %get3A_669 = arith.index_cast %mul3A_655 : i32 to index
          %get3A_670 = tpu.vector_load %arg15[%get3A_668, %get3A_669] {strides = array<i32>} : memref<8x512xf32, #tpu.memory_space<vmem>>, vector<16xf32>,
          %mul3A_671 = arith.mulf %get3A_670, %get3A_657 : vector<16xf32>
          %add3A_672 = arith.addf %add3A_619, %mul3A_671 : vector<16xf32>
          %get3A_673 = arith.index_cast %scan3A_331 : i32 to index
          %get3A_674 = arith.index_cast %mul3A_655 : i32 to index
          %get3A_675 = tpu.vector_load %arg16[%get3A_673, %get3A_674] {strides = array<i32>} : memref<8x512xf32, #tpu.memory_space<vmem>>, vector<16xf32>,
          %mul3A_676 = arith.mulf %get3A_675, %get3A_657 : vector<16xf32>
          %add3A_677 = arith.addf %add3A_624, %mul3A_676 : vector<16xf32>
          %get3A_678 = arith.index_cast %scan3A_331 : i32 to index
          %get3A_679 = arith.index_cast %mul3A_655 : i32 to index
          %get3A_680 = tpu.vector_load %arg17[%get3A_678, %get3A_679] {strides = array<i32>} : memref<8x512xf32, #tpu.memory_space<vmem>>, vector<16xf32>,
          %mul3A_681 = arith.mulf %get3A_680, %get3A_657 : vector<16xf32>
          %add3A_682 = arith.addf %add3A_629, %mul3A_681 : vector<16xf32>
          %get3A_683 = arith.index_cast %scan3A_331 : i32 to index
          %get3A_684 = arith.index_cast %mul3A_655 : i32 to index
          %get3A_685 = tpu.vector_load %arg18[%get3A_683, %get3A_684] {strides = array<i32>} : memref<8x512xf32, #tpu.memory_space<vmem>>, vector<16xf32>,
          %mul3A_686 = arith.mulf %get3A_685, %get3A_657 : vector<16xf32>
          %add3A_687 = arith.addf %add3A_634, %mul3A_686 : vector<16xf32>
          %get3A_688 = arith.index_cast %scan3A_331 : i32 to index
          %get3A_689 = arith.index_cast %mul3A_655 : i32 to index
          %get3A_690 = tpu.vector_load %arg19[%get3A_688, %get3A_689] {strides = array<i32>} : memref<8x512xf32, #tpu.memory_space<vmem>>, vector<16xf32>,
          %mul3A_691 = arith.mulf %get3A_690, %get3A_657 : vector<16xf32>
          %add3A_692 = arith.addf %add3A_639, %mul3A_691 : vector<16xf32>
          %get3A_693 = arith.index_cast %scan3A_331 : i32 to index
          %get3A_694 = arith.index_cast %mul3A_655 : i32 to index
          %get3A_695 = tpu.vector_load %arg20[%get3A_693, %get3A_694] {strides = array<i32>} : memref<8x512xf32, #tpu.memory_space<vmem>>, vector<16xf32>,
          %mul3A_696 = arith.mulf %get3A_695, %get3A_657 : vector<16xf32>
          %add3A_697 = arith.addf %add3A_644, %mul3A_696 : vector<16xf32>
          %get3A_698 = arith.index_cast %scan3A_331 : i32 to index
          %get3A_699 = arith.index_cast %mul3A_655 : i32 to index
          %get3A_700 = tpu.vector_load %arg21[%get3A_698, %get3A_699] {strides = array<i32>} : memref<8x512xf32, #tpu.memory_space<vmem>>, vector<16xf32>,
          %mul3A_701 = arith.mulf %get3A_700, %get3A_657 : vector<16xf32>
          %add3A_702 = arith.addf %add3A_649, %mul3A_701 : vector<16xf32>
          %mul3A_703 = arith.constant 8 : i32
          %mul3A_704 = arith.muli %scan3A_429, %mul3A_703 : i32
          %add3A_705 = arith.constant 5 : i32
          %add3A_706 = arith.addi %mul3A_704, %add3A_705 : i32
          %mul3A_707 = arith.constant 16 : i32
          %mul3A_708 = arith.muli %add3A_706, %mul3A_707 : i32
          %get3A_709 = arith.index_cast %mul3A_708 : i32 to index
          %get3A_710 = tpu.vector_load %arg31[%get3A_709] {strides = array<i32>} : memref<512xf32, #tpu.memory_space<vmem>>, vector<16xf32>,
          %get3A_711 = arith.index_cast %scan3A_331 : i32 to index
          %get3A_712 = arith.index_cast %mul3A_708 : i32 to index
          %get3A_713 = tpu.vector_load %arg13[%get3A_711, %get3A_712] {strides = array<i32>} : memref<8x512xf32, #tpu.memory_space<vmem>>, vector<16xf32>,
          %mul3A_714 = arith.mulf %get3A_713, %get3A_710 : vector<16xf32>
          %add3A_715 = arith.addf %add3A_662, %mul3A_714 : vector<16xf32>
          %get3A_716 = arith.index_cast %scan3A_331 : i32 to index
          %get3A_717 = arith.index_cast %mul3A_708 : i32 to index
          %get3A_718 = tpu.vector_load %arg14[%get3A_716, %get3A_717] {strides = array<i32>} : memref<8x512xf32, #tpu.memory_space<vmem>>, vector<16xf32>,
          %mul3A_719 = arith.mulf %get3A_718, %get3A_710 : vector<16xf32>
          %add3A_720 = arith.addf %add3A_667, %mul3A_719 : vector<16xf32>
          %get3A_721 = arith.index_cast %scan3A_331 : i32 to index
          %get3A_722 = arith.index_cast %mul3A_708 : i32 to index
          %get3A_723 = tpu.vector_load %arg15[%get3A_721, %get3A_722] {strides = array<i32>} : memref<8x512xf32, #tpu.memory_space<vmem>>, vector<16xf32>,
          %mul3A_724 = arith.mulf %get3A_723, %get3A_710 : vector<16xf32>
          %add3A_725 = arith.addf %add3A_672, %mul3A_724 : vector<16xf32>
          %get3A_726 = arith.index_cast %scan3A_331 : i32 to index
          %get3A_727 = arith.index_cast %mul3A_708 : i32 to index
          %get3A_728 = tpu.vector_load %arg16[%get3A_726, %get3A_727] {strides = array<i32>} : memref<8x512xf32, #tpu.memory_space<vmem>>, vector<16xf32>,
          %mul3A_729 = arith.mulf %get3A_728, %get3A_710 : vector<16xf32>
          %add3A_730 = arith.addf %add3A_677, %mul3A_729 : vector<16xf32>
          %get3A_731 = arith.index_cast %scan3A_331 : i32 to index
          %get3A_732 = arith.index_cast %mul3A_708 : i32 to index
          %get3A_733 = tpu.vector_load %arg17[%get3A_731, %get3A_732] {strides = array<i32>} : memref<8x512xf32, #tpu.memory_space<vmem>>, vector<16xf32>,
          %mul3A_734 = arith.mulf %get3A_733, %get3A_710 : vector<16xf32>
          %add3A_735 = arith.addf %add3A_682, %mul3A_734 : vector<16xf32>
          %get3A_736 = arith.index_cast %scan3A_331 : i32 to index
          %get3A_737 = arith.index_cast %mul3A_708 : i32 to index
          %get3A_738 = tpu.vector_load %arg18[%get3A_736, %get3A_737] {strides = array<i32>} : memref<8x512xf32, #tpu.memory_space<vmem>>, vector<16xf32>,
          %mul3A_739 = arith.mulf %get3A_738, %get3A_710 : vector<16xf32>
          %add3A_740 = arith.addf %add3A_687, %mul3A_739 : vector<16xf32>
          %get3A_741 = arith.index_cast %scan3A_331 : i32 to index
          %get3A_742 = arith.index_cast %mul3A_708 : i32 to index
          %get3A_743 = tpu.vector_load %arg19[%get3A_741, %get3A_742] {strides = array<i32>} : memref<8x512xf32, #tpu.memory_space<vmem>>, vector<16xf32>,
          %mul3A_744 = arith.mulf %get3A_743, %get3A_710 : vector<16xf32>
          %add3A_745 = arith.addf %add3A_692, %mul3A_744 : vector<16xf32>
          %get3A_746 = arith.index_cast %scan3A_331 : i32 to index
          %get3A_747 = arith.index_cast %mul3A_708 : i32 to index
          %get3A_748 = tpu.vector_load %arg20[%get3A_746, %get3A_747] {strides = array<i32>} : memref<8x512xf32, #tpu.memory_space<vmem>>, vector<16xf32>,
          %mul3A_749 = arith.mulf %get3A_748, %get3A_710 : vector<16xf32>
          %add3A_750 = arith.addf %add3A_697, %mul3A_749 : vector<16xf32>
          %get3A_751 = arith.index_cast %scan3A_331 : i32 to index
          %get3A_752 = arith.index_cast %mul3A_708 : i32 to index
          %get3A_753 = tpu.vector_load %arg21[%get3A_751, %get3A_752] {strides = array<i32>} : memref<8x512xf32, #tpu.memory_space<vmem>>, vector<16xf32>,
          %mul3A_754 = arith.mulf %get3A_753, %get3A_710 : vector<16xf32>
          %add3A_755 = arith.addf %add3A_702, %mul3A_754 : vector<16xf32>
          %mul3A_756 = arith.constant 8 : i32
          %mul3A_757 = arith.muli %scan3A_429, %mul3A_756 : i32
          %add3A_758 = arith.constant 6 : i32
          %add3A_759 = arith.addi %mul3A_757, %add3A_758 : i32
          %mul3A_760 = arith.constant 16 : i32
          %mul3A_761 = arith.muli %add3A_759, %mul3A_760 : i32
          %get3A_762 = arith.index_cast %mul3A_761 : i32 to index
          %get3A_763 = tpu.vector_load %arg31[%get3A_762] {strides = array<i32>} : memref<512xf32, #tpu.memory_space<vmem>>, vector<16xf32>,
          %get3A_764 = arith.index_cast %scan3A_331 : i32 to index
          %get3A_765 = arith.index_cast %mul3A_761 : i32 to index
          %get3A_766 = tpu.vector_load %arg13[%get3A_764, %get3A_765] {strides = array<i32>} : memref<8x512xf32, #tpu.memory_space<vmem>>, vector<16xf32>,
          %mul3A_767 = arith.mulf %get3A_766, %get3A_763 : vector<16xf32>
          %add3A_768 = arith.addf %add3A_715, %mul3A_767 : vector<16xf32>
          %get3A_769 = arith.index_cast %scan3A_331 : i32 to index
          %get3A_770 = arith.index_cast %mul3A_761 : i32 to index
          %get3A_771 = tpu.vector_load %arg14[%get3A_769, %get3A_770] {strides = array<i32>} : memref<8x512xf32, #tpu.memory_space<vmem>>, vector<16xf32>,
          %mul3A_772 = arith.mulf %get3A_771, %get3A_763 : vector<16xf32>
          %add3A_773 = arith.addf %add3A_720, %mul3A_772 : vector<16xf32>
          %get3A_774 = arith.index_cast %scan3A_331 : i32 to index
          %get3A_775 = arith.index_cast %mul3A_761 : i32 to index
          %get3A_776 = tpu.vector_load %arg15[%get3A_774, %get3A_775] {strides = array<i32>} : memref<8x512xf32, #tpu.memory_space<vmem>>, vector<16xf32>,
          %mul3A_777 = arith.mulf %get3A_776, %get3A_763 : vector<16xf32>
          %add3A_778 = arith.addf %add3A_725, %mul3A_777 : vector<16xf32>
          %get3A_779 = arith.index_cast %scan3A_331 : i32 to index
          %get3A_780 = arith.index_cast %mul3A_761 : i32 to index
          %get3A_781 = tpu.vector_load %arg16[%get3A_779, %get3A_780] {strides = array<i32>} : memref<8x512xf32, #tpu.memory_space<vmem>>, vector<16xf32>,
          %mul3A_782 = arith.mulf %get3A_781, %get3A_763 : vector<16xf32>
          %add3A_783 = arith.addf %add3A_730, %mul3A_782 : vector<16xf32>
          %get3A_784 = arith.index_cast %scan3A_331 : i32 to index
          %get3A_785 = arith.index_cast %mul3A_761 : i32 to index
          %get3A_786 = tpu.vector_load %arg17[%get3A_784, %get3A_785] {strides = array<i32>} : memref<8x512xf32, #tpu.memory_space<vmem>>, vector<16xf32>,
          %mul3A_787 = arith.mulf %get3A_786, %get3A_763 : vector<16xf32>
          %add3A_788 = arith.addf %add3A_735, %mul3A_787 : vector<16xf32>
          %get3A_789 = arith.index_cast %scan3A_331 : i32 to index
          %get3A_790 = arith.index_cast %mul3A_761 : i32 to index
          %get3A_791 = tpu.vector_load %arg18[%get3A_789, %get3A_790] {strides = array<i32>} : memref<8x512xf32, #tpu.memory_space<vmem>>, vector<16xf32>,
          %mul3A_792 = arith.mulf %get3A_791, %get3A_763 : vector<16xf32>
          %add3A_793 = arith.addf %add3A_740, %mul3A_792 : vector<16xf32>
          %get3A_794 = arith.index_cast %scan3A_331 : i32 to index
          %get3A_795 = arith.index_cast %mul3A_761 : i32 to index
          %get3A_796 = tpu.vector_load %arg19[%get3A_794, %get3A_795] {strides = array<i32>} : memref<8x512xf32, #tpu.memory_space<vmem>>, vector<16xf32>,
          %mul3A_797 = arith.mulf %get3A_796, %get3A_763 : vector<16xf32>
          %add3A_798 = arith.addf %add3A_745, %mul3A_797 : vector<16xf32>
          %get3A_799 = arith.index_cast %scan3A_331 : i32 to index
          %get3A_800 = arith.index_cast %mul3A_761 : i32 to index
          %get3A_801 = tpu.vector_load %arg20[%get3A_799, %get3A_800] {strides = array<i32>} : memref<8x512xf32, #tpu.memory_space<vmem>>, vector<16xf32>,
          %mul3A_802 = arith.mulf %get3A_801, %get3A_763 : vector<16xf32>
          %add3A_803 = arith.addf %add3A_750, %mul3A_802 : vector<16xf32>
          %get3A_804 = arith.index_cast %scan3A_331 : i32 to index
          %get3A_805 = arith.index_cast %mul3A_761 : i32 to index
          %get3A_806 = tpu.vector_load %arg21[%get3A_804, %get3A_805] {strides = array<i32>} : memref<8x512xf32, #tpu.memory_space<vmem>>, vector<16xf32>,
          %mul3A_807 = arith.mulf %get3A_806, %get3A_763 : vector<16xf32>
          %add3A_808 = arith.addf %add3A_755, %mul3A_807 : vector<16xf32>
          %mul3A_809 = arith.constant 8 : i32
          %mul3A_810 = arith.muli %scan3A_429, %mul3A_809 : i32
          %add3A_811 = arith.constant 7 : i32
          %add3A_812 = arith.addi %mul3A_810, %add3A_811 : i32
          %mul3A_813 = arith.constant 16 : i32
          %mul3A_814 = arith.muli %add3A_812, %mul3A_813 : i32
          %get3A_815 = arith.index_cast %mul3A_814 : i32 to index
          %get3A_816 = tpu.vector_load %arg31[%get3A_815] {strides = array<i32>} : memref<512xf32, #tpu.memory_space<vmem>>, vector<16xf32>,
          %get3A_817 = arith.index_cast %scan3A_331 : i32 to index
          %get3A_818 = arith.index_cast %mul3A_814 : i32 to index
          %get3A_819 = tpu.vector_load %arg13[%get3A_817, %get3A_818] {strides = array<i32>} : memref<8x512xf32, #tpu.memory_space<vmem>>, vector<16xf32>,
          %mul3A_820 = arith.mulf %get3A_819, %get3A_816 : vector<16xf32>
          %add3A_821 = arith.addf %add3A_768, %mul3A_820 : vector<16xf32>
          %get3A_822 = arith.index_cast %scan3A_331 : i32 to index
          %get3A_823 = arith.index_cast %mul3A_814 : i32 to index
          %get3A_824 = tpu.vector_load %arg14[%get3A_822, %get3A_823] {strides = array<i32>} : memref<8x512xf32, #tpu.memory_space<vmem>>, vector<16xf32>,
          %mul3A_825 = arith.mulf %get3A_824, %get3A_816 : vector<16xf32>
          %add3A_826 = arith.addf %add3A_773, %mul3A_825 : vector<16xf32>
          %get3A_827 = arith.index_cast %scan3A_331 : i32 to index
          %get3A_828 = arith.index_cast %mul3A_814 : i32 to index
          %get3A_829 = tpu.vector_load %arg15[%get3A_827, %get3A_828] {strides = array<i32>} : memref<8x512xf32, #tpu.memory_space<vmem>>, vector<16xf32>,
          %mul3A_830 = arith.mulf %get3A_829, %get3A_816 : vector<16xf32>
          %add3A_831 = arith.addf %add3A_778, %mul3A_830 : vector<16xf32>
          %get3A_832 = arith.index_cast %scan3A_331 : i32 to index
          %get3A_833 = arith.index_cast %mul3A_814 : i32 to index
          %get3A_834 = tpu.vector_load %arg16[%get3A_832, %get3A_833] {strides = array<i32>} : memref<8x512xf32, #tpu.memory_space<vmem>>, vector<16xf32>,
          %mul3A_835 = arith.mulf %get3A_834, %get3A_816 : vector<16xf32>
          %add3A_836 = arith.addf %add3A_783, %mul3A_835 : vector<16xf32>
          %get3A_837 = arith.index_cast %scan3A_331 : i32 to index
          %get3A_838 = arith.index_cast %mul3A_814 : i32 to index
          %get3A_839 = tpu.vector_load %arg17[%get3A_837, %get3A_838] {strides = array<i32>} : memref<8x512xf32, #tpu.memory_space<vmem>>, vector<16xf32>,
          %mul3A_840 = arith.mulf %get3A_839, %get3A_816 : vector<16xf32>
          %add3A_841 = arith.addf %add3A_788, %mul3A_840 : vector<16xf32>
          %get3A_842 = arith.index_cast %scan3A_331 : i32 to index
          %get3A_843 = arith.index_cast %mul3A_814 : i32 to index
          %get3A_844 = tpu.vector_load %arg18[%get3A_842, %get3A_843] {strides = array<i32>} : memref<8x512xf32, #tpu.memory_space<vmem>>, vector<16xf32>,
          %mul3A_845 = arith.mulf %get3A_844, %get3A_816 : vector<16xf32>
          %add3A_846 = arith.addf %add3A_793, %mul3A_845 : vector<16xf32>
          %get3A_847 = arith.index_cast %scan3A_331 : i32 to index
          %get3A_848 = arith.index_cast %mul3A_814 : i32 to index
          %get3A_849 = tpu.vector_load %arg19[%get3A_847, %get3A_848] {strides = array<i32>} : memref<8x512xf32, #tpu.memory_space<vmem>>, vector<16xf32>,
          %mul3A_850 = arith.mulf %get3A_849, %get3A_816 : vector<16xf32>
          %add3A_851 = arith.addf %add3A_798, %mul3A_850 : vector<16xf32>
          %get3A_852 = arith.index_cast %scan3A_331 : i32 to index
          %get3A_853 = arith.index_cast %mul3A_814 : i32 to index
          %get3A_854 = tpu.vector_load %arg20[%get3A_852, %get3A_853] {strides = array<i32>} : memref<8x512xf32, #tpu.memory_space<vmem>>, vector<16xf32>,
          %mul3A_855 = arith.mulf %get3A_854, %get3A_816 : vector<16xf32>
          %add3A_856 = arith.addf %add3A_803, %mul3A_855 : vector<16xf32>
          %get3A_857 = arith.index_cast %scan3A_331 : i32 to index
          %get3A_858 = arith.index_cast %mul3A_814 : i32 to index
          %get3A_859 = tpu.vector_load %arg21[%get3A_857, %get3A_858] {strides = array<i32>} : memref<8x512xf32, #tpu.memory_space<vmem>>, vector<16xf32>,
          %mul3A_860 = arith.mulf %get3A_859, %get3A_816 : vector<16xf32>
          %add3A_861 = arith.addf %add3A_808, %mul3A_860 : vector<16xf32>
          scf.yield %add3A_821, %add3A_826, %add3A_831, %add3A_836, %add3A_841, %add3A_846, %add3A_851, %add3A_856, %add3A_861 : vector<16xf32>, vector<16xf32>, vector<16xf32>, vector<16xf32>, vector<16xf32>, vector<16xf32>, vector<16xf32>, vector<16xf32>, vector<16xf32>
        }
        %scan3A_338 = arith.constant 4 : i32
        %reduce_sum3A = arith.constant true
        %reduce_sum3A_339 = vector.broadcast %reduce_sum3A : i1 to vector<16xi1>
        %reduce_sum3A_340 = tpu.scan <sum>, %scan3A_337#0 masked %reduce_sum3A_339 : vector<16xf32>, vector<16xi1> -> vector<16xf32>
        %reduce_sum3A_341 = vector.extract %reduce_sum3A_340[15] : f32 from vector<16xf32>
        %reduce_sum3A_342 = arith.constant true
        %reduce_sum3A_343 = vector.broadcast %reduce_sum3A_342 : i1 to vector<16xi1>
        %reduce_sum3A_344 = tpu.scan <sum>, %scan3A_337#1 masked %reduce_sum3A_343 : vector<16xf32>, vector<16xi1> -> vector<16xf32>
        %reduce_sum3A_345 = vector.extract %reduce_sum3A_344[15] : f32 from vector<16xf32>
        %reduce_sum3A_346 = arith.constant true
        %reduce_sum3A_347 = vector.broadcast %reduce_sum3A_346 : i1 to vector<16xi1>
        %reduce_sum3A_348 = tpu.scan <sum>, %scan3A_337#2 masked %reduce_sum3A_347 : vector<16xf32>, vector<16xi1> -> vector<16xf32>
        %reduce_sum3A_349 = vector.extract %reduce_sum3A_348[15] : f32 from vector<16xf32>
        %reduce_sum3A_350 = arith.constant true
        %reduce_sum3A_351 = vector.broadcast %reduce_sum3A_350 : i1 to vector<16xi1>
        %reduce_sum3A_352 = tpu.scan <sum>, %scan3A_337#3 masked %reduce_sum3A_351 : vector<16xf32>, vector<16xi1> -> vector<16xf32>
        %reduce_sum3A_353 = vector.extract %reduce_sum3A_352[15] : f32 from vector<16xf32>
        %reduce_sum3A_354 = arith.constant true
        %reduce_sum3A_355 = vector.broadcast %reduce_sum3A_354 : i1 to vector<16xi1>
        %reduce_sum3A_356 = tpu.scan <sum>, %scan3A_337#4 masked %reduce_sum3A_355 : vector<16xf32>, vector<16xi1> -> vector<16xf32>
        %reduce_sum3A_357 = vector.extract %reduce_sum3A_356[15] : f32 from vector<16xf32>
        %reduce_sum3A_358 = arith.constant true
        %reduce_sum3A_359 = vector.broadcast %reduce_sum3A_358 : i1 to vector<16xi1>
        %reduce_sum3A_360 = tpu.scan <sum>, %scan3A_337#5 masked %reduce_sum3A_359 : vector<16xf32>, vector<16xi1> -> vector<16xf32>
        %reduce_sum3A_361 = vector.extract %reduce_sum3A_360[15] : f32 from vector<16xf32>
        %reduce_sum3A_362 = arith.constant true
        %reduce_sum3A_363 = vector.broadcast %reduce_sum3A_362 : i1 to vector<16xi1>
        %reduce_sum3A_364 = tpu.scan <sum>, %scan3A_337#6 masked %reduce_sum3A_363 : vector<16xf32>, vector<16xi1> -> vector<16xf32>
        %reduce_sum3A_365 = vector.extract %reduce_sum3A_364[15] : f32 from vector<16xf32>
        %reduce_sum3A_366 = arith.constant true
        %reduce_sum3A_367 = vector.broadcast %reduce_sum3A_366 : i1 to vector<16xi1>
        %reduce_sum3A_368 = tpu.scan <sum>, %scan3A_337#7 masked %reduce_sum3A_367 : vector<16xf32>, vector<16xi1> -> vector<16xf32>
        %reduce_sum3A_369 = vector.extract %reduce_sum3A_368[15] : f32 from vector<16xf32>
        %reduce_sum3A_370 = arith.constant true
        %reduce_sum3A_371 = vector.broadcast %reduce_sum3A_370 : i1 to vector<16xi1>
        %reduce_sum3A_372 = tpu.scan <sum>, %scan3A_337#8 masked %reduce_sum3A_371 : vector<16xf32>, vector<16xi1> -> vector<16xf32>
        %reduce_sum3A_373 = vector.extract %reduce_sum3A_372[15] : f32 from vector<16xf32>
        %max3A = arith.maximumf %reduce_sum3A_341, %reduce_sum3A_345 : f32
        %max3A_374 = arith.maximumf %max3A, %reduce_sum3A_349 : f32
        %max3A_375 = arith.maximumf %max3A_374, %reduce_sum3A_353 : f32
        %max3A_376 = arith.maximumf %max3A_375, %reduce_sum3A_357 : f32
        %max3A_377 = arith.maximumf %max3A_376, %reduce_sum3A_361 : f32
        %max3A_378 = arith.maximumf %max3A_377, %reduce_sum3A_365 : f32
        %max3A_379 = arith.maximumf %max3A_378, %reduce_sum3A_369 : f32
        %max3A_380 = arith.maximumf %max3A_379, %reduce_sum3A_373 : f32
        %sub3A_381 = arith.subf %reduce_sum3A_341, %max3A_380 : f32
        %broadcast_in_dim3A_382 = vector.broadcast %sub3A_381 : f32 to vector<16xf32>
        %exp3A = math.exp %broadcast_in_dim3A_382 : vector<16xf32>
        %sub3A_383 = arith.subf %reduce_sum3A_345, %max3A_380 : f32
        %broadcast_in_dim3A_384 = vector.broadcast %sub3A_383 : f32 to vector<16xf32>
        %exp3A_385 = math.exp %broadcast_in_dim3A_384 : vector<16xf32>
        %sub3A_386 = arith.subf %reduce_sum3A_349, %max3A_380 : f32
        %broadcast_in_dim3A_387 = vector.broadcast %sub3A_386 : f32 to vector<16xf32>
        %exp3A_388 = math.exp %broadcast_in_dim3A_387 : vector<16xf32>
        %sub3A_389 = arith.subf %reduce_sum3A_353, %max3A_380 : f32
        %broadcast_in_dim3A_390 = vector.broadcast %sub3A_389 : f32 to vector<16xf32>
        %exp3A_391 = math.exp %broadcast_in_dim3A_390 : vector<16xf32>
        %sub3A_392 = arith.subf %reduce_sum3A_357, %max3A_380 : f32
        %broadcast_in_dim3A_393 = vector.broadcast %sub3A_392 : f32 to vector<16xf32>
        %exp3A_394 = math.exp %broadcast_in_dim3A_393 : vector<16xf32>
        %sub3A_395 = arith.subf %reduce_sum3A_361, %max3A_380 : f32
        %broadcast_in_dim3A_396 = vector.broadcast %sub3A_395 : f32 to vector<16xf32>
        %exp3A_397 = math.exp %broadcast_in_dim3A_396 : vector<16xf32>
        %sub3A_398 = arith.subf %reduce_sum3A_365, %max3A_380 : f32
        %broadcast_in_dim3A_399 = vector.broadcast %sub3A_398 : f32 to vector<16xf32>
        %exp3A_400 = math.exp %broadcast_in_dim3A_399 : vector<16xf32>
        %sub3A_401 = arith.subf %reduce_sum3A_369, %max3A_380 : f32
        %broadcast_in_dim3A_402 = vector.broadcast %sub3A_401 : f32 to vector<16xf32>
        %exp3A_403 = math.exp %broadcast_in_dim3A_402 : vector<16xf32>
        %sub3A_404 = arith.subf %reduce_sum3A_373, %max3A_380 : f32
        %broadcast_in_dim3A_405 = vector.broadcast %sub3A_404 : f32 to vector<16xf32>
        %exp3A_406 = math.exp %broadcast_in_dim3A_405 : vector<16xf32>
        %add3A_407 = arith.addf %exp3A, %exp3A_385 : vector<16xf32>
        %add3A_408 = arith.addf %add3A_407, %exp3A_388 : vector<16xf32>
        %add3A_409 = arith.addf %add3A_408, %exp3A_391 : vector<16xf32>
        %add3A_410 = arith.addf %add3A_409, %exp3A_394 : vector<16xf32>
        %add3A_411 = arith.addf %add3A_410, %exp3A_397 : vector<16xf32>
        %add3A_412 = arith.addf %add3A_411, %exp3A_400 : vector<16xf32>
        %add3A_413 = arith.addf %add3A_412, %exp3A_403 : vector<16xf32>
        %add3A_414 = arith.addf %add3A_413, %exp3A_406 : vector<16xf32>
        %div3A = arith.divf %exp3A, %add3A_414 : vector<16xf32>
        %div3A_415 = arith.divf %exp3A_385, %add3A_414 : vector<16xf32>
        %div3A_416 = arith.divf %exp3A_388, %add3A_414 : vector<16xf32>
        %div3A_417 = arith.divf %exp3A_391, %add3A_414 : vector<16xf32>
        %div3A_418 = arith.divf %exp3A_394, %add3A_414 : vector<16xf32>
        %div3A_419 = arith.divf %exp3A_397, %add3A_414 : vector<16xf32>
        %div3A_420 = arith.divf %exp3A_400, %add3A_414 : vector<16xf32>
        %div3A_421 = arith.divf %exp3A_403, %add3A_414 : vector<16xf32>
        %div3A_422 = arith.divf %exp3A_406, %add3A_414 : vector<16xf32>
        %scan3A_423 = arith.constant 0 : i32
        %scan3A_424 = arith.constant 0 : i32
        %scan3A_425 = arith.constant 4 : i32
        %scan3A_426 = arith.addi %scan3A_424, %scan3A_425 : i32
        %scan3A_427 = arith.constant 1 : i32
        scf.for %scan3A_429 = %scan3A_424 to %scan3A_426 step %scan3A_427  : i32 {
          %mul3A_430 = arith.constant 8 : i32
          %mul3A_431 = arith.muli %scan3A_429, %mul3A_430 : i32
          %add3A_432 = arith.constant 0 : i32
          %add3A_433 = arith.addi %mul3A_431, %add3A_432 : i32
          %mul3A_434 = arith.constant 16 : i32
          %mul3A_435 = arith.muli %add3A_433, %mul3A_434 : i32
          %get3A = arith.index_cast %scan3A_331 : i32 to index
          %get3A_436 = arith.index_cast %mul3A_435 : i32 to index
          %get3A_437 = tpu.vector_load %arg13[%get3A, %get3A_436] {strides = array<i32>} : memref<8x512xf32, #tpu.memory_space<vmem>>, vector<16xf32>,
          %mul3A_438 = arith.mulf %get3A_437, %div3A : vector<16xf32>
          %get3A_439 = arith.index_cast %scan3A_331 : i32 to index
          %get3A_440 = arith.index_cast %mul3A_435 : i32 to index
          %get3A_441 = tpu.vector_load %arg14[%get3A_439, %get3A_440] {strides = array<i32>} : memref<8x512xf32, #tpu.memory_space<vmem>>, vector<16xf32>,
          %mul3A_442 = arith.mulf %get3A_441, %div3A_415 : vector<16xf32>
          %get3A_443 = arith.index_cast %scan3A_331 : i32 to index
          %get3A_444 = arith.index_cast %mul3A_435 : i32 to index
          %get3A_445 = tpu.vector_load %arg15[%get3A_443, %get3A_444] {strides = array<i32>} : memref<8x512xf32, #tpu.memory_space<vmem>>, vector<16xf32>,
          %mul3A_446 = arith.mulf %get3A_445, %div3A_416 : vector<16xf32>
          %get3A_447 = arith.index_cast %scan3A_331 : i32 to index
          %get3A_448 = arith.index_cast %mul3A_435 : i32 to index
          %get3A_449 = tpu.vector_load %arg16[%get3A_447, %get3A_448] {strides = array<i32>} : memref<8x512xf32, #tpu.memory_space<vmem>>, vector<16xf32>,
          %mul3A_450 = arith.mulf %get3A_449, %div3A_417 : vector<16xf32>
          %add3A_451 = arith.addf %mul3A_438, %mul3A_450 : vector<16xf32>
          %get3A_452 = arith.index_cast %scan3A_331 : i32 to index
          %get3A_453 = arith.index_cast %mul3A_435 : i32 to index
          %get3A_454 = tpu.vector_load %arg17[%get3A_452, %get3A_453] {strides = array<i32>} : memref<8x512xf32, #tpu.memory_space<vmem>>, vector<16xf32>,
          %mul3A_455 = arith.mulf %get3A_454, %div3A_418 : vector<16xf32>
          %add3A_456 = arith.addf %mul3A_442, %mul3A_455 : vector<16xf32>
          %get3A_457 = arith.index_cast %scan3A_331 : i32 to index
          %get3A_458 = arith.index_cast %mul3A_435 : i32 to index
          %get3A_459 = tpu.vector_load %arg18[%get3A_457, %get3A_458] {strides = array<i32>} : memref<8x512xf32, #tpu.memory_space<vmem>>, vector<16xf32>,
          %mul3A_460 = arith.mulf %get3A_459, %div3A_419 : vector<16xf32>
          %add3A_461 = arith.addf %mul3A_446, %mul3A_460 : vector<16xf32>
          %get3A_462 = arith.index_cast %scan3A_331 : i32 to index
          %get3A_463 = arith.index_cast %mul3A_435 : i32 to index
          %get3A_464 = tpu.vector_load %arg19[%get3A_462, %get3A_463] {strides = array<i32>} : memref<8x512xf32, #tpu.memory_space<vmem>>, vector<16xf32>,
          %mul3A_465 = arith.mulf %get3A_464, %div3A_420 : vector<16xf32>
          %add3A_466 = arith.addf %add3A_451, %mul3A_465 : vector<16xf32>
          %get3A_467 = arith.index_cast %scan3A_331 : i32 to index
          %get3A_468 = arith.index_cast %mul3A_435 : i32 to index
          %get3A_469 = tpu.vector_load %arg20[%get3A_467, %get3A_468] {strides = array<i32>} : memref<8x512xf32, #tpu.memory_space<vmem>>, vector<16xf32>,
          %mul3A_470 = arith.mulf %get3A_469, %div3A_421 : vector<16xf32>
          %add3A_471 = arith.addf %add3A_456, %mul3A_470 : vector<16xf32>
          %get3A_472 = arith.index_cast %scan3A_331 : i32 to index
          %get3A_473 = arith.index_cast %mul3A_435 : i32 to index
          %get3A_474 = tpu.vector_load %arg21[%get3A_472, %get3A_473] {strides = array<i32>} : memref<8x512xf32, #tpu.memory_space<vmem>>, vector<16xf32>,
          %mul3A_475 = arith.mulf %get3A_474, %div3A_422 : vector<16xf32>
          %add3A_476 = arith.addf %add3A_461, %mul3A_475 : vector<16xf32>
          %add3A_477 = arith.addf %add3A_471, %add3A_476 : vector<16xf32>
          %add3A_478 = arith.addf %add3A_466, %add3A_477 : vector<16xf32>
          %swap3A = arith.index_cast %scan3A_331 : i32 to index
          %swap3A_479 = arith.index_cast %mul3A_435 : i32 to index
          %swap3A_480 = tpu.vector_load %arg32[%swap3A, %swap3A_479] {strides = array<i32>} : memref<8x512xf32, #tpu.memory_space<vmem>>, vector<16xf32>,
          tpu.vector_store %arg32[%swap3A, %swap3A_479], %add3A_478 {strides = array<i32>} : memref<8x512xf32, #tpu.memory_space<vmem>>, vector<16xf32>,
          %mul3A_481 = arith.constant 8 : i32
          %mul3A_482 = arith.muli %scan3A_429, %mul3A_481 : i32
          %add3A_483 = arith.constant 1 : i32
          %add3A_484 = arith.addi %mul3A_482, %add3A_483 : i32
          %mul3A_485 = arith.constant 16 : i32
          %mul3A_486 = arith.muli %add3A_484, %mul3A_485 : i32
          %get3A_487 = arith.index_cast %scan3A_331 : i32 to index
          %get3A_488 = arith.index_cast %mul3A_486 : i32 to index
          %get3A_489 = tpu.vector_load %arg13[%get3A_487, %get3A_488] {strides = array<i32>} : memref<8x512xf32, #tpu.memory_space<vmem>>, vector<16xf32>,
          %mul3A_490 = arith.mulf %get3A_489, %div3A : vector<16xf32>
          %get3A_491 = arith.index_cast %scan3A_331 : i32 to index
          %get3A_492 = arith.index_cast %mul3A_486 : i32 to index
          %get3A_493 = tpu.vector_load %arg14[%get3A_491, %get3A_492] {strides = array<i32>} : memref<8x512xf32, #tpu.memory_space<vmem>>, vector<16xf32>,
          %mul3A_494 = arith.mulf %get3A_493, %div3A_415 : vector<16xf32>
          %get3A_495 = arith.index_cast %scan3A_331 : i32 to index
          %get3A_496 = arith.index_cast %mul3A_486 : i32 to index
          %get3A_497 = tpu.vector_load %arg15[%get3A_495, %get3A_496] {strides = array<i32>} : memref<8x512xf32, #tpu.memory_space<vmem>>, vector<16xf32>,
          %mul3A_498 = arith.mulf %get3A_497, %div3A_416 : vector<16xf32>
          %get3A_499 = arith.index_cast %scan3A_331 : i32 to index
          %get3A_500 = arith.index_cast %mul3A_486 : i32 to index
          %get3A_501 = tpu.vector_load %arg16[%get3A_499, %get3A_500] {strides = array<i32>} : memref<8x512xf32, #tpu.memory_space<vmem>>, vector<16xf32>,
          %mul3A_502 = arith.mulf %get3A_501, %div3A_417 : vector<16xf32>
          %add3A_503 = arith.addf %mul3A_490, %mul3A_502 : vector<16xf32>
          %get3A_504 = arith.index_cast %scan3A_331 : i32 to index
          %get3A_505 = arith.index_cast %mul3A_486 : i32 to index
          %get3A_506 = tpu.vector_load %arg17[%get3A_504, %get3A_505] {strides = array<i32>} : memref<8x512xf32, #tpu.memory_space<vmem>>, vector<16xf32>,
          %mul3A_507 = arith.mulf %get3A_506, %div3A_418 : vector<16xf32>
          %add3A_508 = arith.addf %mul3A_494, %mul3A_507 : vector<16xf32>
          %get3A_509 = arith.index_cast %scan3A_331 : i32 to index
          %get3A_510 = arith.index_cast %mul3A_486 : i32 to index
          %get3A_511 = tpu.vector_load %arg18[%get3A_509, %get3A_510] {strides = array<i32>} : memref<8x512xf32, #tpu.memory_space<vmem>>, vector<16xf32>,
          %mul3A_512 = arith.mulf %get3A_511, %div3A_419 : vector<16xf32>
          %add3A_513 = arith.addf %mul3A_498, %mul3A_512 : vector<16xf32>
          %get3A_514 = arith.index_cast %scan3A_331 : i32 to index
          %get3A_515 = arith.index_cast %mul3A_486 : i32 to index
          %get3A_516 = tpu.vector_load %arg19[%get3A_514, %get3A_515] {strides = array<i32>} : memref<8x512xf32, #tpu.memory_space<vmem>>, vector<16xf32>,
          %mul3A_517 = arith.mulf %get3A_516, %div3A_420 : vector<16xf32>
          %add3A_518 = arith.addf %add3A_503, %mul3A_517 : vector<16xf32>
          %get3A_519 = arith.index_cast %scan3A_331 : i32 to index
          %get3A_520 = arith.index_cast %mul3A_486 : i32 to index
          %get3A_521 = tpu.vector_load %arg20[%get3A_519, %get3A_520] {strides = array<i32>} : memref<8x512xf32, #tpu.memory_space<vmem>>, vector<16xf32>,
          %mul3A_522 = arith.mulf %get3A_521, %div3A_421 : vector<16xf32>
          %add3A_523 = arith.addf %add3A_508, %mul3A_522 : vector<16xf32>
          %get3A_524 = arith.index_cast %scan3A_331 : i32 to index
          %get3A_525 = arith.index_cast %mul3A_486 : i32 to index
          %get3A_526 = tpu.vector_load %arg21[%get3A_524, %get3A_525] {strides = array<i32>} : memref<8x512xf32, #tpu.memory_space<vmem>>, vector<16xf32>,
          %mul3A_527 = arith.mulf %get3A_526, %div3A_422 : vector<16xf32>
          %add3A_528 = arith.addf %add3A_513, %mul3A_527 : vector<16xf32>
          %add3A_529 = arith.addf %add3A_523, %add3A_528 : vector<16xf32>
          %add3A_530 = arith.addf %add3A_518, %add3A_529 : vector<16xf32>
          %swap3A_531 = arith.index_cast %scan3A_331 : i32 to index
          %swap3A_532 = arith.index_cast %mul3A_486 : i32 to index
          %swap3A_533 = tpu.vector_load %arg32[%swap3A_531, %swap3A_532] {strides = array<i32>} : memref<8x512xf32, #tpu.memory_space<vmem>>, vector<16xf32>,
          tpu.vector_store %arg32[%swap3A_531, %swap3A_532], %add3A_530 {strides = array<i32>} : memref<8x512xf32, #tpu.memory_space<vmem>>, vector<16xf32>,
          %mul3A_534 = arith.constant 8 : i32
          %mul3A_535 = arith.muli %scan3A_429, %mul3A_534 : i32
          %add3A_536 = arith.constant 2 : i32
          %add3A_537 = arith.addi %mul3A_535, %add3A_536 : i32
          %mul3A_538 = arith.constant 16 : i32
          %mul3A_539 = arith.muli %add3A_537, %mul3A_538 : i32
          %get3A_540 = arith.index_cast %scan3A_331 : i32 to index
          %get3A_541 = arith.index_cast %mul3A_539 : i32 to index
          %get3A_542 = tpu.vector_load %arg13[%get3A_540, %get3A_541] {strides = array<i32>} : memref<8x512xf32, #tpu.memory_space<vmem>>, vector<16xf32>,
          %mul3A_543 = arith.mulf %get3A_542, %div3A : vector<16xf32>
          %get3A_544 = arith.index_cast %scan3A_331 : i32 to index
          %get3A_545 = arith.index_cast %mul3A_539 : i32 to index
          %get3A_546 = tpu.vector_load %arg14[%get3A_544, %get3A_545] {strides = array<i32>} : memref<8x512xf32, #tpu.memory_space<vmem>>, vector<16xf32>,
          %mul3A_547 = arith.mulf %get3A_546, %div3A_415 : vector<16xf32>
          %get3A_548 = arith.index_cast %scan3A_331 : i32 to index
          %get3A_549 = arith.index_cast %mul3A_539 : i32 to index
          %get3A_550 = tpu.vector_load %arg15[%get3A_548, %get3A_549] {strides = array<i32>} : memref<8x512xf32, #tpu.memory_space<vmem>>, vector<16xf32>,
          %mul3A_551 = arith.mulf %get3A_550, %div3A_416 : vector<16xf32>
          %get3A_552 = arith.index_cast %scan3A_331 : i32 to index
          %get3A_553 = arith.index_cast %mul3A_539 : i32 to index
          %get3A_554 = tpu.vector_load %arg16[%get3A_552, %get3A_553] {strides = array<i32>} : memref<8x512xf32, #tpu.memory_space<vmem>>, vector<16xf32>,
          %mul3A_555 = arith.mulf %get3A_554, %div3A_417 : vector<16xf32>
          %add3A_556 = arith.addf %mul3A_543, %mul3A_555 : vector<16xf32>
          %get3A_557 = arith.index_cast %scan3A_331 : i32 to index
          %get3A_558 = arith.index_cast %mul3A_539 : i32 to index
          %get3A_559 = tpu.vector_load %arg17[%get3A_557, %get3A_558] {strides = array<i32>} : memref<8x512xf32, #tpu.memory_space<vmem>>, vector<16xf32>,
          %mul3A_560 = arith.mulf %get3A_559, %div3A_418 : vector<16xf32>
          %add3A_561 = arith.addf %mul3A_547, %mul3A_560 : vector<16xf32>
          %get3A_562 = arith.index_cast %scan3A_331 : i32 to index
          %get3A_563 = arith.index_cast %mul3A_539 : i32 to index
          %get3A_564 = tpu.vector_load %arg18[%get3A_562, %get3A_563] {strides = array<i32>} : memref<8x512xf32, #tpu.memory_space<vmem>>, vector<16xf32>,
          %mul3A_565 = arith.mulf %get3A_564, %div3A_419 : vector<16xf32>
          %add3A_566 = arith.addf %mul3A_551, %mul3A_565 : vector<16xf32>
          %get3A_567 = arith.index_cast %scan3A_331 : i32 to index
          %get3A_568 = arith.index_cast %mul3A_539 : i32 to index
          %get3A_569 = tpu.vector_load %arg19[%get3A_567, %get3A_568] {strides = array<i32>} : memref<8x512xf32, #tpu.memory_space<vmem>>, vector<16xf32>,
          %mul3A_570 = arith.mulf %get3A_569, %div3A_420 : vector<16xf32>
          %add3A_571 = arith.addf %add3A_556, %mul3A_570 : vector<16xf32>
          %get3A_572 = arith.index_cast %scan3A_331 : i32 to index
          %get3A_573 = arith.index_cast %mul3A_539 : i32 to index
          %get3A_574 = tpu.vector_load %arg20[%get3A_572, %get3A_573] {strides = array<i32>} : memref<8x512xf32, #tpu.memory_space<vmem>>, vector<16xf32>,
          %mul3A_575 = arith.mulf %get3A_574, %div3A_421 : vector<16xf32>
          %add3A_576 = arith.addf %add3A_561, %mul3A_575 : vector<16xf32>
          %get3A_577 = arith.index_cast %scan3A_331 : i32 to index
          %get3A_578 = arith.index_cast %mul3A_539 : i32 to index
          %get3A_579 = tpu.vector_load %arg21[%get3A_577, %get3A_578] {strides = array<i32>} : memref<8x512xf32, #tpu.memory_space<vmem>>, vector<16xf32>,
          %mul3A_580 = arith.mulf %get3A_579, %div3A_422 : vector<16xf32>
          %add3A_581 = arith.addf %add3A_566, %mul3A_580 : vector<16xf32>
          %add3A_582 = arith.addf %add3A_576, %add3A_581 : vector<16xf32>
          %add3A_583 = arith.addf %add3A_571, %add3A_582 : vector<16xf32>
          %swap3A_584 = arith.index_cast %scan3A_331 : i32 to index
          %swap3A_585 = arith.index_cast %mul3A_539 : i32 to index
          %swap3A_586 = tpu.vector_load %arg32[%swap3A_584, %swap3A_585] {strides = array<i32>} : memref<8x512xf32, #tpu.memory_space<vmem>>, vector<16xf32>,
          tpu.vector_store %arg32[%swap3A_584, %swap3A_585], %add3A_583 {strides = array<i32>} : memref<8x512xf32, #tpu.memory_space<vmem>>, vector<16xf32>,
          %mul3A_587 = arith.constant 8 : i32
          %mul3A_588 = arith.muli %scan3A_429, %mul3A_587 : i32
          %add3A_589 = arith.constant 3 : i32
          %add3A_590 = arith.addi %mul3A_588, %add3A_589 : i32
          %mul3A_591 = arith.constant 16 : i32
          %mul3A_592 = arith.muli %add3A_590, %mul3A_591 : i32
          %get3A_593 = arith.index_cast %scan3A_331 : i32 to index
          %get3A_594 = arith.index_cast %mul3A_592 : i32 to index
          %get3A_595 = tpu.vector_load %arg13[%get3A_593, %get3A_594] {strides = array<i32>} : memref<8x512xf32, #tpu.memory_space<vmem>>, vector<16xf32>,
          %mul3A_596 = arith.mulf %get3A_595, %div3A : vector<16xf32>
          %get3A_597 = arith.index_cast %scan3A_331 : i32 to index
          %get3A_598 = arith.index_cast %mul3A_592 : i32 to index
          %get3A_599 = tpu.vector_load %arg14[%get3A_597, %get3A_598] {strides = array<i32>} : memref<8x512xf32, #tpu.memory_space<vmem>>, vector<16xf32>,
          %mul3A_600 = arith.mulf %get3A_599, %div3A_415 : vector<16xf32>
          %get3A_601 = arith.index_cast %scan3A_331 : i32 to index
          %get3A_602 = arith.index_cast %mul3A_592 : i32 to index
          %get3A_603 = tpu.vector_load %arg15[%get3A_601, %get3A_602] {strides = array<i32>} : memref<8x512xf32, #tpu.memory_space<vmem>>, vector<16xf32>,
          %mul3A_604 = arith.mulf %get3A_603, %div3A_416 : vector<16xf32>
          %get3A_605 = arith.index_cast %scan3A_331 : i32 to index
          %get3A_606 = arith.index_cast %mul3A_592 : i32 to index
          %get3A_607 = tpu.vector_load %arg16[%get3A_605, %get3A_606] {strides = array<i32>} : memref<8x512xf32, #tpu.memory_space<vmem>>, vector<16xf32>,
          %mul3A_608 = arith.mulf %get3A_607, %div3A_417 : vector<16xf32>
          %add3A_609 = arith.addf %mul3A_596, %mul3A_608 : vector<16xf32>
          %get3A_610 = arith.index_cast %scan3A_331 : i32 to index
          %get3A_611 = arith.index_cast %mul3A_592 : i32 to index
          %get3A_612 = tpu.vector_load %arg17[%get3A_610, %get3A_611] {strides = array<i32>} : memref<8x512xf32, #tpu.memory_space<vmem>>, vector<16xf32>,
          %mul3A_613 = arith.mulf %get3A_612, %div3A_418 : vector<16xf32>
          %add3A_614 = arith.addf %mul3A_600, %mul3A_613 : vector<16xf32>
          %get3A_615 = arith.index_cast %scan3A_331 : i32 to index
          %get3A_616 = arith.index_cast %mul3A_592 : i32 to index
          %get3A_617 = tpu.vector_load %arg18[%get3A_615, %get3A_616] {strides = array<i32>} : memref<8x512xf32, #tpu.memory_space<vmem>>, vector<16xf32>,
          %mul3A_618 = arith.mulf %get3A_617, %div3A_419 : vector<16xf32>
          %add3A_619 = arith.addf %mul3A_604, %mul3A_618 : vector<16xf32>
          %get3A_620 = arith.index_cast %scan3A_331 : i32 to index
          %get3A_621 = arith.index_cast %mul3A_592 : i32 to index
          %get3A_622 = tpu.vector_load %arg19[%get3A_620, %get3A_621] {strides = array<i32>} : memref<8x512xf32, #tpu.memory_space<vmem>>, vector<16xf32>,
          %mul3A_623 = arith.mulf %get3A_622, %div3A_420 : vector<16xf32>
          %add3A_624 = arith.addf %add3A_609, %mul3A_623 : vector<16xf32>
          %get3A_625 = arith.index_cast %scan3A_331 : i32 to index
          %get3A_626 = arith.index_cast %mul3A_592 : i32 to index
          %get3A_627 = tpu.vector_load %arg20[%get3A_625, %get3A_626] {strides = array<i32>} : memref<8x512xf32, #tpu.memory_space<vmem>>, vector<16xf32>,
          %mul3A_628 = arith.mulf %get3A_627, %div3A_421 : vector<16xf32>
          %add3A_629 = arith.addf %add3A_614, %mul3A_628 : vector<16xf32>
          %get3A_630 = arith.index_cast %scan3A_331 : i32 to index
          %get3A_631 = arith.index_cast %mul3A_592 : i32 to index
          %get3A_632 = tpu.vector_load %arg21[%get3A_630, %get3A_631] {strides = array<i32>} : memref<8x512xf32, #tpu.memory_space<vmem>>, vector<16xf32>,
          %mul3A_633 = arith.mulf %get3A_632, %div3A_422 : vector<16xf32>
          %add3A_634 = arith.addf %add3A_619, %mul3A_633 : vector<16xf32>
          %add3A_635 = arith.addf %add3A_629, %add3A_634 : vector<16xf32>
          %add3A_636 = arith.addf %add3A_624, %add3A_635 : vector<16xf32>
          %swap3A_637 = arith.index_cast %scan3A_331 : i32 to index
          %swap3A_638 = arith.index_cast %mul3A_592 : i32 to index
          %swap3A_639 = tpu.vector_load %arg32[%swap3A_637, %swap3A_638] {strides = array<i32>} : memref<8x512xf32, #tpu.memory_space<vmem>>, vector<16xf32>,
          tpu.vector_store %arg32[%swap3A_637, %swap3A_638], %add3A_636 {strides = array<i32>} : memref<8x512xf32, #tpu.memory_space<vmem>>, vector<16xf32>,
          %mul3A_640 = arith.constant 8 : i32
          %mul3A_641 = arith.muli %scan3A_429, %mul3A_640 : i32
          %add3A_642 = arith.constant 4 : i32
          %add3A_643 = arith.addi %mul3A_641, %add3A_642 : i32
          %mul3A_644 = arith.constant 16 : i32
          %mul3A_645 = arith.muli %add3A_643, %mul3A_644 : i32
          %get3A_646 = arith.index_cast %scan3A_331 : i32 to index
          %get3A_647 = arith.index_cast %mul3A_645 : i32 to index
          %get3A_648 = tpu.vector_load %arg13[%get3A_646, %get3A_647] {strides = array<i32>} : memref<8x512xf32, #tpu.memory_space<vmem>>, vector<16xf32>,
          %mul3A_649 = arith.mulf %get3A_648, %div3A : vector<16xf32>
          %get3A_650 = arith.index_cast %scan3A_331 : i32 to index
          %get3A_651 = arith.index_cast %mul3A_645 : i32 to index
          %get3A_652 = tpu.vector_load %arg14[%get3A_650, %get3A_651] {strides = array<i32>} : memref<8x512xf32, #tpu.memory_space<vmem>>, vector<16xf32>,
          %mul3A_653 = arith.mulf %get3A_652, %div3A_415 : vector<16xf32>
          %get3A_654 = arith.index_cast %scan3A_331 : i32 to index
          %get3A_655 = arith.index_cast %mul3A_645 : i32 to index
          %get3A_656 = tpu.vector_load %arg15[%get3A_654, %get3A_655] {strides = array<i32>} : memref<8x512xf32, #tpu.memory_space<vmem>>, vector<16xf32>,
          %mul3A_657 = arith.mulf %get3A_656, %div3A_416 : vector<16xf32>
          %get3A_658 = arith.index_cast %scan3A_331 : i32 to index
          %get3A_659 = arith.index_cast %mul3A_645 : i32 to index
          %get3A_660 = tpu.vector_load %arg16[%get3A_658, %get3A_659] {strides = array<i32>} : memref<8x512xf32, #tpu.memory_space<vmem>>, vector<16xf32>,
          %mul3A_661 = arith.mulf %get3A_660, %div3A_417 : vector<16xf32>
          %add3A_662 = arith.addf %mul3A_649, %mul3A_661 : vector<16xf32>
          %get3A_663 = arith.index_cast %scan3A_331 : i32 to index
          %get3A_664 = arith.index_cast %mul3A_645 : i32 to index
          %get3A_665 = tpu.vector_load %arg17[%get3A_663, %get3A_664] {strides = array<i32>} : memref<8x512xf32, #tpu.memory_space<vmem>>, vector<16xf32>,
          %mul3A_666 = arith.mulf %get3A_665, %div3A_418 : vector<16xf32>
          %add3A_667 = arith.addf %mul3A_653, %mul3A_666 : vector<16xf32>
          %get3A_668 = arith.index_cast %scan3A_331 : i32 to index
          %get3A_669 = arith.index_cast %mul3A_645 : i32 to index
          %get3A_670 = tpu.vector_load %arg18[%get3A_668, %get3A_669] {strides = array<i32>} : memref<8x512xf32, #tpu.memory_space<vmem>>, vector<16xf32>,
          %mul3A_671 = arith.mulf %get3A_670, %div3A_419 : vector<16xf32>
          %add3A_672 = arith.addf %mul3A_657, %mul3A_671 : vector<16xf32>
          %get3A_673 = arith.index_cast %scan3A_331 : i32 to index
          %get3A_674 = arith.index_cast %mul3A_645 : i32 to index
          %get3A_675 = tpu.vector_load %arg19[%get3A_673, %get3A_674] {strides = array<i32>} : memref<8x512xf32, #tpu.memory_space<vmem>>, vector<16xf32>,
          %mul3A_676 = arith.mulf %get3A_675, %div3A_420 : vector<16xf32>
          %add3A_677 = arith.addf %add3A_662, %mul3A_676 : vector<16xf32>
          %get3A_678 = arith.index_cast %scan3A_331 : i32 to index
          %get3A_679 = arith.index_cast %mul3A_645 : i32 to index
          %get3A_680 = tpu.vector_load %arg20[%get3A_678, %get3A_679] {strides = array<i32>} : memref<8x512xf32, #tpu.memory_space<vmem>>, vector<16xf32>,
          %mul3A_681 = arith.mulf %get3A_680, %div3A_421 : vector<16xf32>
          %add3A_682 = arith.addf %add3A_667, %mul3A_681 : vector<16xf32>
          %get3A_683 = arith.index_cast %scan3A_331 : i32 to index
          %get3A_684 = arith.index_cast %mul3A_645 : i32 to index
          %get3A_685 = tpu.vector_load %arg21[%get3A_683, %get3A_684] {strides = array<i32>} : memref<8x512xf32, #tpu.memory_space<vmem>>, vector<16xf32>,
          %mul3A_686 = arith.mulf %get3A_685, %div3A_422 : vector<16xf32>
          %add3A_687 = arith.addf %add3A_672, %mul3A_686 : vector<16xf32>
          %add3A_688 = arith.addf %add3A_682, %add3A_687 : vector<16xf32>
          %add3A_689 = arith.addf %add3A_677, %add3A_688 : vector<16xf32>
          %swap3A_690 = arith.index_cast %scan3A_331 : i32 to index
          %swap3A_691 = arith.index_cast %mul3A_645 : i32 to index
          %swap3A_692 = tpu.vector_load %arg32[%swap3A_690, %swap3A_691] {strides = array<i32>} : memref<8x512xf32, #tpu.memory_space<vmem>>, vector<16xf32>,
          tpu.vector_store %arg32[%swap3A_690, %swap3A_691], %add3A_689 {strides = array<i32>} : memref<8x512xf32, #tpu.memory_space<vmem>>, vector<16xf32>,
          %mul3A_693 = arith.constant 8 : i32
          %mul3A_694 = arith.muli %scan3A_429, %mul3A_693 : i32
          %add3A_695 = arith.constant 5 : i32
          %add3A_696 = arith.addi %mul3A_694, %add3A_695 : i32
          %mul3A_697 = arith.constant 16 : i32
          %mul3A_698 = arith.muli %add3A_696, %mul3A_697 : i32
          %get3A_699 = arith.index_cast %scan3A_331 : i32 to index
          %get3A_700 = arith.index_cast %mul3A_698 : i32 to index
          %get3A_701 = tpu.vector_load %arg13[%get3A_699, %get3A_700] {strides = array<i32>} : memref<8x512xf32, #tpu.memory_space<vmem>>, vector<16xf32>,
          %mul3A_702 = arith.mulf %get3A_701, %div3A : vector<16xf32>
          %get3A_703 = arith.index_cast %scan3A_331 : i32 to index
          %get3A_704 = arith.index_cast %mul3A_698 : i32 to index
          %get3A_705 = tpu.vector_load %arg14[%get3A_703, %get3A_704] {strides = array<i32>} : memref<8x512xf32, #tpu.memory_space<vmem>>, vector<16xf32>,
          %mul3A_706 = arith.mulf %get3A_705, %div3A_415 : vector<16xf32>
          %get3A_707 = arith.index_cast %scan3A_331 : i32 to index
          %get3A_708 = arith.index_cast %mul3A_698 : i32 to index
          %get3A_709 = tpu.vector_load %arg15[%get3A_707, %get3A_708] {strides = array<i32>} : memref<8x512xf32, #tpu.memory_space<vmem>>, vector<16xf32>,
          %mul3A_710 = arith.mulf %get3A_709, %div3A_416 : vector<16xf32>
          %get3A_711 = arith.index_cast %scan3A_331 : i32 to index
          %get3A_712 = arith.index_cast %mul3A_698 : i32 to index
          %get3A_713 = tpu.vector_load %arg16[%get3A_711, %get3A_712] {strides = array<i32>} : memref<8x512xf32, #tpu.memory_space<vmem>>, vector<16xf32>,
          %mul3A_714 = arith.mulf %get3A_713, %div3A_417 : vector<16xf32>
          %add3A_715 = arith.addf %mul3A_702, %mul3A_714 : vector<16xf32>
          %get3A_716 = arith.index_cast %scan3A_331 : i32 to index
          %get3A_717 = arith.index_cast %mul3A_698 : i32 to index
          %get3A_718 = tpu.vector_load %arg17[%get3A_716, %get3A_717] {strides = array<i32>} : memref<8x512xf32, #tpu.memory_space<vmem>>, vector<16xf32>,
          %mul3A_719 = arith.mulf %get3A_718, %div3A_418 : vector<16xf32>
          %add3A_720 = arith.addf %mul3A_706, %mul3A_719 : vector<16xf32>
          %get3A_721 = arith.index_cast %scan3A_331 : i32 to index
          %get3A_722 = arith.index_cast %mul3A_698 : i32 to index
          %get3A_723 = tpu.vector_load %arg18[%get3A_721, %get3A_722] {strides = array<i32>} : memref<8x512xf32, #tpu.memory_space<vmem>>, vector<16xf32>,
          %mul3A_724 = arith.mulf %get3A_723, %div3A_419 : vector<16xf32>
          %add3A_725 = arith.addf %mul3A_710, %mul3A_724 : vector<16xf32>
          %get3A_726 = arith.index_cast %scan3A_331 : i32 to index
          %get3A_727 = arith.index_cast %mul3A_698 : i32 to index
          %get3A_728 = tpu.vector_load %arg19[%get3A_726, %get3A_727] {strides = array<i32>} : memref<8x512xf32, #tpu.memory_space<vmem>>, vector<16xf32>,
          %mul3A_729 = arith.mulf %get3A_728, %div3A_420 : vector<16xf32>
          %add3A_730 = arith.addf %add3A_715, %mul3A_729 : vector<16xf32>
          %get3A_731 = arith.index_cast %scan3A_331 : i32 to index
          %get3A_732 = arith.index_cast %mul3A_698 : i32 to index
          %get3A_733 = tpu.vector_load %arg20[%get3A_731, %get3A_732] {strides = array<i32>} : memref<8x512xf32, #tpu.memory_space<vmem>>, vector<16xf32>,
          %mul3A_734 = arith.mulf %get3A_733, %div3A_421 : vector<16xf32>
          %add3A_735 = arith.addf %add3A_720, %mul3A_734 : vector<16xf32>
          %get3A_736 = arith.index_cast %scan3A_331 : i32 to index
          %get3A_737 = arith.index_cast %mul3A_698 : i32 to index
          %get3A_738 = tpu.vector_load %arg21[%get3A_736, %get3A_737] {strides = array<i32>} : memref<8x512xf32, #tpu.memory_space<vmem>>, vector<16xf32>,
          %mul3A_739 = arith.mulf %get3A_738, %div3A_422 : vector<16xf32>
          %add3A_740 = arith.addf %add3A_725, %mul3A_739 : vector<16xf32>
          %add3A_741 = arith.addf %add3A_735, %add3A_740 : vector<16xf32>
          %add3A_742 = arith.addf %add3A_730, %add3A_741 : vector<16xf32>
          %swap3A_743 = arith.index_cast %scan3A_331 : i32 to index
          %swap3A_744 = arith.index_cast %mul3A_698 : i32 to index
          %swap3A_745 = tpu.vector_load %arg32[%swap3A_743, %swap3A_744] {strides = array<i32>} : memref<8x512xf32, #tpu.memory_space<vmem>>, vector<16xf32>,
          tpu.vector_store %arg32[%swap3A_743, %swap3A_744], %add3A_742 {strides = array<i32>} : memref<8x512xf32, #tpu.memory_space<vmem>>, vector<16xf32>,
          %mul3A_746 = arith.constant 8 : i32
          %mul3A_747 = arith.muli %scan3A_429, %mul3A_746 : i32
          %add3A_748 = arith.constant 6 : i32
          %add3A_749 = arith.addi %mul3A_747, %add3A_748 : i32
          %mul3A_750 = arith.constant 16 : i32
          %mul3A_751 = arith.muli %add3A_749, %mul3A_750 : i32
          %get3A_752 = arith.index_cast %scan3A_331 : i32 to index
          %get3A_753 = arith.index_cast %mul3A_751 : i32 to index
          %get3A_754 = tpu.vector_load %arg13[%get3A_752, %get3A_753] {strides = array<i32>} : memref<8x512xf32, #tpu.memory_space<vmem>>, vector<16xf32>,
          %mul3A_755 = arith.mulf %get3A_754, %div3A : vector<16xf32>
          %get3A_756 = arith.index_cast %scan3A_331 : i32 to index
          %get3A_757 = arith.index_cast %mul3A_751 : i32 to index
          %get3A_758 = tpu.vector_load %arg14[%get3A_756, %get3A_757] {strides = array<i32>} : memref<8x512xf32, #tpu.memory_space<vmem>>, vector<16xf32>,
          %mul3A_759 = arith.mulf %get3A_758, %div3A_415 : vector<16xf32>
          %get3A_760 = arith.index_cast %scan3A_331 : i32 to index
          %get3A_761 = arith.index_cast %mul3A_751 : i32 to index
          %get3A_762 = tpu.vector_load %arg15[%get3A_760, %get3A_761] {strides = array<i32>} : memref<8x512xf32, #tpu.memory_space<vmem>>, vector<16xf32>,
          %mul3A_763 = arith.mulf %get3A_762, %div3A_416 : vector<16xf32>
          %get3A_764 = arith.index_cast %scan3A_331 : i32 to index
          %get3A_765 = arith.index_cast %mul3A_751 : i32 to index
          %get3A_766 = tpu.vector_load %arg16[%get3A_764, %get3A_765] {strides = array<i32>} : memref<8x512xf32, #tpu.memory_space<vmem>>, vector<16xf32>,
          %mul3A_767 = arith.mulf %get3A_766, %div3A_417 : vector<16xf32>
          %add3A_768 = arith.addf %mul3A_755, %mul3A_767 : vector<16xf32>
          %get3A_769 = arith.index_cast %scan3A_331 : i32 to index
          %get3A_770 = arith.index_cast %mul3A_751 : i32 to index
          %get3A_771 = tpu.vector_load %arg17[%get3A_769, %get3A_770] {strides = array<i32>} : memref<8x512xf32, #tpu.memory_space<vmem>>, vector<16xf32>,
          %mul3A_772 = arith.mulf %get3A_771, %div3A_418 : vector<16xf32>
          %add3A_773 = arith.addf %mul3A_759, %mul3A_772 : vector<16xf32>
          %get3A_774 = arith.index_cast %scan3A_331 : i32 to index
          %get3A_775 = arith.index_cast %mul3A_751 : i32 to index
          %get3A_776 = tpu.vector_load %arg18[%get3A_774, %get3A_775] {strides = array<i32>} : memref<8x512xf32, #tpu.memory_space<vmem>>, vector<16xf32>,
          %mul3A_777 = arith.mulf %get3A_776, %div3A_419 : vector<16xf32>
          %add3A_778 = arith.addf %mul3A_763, %mul3A_777 : vector<16xf32>
          %get3A_779 = arith.index_cast %scan3A_331 : i32 to index
          %get3A_780 = arith.index_cast %mul3A_751 : i32 to index
          %get3A_781 = tpu.vector_load %arg19[%get3A_779, %get3A_780] {strides = array<i32>} : memref<8x512xf32, #tpu.memory_space<vmem>>, vector<16xf32>,
          %mul3A_782 = arith.mulf %get3A_781, %div3A_420 : vector<16xf32>
          %add3A_783 = arith.addf %add3A_768, %mul3A_782 : vector<16xf32>
          %get3A_784 = arith.index_cast %scan3A_331 : i32 to index
          %get3A_785 = arith.index_cast %mul3A_751 : i32 to index
          %get3A_786 = tpu.vector_load %arg20[%get3A_784, %get3A_785] {strides = array<i32>} : memref<8x512xf32, #tpu.memory_space<vmem>>, vector<16xf32>,
          %mul3A_787 = arith.mulf %get3A_786, %div3A_421 : vector<16xf32>
          %add3A_788 = arith.addf %add3A_773, %mul3A_787 : vector<16xf32>
          %get3A_789 = arith.index_cast %scan3A_331 : i32 to index
          %get3A_790 = arith.index_cast %mul3A_751 : i32 to index
          %get3A_791 = tpu.vector_load %arg21[%get3A_789, %get3A_790] {strides = array<i32>} : memref<8x512xf32, #tpu.memory_space<vmem>>, vector<16xf32>,
          %mul3A_792 = arith.mulf %get3A_791, %div3A_422 : vector<16xf32>
          %add3A_793 = arith.addf %add3A_778, %mul3A_792 : vector<16xf32>
          %add3A_794 = arith.addf %add3A_788, %add3A_793 : vector<16xf32>
          %add3A_795 = arith.addf %add3A_783, %add3A_794 : vector<16xf32>
          %swap3A_796 = arith.index_cast %scan3A_331 : i32 to index
          %swap3A_797 = arith.index_cast %mul3A_751 : i32 to index
          %swap3A_798 = tpu.vector_load %arg32[%swap3A_796, %swap3A_797] {strides = array<i32>} : memref<8x512xf32, #tpu.memory_space<vmem>>, vector<16xf32>,
          tpu.vector_store %arg32[%swap3A_796, %swap3A_797], %add3A_795 {strides = array<i32>} : memref<8x512xf32, #tpu.memory_space<vmem>>, vector<16xf32>,
          %mul3A_799 = arith.constant 8 : i32
          %mul3A_800 = arith.muli %scan3A_429, %mul3A_799 : i32
          %add3A_801 = arith.constant 7 : i32
          %add3A_802 = arith.addi %mul3A_800, %add3A_801 : i32
          %mul3A_803 = arith.constant 16 : i32
          %mul3A_804 = arith.muli %add3A_802, %mul3A_803 : i32
          %get3A_805 = arith.index_cast %scan3A_331 : i32 to index
          %get3A_806 = arith.index_cast %mul3A_804 : i32 to index
          %get3A_807 = tpu.vector_load %arg13[%get3A_805, %get3A_806] {strides = array<i32>} : memref<8x512xf32, #tpu.memory_space<vmem>>, vector<16xf32>,
          %mul3A_808 = arith.mulf %get3A_807, %div3A : vector<16xf32>
          %get3A_809 = arith.index_cast %scan3A_331 : i32 to index
          %get3A_810 = arith.index_cast %mul3A_804 : i32 to index
          %get3A_811 = tpu.vector_load %arg14[%get3A_809, %get3A_810] {strides = array<i32>} : memref<8x512xf32, #tpu.memory_space<vmem>>, vector<16xf32>,
          %mul3A_812 = arith.mulf %get3A_811, %div3A_415 : vector<16xf32>
          %get3A_813 = arith.index_cast %scan3A_331 : i32 to index
          %get3A_814 = arith.index_cast %mul3A_804 : i32 to index
          %get3A_815 = tpu.vector_load %arg15[%get3A_813, %get3A_814] {strides = array<i32>} : memref<8x512xf32, #tpu.memory_space<vmem>>, vector<16xf32>,
          %mul3A_816 = arith.mulf %get3A_815, %div3A_416 : vector<16xf32>
          %get3A_817 = arith.index_cast %scan3A_331 : i32 to index
          %get3A_818 = arith.index_cast %mul3A_804 : i32 to index
          %get3A_819 = tpu.vector_load %arg16[%get3A_817, %get3A_818] {strides = array<i32>} : memref<8x512xf32, #tpu.memory_space<vmem>>, vector<16xf32>,
          %mul3A_820 = arith.mulf %get3A_819, %div3A_417 : vector<16xf32>
          %add3A_821 = arith.addf %mul3A_808, %mul3A_820 : vector<16xf32>
          %get3A_822 = arith.index_cast %scan3A_331 : i32 to index
          %get3A_823 = arith.index_cast %mul3A_804 : i32 to index
          %get3A_824 = tpu.vector_load %arg17[%get3A_822, %get3A_823] {strides = array<i32>} : memref<8x512xf32, #tpu.memory_space<vmem>>, vector<16xf32>,
          %mul3A_825 = arith.mulf %get3A_824, %div3A_418 : vector<16xf32>
          %add3A_826 = arith.addf %mul3A_812, %mul3A_825 : vector<16xf32>
          %get3A_827 = arith.index_cast %scan3A_331 : i32 to index
          %get3A_828 = arith.index_cast %mul3A_804 : i32 to index
          %get3A_829 = tpu.vector_load %arg18[%get3A_827, %get3A_828] {strides = array<i32>} : memref<8x512xf32, #tpu.memory_space<vmem>>, vector<16xf32>,
          %mul3A_830 = arith.mulf %get3A_829, %div3A_419 : vector<16xf32>
          %add3A_831 = arith.addf %mul3A_816, %mul3A_830 : vector<16xf32>
          %get3A_832 = arith.index_cast %scan3A_331 : i32 to index
          %get3A_833 = arith.index_cast %mul3A_804 : i32 to index
          %get3A_834 = tpu.vector_load %arg19[%get3A_832, %get3A_833] {strides = array<i32>} : memref<8x512xf32, #tpu.memory_space<vmem>>, vector<16xf32>,
          %mul3A_835 = arith.mulf %get3A_834, %div3A_420 : vector<16xf32>
          %add3A_836 = arith.addf %add3A_821, %mul3A_835 : vector<16xf32>
          %get3A_837 = arith.index_cast %scan3A_331 : i32 to index
          %get3A_838 = arith.index_cast %mul3A_804 : i32 to index
          %get3A_839 = tpu.vector_load %arg20[%get3A_837, %get3A_838] {strides = array<i32>} : memref<8x512xf32, #tpu.memory_space<vmem>>, vector<16xf32>,
          %mul3A_840 = arith.mulf %get3A_839, %div3A_421 : vector<16xf32>
          %add3A_841 = arith.addf %add3A_826, %mul3A_840 : vector<16xf32>
          %get3A_842 = arith.index_cast %scan3A_331 : i32 to index
          %get3A_843 = arith.index_cast %mul3A_804 : i32 to index
          %get3A_844 = tpu.vector_load %arg21[%get3A_842, %get3A_843] {strides = array<i32>} : memref<8x512xf32, #tpu.memory_space<vmem>>, vector<16xf32>,
          %mul3A_845 = arith.mulf %get3A_844, %div3A_422 : vector<16xf32>
          %add3A_846 = arith.addf %add3A_831, %mul3A_845 : vector<16xf32>
          %add3A_847 = arith.addf %add3A_841, %add3A_846 : vector<16xf32>
          %add3A_848 = arith.addf %add3A_836, %add3A_847 : vector<16xf32>
          %swap3A_849 = arith.index_cast %scan3A_331 : i32 to index
          %swap3A_850 = arith.index_cast %mul3A_804 : i32 to index
          %swap3A_851 = tpu.vector_load %arg32[%swap3A_849, %swap3A_850] {strides = array<i32>} : memref<8x512xf32, #tpu.memory_space<vmem>>, vector<16xf32>,
          tpu.vector_store %arg32[%swap3A_849, %swap3A_850], %add3A_848 {strides = array<i32>} : memref<8x512xf32, #tpu.memory_space<vmem>>, vector<16xf32>,
        }
        %scan3A_428 = arith.constant 4 : i32
      }
      %scan3A_218 = arith.constant 8 : i32
      %sub3A = arith.constant 12800 : i32
      %sub3A_219 = arith.subi %add3A_115, %sub3A : i32
      %dma_start3A_220 = arith.constant 0 : i32
      %dma_start3A_221 = tpu.memref_slice %arg12[%sub3A_219, %dma_start3A_220] : memref<3584x512xf32, #tpu.memory_space<hbm>> -> memref<8x512xf32, #tpu.memory_space<hbm>>
      %dma_start3A_222 = arith.constant 0 : i32
      %dma_start3A_223 = tpu.memref_slice %arg12[%sub3A_219, %dma_start3A_222] : memref<3584x512xf32, #tpu.memory_space<hbm>> -> memref<8x512xf32, #tpu.memory_space<hbm>>
      tpu.enqueue_dma source(%arg32 : memref<8x512xf32, #tpu.memory_space<vmem>>) target(%dma_start3A_223 : memref<8x512xf32, #tpu.memory_space<hbm>>) target_semaphore(%arg36 : memref<!tpu.dma_semaphore, #tpu.memory_space<semaphore_mem>>)
      %dma_start3A_224 = arith.constant 0 : i32
      %dma_start3A_225 = tpu.memref_slice %arg2[%min3A_120, %dma_start3A_224] : memref<16384x512xf32, #tpu.memory_space<hbm>> -> memref<8x512xf32, #tpu.memory_space<hbm>>
      %dma_start3A_226 = arith.constant 0 : i32
      %dma_start3A_227 = tpu.memref_slice %arg2[%min3A_120, %dma_start3A_226] : memref<16384x512xf32, #tpu.memory_space<hbm>> -> memref<8x512xf32, #tpu.memory_space<hbm>>
      tpu.enqueue_dma source(%dma_start3A_227 : memref<8x512xf32, #tpu.memory_space<hbm>>) target(%arg13 : memref<8x512xf32, #tpu.memory_space<vmem>>) target_semaphore(%arg34 : memref<!tpu.dma_semaphore, #tpu.memory_space<semaphore_mem>>)
      %dma_start3A_228 = arith.constant 0 : i32
      %dma_start3A_229 = tpu.memref_slice %arg3[%min3A_120, %dma_start3A_228] : memref<16384x512xf32, #tpu.memory_space<hbm>> -> memref<8x512xf32, #tpu.memory_space<hbm>>
      %dma_start3A_230 = arith.constant 0 : i32
      %dma_start3A_231 = tpu.memref_slice %arg3[%min3A_120, %dma_start3A_230] : memref<16384x512xf32, #tpu.memory_space<hbm>> -> memref<8x512xf32, #tpu.memory_space<hbm>>
      tpu.enqueue_dma source(%dma_start3A_231 : memref<8x512xf32, #tpu.memory_space<hbm>>) target(%arg14 : memref<8x512xf32, #tpu.memory_space<vmem>>) target_semaphore(%arg34 : memref<!tpu.dma_semaphore, #tpu.memory_space<semaphore_mem>>)
      %dma_start3A_232 = arith.constant 0 : i32
      %dma_start3A_233 = tpu.memref_slice %arg4[%min3A_120, %dma_start3A_232] : memref<16384x512xf32, #tpu.memory_space<hbm>> -> memref<8x512xf32, #tpu.memory_space<hbm>>
      %dma_start3A_234 = arith.constant 0 : i32
      %dma_start3A_235 = tpu.memref_slice %arg4[%min3A_120, %dma_start3A_234] : memref<16384x512xf32, #tpu.memory_space<hbm>> -> memref<8x512xf32, #tpu.memory_space<hbm>>
      tpu.enqueue_dma source(%dma_start3A_235 : memref<8x512xf32, #tpu.memory_space<hbm>>) target(%arg15 : memref<8x512xf32, #tpu.memory_space<vmem>>) target_semaphore(%arg34 : memref<!tpu.dma_semaphore, #tpu.memory_space<semaphore_mem>>)
      %dma_start3A_236 = arith.constant 0 : i32
      %dma_start3A_237 = tpu.memref_slice %arg5[%min3A_120, %dma_start3A_236] : memref<16384x512xf32, #tpu.memory_space<hbm>> -> memref<8x512xf32, #tpu.memory_space<hbm>>
      %dma_start3A_238 = arith.constant 0 : i32
      %dma_start3A_239 = tpu.memref_slice %arg5[%min3A_120, %dma_start3A_238] : memref<16384x512xf32, #tpu.memory_space<hbm>> -> memref<8x512xf32, #tpu.memory_space<hbm>>
      tpu.enqueue_dma source(%dma_start3A_239 : memref<8x512xf32, #tpu.memory_space<hbm>>) target(%arg16 : memref<8x512xf32, #tpu.memory_space<vmem>>) target_semaphore(%arg34 : memref<!tpu.dma_semaphore, #tpu.memory_space<semaphore_mem>>)
      %dma_start3A_240 = arith.constant 0 : i32
      %dma_start3A_241 = tpu.memref_slice %arg6[%min3A_120, %dma_start3A_240] : memref<16384x512xf32, #tpu.memory_space<hbm>> -> memref<8x512xf32, #tpu.memory_space<hbm>>
      %dma_start3A_242 = arith.constant 0 : i32
      %dma_start3A_243 = tpu.memref_slice %arg6[%min3A_120, %dma_start3A_242] : memref<16384x512xf32, #tpu.memory_space<hbm>> -> memref<8x512xf32, #tpu.memory_space<hbm>>
      tpu.enqueue_dma source(%dma_start3A_243 : memref<8x512xf32, #tpu.memory_space<hbm>>) target(%arg17 : memref<8x512xf32, #tpu.memory_space<vmem>>) target_semaphore(%arg34 : memref<!tpu.dma_semaphore, #tpu.memory_space<semaphore_mem>>)
      %dma_start3A_244 = arith.constant 0 : i32
      %dma_start3A_245 = tpu.memref_slice %arg7[%min3A_120, %dma_start3A_244] : memref<16384x512xf32, #tpu.memory_space<hbm>> -> memref<8x512xf32, #tpu.memory_space<hbm>>
      %dma_start3A_246 = arith.constant 0 : i32
      %dma_start3A_247 = tpu.memref_slice %arg7[%min3A_120, %dma_start3A_246] : memref<16384x512xf32, #tpu.memory_space<hbm>> -> memref<8x512xf32, #tpu.memory_space<hbm>>
      tpu.enqueue_dma source(%dma_start3A_247 : memref<8x512xf32, #tpu.memory_space<hbm>>) target(%arg18 : memref<8x512xf32, #tpu.memory_space<vmem>>) target_semaphore(%arg34 : memref<!tpu.dma_semaphore, #tpu.memory_space<semaphore_mem>>)
      %dma_start3A_248 = arith.constant 0 : i32
      %dma_start3A_249 = tpu.memref_slice %arg8[%min3A_120, %dma_start3A_248] : memref<16384x512xf32, #tpu.memory_space<hbm>> -> memref<8x512xf32, #tpu.memory_space<hbm>>
      %dma_start3A_250 = arith.constant 0 : i32
      %dma_start3A_251 = tpu.memref_slice %arg8[%min3A_120, %dma_start3A_250] : memref<16384x512xf32, #tpu.memory_space<hbm>> -> memref<8x512xf32, #tpu.memory_space<hbm>>
      tpu.enqueue_dma source(%dma_start3A_251 : memref<8x512xf32, #tpu.memory_space<hbm>>) target(%arg19 : memref<8x512xf32, #tpu.memory_space<vmem>>) target_semaphore(%arg34 : memref<!tpu.dma_semaphore, #tpu.memory_space<semaphore_mem>>)
      %dma_start3A_252 = arith.constant 0 : i32
      %dma_start3A_253 = tpu.memref_slice %arg9[%min3A_120, %dma_start3A_252] : memref<16384x512xf32, #tpu.memory_space<hbm>> -> memref<8x512xf32, #tpu.memory_space<hbm>>
      %dma_start3A_254 = arith.constant 0 : i32
      %dma_start3A_255 = tpu.memref_slice %arg9[%min3A_120, %dma_start3A_254] : memref<16384x512xf32, #tpu.memory_space<hbm>> -> memref<8x512xf32, #tpu.memory_space<hbm>>
      tpu.enqueue_dma source(%dma_start3A_255 : memref<8x512xf32, #tpu.memory_space<hbm>>) target(%arg20 : memref<8x512xf32, #tpu.memory_space<vmem>>) target_semaphore(%arg34 : memref<!tpu.dma_semaphore, #tpu.memory_space<semaphore_mem>>)
      %dma_start3A_256 = arith.constant 0 : i32
      %dma_start3A_257 = tpu.memref_slice %arg10[%min3A_120, %dma_start3A_256] : memref<16384x512xf32, #tpu.memory_space<hbm>> -> memref<8x512xf32, #tpu.memory_space<hbm>>
      %dma_start3A_258 = arith.constant 0 : i32
      %dma_start3A_259 = tpu.memref_slice %arg10[%min3A_120, %dma_start3A_258] : memref<16384x512xf32, #tpu.memory_space<hbm>> -> memref<8x512xf32, #tpu.memory_space<hbm>>
      tpu.enqueue_dma source(%dma_start3A_259 : memref<8x512xf32, #tpu.memory_space<hbm>>) target(%arg21 : memref<8x512xf32, #tpu.memory_space<vmem>>) target_semaphore(%arg34 : memref<!tpu.dma_semaphore, #tpu.memory_space<semaphore_mem>>)
      %dma_wait3A_260 = arith.constant 0 : i32
      %dma_wait3A_261 = arith.constant 0 : i32
      %dma_wait3A_262 = tpu.memref_slice %arg2[%dma_wait3A_260, %dma_wait3A_261] : memref<16384x512xf32, #tpu.memory_space<hbm>> -> memref<8x512xf32, #tpu.memory_space<hbm>>
      %dma_wait3A_263 = arith.constant 0 : i32
      %dma_wait3A_264 = arith.constant 0 : i32
      %dma_wait3A_265 = tpu.memref_slice %arg2[%dma_wait3A_263, %dma_wait3A_264] : memref<16384x512xf32, #tpu.memory_space<hbm>> -> memref<8x512xf32, #tpu.memory_space<hbm>>
      tpu.wait_dma2 semaphore(%arg35 : memref<!tpu.dma_semaphore, #tpu.memory_space<semaphore_mem>>) src(%dma_wait3A_265 : memref<8x512xf32, #tpu.memory_space<hbm>>) dst(%arg22 : memref<8x512xf32, #tpu.memory_space<vmem>>)
      %dma_wait3A_266 = arith.constant 0 : i32
      %dma_wait3A_267 = arith.constant 0 : i32
      %dma_wait3A_268 = tpu.memref_slice %arg3[%dma_wait3A_266, %dma_wait3A_267] : memref<16384x512xf32, #tpu.memory_space<hbm>> -> memref<8x512xf32, #tpu.memory_space<hbm>>
      %dma_wait3A_269 = arith.constant 0 : i32
      %dma_wait3A_270 = arith.constant 0 : i32
      %dma_wait3A_271 = tpu.memref_slice %arg3[%dma_wait3A_269, %dma_wait3A_270] : memref<16384x512xf32, #tpu.memory_space<hbm>> -> memref<8x512xf32, #tpu.memory_space<hbm>>
      tpu.wait_dma2 semaphore(%arg35 : memref<!tpu.dma_semaphore, #tpu.memory_space<semaphore_mem>>) src(%dma_wait3A_271 : memref<8x512xf32, #tpu.memory_space<hbm>>) dst(%arg23 : memref<8x512xf32, #tpu.memory_space<vmem>>)
      %dma_wait3A_272 = arith.constant 0 : i32
      %dma_wait3A_273 = arith.constant 0 : i32
      %dma_wait3A_274 = tpu.memref_slice %arg4[%dma_wait3A_272, %dma_wait3A_273] : memref<16384x512xf32, #tpu.memory_space<hbm>> -> memref<8x512xf32, #tpu.memory_space<hbm>>
      %dma_wait3A_275 = arith.constant 0 : i32
      %dma_wait3A_276 = arith.constant 0 : i32
      %dma_wait3A_277 = tpu.memref_slice %arg4[%dma_wait3A_275, %dma_wait3A_276] : memref<16384x512xf32, #tpu.memory_space<hbm>> -> memref<8x512xf32, #tpu.memory_space<hbm>>
      tpu.wait_dma2 semaphore(%arg35 : memref<!tpu.dma_semaphore, #tpu.memory_space<semaphore_mem>>) src(%dma_wait3A_277 : memref<8x512xf32, #tpu.memory_space<hbm>>) dst(%arg24 : memref<8x512xf32, #tpu.memory_space<vmem>>)
      %dma_wait3A_278 = arith.constant 0 : i32
      %dma_wait3A_279 = arith.constant 0 : i32
      %dma_wait3A_280 = tpu.memref_slice %arg5[%dma_wait3A_278, %dma_wait3A_279] : memref<16384x512xf32, #tpu.memory_space<hbm>> -> memref<8x512xf32, #tpu.memory_space<hbm>>
      %dma_wait3A_281 = arith.constant 0 : i32
      %dma_wait3A_282 = arith.constant 0 : i32
      %dma_wait3A_283 = tpu.memref_slice %arg5[%dma_wait3A_281, %dma_wait3A_282] : memref<16384x512xf32, #tpu.memory_space<hbm>> -> memref<8x512xf32, #tpu.memory_space<hbm>>
      tpu.wait_dma2 semaphore(%arg35 : memref<!tpu.dma_semaphore, #tpu.memory_space<semaphore_mem>>) src(%dma_wait3A_283 : memref<8x512xf32, #tpu.memory_space<hbm>>) dst(%arg25 : memref<8x512xf32, #tpu.memory_space<vmem>>)
      %dma_wait3A_284 = arith.constant 0 : i32
      %dma_wait3A_285 = arith.constant 0 : i32
      %dma_wait3A_286 = tpu.memref_slice %arg6[%dma_wait3A_284, %dma_wait3A_285] : memref<16384x512xf32, #tpu.memory_space<hbm>> -> memref<8x512xf32, #tpu.memory_space<hbm>>
      %dma_wait3A_287 = arith.constant 0 : i32
      %dma_wait3A_288 = arith.constant 0 : i32
      %dma_wait3A_289 = tpu.memref_slice %arg6[%dma_wait3A_287, %dma_wait3A_288] : memref<16384x512xf32, #tpu.memory_space<hbm>> -> memref<8x512xf32, #tpu.memory_space<hbm>>
      tpu.wait_dma2 semaphore(%arg35 : memref<!tpu.dma_semaphore, #tpu.memory_space<semaphore_mem>>) src(%dma_wait3A_289 : memref<8x512xf32, #tpu.memory_space<hbm>>) dst(%arg26 : memref<8x512xf32, #tpu.memory_space<vmem>>)
      %dma_wait3A_290 = arith.constant 0 : i32
      %dma_wait3A_291 = arith.constant 0 : i32
      %dma_wait3A_292 = tpu.memref_slice %arg7[%dma_wait3A_290, %dma_wait3A_291] : memref<16384x512xf32, #tpu.memory_space<hbm>> -> memref<8x512xf32, #tpu.memory_space<hbm>>
      %dma_wait3A_293 = arith.constant 0 : i32
      %dma_wait3A_294 = arith.constant 0 : i32
      %dma_wait3A_295 = tpu.memref_slice %arg7[%dma_wait3A_293, %dma_wait3A_294] : memref<16384x512xf32, #tpu.memory_space<hbm>> -> memref<8x512xf32, #tpu.memory_space<hbm>>
      tpu.wait_dma2 semaphore(%arg35 : memref<!tpu.dma_semaphore, #tpu.memory_space<semaphore_mem>>) src(%dma_wait3A_295 : memref<8x512xf32, #tpu.memory_space<hbm>>) dst(%arg27 : memref<8x512xf32, #tpu.memory_space<vmem>>)
      %dma_wait3A_296 = arith.constant 0 : i32
      %dma_wait3A_297 = arith.constant 0 : i32
      %dma_wait3A_298 = tpu.memref_slice %arg8[%dma_wait3A_296, %dma_wait3A_297] : memref<16384x512xf32, #tpu.memory_space<hbm>> -> memref<8x512xf32, #tpu.memory_space<hbm>>
      %dma_wait3A_299 = arith.constant 0 : i32
      %dma_wait3A_300 = arith.constant 0 : i32
      %dma_wait3A_301 = tpu.memref_slice %arg8[%dma_wait3A_299, %dma_wait3A_300] : memref<16384x512xf32, #tpu.memory_space<hbm>> -> memref<8x512xf32, #tpu.memory_space<hbm>>
      tpu.wait_dma2 semaphore(%arg35 : memref<!tpu.dma_semaphore, #tpu.memory_space<semaphore_mem>>) src(%dma_wait3A_301 : memref<8x512xf32, #tpu.memory_space<hbm>>) dst(%arg28 : memref<8x512xf32, #tpu.memory_space<vmem>>)
      %dma_wait3A_302 = arith.constant 0 : i32
      %dma_wait3A_303 = arith.constant 0 : i32
      %dma_wait3A_304 = tpu.memref_slice %arg9[%dma_wait3A_302, %dma_wait3A_303] : memref<16384x512xf32, #tpu.memory_space<hbm>> -> memref<8x512xf32, #tpu.memory_space<hbm>>
      %dma_wait3A_305 = arith.constant 0 : i32
      %dma_wait3A_306 = arith.constant 0 : i32
      %dma_wait3A_307 = tpu.memref_slice %arg9[%dma_wait3A_305, %dma_wait3A_306] : memref<16384x512xf32, #tpu.memory_space<hbm>> -> memref<8x512xf32, #tpu.memory_space<hbm>>
      tpu.wait_dma2 semaphore(%arg35 : memref<!tpu.dma_semaphore, #tpu.memory_space<semaphore_mem>>) src(%dma_wait3A_307 : memref<8x512xf32, #tpu.memory_space<hbm>>) dst(%arg29 : memref<8x512xf32, #tpu.memory_space<vmem>>)
      %dma_wait3A_308 = arith.constant 0 : i32
      %dma_wait3A_309 = arith.constant 0 : i32
      %dma_wait3A_310 = tpu.memref_slice %arg10[%dma_wait3A_308, %dma_wait3A_309] : memref<16384x512xf32, #tpu.memory_space<hbm>> -> memref<8x512xf32, #tpu.memory_space<hbm>>
      %dma_wait3A_311 = arith.constant 0 : i32
      %dma_wait3A_312 = arith.constant 0 : i32
      %dma_wait3A_313 = tpu.memref_slice %arg10[%dma_wait3A_311, %dma_wait3A_312] : memref<16384x512xf32, #tpu.memory_space<hbm>> -> memref<8x512xf32, #tpu.memory_space<hbm>>
      tpu.wait_dma2 semaphore(%arg35 : memref<!tpu.dma_semaphore, #tpu.memory_space<semaphore_mem>>) src(%dma_wait3A_313 : memref<8x512xf32, #tpu.memory_space<hbm>>) dst(%arg30 : memref<8x512xf32, #tpu.memory_space<vmem>>)
      %gt3A_314 = arith.constant 0 : i32
      %gt3A_315 = arith.cmpi sgt, %scan3A_110, %gt3A_314 : i32
      %convert_element_type3A_316 = arith.extui %gt3A_315 : i1 to i32
      %cond3A_317 = arith.constant 0 : i32
      %cond3A_318 = arith.cmpi ne, %convert_element_type3A_316, %cond3A_317 : i32
      scf.if %cond3A_318 {
        %dma_wait3A_331 = arith.constant 0 : i32
        %dma_wait3A_332 = arith.constant 0 : i32
        %dma_wait3A_333 = tpu.memref_slice %arg12[%dma_wait3A_331, %dma_wait3A_332] : memref<3584x512xf32, #tpu.memory_space<hbm>> -> memref<8x512xf32, #tpu.memory_space<hbm>>
        %dma_wait3A_334 = arith.constant 0 : i32
        %dma_wait3A_335 = arith.constant 0 : i32
        %dma_wait3A_336 = tpu.memref_slice %arg12[%dma_wait3A_334, %dma_wait3A_335] : memref<3584x512xf32, #tpu.memory_space<hbm>> -> memref<8x512xf32, #tpu.memory_space<hbm>>
        tpu.wait_dma2 semaphore(%arg37 : memref<!tpu.dma_semaphore, #tpu.memory_space<semaphore_mem>>) src(%arg33 : memref<8x512xf32, #tpu.memory_space<vmem>>) dst(%dma_wait3A_336 : memref<8x512xf32, #tpu.memory_space<hbm>>)
      } else {
      }
      %scan3A_319 = arith.constant 0 : i32
      %scan3A_320 = arith.constant 0 : i32
      %scan3A_321 = arith.constant 8 : i32
      %scan3A_322 = arith.addi %scan3A_320, %scan3A_321 : i32
      %scan3A_323 = arith.constant 1 : i32
      scf.for %scan3A_331 = %scan3A_320 to %scan3A_322 step %scan3A_323  : i32 {
        %broadcast_in_dim3A = arith.constant 0.000000e+00 : f32
        %broadcast_in_dim3A_332 = vector.broadcast %broadcast_in_dim3A : f32 to vector<16xf32>
        %scan3A_333 = arith.constant 0 : i32
        %scan3A_334 = arith.constant 4 : i32
        %scan3A_335 = arith.addi %scan3A_333, %scan3A_334 : i32
        %scan3A_336 = arith.constant 1 : i32
        %scan3A_337:9 = scf.for %scan3A_429 = %scan3A_333 to %scan3A_335 step %scan3A_336 iter_args(%scan3A_430 = %broadcast_in_dim3A_332, %scan3A_431 = %broadcast_in_dim3A_332, %scan3A_432 = %broadcast_in_dim3A_332, %scan3A_433 = %broadcast_in_dim3A_332, %scan3A_434 = %broadcast_in_dim3A_332, %scan3A_435 = %broadcast_in_dim3A_332, %scan3A_436 = %broadcast_in_dim3A_332, %scan3A_437 = %broadcast_in_dim3A_332, %scan3A_438 = %broadcast_in_dim3A_332) -> (vector<16xf32>, vector<16xf32>, vector<16xf32>, vector<16xf32>, vector<16xf32>, vector<16xf32>, vector<16xf32>, vector<16xf32>, vector<16xf32>)  : i32 {
          %mul3A_439 = arith.constant 8 : i32
          %mul3A_440 = arith.muli %scan3A_429, %mul3A_439 : i32
          %add3A_441 = arith.constant 0 : i32
          %add3A_442 = arith.addi %mul3A_440, %add3A_441 : i32
          %mul3A_443 = arith.constant 16 : i32
          %mul3A_444 = arith.muli %add3A_442, %mul3A_443 : i32
          %get3A = arith.index_cast %mul3A_444 : i32 to index
          %get3A_445 = tpu.vector_load %arg31[%get3A] {strides = array<i32>} : memref<512xf32, #tpu.memory_space<vmem>>, vector<16xf32>,
          %get3A_446 = arith.index_cast %scan3A_331 : i32 to index
          %get3A_447 = arith.index_cast %mul3A_444 : i32 to index
          %get3A_448 = tpu.vector_load %arg22[%get3A_446, %get3A_447] {strides = array<i32>} : memref<8x512xf32, #tpu.memory_space<vmem>>, vector<16xf32>,
          %mul3A_449 = arith.mulf %get3A_448, %get3A_445 : vector<16xf32>
          %add3A_450 = arith.addf %scan3A_430, %mul3A_449 : vector<16xf32>
          %get3A_451 = arith.index_cast %scan3A_331 : i32 to index
          %get3A_452 = arith.index_cast %mul3A_444 : i32 to index
          %get3A_453 = tpu.vector_load %arg23[%get3A_451, %get3A_452] {strides = array<i32>} : memref<8x512xf32, #tpu.memory_space<vmem>>, vector<16xf32>,
          %mul3A_454 = arith.mulf %get3A_453, %get3A_445 : vector<16xf32>
          %add3A_455 = arith.addf %scan3A_431, %mul3A_454 : vector<16xf32>
          %get3A_456 = arith.index_cast %scan3A_331 : i32 to index
          %get3A_457 = arith.index_cast %mul3A_444 : i32 to index
          %get3A_458 = tpu.vector_load %arg24[%get3A_456, %get3A_457] {strides = array<i32>} : memref<8x512xf32, #tpu.memory_space<vmem>>, vector<16xf32>,
          %mul3A_459 = arith.mulf %get3A_458, %get3A_445 : vector<16xf32>
          %add3A_460 = arith.addf %scan3A_432, %mul3A_459 : vector<16xf32>
          %get3A_461 = arith.index_cast %scan3A_331 : i32 to index
          %get3A_462 = arith.index_cast %mul3A_444 : i32 to index
          %get3A_463 = tpu.vector_load %arg25[%get3A_461, %get3A_462] {strides = array<i32>} : memref<8x512xf32, #tpu.memory_space<vmem>>, vector<16xf32>,
          %mul3A_464 = arith.mulf %get3A_463, %get3A_445 : vector<16xf32>
          %add3A_465 = arith.addf %scan3A_433, %mul3A_464 : vector<16xf32>
          %get3A_466 = arith.index_cast %scan3A_331 : i32 to index
          %get3A_467 = arith.index_cast %mul3A_444 : i32 to index
          %get3A_468 = tpu.vector_load %arg26[%get3A_466, %get3A_467] {strides = array<i32>} : memref<8x512xf32, #tpu.memory_space<vmem>>, vector<16xf32>,
          %mul3A_469 = arith.mulf %get3A_468, %get3A_445 : vector<16xf32>
          %add3A_470 = arith.addf %scan3A_434, %mul3A_469 : vector<16xf32>
          %get3A_471 = arith.index_cast %scan3A_331 : i32 to index
          %get3A_472 = arith.index_cast %mul3A_444 : i32 to index
          %get3A_473 = tpu.vector_load %arg27[%get3A_471, %get3A_472] {strides = array<i32>} : memref<8x512xf32, #tpu.memory_space<vmem>>, vector<16xf32>,
          %mul3A_474 = arith.mulf %get3A_473, %get3A_445 : vector<16xf32>
          %add3A_475 = arith.addf %scan3A_435, %mul3A_474 : vector<16xf32>
          %get3A_476 = arith.index_cast %scan3A_331 : i32 to index
          %get3A_477 = arith.index_cast %mul3A_444 : i32 to index
          %get3A_478 = tpu.vector_load %arg28[%get3A_476, %get3A_477] {strides = array<i32>} : memref<8x512xf32, #tpu.memory_space<vmem>>, vector<16xf32>,
          %mul3A_479 = arith.mulf %get3A_478, %get3A_445 : vector<16xf32>
          %add3A_480 = arith.addf %scan3A_436, %mul3A_479 : vector<16xf32>
          %get3A_481 = arith.index_cast %scan3A_331 : i32 to index
          %get3A_482 = arith.index_cast %mul3A_444 : i32 to index
          %get3A_483 = tpu.vector_load %arg29[%get3A_481, %get3A_482] {strides = array<i32>} : memref<8x512xf32, #tpu.memory_space<vmem>>, vector<16xf32>,
          %mul3A_484 = arith.mulf %get3A_483, %get3A_445 : vector<16xf32>
          %add3A_485 = arith.addf %scan3A_437, %mul3A_484 : vector<16xf32>
          %get3A_486 = arith.index_cast %scan3A_331 : i32 to index
          %get3A_487 = arith.index_cast %mul3A_444 : i32 to index
          %get3A_488 = tpu.vector_load %arg30[%get3A_486, %get3A_487] {strides = array<i32>} : memref<8x512xf32, #tpu.memory_space<vmem>>, vector<16xf32>,
          %mul3A_489 = arith.mulf %get3A_488, %get3A_445 : vector<16xf32>
          %add3A_490 = arith.addf %scan3A_438, %mul3A_489 : vector<16xf32>
          %mul3A_491 = arith.constant 8 : i32
          %mul3A_492 = arith.muli %scan3A_429, %mul3A_491 : i32
          %add3A_493 = arith.constant 1 : i32
          %add3A_494 = arith.addi %mul3A_492, %add3A_493 : i32
          %mul3A_495 = arith.constant 16 : i32
          %mul3A_496 = arith.muli %add3A_494, %mul3A_495 : i32
          %get3A_497 = arith.index_cast %mul3A_496 : i32 to index
          %get3A_498 = tpu.vector_load %arg31[%get3A_497] {strides = array<i32>} : memref<512xf32, #tpu.memory_space<vmem>>, vector<16xf32>,
          %get3A_499 = arith.index_cast %scan3A_331 : i32 to index
          %get3A_500 = arith.index_cast %mul3A_496 : i32 to index
          %get3A_501 = tpu.vector_load %arg22[%get3A_499, %get3A_500] {strides = array<i32>} : memref<8x512xf32, #tpu.memory_space<vmem>>, vector<16xf32>,
          %mul3A_502 = arith.mulf %get3A_501, %get3A_498 : vector<16xf32>
          %add3A_503 = arith.addf %add3A_450, %mul3A_502 : vector<16xf32>
          %get3A_504 = arith.index_cast %scan3A_331 : i32 to index
          %get3A_505 = arith.index_cast %mul3A_496 : i32 to index
          %get3A_506 = tpu.vector_load %arg23[%get3A_504, %get3A_505] {strides = array<i32>} : memref<8x512xf32, #tpu.memory_space<vmem>>, vector<16xf32>,
          %mul3A_507 = arith.mulf %get3A_506, %get3A_498 : vector<16xf32>
          %add3A_508 = arith.addf %add3A_455, %mul3A_507 : vector<16xf32>
          %get3A_509 = arith.index_cast %scan3A_331 : i32 to index
          %get3A_510 = arith.index_cast %mul3A_496 : i32 to index
          %get3A_511 = tpu.vector_load %arg24[%get3A_509, %get3A_510] {strides = array<i32>} : memref<8x512xf32, #tpu.memory_space<vmem>>, vector<16xf32>,
          %mul3A_512 = arith.mulf %get3A_511, %get3A_498 : vector<16xf32>
          %add3A_513 = arith.addf %add3A_460, %mul3A_512 : vector<16xf32>
          %get3A_514 = arith.index_cast %scan3A_331 : i32 to index
          %get3A_515 = arith.index_cast %mul3A_496 : i32 to index
          %get3A_516 = tpu.vector_load %arg25[%get3A_514, %get3A_515] {strides = array<i32>} : memref<8x512xf32, #tpu.memory_space<vmem>>, vector<16xf32>,
          %mul3A_517 = arith.mulf %get3A_516, %get3A_498 : vector<16xf32>
          %add3A_518 = arith.addf %add3A_465, %mul3A_517 : vector<16xf32>
          %get3A_519 = arith.index_cast %scan3A_331 : i32 to index
          %get3A_520 = arith.index_cast %mul3A_496 : i32 to index
          %get3A_521 = tpu.vector_load %arg26[%get3A_519, %get3A_520] {strides = array<i32>} : memref<8x512xf32, #tpu.memory_space<vmem>>, vector<16xf32>,
          %mul3A_522 = arith.mulf %get3A_521, %get3A_498 : vector<16xf32>
          %add3A_523 = arith.addf %add3A_470, %mul3A_522 : vector<16xf32>
          %get3A_524 = arith.index_cast %scan3A_331 : i32 to index
          %get3A_525 = arith.index_cast %mul3A_496 : i32 to index
          %get3A_526 = tpu.vector_load %arg27[%get3A_524, %get3A_525] {strides = array<i32>} : memref<8x512xf32, #tpu.memory_space<vmem>>, vector<16xf32>,
          %mul3A_527 = arith.mulf %get3A_526, %get3A_498 : vector<16xf32>
          %add3A_528 = arith.addf %add3A_475, %mul3A_527 : vector<16xf32>
          %get3A_529 = arith.index_cast %scan3A_331 : i32 to index
          %get3A_530 = arith.index_cast %mul3A_496 : i32 to index
          %get3A_531 = tpu.vector_load %arg28[%get3A_529, %get3A_530] {strides = array<i32>} : memref<8x512xf32, #tpu.memory_space<vmem>>, vector<16xf32>,
          %mul3A_532 = arith.mulf %get3A_531, %get3A_498 : vector<16xf32>
          %add3A_533 = arith.addf %add3A_480, %mul3A_532 : vector<16xf32>
          %get3A_534 = arith.index_cast %scan3A_331 : i32 to index
          %get3A_535 = arith.index_cast %mul3A_496 : i32 to index
          %get3A_536 = tpu.vector_load %arg29[%get3A_534, %get3A_535] {strides = array<i32>} : memref<8x512xf32, #tpu.memory_space<vmem>>, vector<16xf32>,
          %mul3A_537 = arith.mulf %get3A_536, %get3A_498 : vector<16xf32>
          %add3A_538 = arith.addf %add3A_485, %mul3A_537 : vector<16xf32>
          %get3A_539 = arith.index_cast %scan3A_331 : i32 to index
          %get3A_540 = arith.index_cast %mul3A_496 : i32 to index
          %get3A_541 = tpu.vector_load %arg30[%get3A_539, %get3A_540] {strides = array<i32>} : memref<8x512xf32, #tpu.memory_space<vmem>>, vector<16xf32>,
          %mul3A_542 = arith.mulf %get3A_541, %get3A_498 : vector<16xf32>
          %add3A_543 = arith.addf %add3A_490, %mul3A_542 : vector<16xf32>
          %mul3A_544 = arith.constant 8 : i32
          %mul3A_545 = arith.muli %scan3A_429, %mul3A_544 : i32
          %add3A_546 = arith.constant 2 : i32
          %add3A_547 = arith.addi %mul3A_545, %add3A_546 : i32
          %mul3A_548 = arith.constant 16 : i32
          %mul3A_549 = arith.muli %add3A_547, %mul3A_548 : i32
          %get3A_550 = arith.index_cast %mul3A_549 : i32 to index
          %get3A_551 = tpu.vector_load %arg31[%get3A_550] {strides = array<i32>} : memref<512xf32, #tpu.memory_space<vmem>>, vector<16xf32>,
          %get3A_552 = arith.index_cast %scan3A_331 : i32 to index
          %get3A_553 = arith.index_cast %mul3A_549 : i32 to index
          %get3A_554 = tpu.vector_load %arg22[%get3A_552, %get3A_553] {strides = array<i32>} : memref<8x512xf32, #tpu.memory_space<vmem>>, vector<16xf32>,
          %mul3A_555 = arith.mulf %get3A_554, %get3A_551 : vector<16xf32>
          %add3A_556 = arith.addf %add3A_503, %mul3A_555 : vector<16xf32>
          %get3A_557 = arith.index_cast %scan3A_331 : i32 to index
          %get3A_558 = arith.index_cast %mul3A_549 : i32 to index
          %get3A_559 = tpu.vector_load %arg23[%get3A_557, %get3A_558] {strides = array<i32>} : memref<8x512xf32, #tpu.memory_space<vmem>>, vector<16xf32>,
          %mul3A_560 = arith.mulf %get3A_559, %get3A_551 : vector<16xf32>
          %add3A_561 = arith.addf %add3A_508, %mul3A_560 : vector<16xf32>
          %get3A_562 = arith.index_cast %scan3A_331 : i32 to index
          %get3A_563 = arith.index_cast %mul3A_549 : i32 to index
          %get3A_564 = tpu.vector_load %arg24[%get3A_562, %get3A_563] {strides = array<i32>} : memref<8x512xf32, #tpu.memory_space<vmem>>, vector<16xf32>,
          %mul3A_565 = arith.mulf %get3A_564, %get3A_551 : vector<16xf32>
          %add3A_566 = arith.addf %add3A_513, %mul3A_565 : vector<16xf32>
          %get3A_567 = arith.index_cast %scan3A_331 : i32 to index
          %get3A_568 = arith.index_cast %mul3A_549 : i32 to index
          %get3A_569 = tpu.vector_load %arg25[%get3A_567, %get3A_568] {strides = array<i32>} : memref<8x512xf32, #tpu.memory_space<vmem>>, vector<16xf32>,
          %mul3A_570 = arith.mulf %get3A_569, %get3A_551 : vector<16xf32>
          %add3A_571 = arith.addf %add3A_518, %mul3A_570 : vector<16xf32>
          %get3A_572 = arith.index_cast %scan3A_331 : i32 to index
          %get3A_573 = arith.index_cast %mul3A_549 : i32 to index
          %get3A_574 = tpu.vector_load %arg26[%get3A_572, %get3A_573] {strides = array<i32>} : memref<8x512xf32, #tpu.memory_space<vmem>>, vector<16xf32>,
          %mul3A_575 = arith.mulf %get3A_574, %get3A_551 : vector<16xf32>
          %add3A_576 = arith.addf %add3A_523, %mul3A_575 : vector<16xf32>
          %get3A_577 = arith.index_cast %scan3A_331 : i32 to index
          %get3A_578 = arith.index_cast %mul3A_549 : i32 to index
          %get3A_579 = tpu.vector_load %arg27[%get3A_577, %get3A_578] {strides = array<i32>} : memref<8x512xf32, #tpu.memory_space<vmem>>, vector<16xf32>,
          %mul3A_580 = arith.mulf %get3A_579, %get3A_551 : vector<16xf32>
          %add3A_581 = arith.addf %add3A_528, %mul3A_580 : vector<16xf32>
          %get3A_582 = arith.index_cast %scan3A_331 : i32 to index
          %get3A_583 = arith.index_cast %mul3A_549 : i32 to index
          %get3A_584 = tpu.vector_load %arg28[%get3A_582, %get3A_583] {strides = array<i32>} : memref<8x512xf32, #tpu.memory_space<vmem>>, vector<16xf32>,
          %mul3A_585 = arith.mulf %get3A_584, %get3A_551 : vector<16xf32>
          %add3A_586 = arith.addf %add3A_533, %mul3A_585 : vector<16xf32>
          %get3A_587 = arith.index_cast %scan3A_331 : i32 to index
          %get3A_588 = arith.index_cast %mul3A_549 : i32 to index
          %get3A_589 = tpu.vector_load %arg29[%get3A_587, %get3A_588] {strides = array<i32>} : memref<8x512xf32, #tpu.memory_space<vmem>>, vector<16xf32>,
          %mul3A_590 = arith.mulf %get3A_589, %get3A_551 : vector<16xf32>
          %add3A_591 = arith.addf %add3A_538, %mul3A_590 : vector<16xf32>
          %get3A_592 = arith.index_cast %scan3A_331 : i32 to index
          %get3A_593 = arith.index_cast %mul3A_549 : i32 to index
          %get3A_594 = tpu.vector_load %arg30[%get3A_592, %get3A_593] {strides = array<i32>} : memref<8x512xf32, #tpu.memory_space<vmem>>, vector<16xf32>,
          %mul3A_595 = arith.mulf %get3A_594, %get3A_551 : vector<16xf32>
          %add3A_596 = arith.addf %add3A_543, %mul3A_595 : vector<16xf32>
          %mul3A_597 = arith.constant 8 : i32
          %mul3A_598 = arith.muli %scan3A_429, %mul3A_597 : i32
          %add3A_599 = arith.constant 3 : i32
          %add3A_600 = arith.addi %mul3A_598, %add3A_599 : i32
          %mul3A_601 = arith.constant 16 : i32
          %mul3A_602 = arith.muli %add3A_600, %mul3A_601 : i32
          %get3A_603 = arith.index_cast %mul3A_602 : i32 to index
          %get3A_604 = tpu.vector_load %arg31[%get3A_603] {strides = array<i32>} : memref<512xf32, #tpu.memory_space<vmem>>, vector<16xf32>,
          %get3A_605 = arith.index_cast %scan3A_331 : i32 to index
          %get3A_606 = arith.index_cast %mul3A_602 : i32 to index
          %get3A_607 = tpu.vector_load %arg22[%get3A_605, %get3A_606] {strides = array<i32>} : memref<8x512xf32, #tpu.memory_space<vmem>>, vector<16xf32>,
          %mul3A_608 = arith.mulf %get3A_607, %get3A_604 : vector<16xf32>
          %add3A_609 = arith.addf %add3A_556, %mul3A_608 : vector<16xf32>
          %get3A_610 = arith.index_cast %scan3A_331 : i32 to index
          %get3A_611 = arith.index_cast %mul3A_602 : i32 to index
          %get3A_612 = tpu.vector_load %arg23[%get3A_610, %get3A_611] {strides = array<i32>} : memref<8x512xf32, #tpu.memory_space<vmem>>, vector<16xf32>,
          %mul3A_613 = arith.mulf %get3A_612, %get3A_604 : vector<16xf32>
          %add3A_614 = arith.addf %add3A_561, %mul3A_613 : vector<16xf32>
          %get3A_615 = arith.index_cast %scan3A_331 : i32 to index
          %get3A_616 = arith.index_cast %mul3A_602 : i32 to index
          %get3A_617 = tpu.vector_load %arg24[%get3A_615, %get3A_616] {strides = array<i32>} : memref<8x512xf32, #tpu.memory_space<vmem>>, vector<16xf32>,
          %mul3A_618 = arith.mulf %get3A_617, %get3A_604 : vector<16xf32>
          %add3A_619 = arith.addf %add3A_566, %mul3A_618 : vector<16xf32>
          %get3A_620 = arith.index_cast %scan3A_331 : i32 to index
          %get3A_621 = arith.index_cast %mul3A_602 : i32 to index
          %get3A_622 = tpu.vector_load %arg25[%get3A_620, %get3A_621] {strides = array<i32>} : memref<8x512xf32, #tpu.memory_space<vmem>>, vector<16xf32>,
          %mul3A_623 = arith.mulf %get3A_622, %get3A_604 : vector<16xf32>
          %add3A_624 = arith.addf %add3A_571, %mul3A_623 : vector<16xf32>
          %get3A_625 = arith.index_cast %scan3A_331 : i32 to index
          %get3A_626 = arith.index_cast %mul3A_602 : i32 to index
          %get3A_627 = tpu.vector_load %arg26[%get3A_625, %get3A_626] {strides = array<i32>} : memref<8x512xf32, #tpu.memory_space<vmem>>, vector<16xf32>,
          %mul3A_628 = arith.mulf %get3A_627, %get3A_604 : vector<16xf32>
          %add3A_629 = arith.addf %add3A_576, %mul3A_628 : vector<16xf32>
          %get3A_630 = arith.index_cast %scan3A_331 : i32 to index
          %get3A_631 = arith.index_cast %mul3A_602 : i32 to index
          %get3A_632 = tpu.vector_load %arg27[%get3A_630, %get3A_631] {strides = array<i32>} : memref<8x512xf32, #tpu.memory_space<vmem>>, vector<16xf32>,
          %mul3A_633 = arith.mulf %get3A_632, %get3A_604 : vector<16xf32>
          %add3A_634 = arith.addf %add3A_581, %mul3A_633 : vector<16xf32>
          %get3A_635 = arith.index_cast %scan3A_331 : i32 to index
          %get3A_636 = arith.index_cast %mul3A_602 : i32 to index
          %get3A_637 = tpu.vector_load %arg28[%get3A_635, %get3A_636] {strides = array<i32>} : memref<8x512xf32, #tpu.memory_space<vmem>>, vector<16xf32>,
          %mul3A_638 = arith.mulf %get3A_637, %get3A_604 : vector<16xf32>
          %add3A_639 = arith.addf %add3A_586, %mul3A_638 : vector<16xf32>
          %get3A_640 = arith.index_cast %scan3A_331 : i32 to index
          %get3A_641 = arith.index_cast %mul3A_602 : i32 to index
          %get3A_642 = tpu.vector_load %arg29[%get3A_640, %get3A_641] {strides = array<i32>} : memref<8x512xf32, #tpu.memory_space<vmem>>, vector<16xf32>,
          %mul3A_643 = arith.mulf %get3A_642, %get3A_604 : vector<16xf32>
          %add3A_644 = arith.addf %add3A_591, %mul3A_643 : vector<16xf32>
          %get3A_645 = arith.index_cast %scan3A_331 : i32 to index
          %get3A_646 = arith.index_cast %mul3A_602 : i32 to index
          %get3A_647 = tpu.vector_load %arg30[%get3A_645, %get3A_646] {strides = array<i32>} : memref<8x512xf32, #tpu.memory_space<vmem>>, vector<16xf32>,
          %mul3A_648 = arith.mulf %get3A_647, %get3A_604 : vector<16xf32>
          %add3A_649 = arith.addf %add3A_596, %mul3A_648 : vector<16xf32>
          %mul3A_650 = arith.constant 8 : i32
          %mul3A_651 = arith.muli %scan3A_429, %mul3A_650 : i32
          %add3A_652 = arith.constant 4 : i32
          %add3A_653 = arith.addi %mul3A_651, %add3A_652 : i32
          %mul3A_654 = arith.constant 16 : i32
          %mul3A_655 = arith.muli %add3A_653, %mul3A_654 : i32
          %get3A_656 = arith.index_cast %mul3A_655 : i32 to index
          %get3A_657 = tpu.vector_load %arg31[%get3A_656] {strides = array<i32>} : memref<512xf32, #tpu.memory_space<vmem>>, vector<16xf32>,
          %get3A_658 = arith.index_cast %scan3A_331 : i32 to index
          %get3A_659 = arith.index_cast %mul3A_655 : i32 to index
          %get3A_660 = tpu.vector_load %arg22[%get3A_658, %get3A_659] {strides = array<i32>} : memref<8x512xf32, #tpu.memory_space<vmem>>, vector<16xf32>,
          %mul3A_661 = arith.mulf %get3A_660, %get3A_657 : vector<16xf32>
          %add3A_662 = arith.addf %add3A_609, %mul3A_661 : vector<16xf32>
          %get3A_663 = arith.index_cast %scan3A_331 : i32 to index
          %get3A_664 = arith.index_cast %mul3A_655 : i32 to index
          %get3A_665 = tpu.vector_load %arg23[%get3A_663, %get3A_664] {strides = array<i32>} : memref<8x512xf32, #tpu.memory_space<vmem>>, vector<16xf32>,
          %mul3A_666 = arith.mulf %get3A_665, %get3A_657 : vector<16xf32>
          %add3A_667 = arith.addf %add3A_614, %mul3A_666 : vector<16xf32>
          %get3A_668 = arith.index_cast %scan3A_331 : i32 to index
          %get3A_669 = arith.index_cast %mul3A_655 : i32 to index
          %get3A_670 = tpu.vector_load %arg24[%get3A_668, %get3A_669] {strides = array<i32>} : memref<8x512xf32, #tpu.memory_space<vmem>>, vector<16xf32>,
          %mul3A_671 = arith.mulf %get3A_670, %get3A_657 : vector<16xf32>
          %add3A_672 = arith.addf %add3A_619, %mul3A_671 : vector<16xf32>
          %get3A_673 = arith.index_cast %scan3A_331 : i32 to index
          %get3A_674 = arith.index_cast %mul3A_655 : i32 to index
          %get3A_675 = tpu.vector_load %arg25[%get3A_673, %get3A_674] {strides = array<i32>} : memref<8x512xf32, #tpu.memory_space<vmem>>, vector<16xf32>,
          %mul3A_676 = arith.mulf %get3A_675, %get3A_657 : vector<16xf32>
          %add3A_677 = arith.addf %add3A_624, %mul3A_676 : vector<16xf32>
          %get3A_678 = arith.index_cast %scan3A_331 : i32 to index
          %get3A_679 = arith.index_cast %mul3A_655 : i32 to index
          %get3A_680 = tpu.vector_load %arg26[%get3A_678, %get3A_679] {strides = array<i32>} : memref<8x512xf32, #tpu.memory_space<vmem>>, vector<16xf32>,
          %mul3A_681 = arith.mulf %get3A_680, %get3A_657 : vector<16xf32>
          %add3A_682 = arith.addf %add3A_629, %mul3A_681 : vector<16xf32>
          %get3A_683 = arith.index_cast %scan3A_331 : i32 to index
          %get3A_684 = arith.index_cast %mul3A_655 : i32 to index
          %get3A_685 = tpu.vector_load %arg27[%get3A_683, %get3A_684] {strides = array<i32>} : memref<8x512xf32, #tpu.memory_space<vmem>>, vector<16xf32>,
          %mul3A_686 = arith.mulf %get3A_685, %get3A_657 : vector<16xf32>
          %add3A_687 = arith.addf %add3A_634, %mul3A_686 : vector<16xf32>
          %get3A_688 = arith.index_cast %scan3A_331 : i32 to index
          %get3A_689 = arith.index_cast %mul3A_655 : i32 to index
          %get3A_690 = tpu.vector_load %arg28[%get3A_688, %get3A_689] {strides = array<i32>} : memref<8x512xf32, #tpu.memory_space<vmem>>, vector<16xf32>,
          %mul3A_691 = arith.mulf %get3A_690, %get3A_657 : vector<16xf32>
          %add3A_692 = arith.addf %add3A_639, %mul3A_691 : vector<16xf32>
          %get3A_693 = arith.index_cast %scan3A_331 : i32 to index
          %get3A_694 = arith.index_cast %mul3A_655 : i32 to index
          %get3A_695 = tpu.vector_load %arg29[%get3A_693, %get3A_694] {strides = array<i32>} : memref<8x512xf32, #tpu.memory_space<vmem>>, vector<16xf32>,
          %mul3A_696 = arith.mulf %get3A_695, %get3A_657 : vector<16xf32>
          %add3A_697 = arith.addf %add3A_644, %mul3A_696 : vector<16xf32>
          %get3A_698 = arith.index_cast %scan3A_331 : i32 to index
          %get3A_699 = arith.index_cast %mul3A_655 : i32 to index
          %get3A_700 = tpu.vector_load %arg30[%get3A_698, %get3A_699] {strides = array<i32>} : memref<8x512xf32, #tpu.memory_space<vmem>>, vector<16xf32>,
          %mul3A_701 = arith.mulf %get3A_700, %get3A_657 : vector<16xf32>
          %add3A_702 = arith.addf %add3A_649, %mul3A_701 : vector<16xf32>
          %mul3A_703 = arith.constant 8 : i32
          %mul3A_704 = arith.muli %scan3A_429, %mul3A_703 : i32
          %add3A_705 = arith.constant 5 : i32
          %add3A_706 = arith.addi %mul3A_704, %add3A_705 : i32
          %mul3A_707 = arith.constant 16 : i32
          %mul3A_708 = arith.muli %add3A_706, %mul3A_707 : i32
          %get3A_709 = arith.index_cast %mul3A_708 : i32 to index
          %get3A_710 = tpu.vector_load %arg31[%get3A_709] {strides = array<i32>} : memref<512xf32, #tpu.memory_space<vmem>>, vector<16xf32>,
          %get3A_711 = arith.index_cast %scan3A_331 : i32 to index
          %get3A_712 = arith.index_cast %mul3A_708 : i32 to index
          %get3A_713 = tpu.vector_load %arg22[%get3A_711, %get3A_712] {strides = array<i32>} : memref<8x512xf32, #tpu.memory_space<vmem>>, vector<16xf32>,
          %mul3A_714 = arith.mulf %get3A_713, %get3A_710 : vector<16xf32>
          %add3A_715 = arith.addf %add3A_662, %mul3A_714 : vector<16xf32>
          %get3A_716 = arith.index_cast %scan3A_331 : i32 to index
          %get3A_717 = arith.index_cast %mul3A_708 : i32 to index
          %get3A_718 = tpu.vector_load %arg23[%get3A_716, %get3A_717] {strides = array<i32>} : memref<8x512xf32, #tpu.memory_space<vmem>>, vector<16xf32>,
          %mul3A_719 = arith.mulf %get3A_718, %get3A_710 : vector<16xf32>
          %add3A_720 = arith.addf %add3A_667, %mul3A_719 : vector<16xf32>
          %get3A_721 = arith.index_cast %scan3A_331 : i32 to index
          %get3A_722 = arith.index_cast %mul3A_708 : i32 to index
          %get3A_723 = tpu.vector_load %arg24[%get3A_721, %get3A_722] {strides = array<i32>} : memref<8x512xf32, #tpu.memory_space<vmem>>, vector<16xf32>,
          %mul3A_724 = arith.mulf %get3A_723, %get3A_710 : vector<16xf32>
          %add3A_725 = arith.addf %add3A_672, %mul3A_724 : vector<16xf32>
          %get3A_726 = arith.index_cast %scan3A_331 : i32 to index
          %get3A_727 = arith.index_cast %mul3A_708 : i32 to index
          %get3A_728 = tpu.vector_load %arg25[%get3A_726, %get3A_727] {strides = array<i32>} : memref<8x512xf32, #tpu.memory_space<vmem>>, vector<16xf32>,
          %mul3A_729 = arith.mulf %get3A_728, %get3A_710 : vector<16xf32>
          %add3A_730 = arith.addf %add3A_677, %mul3A_729 : vector<16xf32>
          %get3A_731 = arith.index_cast %scan3A_331 : i32 to index
          %get3A_732 = arith.index_cast %mul3A_708 : i32 to index
          %get3A_733 = tpu.vector_load %arg26[%get3A_731, %get3A_732] {strides = array<i32>} : memref<8x512xf32, #tpu.memory_space<vmem>>, vector<16xf32>,
          %mul3A_734 = arith.mulf %get3A_733, %get3A_710 : vector<16xf32>
          %add3A_735 = arith.addf %add3A_682, %mul3A_734 : vector<16xf32>
          %get3A_736 = arith.index_cast %scan3A_331 : i32 to index
          %get3A_737 = arith.index_cast %mul3A_708 : i32 to index
          %get3A_738 = tpu.vector_load %arg27[%get3A_736, %get3A_737] {strides = array<i32>} : memref<8x512xf32, #tpu.memory_space<vmem>>, vector<16xf32>,
          %mul3A_739 = arith.mulf %get3A_738, %get3A_710 : vector<16xf32>
          %add3A_740 = arith.addf %add3A_687, %mul3A_739 : vector<16xf32>
          %get3A_741 = arith.index_cast %scan3A_331 : i32 to index
          %get3A_742 = arith.index_cast %mul3A_708 : i32 to index
          %get3A_743 = tpu.vector_load %arg28[%get3A_741, %get3A_742] {strides = array<i32>} : memref<8x512xf32, #tpu.memory_space<vmem>>, vector<16xf32>,
          %mul3A_744 = arith.mulf %get3A_743, %get3A_710 : vector<16xf32>
          %add3A_745 = arith.addf %add3A_692, %mul3A_744 : vector<16xf32>
          %get3A_746 = arith.index_cast %scan3A_331 : i32 to index
          %get3A_747 = arith.index_cast %mul3A_708 : i32 to index
          %get3A_748 = tpu.vector_load %arg29[%get3A_746, %get3A_747] {strides = array<i32>} : memref<8x512xf32, #tpu.memory_space<vmem>>, vector<16xf32>,
          %mul3A_749 = arith.mulf %get3A_748, %get3A_710 : vector<16xf32>
          %add3A_750 = arith.addf %add3A_697, %mul3A_749 : vector<16xf32>
          %get3A_751 = arith.index_cast %scan3A_331 : i32 to index
          %get3A_752 = arith.index_cast %mul3A_708 : i32 to index
          %get3A_753 = tpu.vector_load %arg30[%get3A_751, %get3A_752] {strides = array<i32>} : memref<8x512xf32, #tpu.memory_space<vmem>>, vector<16xf32>,
          %mul3A_754 = arith.mulf %get3A_753, %get3A_710 : vector<16xf32>
          %add3A_755 = arith.addf %add3A_702, %mul3A_754 : vector<16xf32>
          %mul3A_756 = arith.constant 8 : i32
          %mul3A_757 = arith.muli %scan3A_429, %mul3A_756 : i32
          %add3A_758 = arith.constant 6 : i32
          %add3A_759 = arith.addi %mul3A_757, %add3A_758 : i32
          %mul3A_760 = arith.constant 16 : i32
          %mul3A_761 = arith.muli %add3A_759, %mul3A_760 : i32
          %get3A_762 = arith.index_cast %mul3A_761 : i32 to index
          %get3A_763 = tpu.vector_load %arg31[%get3A_762] {strides = array<i32>} : memref<512xf32, #tpu.memory_space<vmem>>, vector<16xf32>,
          %get3A_764 = arith.index_cast %scan3A_331 : i32 to index
          %get3A_765 = arith.index_cast %mul3A_761 : i32 to index
          %get3A_766 = tpu.vector_load %arg22[%get3A_764, %get3A_765] {strides = array<i32>} : memref<8x512xf32, #tpu.memory_space<vmem>>, vector<16xf32>,
          %mul3A_767 = arith.mulf %get3A_766, %get3A_763 : vector<16xf32>
          %add3A_768 = arith.addf %add3A_715, %mul3A_767 : vector<16xf32>
          %get3A_769 = arith.index_cast %scan3A_331 : i32 to index
          %get3A_770 = arith.index_cast %mul3A_761 : i32 to index
          %get3A_771 = tpu.vector_load %arg23[%get3A_769, %get3A_770] {strides = array<i32>} : memref<8x512xf32, #tpu.memory_space<vmem>>, vector<16xf32>,
          %mul3A_772 = arith.mulf %get3A_771, %get3A_763 : vector<16xf32>
          %add3A_773 = arith.addf %add3A_720, %mul3A_772 : vector<16xf32>
          %get3A_774 = arith.index_cast %scan3A_331 : i32 to index
          %get3A_775 = arith.index_cast %mul3A_761 : i32 to index
          %get3A_776 = tpu.vector_load %arg24[%get3A_774, %get3A_775] {strides = array<i32>} : memref<8x512xf32, #tpu.memory_space<vmem>>, vector<16xf32>,
          %mul3A_777 = arith.mulf %get3A_776, %get3A_763 : vector<16xf32>
          %add3A_778 = arith.addf %add3A_725, %mul3A_777 : vector<16xf32>
          %get3A_779 = arith.index_cast %scan3A_331 : i32 to index
          %get3A_780 = arith.index_cast %mul3A_761 : i32 to index
          %get3A_781 = tpu.vector_load %arg25[%get3A_779, %get3A_780] {strides = array<i32>} : memref<8x512xf32, #tpu.memory_space<vmem>>, vector<16xf32>,
          %mul3A_782 = arith.mulf %get3A_781, %get3A_763 : vector<16xf32>
          %add3A_783 = arith.addf %add3A_730, %mul3A_782 : vector<16xf32>
          %get3A_784 = arith.index_cast %scan3A_331 : i32 to index
          %get3A_785 = arith.index_cast %mul3A_761 : i32 to index
          %get3A_786 = tpu.vector_load %arg26[%get3A_784, %get3A_785] {strides = array<i32>} : memref<8x512xf32, #tpu.memory_space<vmem>>, vector<16xf32>,
          %mul3A_787 = arith.mulf %get3A_786, %get3A_763 : vector<16xf32>
          %add3A_788 = arith.addf %add3A_735, %mul3A_787 : vector<16xf32>
          %get3A_789 = arith.index_cast %scan3A_331 : i32 to index
          %get3A_790 = arith.index_cast %mul3A_761 : i32 to index
          %get3A_791 = tpu.vector_load %arg27[%get3A_789, %get3A_790] {strides = array<i32>} : memref<8x512xf32, #tpu.memory_space<vmem>>, vector<16xf32>,
          %mul3A_792 = arith.mulf %get3A_791, %get3A_763 : vector<16xf32>
          %add3A_793 = arith.addf %add3A_740, %mul3A_792 : vector<16xf32>
          %get3A_794 = arith.index_cast %scan3A_331 : i32 to index
          %get3A_795 = arith.index_cast %mul3A_761 : i32 to index
          %get3A_796 = tpu.vector_load %arg28[%get3A_794, %get3A_795] {strides = array<i32>} : memref<8x512xf32, #tpu.memory_space<vmem>>, vector<16xf32>,
          %mul3A_797 = arith.mulf %get3A_796, %get3A_763 : vector<16xf32>
          %add3A_798 = arith.addf %add3A_745, %mul3A_797 : vector<16xf32>
          %get3A_799 = arith.index_cast %scan3A_331 : i32 to index
          %get3A_800 = arith.index_cast %mul3A_761 : i32 to index
          %get3A_801 = tpu.vector_load %arg29[%get3A_799, %get3A_800] {strides = array<i32>} : memref<8x512xf32, #tpu.memory_space<vmem>>, vector<16xf32>,
          %mul3A_802 = arith.mulf %get3A_801, %get3A_763 : vector<16xf32>
          %add3A_803 = arith.addf %add3A_750, %mul3A_802 : vector<16xf32>
          %get3A_804 = arith.index_cast %scan3A_331 : i32 to index
          %get3A_805 = arith.index_cast %mul3A_761 : i32 to index
          %get3A_806 = tpu.vector_load %arg30[%get3A_804, %get3A_805] {strides = array<i32>} : memref<8x512xf32, #tpu.memory_space<vmem>>, vector<16xf32>,
          %mul3A_807 = arith.mulf %get3A_806, %get3A_763 : vector<16xf32>
          %add3A_808 = arith.addf %add3A_755, %mul3A_807 : vector<16xf32>
          %mul3A_809 = arith.constant 8 : i32
          %mul3A_810 = arith.muli %scan3A_429, %mul3A_809 : i32
          %add3A_811 = arith.constant 7 : i32
          %add3A_812 = arith.addi %mul3A_810, %add3A_811 : i32
          %mul3A_813 = arith.constant 16 : i32
          %mul3A_814 = arith.muli %add3A_812, %mul3A_813 : i32
          %get3A_815 = arith.index_cast %mul3A_814 : i32 to index
          %get3A_816 = tpu.vector_load %arg31[%get3A_815] {strides = array<i32>} : memref<512xf32, #tpu.memory_space<vmem>>, vector<16xf32>,
          %get3A_817 = arith.index_cast %scan3A_331 : i32 to index
          %get3A_818 = arith.index_cast %mul3A_814 : i32 to index
          %get3A_819 = tpu.vector_load %arg22[%get3A_817, %get3A_818] {strides = array<i32>} : memref<8x512xf32, #tpu.memory_space<vmem>>, vector<16xf32>,
          %mul3A_820 = arith.mulf %get3A_819, %get3A_816 : vector<16xf32>
          %add3A_821 = arith.addf %add3A_768, %mul3A_820 : vector<16xf32>
          %get3A_822 = arith.index_cast %scan3A_331 : i32 to index
          %get3A_823 = arith.index_cast %mul3A_814 : i32 to index
          %get3A_824 = tpu.vector_load %arg23[%get3A_822, %get3A_823] {strides = array<i32>} : memref<8x512xf32, #tpu.memory_space<vmem>>, vector<16xf32>,
          %mul3A_825 = arith.mulf %get3A_824, %get3A_816 : vector<16xf32>
          %add3A_826 = arith.addf %add3A_773, %mul3A_825 : vector<16xf32>
          %get3A_827 = arith.index_cast %scan3A_331 : i32 to index
          %get3A_828 = arith.index_cast %mul3A_814 : i32 to index
          %get3A_829 = tpu.vector_load %arg24[%get3A_827, %get3A_828] {strides = array<i32>} : memref<8x512xf32, #tpu.memory_space<vmem>>, vector<16xf32>,
          %mul3A_830 = arith.mulf %get3A_829, %get3A_816 : vector<16xf32>
          %add3A_831 = arith.addf %add3A_778, %mul3A_830 : vector<16xf32>
          %get3A_832 = arith.index_cast %scan3A_331 : i32 to index
          %get3A_833 = arith.index_cast %mul3A_814 : i32 to index
          %get3A_834 = tpu.vector_load %arg25[%get3A_832, %get3A_833] {strides = array<i32>} : memref<8x512xf32, #tpu.memory_space<vmem>>, vector<16xf32>,
          %mul3A_835 = arith.mulf %get3A_834, %get3A_816 : vector<16xf32>
          %add3A_836 = arith.addf %add3A_783, %mul3A_835 : vector<16xf32>
          %get3A_837 = arith.index_cast %scan3A_331 : i32 to index
          %get3A_838 = arith.index_cast %mul3A_814 : i32 to index
          %get3A_839 = tpu.vector_load %arg26[%get3A_837, %get3A_838] {strides = array<i32>} : memref<8x512xf32, #tpu.memory_space<vmem>>, vector<16xf32>,
          %mul3A_840 = arith.mulf %get3A_839, %get3A_816 : vector<16xf32>
          %add3A_841 = arith.addf %add3A_788, %mul3A_840 : vector<16xf32>
          %get3A_842 = arith.index_cast %scan3A_331 : i32 to index
          %get3A_843 = arith.index_cast %mul3A_814 : i32 to index
          %get3A_844 = tpu.vector_load %arg27[%get3A_842, %get3A_843] {strides = array<i32>} : memref<8x512xf32, #tpu.memory_space<vmem>>, vector<16xf32>,
          %mul3A_845 = arith.mulf %get3A_844, %get3A_816 : vector<16xf32>
          %add3A_846 = arith.addf %add3A_793, %mul3A_845 : vector<16xf32>
          %get3A_847 = arith.index_cast %scan3A_331 : i32 to index
          %get3A_848 = arith.index_cast %mul3A_814 : i32 to index
          %get3A_849 = tpu.vector_load %arg28[%get3A_847, %get3A_848] {strides = array<i32>} : memref<8x512xf32, #tpu.memory_space<vmem>>, vector<16xf32>,
          %mul3A_850 = arith.mulf %get3A_849, %get3A_816 : vector<16xf32>
          %add3A_851 = arith.addf %add3A_798, %mul3A_850 : vector<16xf32>
          %get3A_852 = arith.index_cast %scan3A_331 : i32 to index
          %get3A_853 = arith.index_cast %mul3A_814 : i32 to index
          %get3A_854 = tpu.vector_load %arg29[%get3A_852, %get3A_853] {strides = array<i32>} : memref<8x512xf32, #tpu.memory_space<vmem>>, vector<16xf32>,
          %mul3A_855 = arith.mulf %get3A_854, %get3A_816 : vector<16xf32>
          %add3A_856 = arith.addf %add3A_803, %mul3A_855 : vector<16xf32>
          %get3A_857 = arith.index_cast %scan3A_331 : i32 to index
          %get3A_858 = arith.index_cast %mul3A_814 : i32 to index
          %get3A_859 = tpu.vector_load %arg30[%get3A_857, %get3A_858] {strides = array<i32>} : memref<8x512xf32, #tpu.memory_space<vmem>>, vector<16xf32>,
          %mul3A_860 = arith.mulf %get3A_859, %get3A_816 : vector<16xf32>
          %add3A_861 = arith.addf %add3A_808, %mul3A_860 : vector<16xf32>
          scf.yield %add3A_821, %add3A_826, %add3A_831, %add3A_836, %add3A_841, %add3A_846, %add3A_851, %add3A_856, %add3A_861 : vector<16xf32>, vector<16xf32>, vector<16xf32>, vector<16xf32>, vector<16xf32>, vector<16xf32>, vector<16xf32>, vector<16xf32>, vector<16xf32>
        }
        %scan3A_338 = arith.constant 4 : i32
        %reduce_sum3A = arith.constant true
        %reduce_sum3A_339 = vector.broadcast %reduce_sum3A : i1 to vector<16xi1>
        %reduce_sum3A_340 = tpu.scan <sum>, %scan3A_337#0 masked %reduce_sum3A_339 : vector<16xf32>, vector<16xi1> -> vector<16xf32>
        %reduce_sum3A_341 = vector.extract %reduce_sum3A_340[15] : f32 from vector<16xf32>
        %reduce_sum3A_342 = arith.constant true
        %reduce_sum3A_343 = vector.broadcast %reduce_sum3A_342 : i1 to vector<16xi1>
        %reduce_sum3A_344 = tpu.scan <sum>, %scan3A_337#1 masked %reduce_sum3A_343 : vector<16xf32>, vector<16xi1> -> vector<16xf32>
        %reduce_sum3A_345 = vector.extract %reduce_sum3A_344[15] : f32 from vector<16xf32>
        %reduce_sum3A_346 = arith.constant true
        %reduce_sum3A_347 = vector.broadcast %reduce_sum3A_346 : i1 to vector<16xi1>
        %reduce_sum3A_348 = tpu.scan <sum>, %scan3A_337#2 masked %reduce_sum3A_347 : vector<16xf32>, vector<16xi1> -> vector<16xf32>
        %reduce_sum3A_349 = vector.extract %reduce_sum3A_348[15] : f32 from vector<16xf32>
        %reduce_sum3A_350 = arith.constant true
        %reduce_sum3A_351 = vector.broadcast %reduce_sum3A_350 : i1 to vector<16xi1>
        %reduce_sum3A_352 = tpu.scan <sum>, %scan3A_337#3 masked %reduce_sum3A_351 : vector<16xf32>, vector<16xi1> -> vector<16xf32>
        %reduce_sum3A_353 = vector.extract %reduce_sum3A_352[15] : f32 from vector<16xf32>
        %reduce_sum3A_354 = arith.constant true
        %reduce_sum3A_355 = vector.broadcast %reduce_sum3A_354 : i1 to vector<16xi1>
        %reduce_sum3A_356 = tpu.scan <sum>, %scan3A_337#4 masked %reduce_sum3A_355 : vector<16xf32>, vector<16xi1> -> vector<16xf32>
        %reduce_sum3A_357 = vector.extract %reduce_sum3A_356[15] : f32 from vector<16xf32>
        %reduce_sum3A_358 = arith.constant true
        %reduce_sum3A_359 = vector.broadcast %reduce_sum3A_358 : i1 to vector<16xi1>
        %reduce_sum3A_360 = tpu.scan <sum>, %scan3A_337#5 masked %reduce_sum3A_359 : vector<16xf32>, vector<16xi1> -> vector<16xf32>
        %reduce_sum3A_361 = vector.extract %reduce_sum3A_360[15] : f32 from vector<16xf32>
        %reduce_sum3A_362 = arith.constant true
        %reduce_sum3A_363 = vector.broadcast %reduce_sum3A_362 : i1 to vector<16xi1>
        %reduce_sum3A_364 = tpu.scan <sum>, %scan3A_337#6 masked %reduce_sum3A_363 : vector<16xf32>, vector<16xi1> -> vector<16xf32>
        %reduce_sum3A_365 = vector.extract %reduce_sum3A_364[15] : f32 from vector<16xf32>
        %reduce_sum3A_366 = arith.constant true
        %reduce_sum3A_367 = vector.broadcast %reduce_sum3A_366 : i1 to vector<16xi1>
        %reduce_sum3A_368 = tpu.scan <sum>, %scan3A_337#7 masked %reduce_sum3A_367 : vector<16xf32>, vector<16xi1> -> vector<16xf32>
        %reduce_sum3A_369 = vector.extract %reduce_sum3A_368[15] : f32 from vector<16xf32>
        %reduce_sum3A_370 = arith.constant true
        %reduce_sum3A_371 = vector.broadcast %reduce_sum3A_370 : i1 to vector<16xi1>
        %reduce_sum3A_372 = tpu.scan <sum>, %scan3A_337#8 masked %reduce_sum3A_371 : vector<16xf32>, vector<16xi1> -> vector<16xf32>
        %reduce_sum3A_373 = vector.extract %reduce_sum3A_372[15] : f32 from vector<16xf32>
        %max3A = arith.maximumf %reduce_sum3A_341, %reduce_sum3A_345 : f32
        %max3A_374 = arith.maximumf %max3A, %reduce_sum3A_349 : f32
        %max3A_375 = arith.maximumf %max3A_374, %reduce_sum3A_353 : f32
        %max3A_376 = arith.maximumf %max3A_375, %reduce_sum3A_357 : f32
        %max3A_377 = arith.maximumf %max3A_376, %reduce_sum3A_361 : f32
        %max3A_378 = arith.maximumf %max3A_377, %reduce_sum3A_365 : f32
        %max3A_379 = arith.maximumf %max3A_378, %reduce_sum3A_369 : f32
        %max3A_380 = arith.maximumf %max3A_379, %reduce_sum3A_373 : f32
        %sub3A_381 = arith.subf %reduce_sum3A_341, %max3A_380 : f32
        %broadcast_in_dim3A_382 = vector.broadcast %sub3A_381 : f32 to vector<16xf32>
        %exp3A = math.exp %broadcast_in_dim3A_382 : vector<16xf32>
        %sub3A_383 = arith.subf %reduce_sum3A_345, %max3A_380 : f32
        %broadcast_in_dim3A_384 = vector.broadcast %sub3A_383 : f32 to vector<16xf32>
        %exp3A_385 = math.exp %broadcast_in_dim3A_384 : vector<16xf32>
        %sub3A_386 = arith.subf %reduce_sum3A_349, %max3A_380 : f32
        %broadcast_in_dim3A_387 = vector.broadcast %sub3A_386 : f32 to vector<16xf32>
        %exp3A_388 = math.exp %broadcast_in_dim3A_387 : vector<16xf32>
        %sub3A_389 = arith.subf %reduce_sum3A_353, %max3A_380 : f32
        %broadcast_in_dim3A_390 = vector.broadcast %sub3A_389 : f32 to vector<16xf32>
        %exp3A_391 = math.exp %broadcast_in_dim3A_390 : vector<16xf32>
        %sub3A_392 = arith.subf %reduce_sum3A_357, %max3A_380 : f32
        %broadcast_in_dim3A_393 = vector.broadcast %sub3A_392 : f32 to vector<16xf32>
        %exp3A_394 = math.exp %broadcast_in_dim3A_393 : vector<16xf32>
        %sub3A_395 = arith.subf %reduce_sum3A_361, %max3A_380 : f32
        %broadcast_in_dim3A_396 = vector.broadcast %sub3A_395 : f32 to vector<16xf32>
        %exp3A_397 = math.exp %broadcast_in_dim3A_396 : vector<16xf32>
        %sub3A_398 = arith.subf %reduce_sum3A_365, %max3A_380 : f32
        %broadcast_in_dim3A_399 = vector.broadcast %sub3A_398 : f32 to vector<16xf32>
        %exp3A_400 = math.exp %broadcast_in_dim3A_399 : vector<16xf32>
        %sub3A_401 = arith.subf %reduce_sum3A_369, %max3A_380 : f32
        %broadcast_in_dim3A_402 = vector.broadcast %sub3A_401 : f32 to vector<16xf32>
        %exp3A_403 = math.exp %broadcast_in_dim3A_402 : vector<16xf32>
        %sub3A_404 = arith.subf %reduce_sum3A_373, %max3A_380 : f32
        %broadcast_in_dim3A_405 = vector.broadcast %sub3A_404 : f32 to vector<16xf32>
        %exp3A_406 = math.exp %broadcast_in_dim3A_405 : vector<16xf32>
        %add3A_407 = arith.addf %exp3A, %exp3A_385 : vector<16xf32>
        %add3A_408 = arith.addf %add3A_407, %exp3A_388 : vector<16xf32>
        %add3A_409 = arith.addf %add3A_408, %exp3A_391 : vector<16xf32>
        %add3A_410 = arith.addf %add3A_409, %exp3A_394 : vector<16xf32>
        %add3A_411 = arith.addf %add3A_410, %exp3A_397 : vector<16xf32>
        %add3A_412 = arith.addf %add3A_411, %exp3A_400 : vector<16xf32>
        %add3A_413 = arith.addf %add3A_412, %exp3A_403 : vector<16xf32>
        %add3A_414 = arith.addf %add3A_413, %exp3A_406 : vector<16xf32>
        %div3A = arith.divf %exp3A, %add3A_414 : vector<16xf32>
        %div3A_415 = arith.divf %exp3A_385, %add3A_414 : vector<16xf32>
        %div3A_416 = arith.divf %exp3A_388, %add3A_414 : vector<16xf32>
        %div3A_417 = arith.divf %exp3A_391, %add3A_414 : vector<16xf32>
        %div3A_418 = arith.divf %exp3A_394, %add3A_414 : vector<16xf32>
        %div3A_419 = arith.divf %exp3A_397, %add3A_414 : vector<16xf32>
        %div3A_420 = arith.divf %exp3A_400, %add3A_414 : vector<16xf32>
        %div3A_421 = arith.divf %exp3A_403, %add3A_414 : vector<16xf32>
        %div3A_422 = arith.divf %exp3A_406, %add3A_414 : vector<16xf32>
        %scan3A_423 = arith.constant 0 : i32
        %scan3A_424 = arith.constant 0 : i32
        %scan3A_425 = arith.constant 4 : i32
        %scan3A_426 = arith.addi %scan3A_424, %scan3A_425 : i32
        %scan3A_427 = arith.constant 1 : i32
        scf.for %scan3A_429 = %scan3A_424 to %scan3A_426 step %scan3A_427  : i32 {
          %mul3A_430 = arith.constant 8 : i32
          %mul3A_431 = arith.muli %scan3A_429, %mul3A_430 : i32
          %add3A_432 = arith.constant 0 : i32
          %add3A_433 = arith.addi %mul3A_431, %add3A_432 : i32
          %mul3A_434 = arith.constant 16 : i32
          %mul3A_435 = arith.muli %add3A_433, %mul3A_434 : i32
          %get3A = arith.index_cast %scan3A_331 : i32 to index
          %get3A_436 = arith.index_cast %mul3A_435 : i32 to index
          %get3A_437 = tpu.vector_load %arg22[%get3A, %get3A_436] {strides = array<i32>} : memref<8x512xf32, #tpu.memory_space<vmem>>, vector<16xf32>,
          %mul3A_438 = arith.mulf %get3A_437, %div3A : vector<16xf32>
          %get3A_439 = arith.index_cast %scan3A_331 : i32 to index
          %get3A_440 = arith.index_cast %mul3A_435 : i32 to index
          %get3A_441 = tpu.vector_load %arg23[%get3A_439, %get3A_440] {strides = array<i32>} : memref<8x512xf32, #tpu.memory_space<vmem>>, vector<16xf32>,
          %mul3A_442 = arith.mulf %get3A_441, %div3A_415 : vector<16xf32>
          %get3A_443 = arith.index_cast %scan3A_331 : i32 to index
          %get3A_444 = arith.index_cast %mul3A_435 : i32 to index
          %get3A_445 = tpu.vector_load %arg24[%get3A_443, %get3A_444] {strides = array<i32>} : memref<8x512xf32, #tpu.memory_space<vmem>>, vector<16xf32>,
          %mul3A_446 = arith.mulf %get3A_445, %div3A_416 : vector<16xf32>
          %get3A_447 = arith.index_cast %scan3A_331 : i32 to index
          %get3A_448 = arith.index_cast %mul3A_435 : i32 to index
          %get3A_449 = tpu.vector_load %arg25[%get3A_447, %get3A_448] {strides = array<i32>} : memref<8x512xf32, #tpu.memory_space<vmem>>, vector<16xf32>,
          %mul3A_450 = arith.mulf %get3A_449, %div3A_417 : vector<16xf32>
          %add3A_451 = arith.addf %mul3A_438, %mul3A_450 : vector<16xf32>
          %get3A_452 = arith.index_cast %scan3A_331 : i32 to index
          %get3A_453 = arith.index_cast %mul3A_435 : i32 to index
          %get3A_454 = tpu.vector_load %arg26[%get3A_452, %get3A_453] {strides = array<i32>} : memref<8x512xf32, #tpu.memory_space<vmem>>, vector<16xf32>,
          %mul3A_455 = arith.mulf %get3A_454, %div3A_418 : vector<16xf32>
          %add3A_456 = arith.addf %mul3A_442, %mul3A_455 : vector<16xf32>
          %get3A_457 = arith.index_cast %scan3A_331 : i32 to index
          %get3A_458 = arith.index_cast %mul3A_435 : i32 to index
          %get3A_459 = tpu.vector_load %arg27[%get3A_457, %get3A_458] {strides = array<i32>} : memref<8x512xf32, #tpu.memory_space<vmem>>, vector<16xf32>,
          %mul3A_460 = arith.mulf %get3A_459, %div3A_419 : vector<16xf32>
          %add3A_461 = arith.addf %mul3A_446, %mul3A_460 : vector<16xf32>
          %get3A_462 = arith.index_cast %scan3A_331 : i32 to index
          %get3A_463 = arith.index_cast %mul3A_435 : i32 to index
          %get3A_464 = tpu.vector_load %arg28[%get3A_462, %get3A_463] {strides = array<i32>} : memref<8x512xf32, #tpu.memory_space<vmem>>, vector<16xf32>,
          %mul3A_465 = arith.mulf %get3A_464, %div3A_420 : vector<16xf32>
          %add3A_466 = arith.addf %add3A_451, %mul3A_465 : vector<16xf32>
          %get3A_467 = arith.index_cast %scan3A_331 : i32 to index
          %get3A_468 = arith.index_cast %mul3A_435 : i32 to index
          %get3A_469 = tpu.vector_load %arg29[%get3A_467, %get3A_468] {strides = array<i32>} : memref<8x512xf32, #tpu.memory_space<vmem>>, vector<16xf32>,
          %mul3A_470 = arith.mulf %get3A_469, %div3A_421 : vector<16xf32>
          %add3A_471 = arith.addf %add3A_456, %mul3A_470 : vector<16xf32>
          %get3A_472 = arith.index_cast %scan3A_331 : i32 to index
          %get3A_473 = arith.index_cast %mul3A_435 : i32 to index
          %get3A_474 = tpu.vector_load %arg30[%get3A_472, %get3A_473] {strides = array<i32>} : memref<8x512xf32, #tpu.memory_space<vmem>>, vector<16xf32>,
          %mul3A_475 = arith.mulf %get3A_474, %div3A_422 : vector<16xf32>
          %add3A_476 = arith.addf %add3A_461, %mul3A_475 : vector<16xf32>
          %add3A_477 = arith.addf %add3A_471, %add3A_476 : vector<16xf32>
          %add3A_478 = arith.addf %add3A_466, %add3A_477 : vector<16xf32>
          %swap3A = arith.index_cast %scan3A_331 : i32 to index
          %swap3A_479 = arith.index_cast %mul3A_435 : i32 to index
          %swap3A_480 = tpu.vector_load %arg33[%swap3A, %swap3A_479] {strides = array<i32>} : memref<8x512xf32, #tpu.memory_space<vmem>>, vector<16xf32>,
          tpu.vector_store %arg33[%swap3A, %swap3A_479], %add3A_478 {strides = array<i32>} : memref<8x512xf32, #tpu.memory_space<vmem>>, vector<16xf32>,
          %mul3A_481 = arith.constant 8 : i32
          %mul3A_482 = arith.muli %scan3A_429, %mul3A_481 : i32
          %add3A_483 = arith.constant 1 : i32
          %add3A_484 = arith.addi %mul3A_482, %add3A_483 : i32
          %mul3A_485 = arith.constant 16 : i32
          %mul3A_486 = arith.muli %add3A_484, %mul3A_485 : i32
          %get3A_487 = arith.index_cast %scan3A_331 : i32 to index
          %get3A_488 = arith.index_cast %mul3A_486 : i32 to index
          %get3A_489 = tpu.vector_load %arg22[%get3A_487, %get3A_488] {strides = array<i32>} : memref<8x512xf32, #tpu.memory_space<vmem>>, vector<16xf32>,
          %mul3A_490 = arith.mulf %get3A_489, %div3A : vector<16xf32>
          %get3A_491 = arith.index_cast %scan3A_331 : i32 to index
          %get3A_492 = arith.index_cast %mul3A_486 : i32 to index
          %get3A_493 = tpu.vector_load %arg23[%get3A_491, %get3A_492] {strides = array<i32>} : memref<8x512xf32, #tpu.memory_space<vmem>>, vector<16xf32>,
          %mul3A_494 = arith.mulf %get3A_493, %div3A_415 : vector<16xf32>
          %get3A_495 = arith.index_cast %scan3A_331 : i32 to index
          %get3A_496 = arith.index_cast %mul3A_486 : i32 to index
          %get3A_497 = tpu.vector_load %arg24[%get3A_495, %get3A_496] {strides = array<i32>} : memref<8x512xf32, #tpu.memory_space<vmem>>, vector<16xf32>,
          %mul3A_498 = arith.mulf %get3A_497, %div3A_416 : vector<16xf32>
          %get3A_499 = arith.index_cast %scan3A_331 : i32 to index
          %get3A_500 = arith.index_cast %mul3A_486 : i32 to index
          %get3A_501 = tpu.vector_load %arg25[%get3A_499, %get3A_500] {strides = array<i32>} : memref<8x512xf32, #tpu.memory_space<vmem>>, vector<16xf32>,
          %mul3A_502 = arith.mulf %get3A_501, %div3A_417 : vector<16xf32>
          %add3A_503 = arith.addf %mul3A_490, %mul3A_502 : vector<16xf32>
          %get3A_504 = arith.index_cast %scan3A_331 : i32 to index
          %get3A_505 = arith.index_cast %mul3A_486 : i32 to index
          %get3A_506 = tpu.vector_load %arg26[%get3A_504, %get3A_505] {strides = array<i32>} : memref<8x512xf32, #tpu.memory_space<vmem>>, vector<16xf32>,
          %mul3A_507 = arith.mulf %get3A_506, %div3A_418 : vector<16xf32>
          %add3A_508 = arith.addf %mul3A_494, %mul3A_507 : vector<16xf32>
          %get3A_509 = arith.index_cast %scan3A_331 : i32 to index
          %get3A_510 = arith.index_cast %mul3A_486 : i32 to index
          %get3A_511 = tpu.vector_load %arg27[%get3A_509, %get3A_510] {strides = array<i32>} : memref<8x512xf32, #tpu.memory_space<vmem>>, vector<16xf32>,
          %mul3A_512 = arith.mulf %get3A_511, %div3A_419 : vector<16xf32>
          %add3A_513 = arith.addf %mul3A_498, %mul3A_512 : vector<16xf32>
          %get3A_514 = arith.index_cast %scan3A_331 : i32 to index
          %get3A_515 = arith.index_cast %mul3A_486 : i32 to index
          %get3A_516 = tpu.vector_load %arg28[%get3A_514, %get3A_515] {strides = array<i32>} : memref<8x512xf32, #tpu.memory_space<vmem>>, vector<16xf32>,
          %mul3A_517 = arith.mulf %get3A_516, %div3A_420 : vector<16xf32>
          %add3A_518 = arith.addf %add3A_503, %mul3A_517 : vector<16xf32>
          %get3A_519 = arith.index_cast %scan3A_331 : i32 to index
          %get3A_520 = arith.index_cast %mul3A_486 : i32 to index
          %get3A_521 = tpu.vector_load %arg29[%get3A_519, %get3A_520] {strides = array<i32>} : memref<8x512xf32, #tpu.memory_space<vmem>>, vector<16xf32>,
          %mul3A_522 = arith.mulf %get3A_521, %div3A_421 : vector<16xf32>
          %add3A_523 = arith.addf %add3A_508, %mul3A_522 : vector<16xf32>
          %get3A_524 = arith.index_cast %scan3A_331 : i32 to index
          %get3A_525 = arith.index_cast %mul3A_486 : i32 to index
          %get3A_526 = tpu.vector_load %arg30[%get3A_524, %get3A_525] {strides = array<i32>} : memref<8x512xf32, #tpu.memory_space<vmem>>, vector<16xf32>,
          %mul3A_527 = arith.mulf %get3A_526, %div3A_422 : vector<16xf32>
          %add3A_528 = arith.addf %add3A_513, %mul3A_527 : vector<16xf32>
          %add3A_529 = arith.addf %add3A_523, %add3A_528 : vector<16xf32>
          %add3A_530 = arith.addf %add3A_518, %add3A_529 : vector<16xf32>
          %swap3A_531 = arith.index_cast %scan3A_331 : i32 to index
          %swap3A_532 = arith.index_cast %mul3A_486 : i32 to index
          %swap3A_533 = tpu.vector_load %arg33[%swap3A_531, %swap3A_532] {strides = array<i32>} : memref<8x512xf32, #tpu.memory_space<vmem>>, vector<16xf32>,
          tpu.vector_store %arg33[%swap3A_531, %swap3A_532], %add3A_530 {strides = array<i32>} : memref<8x512xf32, #tpu.memory_space<vmem>>, vector<16xf32>,
          %mul3A_534 = arith.constant 8 : i32
          %mul3A_535 = arith.muli %scan3A_429, %mul3A_534 : i32
          %add3A_536 = arith.constant 2 : i32
          %add3A_537 = arith.addi %mul3A_535, %add3A_536 : i32
          %mul3A_538 = arith.constant 16 : i32
          %mul3A_539 = arith.muli %add3A_537, %mul3A_538 : i32
          %get3A_540 = arith.index_cast %scan3A_331 : i32 to index
          %get3A_541 = arith.index_cast %mul3A_539 : i32 to index
          %get3A_542 = tpu.vector_load %arg22[%get3A_540, %get3A_541] {strides = array<i32>} : memref<8x512xf32, #tpu.memory_space<vmem>>, vector<16xf32>,
          %mul3A_543 = arith.mulf %get3A_542, %div3A : vector<16xf32>
          %get3A_544 = arith.index_cast %scan3A_331 : i32 to index
          %get3A_545 = arith.index_cast %mul3A_539 : i32 to index
          %get3A_546 = tpu.vector_load %arg23[%get3A_544, %get3A_545] {strides = array<i32>} : memref<8x512xf32, #tpu.memory_space<vmem>>, vector<16xf32>,
          %mul3A_547 = arith.mulf %get3A_546, %div3A_415 : vector<16xf32>
          %get3A_548 = arith.index_cast %scan3A_331 : i32 to index
          %get3A_549 = arith.index_cast %mul3A_539 : i32 to index
          %get3A_550 = tpu.vector_load %arg24[%get3A_548, %get3A_549] {strides = array<i32>} : memref<8x512xf32, #tpu.memory_space<vmem>>, vector<16xf32>,
          %mul3A_551 = arith.mulf %get3A_550, %div3A_416 : vector<16xf32>
          %get3A_552 = arith.index_cast %scan3A_331 : i32 to index
          %get3A_553 = arith.index_cast %mul3A_539 : i32 to index
          %get3A_554 = tpu.vector_load %arg25[%get3A_552, %get3A_553] {strides = array<i32>} : memref<8x512xf32, #tpu.memory_space<vmem>>, vector<16xf32>,
          %mul3A_555 = arith.mulf %get3A_554, %div3A_417 : vector<16xf32>
          %add3A_556 = arith.addf %mul3A_543, %mul3A_555 : vector<16xf32>
          %get3A_557 = arith.index_cast %scan3A_331 : i32 to index
          %get3A_558 = arith.index_cast %mul3A_539 : i32 to index
          %get3A_559 = tpu.vector_load %arg26[%get3A_557, %get3A_558] {strides = array<i32>} : memref<8x512xf32, #tpu.memory_space<vmem>>, vector<16xf32>,
          %mul3A_560 = arith.mulf %get3A_559, %div3A_418 : vector<16xf32>
          %add3A_561 = arith.addf %mul3A_547, %mul3A_560 : vector<16xf32>
          %get3A_562 = arith.index_cast %scan3A_331 : i32 to index
          %get3A_563 = arith.index_cast %mul3A_539 : i32 to index
          %get3A_564 = tpu.vector_load %arg27[%get3A_562, %get3A_563] {strides = array<i32>} : memref<8x512xf32, #tpu.memory_space<vmem>>, vector<16xf32>,
          %mul3A_565 = arith.mulf %get3A_564, %div3A_419 : vector<16xf32>
          %add3A_566 = arith.addf %mul3A_551, %mul3A_565 : vector<16xf32>
          %get3A_567 = arith.index_cast %scan3A_331 : i32 to index
          %get3A_568 = arith.index_cast %mul3A_539 : i32 to index
          %get3A_569 = tpu.vector_load %arg28[%get3A_567, %get3A_568] {strides = array<i32>} : memref<8x512xf32, #tpu.memory_space<vmem>>, vector<16xf32>,
          %mul3A_570 = arith.mulf %get3A_569, %div3A_420 : vector<16xf32>
          %add3A_571 = arith.addf %add3A_556, %mul3A_570 : vector<16xf32>
          %get3A_572 = arith.index_cast %scan3A_331 : i32 to index
          %get3A_573 = arith.index_cast %mul3A_539 : i32 to index
          %get3A_574 = tpu.vector_load %arg29[%get3A_572, %get3A_573] {strides = array<i32>} : memref<8x512xf32, #tpu.memory_space<vmem>>, vector<16xf32>,
          %mul3A_575 = arith.mulf %get3A_574, %div3A_421 : vector<16xf32>
          %add3A_576 = arith.addf %add3A_561, %mul3A_575 : vector<16xf32>
          %get3A_577 = arith.index_cast %scan3A_331 : i32 to index
          %get3A_578 = arith.index_cast %mul3A_539 : i32 to index
          %get3A_579 = tpu.vector_load %arg30[%get3A_577, %get3A_578] {strides = array<i32>} : memref<8x512xf32, #tpu.memory_space<vmem>>, vector<16xf32>,
          %mul3A_580 = arith.mulf %get3A_579, %div3A_422 : vector<16xf32>
          %add3A_581 = arith.addf %add3A_566, %mul3A_580 : vector<16xf32>
          %add3A_582 = arith.addf %add3A_576, %add3A_581 : vector<16xf32>
          %add3A_583 = arith.addf %add3A_571, %add3A_582 : vector<16xf32>
          %swap3A_584 = arith.index_cast %scan3A_331 : i32 to index
          %swap3A_585 = arith.index_cast %mul3A_539 : i32 to index
          %swap3A_586 = tpu.vector_load %arg33[%swap3A_584, %swap3A_585] {strides = array<i32>} : memref<8x512xf32, #tpu.memory_space<vmem>>, vector<16xf32>,
          tpu.vector_store %arg33[%swap3A_584, %swap3A_585], %add3A_583 {strides = array<i32>} : memref<8x512xf32, #tpu.memory_space<vmem>>, vector<16xf32>,
          %mul3A_587 = arith.constant 8 : i32
          %mul3A_588 = arith.muli %scan3A_429, %mul3A_587 : i32
          %add3A_589 = arith.constant 3 : i32
          %add3A_590 = arith.addi %mul3A_588, %add3A_589 : i32
          %mul3A_591 = arith.constant 16 : i32
          %mul3A_592 = arith.muli %add3A_590, %mul3A_591 : i32
          %get3A_593 = arith.index_cast %scan3A_331 : i32 to index
          %get3A_594 = arith.index_cast %mul3A_592 : i32 to index
          %get3A_595 = tpu.vector_load %arg22[%get3A_593, %get3A_594] {strides = array<i32>} : memref<8x512xf32, #tpu.memory_space<vmem>>, vector<16xf32>,
          %mul3A_596 = arith.mulf %get3A_595, %div3A : vector<16xf32>
          %get3A_597 = arith.index_cast %scan3A_331 : i32 to index
          %get3A_598 = arith.index_cast %mul3A_592 : i32 to index
          %get3A_599 = tpu.vector_load %arg23[%get3A_597, %get3A_598] {strides = array<i32>} : memref<8x512xf32, #tpu.memory_space<vmem>>, vector<16xf32>,
          %mul3A_600 = arith.mulf %get3A_599, %div3A_415 : vector<16xf32>
          %get3A_601 = arith.index_cast %scan3A_331 : i32 to index
          %get3A_602 = arith.index_cast %mul3A_592 : i32 to index
          %get3A_603 = tpu.vector_load %arg24[%get3A_601, %get3A_602] {strides = array<i32>} : memref<8x512xf32, #tpu.memory_space<vmem>>, vector<16xf32>,
          %mul3A_604 = arith.mulf %get3A_603, %div3A_416 : vector<16xf32>
          %get3A_605 = arith.index_cast %scan3A_331 : i32 to index
          %get3A_606 = arith.index_cast %mul3A_592 : i32 to index
          %get3A_607 = tpu.vector_load %arg25[%get3A_605, %get3A_606] {strides = array<i32>} : memref<8x512xf32, #tpu.memory_space<vmem>>, vector<16xf32>,
          %mul3A_608 = arith.mulf %get3A_607, %div3A_417 : vector<16xf32>
          %add3A_609 = arith.addf %mul3A_596, %mul3A_608 : vector<16xf32>
          %get3A_610 = arith.index_cast %scan3A_331 : i32 to index
          %get3A_611 = arith.index_cast %mul3A_592 : i32 to index
          %get3A_612 = tpu.vector_load %arg26[%get3A_610, %get3A_611] {strides = array<i32>} : memref<8x512xf32, #tpu.memory_space<vmem>>, vector<16xf32>,
          %mul3A_613 = arith.mulf %get3A_612, %div3A_418 : vector<16xf32>
          %add3A_614 = arith.addf %mul3A_600, %mul3A_613 : vector<16xf32>
          %get3A_615 = arith.index_cast %scan3A_331 : i32 to index
          %get3A_616 = arith.index_cast %mul3A_592 : i32 to index
          %get3A_617 = tpu.vector_load %arg27[%get3A_615, %get3A_616] {strides = array<i32>} : memref<8x512xf32, #tpu.memory_space<vmem>>, vector<16xf32>,
          %mul3A_618 = arith.mulf %get3A_617, %div3A_419 : vector<16xf32>
          %add3A_619 = arith.addf %mul3A_604, %mul3A_618 : vector<16xf32>
          %get3A_620 = arith.index_cast %scan3A_331 : i32 to index
          %get3A_621 = arith.index_cast %mul3A_592 : i32 to index
          %get3A_622 = tpu.vector_load %arg28[%get3A_620, %get3A_621] {strides = array<i32>} : memref<8x512xf32, #tpu.memory_space<vmem>>, vector<16xf32>,
          %mul3A_623 = arith.mulf %get3A_622, %div3A_420 : vector<16xf32>
          %add3A_624 = arith.addf %add3A_609, %mul3A_623 : vector<16xf32>
          %get3A_625 = arith.index_cast %scan3A_331 : i32 to index
          %get3A_626 = arith.index_cast %mul3A_592 : i32 to index
          %get3A_627 = tpu.vector_load %arg29[%get3A_625, %get3A_626] {strides = array<i32>} : memref<8x512xf32, #tpu.memory_space<vmem>>, vector<16xf32>,
          %mul3A_628 = arith.mulf %get3A_627, %div3A_421 : vector<16xf32>
          %add3A_629 = arith.addf %add3A_614, %mul3A_628 : vector<16xf32>
          %get3A_630 = arith.index_cast %scan3A_331 : i32 to index
          %get3A_631 = arith.index_cast %mul3A_592 : i32 to index
          %get3A_632 = tpu.vector_load %arg30[%get3A_630, %get3A_631] {strides = array<i32>} : memref<8x512xf32, #tpu.memory_space<vmem>>, vector<16xf32>,
          %mul3A_633 = arith.mulf %get3A_632, %div3A_422 : vector<16xf32>
          %add3A_634 = arith.addf %add3A_619, %mul3A_633 : vector<16xf32>
          %add3A_635 = arith.addf %add3A_629, %add3A_634 : vector<16xf32>
          %add3A_636 = arith.addf %add3A_624, %add3A_635 : vector<16xf32>
          %swap3A_637 = arith.index_cast %scan3A_331 : i32 to index
          %swap3A_638 = arith.index_cast %mul3A_592 : i32 to index
          %swap3A_639 = tpu.vector_load %arg33[%swap3A_637, %swap3A_638] {strides = array<i32>} : memref<8x512xf32, #tpu.memory_space<vmem>>, vector<16xf32>,
          tpu.vector_store %arg33[%swap3A_637, %swap3A_638], %add3A_636 {strides = array<i32>} : memref<8x512xf32, #tpu.memory_space<vmem>>, vector<16xf32>,
          %mul3A_640 = arith.constant 8 : i32
          %mul3A_641 = arith.muli %scan3A_429, %mul3A_640 : i32
          %add3A_642 = arith.constant 4 : i32
          %add3A_643 = arith.addi %mul3A_641, %add3A_642 : i32
          %mul3A_644 = arith.constant 16 : i32
          %mul3A_645 = arith.muli %add3A_643, %mul3A_644 : i32
          %get3A_646 = arith.index_cast %scan3A_331 : i32 to index
          %get3A_647 = arith.index_cast %mul3A_645 : i32 to index
          %get3A_648 = tpu.vector_load %arg22[%get3A_646, %get3A_647] {strides = array<i32>} : memref<8x512xf32, #tpu.memory_space<vmem>>, vector<16xf32>,
          %mul3A_649 = arith.mulf %get3A_648, %div3A : vector<16xf32>
          %get3A_650 = arith.index_cast %scan3A_331 : i32 to index
          %get3A_651 = arith.index_cast %mul3A_645 : i32 to index
          %get3A_652 = tpu.vector_load %arg23[%get3A_650, %get3A_651] {strides = array<i32>} : memref<8x512xf32, #tpu.memory_space<vmem>>, vector<16xf32>,
          %mul3A_653 = arith.mulf %get3A_652, %div3A_415 : vector<16xf32>
          %get3A_654 = arith.index_cast %scan3A_331 : i32 to index
          %get3A_655 = arith.index_cast %mul3A_645 : i32 to index
          %get3A_656 = tpu.vector_load %arg24[%get3A_654, %get3A_655] {strides = array<i32>} : memref<8x512xf32, #tpu.memory_space<vmem>>, vector<16xf32>,
          %mul3A_657 = arith.mulf %get3A_656, %div3A_416 : vector<16xf32>
          %get3A_658 = arith.index_cast %scan3A_331 : i32 to index
          %get3A_659 = arith.index_cast %mul3A_645 : i32 to index
          %get3A_660 = tpu.vector_load %arg25[%get3A_658, %get3A_659] {strides = array<i32>} : memref<8x512xf32, #tpu.memory_space<vmem>>, vector<16xf32>,
          %mul3A_661 = arith.mulf %get3A_660, %div3A_417 : vector<16xf32>
          %add3A_662 = arith.addf %mul3A_649, %mul3A_661 : vector<16xf32>
          %get3A_663 = arith.index_cast %scan3A_331 : i32 to index
          %get3A_664 = arith.index_cast %mul3A_645 : i32 to index
          %get3A_665 = tpu.vector_load %arg26[%get3A_663, %get3A_664] {strides = array<i32>} : memref<8x512xf32, #tpu.memory_space<vmem>>, vector<16xf32>,
          %mul3A_666 = arith.mulf %get3A_665, %div3A_418 : vector<16xf32>
          %add3A_667 = arith.addf %mul3A_653, %mul3A_666 : vector<16xf32>
          %get3A_668 = arith.index_cast %scan3A_331 : i32 to index
          %get3A_669 = arith.index_cast %mul3A_645 : i32 to index
          %get3A_670 = tpu.vector_load %arg27[%get3A_668, %get3A_669] {strides = array<i32>} : memref<8x512xf32, #tpu.memory_space<vmem>>, vector<16xf32>,
          %mul3A_671 = arith.mulf %get3A_670, %div3A_419 : vector<16xf32>
          %add3A_672 = arith.addf %mul3A_657, %mul3A_671 : vector<16xf32>
          %get3A_673 = arith.index_cast %scan3A_331 : i32 to index
          %get3A_674 = arith.index_cast %mul3A_645 : i32 to index
          %get3A_675 = tpu.vector_load %arg28[%get3A_673, %get3A_674] {strides = array<i32>} : memref<8x512xf32, #tpu.memory_space<vmem>>, vector<16xf32>,
          %mul3A_676 = arith.mulf %get3A_675, %div3A_420 : vector<16xf32>
          %add3A_677 = arith.addf %add3A_662, %mul3A_676 : vector<16xf32>
          %get3A_678 = arith.index_cast %scan3A_331 : i32 to index
          %get3A_679 = arith.index_cast %mul3A_645 : i32 to index
          %get3A_680 = tpu.vector_load %arg29[%get3A_678, %get3A_679] {strides = array<i32>} : memref<8x512xf32, #tpu.memory_space<vmem>>, vector<16xf32>,
          %mul3A_681 = arith.mulf %get3A_680, %div3A_421 : vector<16xf32>
          %add3A_682 = arith.addf %add3A_667, %mul3A_681 : vector<16xf32>
          %get3A_683 = arith.index_cast %scan3A_331 : i32 to index
          %get3A_684 = arith.index_cast %mul3A_645 : i32 to index
          %get3A_685 = tpu.vector_load %arg30[%get3A_683, %get3A_684] {strides = array<i32>} : memref<8x512xf32, #tpu.memory_space<vmem>>, vector<16xf32>,
          %mul3A_686 = arith.mulf %get3A_685, %div3A_422 : vector<16xf32>
          %add3A_687 = arith.addf %add3A_672, %mul3A_686 : vector<16xf32>
          %add3A_688 = arith.addf %add3A_682, %add3A_687 : vector<16xf32>
          %add3A_689 = arith.addf %add3A_677, %add3A_688 : vector<16xf32>
          %swap3A_690 = arith.index_cast %scan3A_331 : i32 to index
          %swap3A_691 = arith.index_cast %mul3A_645 : i32 to index
          %swap3A_692 = tpu.vector_load %arg33[%swap3A_690, %swap3A_691] {strides = array<i32>} : memref<8x512xf32, #tpu.memory_space<vmem>>, vector<16xf32>,
          tpu.vector_store %arg33[%swap3A_690, %swap3A_691], %add3A_689 {strides = array<i32>} : memref<8x512xf32, #tpu.memory_space<vmem>>, vector<16xf32>,
          %mul3A_693 = arith.constant 8 : i32
          %mul3A_694 = arith.muli %scan3A_429, %mul3A_693 : i32
          %add3A_695 = arith.constant 5 : i32
          %add3A_696 = arith.addi %mul3A_694, %add3A_695 : i32
          %mul3A_697 = arith.constant 16 : i32
          %mul3A_698 = arith.muli %add3A_696, %mul3A_697 : i32
          %get3A_699 = arith.index_cast %scan3A_331 : i32 to index
          %get3A_700 = arith.index_cast %mul3A_698 : i32 to index
          %get3A_701 = tpu.vector_load %arg22[%get3A_699, %get3A_700] {strides = array<i32>} : memref<8x512xf32, #tpu.memory_space<vmem>>, vector<16xf32>,
          %mul3A_702 = arith.mulf %get3A_701, %div3A : vector<16xf32>
          %get3A_703 = arith.index_cast %scan3A_331 : i32 to index
          %get3A_704 = arith.index_cast %mul3A_698 : i32 to index
          %get3A_705 = tpu.vector_load %arg23[%get3A_703, %get3A_704] {strides = array<i32>} : memref<8x512xf32, #tpu.memory_space<vmem>>, vector<16xf32>,
          %mul3A_706 = arith.mulf %get3A_705, %div3A_415 : vector<16xf32>
          %get3A_707 = arith.index_cast %scan3A_331 : i32 to index
          %get3A_708 = arith.index_cast %mul3A_698 : i32 to index
          %get3A_709 = tpu.vector_load %arg24[%get3A_707, %get3A_708] {strides = array<i32>} : memref<8x512xf32, #tpu.memory_space<vmem>>, vector<16xf32>,
          %mul3A_710 = arith.mulf %get3A_709, %div3A_416 : vector<16xf32>
          %get3A_711 = arith.index_cast %scan3A_331 : i32 to index
          %get3A_712 = arith.index_cast %mul3A_698 : i32 to index
          %get3A_713 = tpu.vector_load %arg25[%get3A_711, %get3A_712] {strides = array<i32>} : memref<8x512xf32, #tpu.memory_space<vmem>>, vector<16xf32>,
          %mul3A_714 = arith.mulf %get3A_713, %div3A_417 : vector<16xf32>
          %add3A_715 = arith.addf %mul3A_702, %mul3A_714 : vector<16xf32>
          %get3A_716 = arith.index_cast %scan3A_331 : i32 to index
          %get3A_717 = arith.index_cast %mul3A_698 : i32 to index
          %get3A_718 = tpu.vector_load %arg26[%get3A_716, %get3A_717] {strides = array<i32>} : memref<8x512xf32, #tpu.memory_space<vmem>>, vector<16xf32>,
          %mul3A_719 = arith.mulf %get3A_718, %div3A_418 : vector<16xf32>
          %add3A_720 = arith.addf %mul3A_706, %mul3A_719 : vector<16xf32>
          %get3A_721 = arith.index_cast %scan3A_331 : i32 to index
          %get3A_722 = arith.index_cast %mul3A_698 : i32 to index
          %get3A_723 = tpu.vector_load %arg27[%get3A_721, %get3A_722] {strides = array<i32>} : memref<8x512xf32, #tpu.memory_space<vmem>>, vector<16xf32>,
          %mul3A_724 = arith.mulf %get3A_723, %div3A_419 : vector<16xf32>
          %add3A_725 = arith.addf %mul3A_710, %mul3A_724 : vector<16xf32>
          %get3A_726 = arith.index_cast %scan3A_331 : i32 to index
          %get3A_727 = arith.index_cast %mul3A_698 : i32 to index
          %get3A_728 = tpu.vector_load %arg28[%get3A_726, %get3A_727] {strides = array<i32>} : memref<8x512xf32, #tpu.memory_space<vmem>>, vector<16xf32>,
          %mul3A_729 = arith.mulf %get3A_728, %div3A_420 : vector<16xf32>
          %add3A_730 = arith.addf %add3A_715, %mul3A_729 : vector<16xf32>
          %get3A_731 = arith.index_cast %scan3A_331 : i32 to index
          %get3A_732 = arith.index_cast %mul3A_698 : i32 to index
          %get3A_733 = tpu.vector_load %arg29[%get3A_731, %get3A_732] {strides = array<i32>} : memref<8x512xf32, #tpu.memory_space<vmem>>, vector<16xf32>,
          %mul3A_734 = arith.mulf %get3A_733, %div3A_421 : vector<16xf32>
          %add3A_735 = arith.addf %add3A_720, %mul3A_734 : vector<16xf32>
          %get3A_736 = arith.index_cast %scan3A_331 : i32 to index
          %get3A_737 = arith.index_cast %mul3A_698 : i32 to index
          %get3A_738 = tpu.vector_load %arg30[%get3A_736, %get3A_737] {strides = array<i32>} : memref<8x512xf32, #tpu.memory_space<vmem>>, vector<16xf32>,
          %mul3A_739 = arith.mulf %get3A_738, %div3A_422 : vector<16xf32>
          %add3A_740 = arith.addf %add3A_725, %mul3A_739 : vector<16xf32>
          %add3A_741 = arith.addf %add3A_735, %add3A_740 : vector<16xf32>
          %add3A_742 = arith.addf %add3A_730, %add3A_741 : vector<16xf32>
          %swap3A_743 = arith.index_cast %scan3A_331 : i32 to index
          %swap3A_744 = arith.index_cast %mul3A_698 : i32 to index
          %swap3A_745 = tpu.vector_load %arg33[%swap3A_743, %swap3A_744] {strides = array<i32>} : memref<8x512xf32, #tpu.memory_space<vmem>>, vector<16xf32>,
          tpu.vector_store %arg33[%swap3A_743, %swap3A_744], %add3A_742 {strides = array<i32>} : memref<8x512xf32, #tpu.memory_space<vmem>>, vector<16xf32>,
          %mul3A_746 = arith.constant 8 : i32
          %mul3A_747 = arith.muli %scan3A_429, %mul3A_746 : i32
          %add3A_748 = arith.constant 6 : i32
          %add3A_749 = arith.addi %mul3A_747, %add3A_748 : i32
          %mul3A_750 = arith.constant 16 : i32
          %mul3A_751 = arith.muli %add3A_749, %mul3A_750 : i32
          %get3A_752 = arith.index_cast %scan3A_331 : i32 to index
          %get3A_753 = arith.index_cast %mul3A_751 : i32 to index
          %get3A_754 = tpu.vector_load %arg22[%get3A_752, %get3A_753] {strides = array<i32>} : memref<8x512xf32, #tpu.memory_space<vmem>>, vector<16xf32>,
          %mul3A_755 = arith.mulf %get3A_754, %div3A : vector<16xf32>
          %get3A_756 = arith.index_cast %scan3A_331 : i32 to index
          %get3A_757 = arith.index_cast %mul3A_751 : i32 to index
          %get3A_758 = tpu.vector_load %arg23[%get3A_756, %get3A_757] {strides = array<i32>} : memref<8x512xf32, #tpu.memory_space<vmem>>, vector<16xf32>,
          %mul3A_759 = arith.mulf %get3A_758, %div3A_415 : vector<16xf32>
          %get3A_760 = arith.index_cast %scan3A_331 : i32 to index
          %get3A_761 = arith.index_cast %mul3A_751 : i32 to index
          %get3A_762 = tpu.vector_load %arg24[%get3A_760, %get3A_761] {strides = array<i32>} : memref<8x512xf32, #tpu.memory_space<vmem>>, vector<16xf32>,
          %mul3A_763 = arith.mulf %get3A_762, %div3A_416 : vector<16xf32>
          %get3A_764 = arith.index_cast %scan3A_331 : i32 to index
          %get3A_765 = arith.index_cast %mul3A_751 : i32 to index
          %get3A_766 = tpu.vector_load %arg25[%get3A_764, %get3A_765] {strides = array<i32>} : memref<8x512xf32, #tpu.memory_space<vmem>>, vector<16xf32>,
          %mul3A_767 = arith.mulf %get3A_766, %div3A_417 : vector<16xf32>
          %add3A_768 = arith.addf %mul3A_755, %mul3A_767 : vector<16xf32>
          %get3A_769 = arith.index_cast %scan3A_331 : i32 to index
          %get3A_770 = arith.index_cast %mul3A_751 : i32 to index
          %get3A_771 = tpu.vector_load %arg26[%get3A_769, %get3A_770] {strides = array<i32>} : memref<8x512xf32, #tpu.memory_space<vmem>>, vector<16xf32>,
          %mul3A_772 = arith.mulf %get3A_771, %div3A_418 : vector<16xf32>
          %add3A_773 = arith.addf %mul3A_759, %mul3A_772 : vector<16xf32>
          %get3A_774 = arith.index_cast %scan3A_331 : i32 to index
          %get3A_775 = arith.index_cast %mul3A_751 : i32 to index
          %get3A_776 = tpu.vector_load %arg27[%get3A_774, %get3A_775] {strides = array<i32>} : memref<8x512xf32, #tpu.memory_space<vmem>>, vector<16xf32>,
          %mul3A_777 = arith.mulf %get3A_776, %div3A_419 : vector<16xf32>
          %add3A_778 = arith.addf %mul3A_763, %mul3A_777 : vector<16xf32>
          %get3A_779 = arith.index_cast %scan3A_331 : i32 to index
          %get3A_780 = arith.index_cast %mul3A_751 : i32 to index
          %get3A_781 = tpu.vector_load %arg28[%get3A_779, %get3A_780] {strides = array<i32>} : memref<8x512xf32, #tpu.memory_space<vmem>>, vector<16xf32>,
          %mul3A_782 = arith.mulf %get3A_781, %div3A_420 : vector<16xf32>
          %add3A_783 = arith.addf %add3A_768, %mul3A_782 : vector<16xf32>
          %get3A_784 = arith.index_cast %scan3A_331 : i32 to index
          %get3A_785 = arith.index_cast %mul3A_751 : i32 to index
          %get3A_786 = tpu.vector_load %arg29[%get3A_784, %get3A_785] {strides = array<i32>} : memref<8x512xf32, #tpu.memory_space<vmem>>, vector<16xf32>,
          %mul3A_787 = arith.mulf %get3A_786, %div3A_421 : vector<16xf32>
          %add3A_788 = arith.addf %add3A_773, %mul3A_787 : vector<16xf32>
          %get3A_789 = arith.index_cast %scan3A_331 : i32 to index
          %get3A_790 = arith.index_cast %mul3A_751 : i32 to index
          %get3A_791 = tpu.vector_load %arg30[%get3A_789, %get3A_790] {strides = array<i32>} : memref<8x512xf32, #tpu.memory_space<vmem>>, vector<16xf32>,
          %mul3A_792 = arith.mulf %get3A_791, %div3A_422 : vector<16xf32>
          %add3A_793 = arith.addf %add3A_778, %mul3A_792 : vector<16xf32>
          %add3A_794 = arith.addf %add3A_788, %add3A_793 : vector<16xf32>
          %add3A_795 = arith.addf %add3A_783, %add3A_794 : vector<16xf32>
          %swap3A_796 = arith.index_cast %scan3A_331 : i32 to index
          %swap3A_797 = arith.index_cast %mul3A_751 : i32 to index
          %swap3A_798 = tpu.vector_load %arg33[%swap3A_796, %swap3A_797] {strides = array<i32>} : memref<8x512xf32, #tpu.memory_space<vmem>>, vector<16xf32>,
          tpu.vector_store %arg33[%swap3A_796, %swap3A_797], %add3A_795 {strides = array<i32>} : memref<8x512xf32, #tpu.memory_space<vmem>>, vector<16xf32>,
          %mul3A_799 = arith.constant 8 : i32
          %mul3A_800 = arith.muli %scan3A_429, %mul3A_799 : i32
          %add3A_801 = arith.constant 7 : i32
          %add3A_802 = arith.addi %mul3A_800, %add3A_801 : i32
          %mul3A_803 = arith.constant 16 : i32
          %mul3A_804 = arith.muli %add3A_802, %mul3A_803 : i32
          %get3A_805 = arith.index_cast %scan3A_331 : i32 to index
          %get3A_806 = arith.index_cast %mul3A_804 : i32 to index
          %get3A_807 = tpu.vector_load %arg22[%get3A_805, %get3A_806] {strides = array<i32>} : memref<8x512xf32, #tpu.memory_space<vmem>>, vector<16xf32>,
          %mul3A_808 = arith.mulf %get3A_807, %div3A : vector<16xf32>
          %get3A_809 = arith.index_cast %scan3A_331 : i32 to index
          %get3A_810 = arith.index_cast %mul3A_804 : i32 to index
          %get3A_811 = tpu.vector_load %arg23[%get3A_809, %get3A_810] {strides = array<i32>} : memref<8x512xf32, #tpu.memory_space<vmem>>, vector<16xf32>,
          %mul3A_812 = arith.mulf %get3A_811, %div3A_415 : vector<16xf32>
          %get3A_813 = arith.index_cast %scan3A_331 : i32 to index
          %get3A_814 = arith.index_cast %mul3A_804 : i32 to index
          %get3A_815 = tpu.vector_load %arg24[%get3A_813, %get3A_814] {strides = array<i32>} : memref<8x512xf32, #tpu.memory_space<vmem>>, vector<16xf32>,
          %mul3A_816 = arith.mulf %get3A_815, %div3A_416 : vector<16xf32>
          %get3A_817 = arith.index_cast %scan3A_331 : i32 to index
          %get3A_818 = arith.index_cast %mul3A_804 : i32 to index
          %get3A_819 = tpu.vector_load %arg25[%get3A_817, %get3A_818] {strides = array<i32>} : memref<8x512xf32, #tpu.memory_space<vmem>>, vector<16xf32>,
          %mul3A_820 = arith.mulf %get3A_819, %div3A_417 : vector<16xf32>
          %add3A_821 = arith.addf %mul3A_808, %mul3A_820 : vector<16xf32>
          %get3A_822 = arith.index_cast %scan3A_331 : i32 to index
          %get3A_823 = arith.index_cast %mul3A_804 : i32 to index
          %get3A_824 = tpu.vector_load %arg26[%get3A_822, %get3A_823] {strides = array<i32>} : memref<8x512xf32, #tpu.memory_space<vmem>>, vector<16xf32>,
          %mul3A_825 = arith.mulf %get3A_824, %div3A_418 : vector<16xf32>
          %add3A_826 = arith.addf %mul3A_812, %mul3A_825 : vector<16xf32>
          %get3A_827 = arith.index_cast %scan3A_331 : i32 to index
          %get3A_828 = arith.index_cast %mul3A_804 : i32 to index
          %get3A_829 = tpu.vector_load %arg27[%get3A_827, %get3A_828] {strides = array<i32>} : memref<8x512xf32, #tpu.memory_space<vmem>>, vector<16xf32>,
          %mul3A_830 = arith.mulf %get3A_829, %div3A_419 : vector<16xf32>
          %add3A_831 = arith.addf %mul3A_816, %mul3A_830 : vector<16xf32>
          %get3A_832 = arith.index_cast %scan3A_331 : i32 to index
          %get3A_833 = arith.index_cast %mul3A_804 : i32 to index
          %get3A_834 = tpu.vector_load %arg28[%get3A_832, %get3A_833] {strides = array<i32>} : memref<8x512xf32, #tpu.memory_space<vmem>>, vector<16xf32>,
          %mul3A_835 = arith.mulf %get3A_834, %div3A_420 : vector<16xf32>
          %add3A_836 = arith.addf %add3A_821, %mul3A_835 : vector<16xf32>
          %get3A_837 = arith.index_cast %scan3A_331 : i32 to index
          %get3A_838 = arith.index_cast %mul3A_804 : i32 to index
          %get3A_839 = tpu.vector_load %arg29[%get3A_837, %get3A_838] {strides = array<i32>} : memref<8x512xf32, #tpu.memory_space<vmem>>, vector<16xf32>,
          %mul3A_840 = arith.mulf %get3A_839, %div3A_421 : vector<16xf32>
          %add3A_841 = arith.addf %add3A_826, %mul3A_840 : vector<16xf32>
          %get3A_842 = arith.index_cast %scan3A_331 : i32 to index
          %get3A_843 = arith.index_cast %mul3A_804 : i32 to index
          %get3A_844 = tpu.vector_load %arg30[%get3A_842, %get3A_843] {strides = array<i32>} : memref<8x512xf32, #tpu.memory_space<vmem>>, vector<16xf32>,
          %mul3A_845 = arith.mulf %get3A_844, %div3A_422 : vector<16xf32>
          %add3A_846 = arith.addf %add3A_831, %mul3A_845 : vector<16xf32>
          %add3A_847 = arith.addf %add3A_841, %add3A_846 : vector<16xf32>
          %add3A_848 = arith.addf %add3A_836, %add3A_847 : vector<16xf32>
          %swap3A_849 = arith.index_cast %scan3A_331 : i32 to index
          %swap3A_850 = arith.index_cast %mul3A_804 : i32 to index
          %swap3A_851 = tpu.vector_load %arg33[%swap3A_849, %swap3A_850] {strides = array<i32>} : memref<8x512xf32, #tpu.memory_space<vmem>>, vector<16xf32>,
          tpu.vector_store %arg33[%swap3A_849, %swap3A_850], %add3A_848 {strides = array<i32>} : memref<8x512xf32, #tpu.memory_space<vmem>>, vector<16xf32>,
        }
        %scan3A_428 = arith.constant 4 : i32
      }
      %scan3A_324 = arith.constant 8 : i32
      %sub3A_325 = arith.constant 12800 : i32
      %sub3A_326 = arith.subi %add3A_117, %sub3A_325 : i32
      %dma_start3A_327 = arith.constant 0 : i32
      %dma_start3A_328 = tpu.memref_slice %arg12[%sub3A_326, %dma_start3A_327] : memref<3584x512xf32, #tpu.memory_space<hbm>> -> memref<8x512xf32, #tpu.memory_space<hbm>>
      %dma_start3A_329 = arith.constant 0 : i32
      %dma_start3A_330 = tpu.memref_slice %arg12[%sub3A_326, %dma_start3A_329] : memref<3584x512xf32, #tpu.memory_space<hbm>> -> memref<8x512xf32, #tpu.memory_space<hbm>>
      tpu.enqueue_dma source(%arg33 : memref<8x512xf32, #tpu.memory_space<vmem>>) target(%dma_start3A_330 : memref<8x512xf32, #tpu.memory_space<hbm>>) target_semaphore(%arg37 : memref<!tpu.dma_semaphore, #tpu.memory_space<semaphore_mem>>)
    }
    %scan3A_44 = arith.constant 7 : i32
    %dma_wait3A = arith.constant 0 : i32
    %dma_wait3A_45 = arith.constant 0 : i32
    %dma_wait3A_46 = tpu.memref_slice %arg2[%dma_wait3A, %dma_wait3A_45] : memref<16384x512xf32, #tpu.memory_space<hbm>> -> memref<8x512xf32, #tpu.memory_space<hbm>>
    %dma_wait3A_47 = arith.constant 0 : i32
    %dma_wait3A_48 = arith.constant 0 : i32
    %dma_wait3A_49 = tpu.memref_slice %arg2[%dma_wait3A_47, %dma_wait3A_48] : memref<16384x512xf32, #tpu.memory_space<hbm>> -> memref<8x512xf32, #tpu.memory_space<hbm>>
    tpu.wait_dma2 semaphore(%arg34 : memref<!tpu.dma_semaphore, #tpu.memory_space<semaphore_mem>>) src(%dma_wait3A_49 : memref<8x512xf32, #tpu.memory_space<hbm>>) dst(%arg13 : memref<8x512xf32, #tpu.memory_space<vmem>>)
    %dma_wait3A_50 = arith.constant 0 : i32
    %dma_wait3A_51 = arith.constant 0 : i32
    %dma_wait3A_52 = tpu.memref_slice %arg3[%dma_wait3A_50, %dma_wait3A_51] : memref<16384x512xf32, #tpu.memory_space<hbm>> -> memref<8x512xf32, #tpu.memory_space<hbm>>
    %dma_wait3A_53 = arith.constant 0 : i32
    %dma_wait3A_54 = arith.constant 0 : i32
    %dma_wait3A_55 = tpu.memref_slice %arg3[%dma_wait3A_53, %dma_wait3A_54] : memref<16384x512xf32, #tpu.memory_space<hbm>> -> memref<8x512xf32, #tpu.memory_space<hbm>>
    tpu.wait_dma2 semaphore(%arg34 : memref<!tpu.dma_semaphore, #tpu.memory_space<semaphore_mem>>) src(%dma_wait3A_55 : memref<8x512xf32, #tpu.memory_space<hbm>>) dst(%arg14 : memref<8x512xf32, #tpu.memory_space<vmem>>)
    %dma_wait3A_56 = arith.constant 0 : i32
    %dma_wait3A_57 = arith.constant 0 : i32
    %dma_wait3A_58 = tpu.memref_slice %arg4[%dma_wait3A_56, %dma_wait3A_57] : memref<16384x512xf32, #tpu.memory_space<hbm>> -> memref<8x512xf32, #tpu.memory_space<hbm>>
    %dma_wait3A_59 = arith.constant 0 : i32
    %dma_wait3A_60 = arith.constant 0 : i32
    %dma_wait3A_61 = tpu.memref_slice %arg4[%dma_wait3A_59, %dma_wait3A_60] : memref<16384x512xf32, #tpu.memory_space<hbm>> -> memref<8x512xf32, #tpu.memory_space<hbm>>
    tpu.wait_dma2 semaphore(%arg34 : memref<!tpu.dma_semaphore, #tpu.memory_space<semaphore_mem>>) src(%dma_wait3A_61 : memref<8x512xf32, #tpu.memory_space<hbm>>) dst(%arg15 : memref<8x512xf32, #tpu.memory_space<vmem>>)
    %dma_wait3A_62 = arith.constant 0 : i32
    %dma_wait3A_63 = arith.constant 0 : i32
    %dma_wait3A_64 = tpu.memref_slice %arg5[%dma_wait3A_62, %dma_wait3A_63] : memref<16384x512xf32, #tpu.memory_space<hbm>> -> memref<8x512xf32, #tpu.memory_space<hbm>>
    %dma_wait3A_65 = arith.constant 0 : i32
    %dma_wait3A_66 = arith.constant 0 : i32
    %dma_wait3A_67 = tpu.memref_slice %arg5[%dma_wait3A_65, %dma_wait3A_66] : memref<16384x512xf32, #tpu.memory_space<hbm>> -> memref<8x512xf32, #tpu.memory_space<hbm>>
    tpu.wait_dma2 semaphore(%arg34 : memref<!tpu.dma_semaphore, #tpu.memory_space<semaphore_mem>>) src(%dma_wait3A_67 : memref<8x512xf32, #tpu.memory_space<hbm>>) dst(%arg16 : memref<8x512xf32, #tpu.memory_space<vmem>>)
    %dma_wait3A_68 = arith.constant 0 : i32
    %dma_wait3A_69 = arith.constant 0 : i32
    %dma_wait3A_70 = tpu.memref_slice %arg6[%dma_wait3A_68, %dma_wait3A_69] : memref<16384x512xf32, #tpu.memory_space<hbm>> -> memref<8x512xf32, #tpu.memory_space<hbm>>
    %dma_wait3A_71 = arith.constant 0 : i32
    %dma_wait3A_72 = arith.constant 0 : i32
    %dma_wait3A_73 = tpu.memref_slice %arg6[%dma_wait3A_71, %dma_wait3A_72] : memref<16384x512xf32, #tpu.memory_space<hbm>> -> memref<8x512xf32, #tpu.memory_space<hbm>>
    tpu.wait_dma2 semaphore(%arg34 : memref<!tpu.dma_semaphore, #tpu.memory_space<semaphore_mem>>) src(%dma_wait3A_73 : memref<8x512xf32, #tpu.memory_space<hbm>>) dst(%arg17 : memref<8x512xf32, #tpu.memory_space<vmem>>)
    %dma_wait3A_74 = arith.constant 0 : i32
    %dma_wait3A_75 = arith.constant 0 : i32
    %dma_wait3A_76 = tpu.memref_slice %arg7[%dma_wait3A_74, %dma_wait3A_75] : memref<16384x512xf32, #tpu.memory_space<hbm>> -> memref<8x512xf32, #tpu.memory_space<hbm>>
    %dma_wait3A_77 = arith.constant 0 : i32
    %dma_wait3A_78 = arith.constant 0 : i32
    %dma_wait3A_79 = tpu.memref_slice %arg7[%dma_wait3A_77, %dma_wait3A_78] : memref<16384x512xf32, #tpu.memory_space<hbm>> -> memref<8x512xf32, #tpu.memory_space<hbm>>
    tpu.wait_dma2 semaphore(%arg34 : memref<!tpu.dma_semaphore, #tpu.memory_space<semaphore_mem>>) src(%dma_wait3A_79 : memref<8x512xf32, #tpu.memory_space<hbm>>) dst(%arg18 : memref<8x512xf32, #tpu.memory_space<vmem>>)
    %dma_wait3A_80 = arith.constant 0 : i32
    %dma_wait3A_81 = arith.constant 0 : i32
    %dma_wait3A_82 = tpu.memref_slice %arg8[%dma_wait3A_80, %dma_wait3A_81] : memref<16384x512xf32, #tpu.memory_space<hbm>> -> memref<8x512xf32, #tpu.memory_space<hbm>>
    %dma_wait3A_83 = arith.constant 0 : i32
    %dma_wait3A_84 = arith.constant 0 : i32
    %dma_wait3A_85 = tpu.memref_slice %arg8[%dma_wait3A_83, %dma_wait3A_84] : memref<16384x512xf32, #tpu.memory_space<hbm>> -> memref<8x512xf32, #tpu.memory_space<hbm>>
    tpu.wait_dma2 semaphore(%arg34 : memref<!tpu.dma_semaphore, #tpu.memory_space<semaphore_mem>>) src(%dma_wait3A_85 : memref<8x512xf32, #tpu.memory_space<hbm>>) dst(%arg19 : memref<8x512xf32, #tpu.memory_space<vmem>>)
    %dma_wait3A_86 = arith.constant 0 : i32
    %dma_wait3A_87 = arith.constant 0 : i32
    %dma_wait3A_88 = tpu.memref_slice %arg9[%dma_wait3A_86, %dma_wait3A_87] : memref<16384x512xf32, #tpu.memory_space<hbm>> -> memref<8x512xf32, #tpu.memory_space<hbm>>
    %dma_wait3A_89 = arith.constant 0 : i32
    %dma_wait3A_90 = arith.constant 0 : i32
    %dma_wait3A_91 = tpu.memref_slice %arg9[%dma_wait3A_89, %dma_wait3A_90] : memref<16384x512xf32, #tpu.memory_space<hbm>> -> memref<8x512xf32, #tpu.memory_space<hbm>>
    tpu.wait_dma2 semaphore(%arg34 : memref<!tpu.dma_semaphore, #tpu.memory_space<semaphore_mem>>) src(%dma_wait3A_91 : memref<8x512xf32, #tpu.memory_space<hbm>>) dst(%arg20 : memref<8x512xf32, #tpu.memory_space<vmem>>)
    %dma_wait3A_92 = arith.constant 0 : i32
    %dma_wait3A_93 = arith.constant 0 : i32
    %dma_wait3A_94 = tpu.memref_slice %arg10[%dma_wait3A_92, %dma_wait3A_93] : memref<16384x512xf32, #tpu.memory_space<hbm>> -> memref<8x512xf32, #tpu.memory_space<hbm>>
    %dma_wait3A_95 = arith.constant 0 : i32
    %dma_wait3A_96 = arith.constant 0 : i32
    %dma_wait3A_97 = tpu.memref_slice %arg10[%dma_wait3A_95, %dma_wait3A_96] : memref<16384x512xf32, #tpu.memory_space<hbm>> -> memref<8x512xf32, #tpu.memory_space<hbm>>
    tpu.wait_dma2 semaphore(%arg34 : memref<!tpu.dma_semaphore, #tpu.memory_space<semaphore_mem>>) src(%dma_wait3A_97 : memref<8x512xf32, #tpu.memory_space<hbm>>) dst(%arg21 : memref<8x512xf32, #tpu.memory_space<vmem>>)
    %dma_wait3A_98 = arith.constant 0 : i32
    %dma_wait3A_99 = arith.constant 0 : i32
    %dma_wait3A_100 = tpu.memref_slice %arg12[%dma_wait3A_98, %dma_wait3A_99] : memref<3584x512xf32, #tpu.memory_space<hbm>> -> memref<8x512xf32, #tpu.memory_space<hbm>>
    %dma_wait3A_101 = arith.constant 0 : i32
    %dma_wait3A_102 = arith.constant 0 : i32
    %dma_wait3A_103 = tpu.memref_slice %arg12[%dma_wait3A_101, %dma_wait3A_102] : memref<3584x512xf32, #tpu.memory_space<hbm>> -> memref<8x512xf32, #tpu.memory_space<hbm>>
    tpu.wait_dma2 semaphore(%arg36 : memref<!tpu.dma_semaphore, #tpu.memory_space<semaphore_mem>>) src(%arg32 : memref<8x512xf32, #tpu.memory_space<vmem>>) dst(%dma_wait3A_103 : memref<8x512xf32, #tpu.memory_space<hbm>>)
    %dma_wait3A_104 = arith.constant 0 : i32
    %dma_wait3A_105 = arith.constant 0 : i32
    %dma_wait3A_106 = tpu.memref_slice %arg12[%dma_wait3A_104, %dma_wait3A_105] : memref<3584x512xf32, #tpu.memory_space<hbm>> -> memref<8x512xf32, #tpu.memory_space<hbm>>
    %dma_wait3A_107 = arith.constant 0 : i32
    %dma_wait3A_108 = arith.constant 0 : i32
    %dma_wait3A_109 = tpu.memref_slice %arg12[%dma_wait3A_107, %dma_wait3A_108] : memref<3584x512xf32, #tpu.memory_space<hbm>> -> memref<8x512xf32, #tpu.memory_space<hbm>>
    tpu.wait_dma2 semaphore(%arg37 : memref<!tpu.dma_semaphore, #tpu.memory_space<semaphore_mem>>) src(%arg33 : memref<8x512xf32, #tpu.memory_space<vmem>>) dst(%dma_wait3A_109 : memref<8x512xf32, #tpu.memory_space<hbm>>)
    return
  }
}

module attributes {stable_mosaic.version = 14 : i64} {
  func.func @_tc_body(%arg0: i32, %arg1: memref<512x512xf32, #tpu.memory_space<vmem>>, %arg2: memref<512x512xf32, #tpu.memory_space<vmem>>, %arg3: memref<512x512xf32, #tpu.memory_space<vmem>>, %arg4: memref<512x512xf32, #tpu.memory_space<vmem>>, %arg5: memref<512x512xf32, #tpu.memory_space<vmem>>, %arg6: memref<512x512xf32, #tpu.memory_space<vmem>>, %arg7: memref<512x512xf32, #tpu.memory_space<vmem>>, %arg8: memref<512x512xf32, #tpu.memory_space<vmem>>, %arg9: memref<512x512xf32, #tpu.memory_space<vmem>>, %arg10: memref<1x512xf32, #tpu.memory_space<vmem>>, %arg11: memref<512x512xf32, #tpu.memory_space<vmem>>) attributes {dimension_semantics = [#tpu.dimension_semantics<arbitrary>], iteration_bounds = array<i64: 25>, scalar_prefetch = 0 : i64, scratch_operands = 0 : i64, tpu.core_type = #tpu.core_type<tc>, window_params = [{transform_indices = @transform_0, window_bounds = array<i64: 512, 512>}, {transform_indices = @transform_1, window_bounds = array<i64: 512, 512>}, {transform_indices = @transform_2, window_bounds = array<i64: 512, 512>}, {transform_indices = @transform_3, window_bounds = array<i64: 512, 512>}, {transform_indices = @transform_4, window_bounds = array<i64: 512, 512>}, {transform_indices = @transform_5, window_bounds = array<i64: 512, 512>}, {transform_indices = @transform_6, window_bounds = array<i64: 512, 512>}, {transform_indices = @transform_7, window_bounds = array<i64: 512, 512>}, {transform_indices = @transform_8, window_bounds = array<i64: 512, 512>}, {pipeline_mode = #tpu.pipeline_mode<synchronous>, transform_indices = @transform_9, window_bounds = array<i64: 1, 512>}, {transform_indices = @transform_10, window_bounds = array<i64: 512, 512>}]} {
    %get3A = arith.constant 0 : index
    %get3A_0 = arith.constant 0 : index
    %get3A_1 = vector.load %arg10[%get3A, %get3A_0] : memref<1x512xf32, #tpu.memory_space<vmem>>, vector<1x512xf32>
    %get3A_2 = vector.shape_cast %get3A_1 : vector<1x512xf32> to vector<512xf32>
    %broadcast_in_dim3A = vector.shape_cast %get3A_2 : vector<512xf32> to vector<1x512xf32>
    %get3A_3 = arith.constant 0 : index
    %get3A_4 = arith.constant 0 : index
    %get3A_5 = vector.load %arg1[%get3A_3, %get3A_4] : memref<512x512xf32, #tpu.memory_space<vmem>>, vector<512x512xf32>
    %get3A_6 = arith.constant 0 : index
    %get3A_7 = arith.constant 0 : index
    %get3A_8 = vector.load %arg2[%get3A_6, %get3A_7] : memref<512x512xf32, #tpu.memory_space<vmem>>, vector<512x512xf32>
    %get3A_9 = arith.constant 0 : index
    %get3A_10 = arith.constant 0 : index
    %get3A_11 = vector.load %arg3[%get3A_9, %get3A_10] : memref<512x512xf32, #tpu.memory_space<vmem>>, vector<512x512xf32>
    %get3A_12 = arith.constant 0 : index
    %get3A_13 = arith.constant 0 : index
    %get3A_14 = vector.load %arg4[%get3A_12, %get3A_13] : memref<512x512xf32, #tpu.memory_space<vmem>>, vector<512x512xf32>
    %get3A_15 = arith.constant 0 : index
    %get3A_16 = arith.constant 0 : index
    %get3A_17 = vector.load %arg5[%get3A_15, %get3A_16] : memref<512x512xf32, #tpu.memory_space<vmem>>, vector<512x512xf32>
    %get3A_18 = arith.constant 0 : index
    %get3A_19 = arith.constant 0 : index
    %get3A_20 = vector.load %arg6[%get3A_18, %get3A_19] : memref<512x512xf32, #tpu.memory_space<vmem>>, vector<512x512xf32>
    %get3A_21 = arith.constant 0 : index
    %get3A_22 = arith.constant 0 : index
    %get3A_23 = vector.load %arg7[%get3A_21, %get3A_22] : memref<512x512xf32, #tpu.memory_space<vmem>>, vector<512x512xf32>
    %get3A_24 = arith.constant 0 : index
    %get3A_25 = arith.constant 0 : index
    %get3A_26 = vector.load %arg8[%get3A_24, %get3A_25] : memref<512x512xf32, #tpu.memory_space<vmem>>, vector<512x512xf32>
    %get3A_27 = arith.constant 0 : index
    %get3A_28 = arith.constant 0 : index
    %get3A_29 = vector.load %arg9[%get3A_27, %get3A_28] : memref<512x512xf32, #tpu.memory_space<vmem>>, vector<512x512xf32>
    %mul3A = vector.broadcast %broadcast_in_dim3A : vector<1x512xf32> to vector<512x512xf32>
    %mul3A_30 = arith.mulf %get3A_5, %mul3A : vector<512x512xf32>
    %reduce_sum3A = arith.constant dense<0.000000e+00> : vector<512xf32>
    %reduce_sum3A_31 = vector.multi_reduction <add>, %mul3A_30, %reduce_sum3A [1] : vector<512x512xf32> to vector<512xf32>
    %broadcast_in_dim3A_32 = vector.shape_cast %reduce_sum3A_31 : vector<512xf32> to vector<512x1xf32>
    %mul3A_33 = vector.broadcast %broadcast_in_dim3A : vector<1x512xf32> to vector<512x512xf32>
    %mul3A_34 = arith.mulf %get3A_8, %mul3A_33 : vector<512x512xf32>
    %reduce_sum3A_35 = arith.constant dense<0.000000e+00> : vector<512xf32>
    %reduce_sum3A_36 = vector.multi_reduction <add>, %mul3A_34, %reduce_sum3A_35 [1] : vector<512x512xf32> to vector<512xf32>
    %broadcast_in_dim3A_37 = vector.shape_cast %reduce_sum3A_36 : vector<512xf32> to vector<512x1xf32>
    %mul3A_38 = vector.broadcast %broadcast_in_dim3A : vector<1x512xf32> to vector<512x512xf32>
    %mul3A_39 = arith.mulf %get3A_11, %mul3A_38 : vector<512x512xf32>
    %reduce_sum3A_40 = arith.constant dense<0.000000e+00> : vector<512xf32>
    %reduce_sum3A_41 = vector.multi_reduction <add>, %mul3A_39, %reduce_sum3A_40 [1] : vector<512x512xf32> to vector<512xf32>
    %broadcast_in_dim3A_42 = vector.shape_cast %reduce_sum3A_41 : vector<512xf32> to vector<512x1xf32>
    %mul3A_43 = vector.broadcast %broadcast_in_dim3A : vector<1x512xf32> to vector<512x512xf32>
    %mul3A_44 = arith.mulf %get3A_14, %mul3A_43 : vector<512x512xf32>
    %reduce_sum3A_45 = arith.constant dense<0.000000e+00> : vector<512xf32>
    %reduce_sum3A_46 = vector.multi_reduction <add>, %mul3A_44, %reduce_sum3A_45 [1] : vector<512x512xf32> to vector<512xf32>
    %broadcast_in_dim3A_47 = vector.shape_cast %reduce_sum3A_46 : vector<512xf32> to vector<512x1xf32>
    %mul3A_48 = vector.broadcast %broadcast_in_dim3A : vector<1x512xf32> to vector<512x512xf32>
    %mul3A_49 = arith.mulf %get3A_17, %mul3A_48 : vector<512x512xf32>
    %reduce_sum3A_50 = arith.constant dense<0.000000e+00> : vector<512xf32>
    %reduce_sum3A_51 = vector.multi_reduction <add>, %mul3A_49, %reduce_sum3A_50 [1] : vector<512x512xf32> to vector<512xf32>
    %broadcast_in_dim3A_52 = vector.shape_cast %reduce_sum3A_51 : vector<512xf32> to vector<512x1xf32>
    %mul3A_53 = vector.broadcast %broadcast_in_dim3A : vector<1x512xf32> to vector<512x512xf32>
    %mul3A_54 = arith.mulf %get3A_20, %mul3A_53 : vector<512x512xf32>
    %reduce_sum3A_55 = arith.constant dense<0.000000e+00> : vector<512xf32>
    %reduce_sum3A_56 = vector.multi_reduction <add>, %mul3A_54, %reduce_sum3A_55 [1] : vector<512x512xf32> to vector<512xf32>
    %broadcast_in_dim3A_57 = vector.shape_cast %reduce_sum3A_56 : vector<512xf32> to vector<512x1xf32>
    %mul3A_58 = vector.broadcast %broadcast_in_dim3A : vector<1x512xf32> to vector<512x512xf32>
    %mul3A_59 = arith.mulf %get3A_23, %mul3A_58 : vector<512x512xf32>
    %reduce_sum3A_60 = arith.constant dense<0.000000e+00> : vector<512xf32>
    %reduce_sum3A_61 = vector.multi_reduction <add>, %mul3A_59, %reduce_sum3A_60 [1] : vector<512x512xf32> to vector<512xf32>
    %broadcast_in_dim3A_62 = vector.shape_cast %reduce_sum3A_61 : vector<512xf32> to vector<512x1xf32>
    %mul3A_63 = vector.broadcast %broadcast_in_dim3A : vector<1x512xf32> to vector<512x512xf32>
    %mul3A_64 = arith.mulf %get3A_26, %mul3A_63 : vector<512x512xf32>
    %reduce_sum3A_65 = arith.constant dense<0.000000e+00> : vector<512xf32>
    %reduce_sum3A_66 = vector.multi_reduction <add>, %mul3A_64, %reduce_sum3A_65 [1] : vector<512x512xf32> to vector<512xf32>
    %broadcast_in_dim3A_67 = vector.shape_cast %reduce_sum3A_66 : vector<512xf32> to vector<512x1xf32>
    %mul3A_68 = vector.broadcast %broadcast_in_dim3A : vector<1x512xf32> to vector<512x512xf32>
    %mul3A_69 = arith.mulf %get3A_29, %mul3A_68 : vector<512x512xf32>
    %reduce_sum3A_70 = arith.constant dense<0.000000e+00> : vector<512xf32>
    %reduce_sum3A_71 = vector.multi_reduction <add>, %mul3A_69, %reduce_sum3A_70 [1] : vector<512x512xf32> to vector<512xf32>
    %broadcast_in_dim3A_72 = vector.shape_cast %reduce_sum3A_71 : vector<512xf32> to vector<512x1xf32>
    %max3A = arith.maximumf %broadcast_in_dim3A_32, %broadcast_in_dim3A_37 : vector<512x1xf32>
    %max3A_73 = arith.maximumf %max3A, %broadcast_in_dim3A_42 : vector<512x1xf32>
    %max3A_74 = arith.maximumf %max3A_73, %broadcast_in_dim3A_47 : vector<512x1xf32>
    %max3A_75 = arith.maximumf %max3A_74, %broadcast_in_dim3A_52 : vector<512x1xf32>
    %max3A_76 = arith.maximumf %max3A_75, %broadcast_in_dim3A_57 : vector<512x1xf32>
    %max3A_77 = arith.maximumf %max3A_76, %broadcast_in_dim3A_62 : vector<512x1xf32>
    %max3A_78 = arith.maximumf %max3A_77, %broadcast_in_dim3A_67 : vector<512x1xf32>
    %max3A_79 = arith.maximumf %max3A_78, %broadcast_in_dim3A_72 : vector<512x1xf32>
    %sub3A = arith.subf %broadcast_in_dim3A_32, %max3A_79 : vector<512x1xf32>
    %exp3A = math.exp %sub3A : vector<512x1xf32>
    %sub3A_80 = arith.subf %broadcast_in_dim3A_37, %max3A_79 : vector<512x1xf32>
    %exp3A_81 = math.exp %sub3A_80 : vector<512x1xf32>
    %sub3A_82 = arith.subf %broadcast_in_dim3A_42, %max3A_79 : vector<512x1xf32>
    %exp3A_83 = math.exp %sub3A_82 : vector<512x1xf32>
    %sub3A_84 = arith.subf %broadcast_in_dim3A_47, %max3A_79 : vector<512x1xf32>
    %exp3A_85 = math.exp %sub3A_84 : vector<512x1xf32>
    %sub3A_86 = arith.subf %broadcast_in_dim3A_52, %max3A_79 : vector<512x1xf32>
    %exp3A_87 = math.exp %sub3A_86 : vector<512x1xf32>
    %sub3A_88 = arith.subf %broadcast_in_dim3A_57, %max3A_79 : vector<512x1xf32>
    %exp3A_89 = math.exp %sub3A_88 : vector<512x1xf32>
    %sub3A_90 = arith.subf %broadcast_in_dim3A_62, %max3A_79 : vector<512x1xf32>
    %exp3A_91 = math.exp %sub3A_90 : vector<512x1xf32>
    %sub3A_92 = arith.subf %broadcast_in_dim3A_67, %max3A_79 : vector<512x1xf32>
    %exp3A_93 = math.exp %sub3A_92 : vector<512x1xf32>
    %sub3A_94 = arith.subf %broadcast_in_dim3A_72, %max3A_79 : vector<512x1xf32>
    %exp3A_95 = math.exp %sub3A_94 : vector<512x1xf32>
    %add3A = arith.addf %exp3A, %exp3A_81 : vector<512x1xf32>
    %add3A_96 = arith.addf %add3A, %exp3A_83 : vector<512x1xf32>
    %add3A_97 = arith.addf %add3A_96, %exp3A_85 : vector<512x1xf32>
    %add3A_98 = arith.addf %add3A_97, %exp3A_87 : vector<512x1xf32>
    %add3A_99 = arith.addf %add3A_98, %exp3A_89 : vector<512x1xf32>
    %add3A_100 = arith.addf %add3A_99, %exp3A_91 : vector<512x1xf32>
    %add3A_101 = arith.addf %add3A_100, %exp3A_93 : vector<512x1xf32>
    %add3A_102 = arith.addf %add3A_101, %exp3A_95 : vector<512x1xf32>
    %div3A = arith.constant 1.000000e+00 : f32
    %div3A_103 = vector.broadcast %div3A : f32 to vector<512x1xf32>
    %div3A_104 = arith.divf %div3A_103, %add3A_102 : vector<512x1xf32>
    %mul3A_105 = arith.mulf %exp3A, %div3A_104 : vector<512x1xf32>
    %mul3A_106 = vector.broadcast %mul3A_105 : vector<512x1xf32> to vector<512x512xf32>
    %mul3A_107 = arith.mulf %get3A_5, %mul3A_106 : vector<512x512xf32>
    %mul3A_108 = arith.mulf %exp3A_81, %div3A_104 : vector<512x1xf32>
    %mul3A_109 = vector.broadcast %mul3A_108 : vector<512x1xf32> to vector<512x512xf32>
    %mul3A_110 = arith.mulf %get3A_8, %mul3A_109 : vector<512x512xf32>
    %add3A_111 = arith.addf %mul3A_107, %mul3A_110 : vector<512x512xf32>
    %mul3A_112 = arith.mulf %exp3A_83, %div3A_104 : vector<512x1xf32>
    %mul3A_113 = vector.broadcast %mul3A_112 : vector<512x1xf32> to vector<512x512xf32>
    %mul3A_114 = arith.mulf %get3A_11, %mul3A_113 : vector<512x512xf32>
    %add3A_115 = arith.addf %add3A_111, %mul3A_114 : vector<512x512xf32>
    %mul3A_116 = arith.mulf %exp3A_85, %div3A_104 : vector<512x1xf32>
    %mul3A_117 = vector.broadcast %mul3A_116 : vector<512x1xf32> to vector<512x512xf32>
    %mul3A_118 = arith.mulf %get3A_14, %mul3A_117 : vector<512x512xf32>
    %add3A_119 = arith.addf %add3A_115, %mul3A_118 : vector<512x512xf32>
    %mul3A_120 = arith.mulf %exp3A_87, %div3A_104 : vector<512x1xf32>
    %mul3A_121 = vector.broadcast %mul3A_120 : vector<512x1xf32> to vector<512x512xf32>
    %mul3A_122 = arith.mulf %get3A_17, %mul3A_121 : vector<512x512xf32>
    %add3A_123 = arith.addf %add3A_119, %mul3A_122 : vector<512x512xf32>
    %mul3A_124 = arith.mulf %exp3A_89, %div3A_104 : vector<512x1xf32>
    %mul3A_125 = vector.broadcast %mul3A_124 : vector<512x1xf32> to vector<512x512xf32>
    %mul3A_126 = arith.mulf %get3A_20, %mul3A_125 : vector<512x512xf32>
    %add3A_127 = arith.addf %add3A_123, %mul3A_126 : vector<512x512xf32>
    %mul3A_128 = arith.mulf %exp3A_91, %div3A_104 : vector<512x1xf32>
    %mul3A_129 = vector.broadcast %mul3A_128 : vector<512x1xf32> to vector<512x512xf32>
    %mul3A_130 = arith.mulf %get3A_23, %mul3A_129 : vector<512x512xf32>
    %add3A_131 = arith.addf %add3A_127, %mul3A_130 : vector<512x512xf32>
    %mul3A_132 = arith.mulf %exp3A_93, %div3A_104 : vector<512x1xf32>
    %mul3A_133 = vector.broadcast %mul3A_132 : vector<512x1xf32> to vector<512x512xf32>
    %mul3A_134 = arith.mulf %get3A_26, %mul3A_133 : vector<512x512xf32>
    %add3A_135 = arith.addf %add3A_131, %mul3A_134 : vector<512x512xf32>
    %mul3A_136 = arith.mulf %exp3A_95, %div3A_104 : vector<512x1xf32>
    %mul3A_137 = vector.broadcast %mul3A_136 : vector<512x1xf32> to vector<512x512xf32>
    %mul3A_138 = arith.mulf %get3A_29, %mul3A_137 : vector<512x512xf32>
    %add3A_139 = arith.addf %add3A_135, %mul3A_138 : vector<512x512xf32>
    %swap3A = arith.constant 0 : index
    %swap3A_140 = arith.constant 0 : index
    %swap3A_141 = vector.load %arg11[%swap3A, %swap3A_140] : memref<512x512xf32, #tpu.memory_space<vmem>>, vector<512x512xf32>
    tpu.vector_store %arg11[%swap3A, %swap3A_140], %add3A_139 {strides = array<i32>} : memref<512x512xf32, #tpu.memory_space<vmem>>, vector<512x512xf32>,
    return
  }
  func.func @transform_0(%arg0: i32) -> (i32, i32) {
    %c0_i32 = arith.constant 0 : i32
    %c0_i32_0 = arith.constant 0 : i32
    return %arg0, %c0_i32 : i32, i32
  }
  func.func @transform_1(%arg0: i32) -> (i32, i32) {
    %c0_i32 = arith.constant 0 : i32
    %c0_i32_0 = arith.constant 0 : i32
    return %arg0, %c0_i32 : i32, i32
  }
  func.func @transform_2(%arg0: i32) -> (i32, i32) {
    %c0_i32 = arith.constant 0 : i32
    %c0_i32_0 = arith.constant 0 : i32
    return %arg0, %c0_i32 : i32, i32
  }
  func.func @transform_3(%arg0: i32) -> (i32, i32) {
    %c0_i32 = arith.constant 0 : i32
    %c0_i32_0 = arith.constant 0 : i32
    return %arg0, %c0_i32 : i32, i32
  }
  func.func @transform_4(%arg0: i32) -> (i32, i32) {
    %c0_i32 = arith.constant 0 : i32
    %c0_i32_0 = arith.constant 0 : i32
    return %arg0, %c0_i32 : i32, i32
  }
  func.func @transform_5(%arg0: i32) -> (i32, i32) {
    %c0_i32 = arith.constant 0 : i32
    %c0_i32_0 = arith.constant 0 : i32
    return %arg0, %c0_i32 : i32, i32
  }
  func.func @transform_6(%arg0: i32) -> (i32, i32) {
    %c0_i32 = arith.constant 0 : i32
    %c0_i32_0 = arith.constant 0 : i32
    return %arg0, %c0_i32 : i32, i32
  }
  func.func @transform_7(%arg0: i32) -> (i32, i32) {
    %c0_i32 = arith.constant 0 : i32
    %c0_i32_0 = arith.constant 0 : i32
    return %arg0, %c0_i32 : i32, i32
  }
  func.func @transform_8(%arg0: i32) -> (i32, i32) {
    %c0_i32 = arith.constant 0 : i32
    %c0_i32_0 = arith.constant 0 : i32
    return %arg0, %c0_i32 : i32, i32
  }
  func.func @transform_9(%arg0: i32) -> (i32, i32) {
    %c0_i32 = arith.constant 0 : i32
    %c0_i32_0 = arith.constant 0 : i32
    %c0_i32_1 = arith.constant 0 : i32
    return %c0_i32, %c0_i32_0 : i32, i32
  }
  func.func @transform_10(%arg0: i32) -> (i32, i32) {
    %c0_i32 = arith.constant 0 : i32
    %c0_i32_0 = arith.constant 0 : i32
    return %arg0, %c0_i32 : i32, i32
  }
}

</mosaic_0001>

<sc_bundles>
// kernel: kernel.4.cloned.1.call-start
scs
__scs_entry_jumppad:
0x0: {  	(pc) =	sbr.rel $0x88, $3  }
0x1: {  	(tag) =	ssettag $0x0;
	lr =	simm.s32 $0x1  }
0x2: {  	[smem:$0x3F97] =	sst lr;
	_ =	strace $0xD0000000  }
0x3: {  	_ = 	snop  }
0x4: {  	_ = 	snop  }
0x5: {  	_ = 	snop  }
0x6: {  	_ = 	snop  }
0x7: {  	_ = 	snop  }
__scs_overlays_trampoline_lowered:
0x8: {  	[smem:$0x3FA6] =	sst s0  }
0x9: {  	[smem:$0x3FA7] =	sst s1  }
0xa: {  	[smem:$0x3FA8] =	sst s2  }
0xb: {  	[smem:$0x3FA9] =	sst s3  }
0xc: {  	[smem:$0x3FAA] =	sst s4  }
0xd: {  	[smem:$0x3FAB] =	sst s5  }
0xe: {  	[smem:$0x3FAC] =	sst s6  }
0xf: {  	[smem:$0x3FAD] =	sst s7  }
0x10: {  	[smem:$0x3FAE] =	sst s8  }
0x11: {  	[smem:$0x3FAF] =	sst s9;
	s0 =	simm.s32 @!p0 $0x0  }
0x12: {  	s1 =	sld [smem:$0x3F95];
	s0 =	simm.s32 @p0 $0x1  }
0x13: {  	[smem:$0x3FB0] =	sst s0;
	s0 =	simm.s32 @!p1 $0x0  }
0x14: {  	s2 =	sld [smem:$0x3F94];
	s0 =	simm.s32 @p1 $0x1  }
0x15: {  	[smem:$0x3FB1] =	sst s0;
	s0 =	simm.s32 @!p2 $0x0  }
0x16: {  	s3 =	sld [smem:$0x3FDB];
	s0 =	simm.s32 @p2 $0x1  }
0x17: {  	s4 =	simm.s32 $0x1BF5;
	[smem:$0x3FB3] =	sst s0  }
0x18: {  	s0 =	sld [smem:$0x3F96];
	_ =	swait.ge [sflag:s4], $0x0  }
0x19: {  	s7 =	sld [smem:$0x3F97]  }
0x1a: {  	s8 =	sadd.s32 $0xFFFFE003, lr  }
0x1b: {  	s9 =	sadd.s32 $0xFFFFFEF7, lr;
	s5 =	simm.s32 $0xFFFFFFFF;
	p2 =	slt.u32 s8, $0xFFFFF086  }
0x1c: {  	p1 =	slt.u32 s9, $0xF7A;
	s5 =	simm.s32 @!p2 $0x0  }
0x1d: {  	s5 =	simm.s32 @p1 $0x1;
	p0 =	seq.s32 s7, s2  }
0x1e: {  	s7 =	smul.u32 @!p0 $0xF7A, s2;
	p2 =	seq.s32 @!p0 s5, $0x0  }
0x1f: {  	s9 =	smul.u32 $0xF7A, s1;
	s8 =	simm.s32 @!p0 $0x1BF5;
	p2 =	por !p2, p0  }
0x20: {  	[sflag:s8] =	ssyncset.s32 @!p0 $0xFFFFF086;
	s6 =	sadd.s32 @!p0 s3, s7;
	s7 =	simm.s32 @!p0 $0x108  }
0x21: {  	s3 =	sadd.s32 s3, s9;
	s6 =	sadd.s32 @!p0 $0x88, s6;
	s7 =	simm.s32 @p2 $0x1082  }
0x22: {  	[simem:s7], [sflag:s8] =	dma.local @!p0 [hbm:s6], $0xF7A  }
0x23: {  	s9 =	sor.u32 $0xD0000000, s2;
	s6 =	simm.s32 $0x108;
	_ =	swait.ge @!p0 [sflag:s8], $0x0  }
0x24: {  	s3 =	sadd.s32 $0x88, s3;
	s6 =	simm.s32 @!p1 $0x1082;
	[sflag:s4] =	ssyncset.s32 $0xFFFFF086  }
0x25: {  	[simem:s6], [sflag:s4] =	dma.local [hbm:s3], $0xF7A  }
0x26: {  	[smem:$0x3F97] =	sst s1;
	(tag) =	ssettag s2;
	_ =	strace s9  }
0x27: {  	s1 =	sld [smem:$0x3FA7]  }
0x28: {  	s2 =	sld [smem:$0x3FA8]  }
0x29: {  	s4 =	sld [smem:$0x3FAA]  }
0x2a: {  	p0 =	seq.s32 s5, $0x0;
	s5 =	sld [smem:$0x3FAB]  }
0x2b: {  	s6 =	sld [smem:$0x3FAC]  }
0x2c: {  	s7 =	sld [smem:$0x3FAD]  }
0x2d: {  	s3 =	simm.s32 $0x108;
	s8 =	sld [smem:$0x3FAE]  }
0x2e: {  	s3 =	simm.s32 @!p0 $0x1082;
	s9 =	sld [smem:$0x3FAF]  }
0x2f: {  	lr =	sadd.s32 s0, s3;
	s0 =	sld [smem:$0x3FA6]  }
0x30: {  	s3 =	sld [smem:$0x3FA9]  }
0x31: {  	[smem:$0x3FB2] =	sst s10  }
0x32: {  	s10 =	sld [smem:$0x3FB0];
	_ =	sdelay $0x3  }
0x33: {  	p0 =	seq.s32 s10, $0x1;
	s10 =	sld [smem:$0x3FB2];
	_ =	sdelay $0x3  }
0x34: {  	[smem:$0x3FB2] =	sst s10  }
0x35: {  	s10 =	sld [smem:$0x3FB1];
	_ =	sdelay $0x3  }
0x36: {  	p1 =	seq.s32 s10, $0x1;
	s10 =	sld [smem:$0x3FB2];
	_ =	sdelay $0x3  }
0x37: {  	[smem:$0x3FB2] =	sst s10  }
0x38: {  	s10 =	sld [smem:$0x3FB3]  }
0x39: {  	_ = 	snop;
	(pc) =	sbr.ind lr, $3  }
0x3a: {  	_ = 	snop  }
0x3b: {  	_ = 	snop  }
0x3c: {  	p2 =	seq.s32 s10, $0x1;
	s10 =	sld [smem:$0x3FB2]  }
0x3d: {  	_ =	shalt  }
0x3e: {  	_ =	shalt  }
0x3f: {  	_ =	shalt  }
0x40: {  	_ =	shalt  }
0x41: {  	_ =	shalt  }
0x42: {  	_ =	shalt  }
0x43: {  	_ =	shalt  }
0x44: {  	_ =	shalt  }
0x45: {  	_ =	shalt  }
0x46: {  	_ =	shalt  }
0x47: {  	_ =	shalt  }
0x48: {  	_ =	shalt  }
0x49: {  	_ =	shalt  }
0x4a: {  	_ =	shalt  }
0x4b: {  	_ =	shalt  }
0x4c: {  	_ =	shalt  }
0x4d: {  	_ =	shalt  }
0x4e: {  	_ =	shalt  }
0x4f: {  	_ =	shalt  }
0x50: {  	_ =	shalt  }
0x51: {  	_ =	shalt  }
0x52: {  	_ =	shalt  }
0x53: {  	_ =	shalt  }
0x54: {  	_ =	shalt  }
0x55: {  	_ =	shalt  }
0x56: {  	_ =	shalt  }
0x57: {  	_ =	shalt  }
0x58: {  	_ =	shalt  }
0x59: {  	_ =	shalt  }
0x5a: {  	_ =	shalt  }
0x5b: {  	_ =	shalt  }
0x5c: {  	_ =	shalt  }
0x5d: {  	_ =	shalt  }
0x5e: {  	_ =	shalt  }
0x5f: {  	_ =	shalt  }
0x60: {  	_ =	shalt  }
0x61: {  	_ =	shalt  }
0x62: {  	_ =	shalt  }
0x63: {  	_ =	shalt  }
0x64: {  	_ =	shalt  }
0x65: {  	_ =	shalt  }
0x66: {  	_ =	shalt  }
0x67: {  	_ =	shalt  }
0x68: {  	_ =	shalt  }
0x69: {  	_ =	shalt  }
0x6a: {  	_ =	shalt  }
0x6b: {  	_ =	shalt  }
0x6c: {  	_ =	shalt  }
0x6d: {  	_ =	shalt  }
0x6e: {  	_ =	shalt  }
0x6f: {  	_ =	shalt  }
0x70: {  	_ =	shalt  }
0x71: {  	_ =	shalt  }
0x72: {  	_ =	shalt  }
0x73: {  	_ =	shalt  }
0x74: {  	_ =	shalt  }
0x75: {  	_ =	shalt  }
0x76: {  	_ =	shalt  }
0x77: {  	_ =	shalt  }
0x78: {  	_ =	shalt  }
0x79: {  	_ =	shalt  }
0x7a: {  	_ =	shalt  }
0x7b: {  	_ =	shalt  }
0x7c: {  	_ =	shalt  }
0x7d: {  	_ =	shalt  }
0x7e: {  	_ =	shalt  }
0x7f: {  	_ =	shalt  }
0x80: {  	_ =	shalt  }
0x81: {  	_ =	shalt  }
0x82: {  	_ =	shalt  }
0x83: {  	_ =	shalt  }
0x84: {  	_ =	shalt  }
0x85: {  	_ =	shalt  }
0x86: {  	_ =	shalt  }
0x87: {  	_ =	shalt  }
.Lfunc_end0:
.L_simem_size_0:
called_computation_lowered:
.L_overlay_start_0:
0x88: {  	s2 =	sld [smem:$0x3FD9]  }
0x89: {  	s3 =	sld [smem:$0x3FFE];
	_ =	sdelay $0x1  }
0x8a: {  	s1 =	srdreg.scid  }
0x8b: {  	s0 =	sand.u32 $0x1, s1  }
0x8c: {  	s17 =	sshll.u32 s0, $0xA;
	s2 =	sadd.s32 s3, s2  }
0x8d: {  	s2 =	sadd.s32 s2, s17  }
0x8e: {  	[smem:$0x3FBE] =	sst s2  }
0x8f: {  	_ = 	snop  }
0x90: {  	s2 =	sld [smem:$0x3FC9]  }
0x91: {  	s18 =	sld [smem:$0x3FC8]  }
0x92: {  	s4 =	sld [smem:$0x3FC7]  }
0x93: {  	s5 =	sld [smem:$0x3FC6]  }
0x94: {  	s6 =	sld [smem:$0x3FC5]  }
0x95: {  	s7 =	sld [smem:$0x3FC4]  }
0x96: {  	s8 =	sld [smem:$0x3FC3]  }
0x97: {  	s9 =	sld [smem:$0x3FC2]  }
0x98: {  	s10 =	sld [smem:$0x3FC1]  }
0x99: {  	s11 =	sld [smem:$0x3FC0];
	(tm) =	ssettm $0x1  }
0x9a: {  	s12 =	sld [smem:$0x3FFB];
	_ =	sdelay $0x3  }
0x9b: {  	_ =	strace s12  }
0x9c: {  	s12 =	sld [smem:$0x3FFC];
	_ =	sdelay $0x3  }
0x9d: {  	_ =	strace s12  }
0x9e: {  	s12 =	sld [smem:$0x3FFD];
	_ =	sdelay $0x3  }
0x9f: {  	_ =	strace s12  }
0xa0: {  	_ =	strace $0x8FFFFFFF  }
0xa1: {  	s19 =	sld [smem:$0x3FDB];
	_ =	sdelay $0x1  }
0xa2: {  	s13 =	simm.s32 $_scs_section_size  }
0xa3: {  	s14 =	simm.s32 $_size__tile_overlayer_lowered;
	s15 =	simm.s32 $_tile_overlayer_lowered  }
0xa4: {  	s22 =	simm.s32 $0x1BFF;
	s21 =	sshll.u32 s15, $0x1;
	s12 =	sadd.s32 s13, s19  }
0xa5: {  	s16 =	simm.s32 $0x0;
	s20 =	sshll.u32 s14, $0x1;
	s14 =	sadd.s32 s21, s12  }
0xa6: {  	[timem:s16], [sflag:s22] =	dma.local [hbm:s14], s20  }
0xa7: {  	_ =	swait.ge [sflag:s22], s20  }
0xa8: {  	s13 =	ssub.s32 $0x0, s20;
	[sflag:s22] =	ssyncset.done $0x0  }
0xa9: {  	[sflag:s22] =	ssyncadd.s32 s13;
	_ =	sdelay $0x1  }
0xaa: {  	s23 =	simm.s32 $0x1B8B  }
0xab: {  	_ =	swait.ge [sflag:s23], $0x1  }
0xac: {  	[sflag:s23] =	ssyncset.done $0x0  }
0xad: {  	s25 =	simm.s32 $0x1B8E;
	s24 =	sld [smem:$0x3FFE];
	[sflag:s23] =	ssyncadd.s32 $0xFFFFFFFF  }
0xae: {  	s26 =	simm.s32 $execute0_lowered;
	[smem:$0x3FD2] =	sst s25  }
0xaf: {  	s14 =	sshll.u32 s26, $0x1;
	_ =	strace $0x80000046;
	[dreg:$0x1] =	wrdreg $0xFFFFFFFF  }
0xb0: {  	s28 =	simm.s32 $_size_execute0_lowered;
	s12 =	sadd.s32 s12, s14;
	[dreg:$0x0] =	wrdreg $0x0  }
0xb1: {  	s14 =	sshll.u32 s28, $0x1;
	[dreg:$0x2] =	wrdreg s12  }
0xb2: {  	[dreg:$0x3] =	wrdreg s14  }
0xb3: {  	[dreg:$0x4] =	wrdreg $0xC0  }
0xb4: {  	_ =	task [dreg:s16], $0x5FFFF  }
0xb5: {  	[dreg:$0x1] =	wrdreg $0xFFFFFFFF  }
0xb6: {  	[dreg:$0x0] =	wrdreg $0x60  }
0xb7: {  	[dreg:$0x2] =	wrdreg s2  }
0xb8: {  	[dreg:$0x3] =	wrdreg s18  }
0xb9: {  	[dreg:$0x4] =	wrdreg s4  }
0xba: {  	[dreg:$0x5] =	wrdreg s5  }
0xbb: {  	[dreg:$0x6] =	wrdreg s6  }
0xbc: {  	[dreg:$0x7] =	wrdreg s7  }
0xbd: {  	[dreg:$0x8] =	wrdreg s8  }
0xbe: {  	[dreg:$0x9] =	wrdreg s9  }
0xbf: {  	[dreg:$0xa] =	wrdreg s10  }
0xc0: {  	[dreg:$0xb] =	wrdreg s11  }
0xc1: {  	[dreg:$0xc] =	wrdreg s24  }
0xc2: {  	[dreg:$0xd] =	wrdreg $0x9  }
0xc3: {  	_ =	task.clear_ibuf [dreg:s16], $0xEFFFF;
	_ =	strace $0x90000046  }
0xc4: {  	s29 =	simm.s32 $0x9;
	_ =	strace $0x80000048  }
0xc5: {  	_ =	swait.ge [sflag:s29], $0x1  }
0xc6: {  	[sflag:s29] =	ssyncadd.s32 $0xFFFFFFFF  }
0xc7: {  	_ =	strace $0x90000048  }
0xc8: {  	_ =	sfence  }
0xc9: {  	s30 =	sld [smem:$0x0];
	_ =	sdelay $0x2  }
0xca: {  	s31 =	sshll.u32 s1, $0xD;
	s1 =	sshrl.u32 s1, $0x2  }
0xcb: {  	s3 =	sand.u32 $0x4000, s31;
	s1 =	sadd.s32 s1, s30  }
0xcc: {  	s0 =	sor.u32 s3, s0;
	s1 =	sshll.u32 s1, $0x11  }
0xcd: {  	s0 =	sor.u32 s1, s0  }
0xce: {  	s0 =	sadd.s32 $0x8F2B, s0  }
0xcf: {  	[sflag:s0] =	ssyncadd.remote.s32 $0x1  }
0xd0: {  	_ =	sfence.sel $0xFFFF  }
0xd1: {  	[dreg:$0x0] =	wrdreg $0xFFFFFFFF;
	(pc) =	sbr.abs _section_cstart, $3  }
0xd2: {  	[dreg:$0x1] =	wrdreg $0xFFFFFFFF  }
0xd3: {  	_ =	task.clear_ibuf [dreg:s16], $0x2FFFF;
	_ =	strace $0x9FFFFFFF  }
0xd4: {  	(tm) =	ssettm $0x7FFFFFFF  }
0xd5: {  	_ =	shalt  }
tec
execute0_lowered:
.L_overlay_start_1:
0x0: {  	(tag) =	ssettag $0x1  }
0x1: {  	s30 =	rddreg [dreg:$0x0]  }
0x2: {  	s31 =	rddreg [dreg:$0x1]  }
0x3: {  	s2 =	rddreg [dreg:$0x2]  }
0x4: {  	s3 =	rddreg [dreg:$0x3]  }
0x5: {  	s4 =	rddreg [dreg:$0x4]  }
0x6: {  	s5 =	rddreg [dreg:$0x5]  }
0x7: {  	s7 =	rddreg [dreg:$0x6]  }
0x8: {  	s0 =	srdreg.scid;
	s1 =	stileid.u32  }
0x9: {  	s8 =	rddreg [dreg:$0x7];
	s0 =	sand.u32 $0x1, s0;
	s1 =	sshll.u32 s1, $0x1  }
0xa: {  	s9 =	rddreg [dreg:$0x8];
	s12 =	simm.s32 $0x0;
	s1 =	sor.u32 s0, s1  }
0xb: {  	[smem:$0x7FF] =	sst s12;
	s0 =	ssub.s32 $0x2, s0;
	s10 =	smul.u32 $0x70, s1  }
0xc: {  	s6 =	rddreg [dreg:$0xa];
	_ =	strace $0x80000047;
	s19 =	sshrl.u32 s0, $0x1  }
0xd: {  	s0 =	ssub.s32 s0, s19;
	[dreg:$0xc] =	wrdreg s10;
	s10 =	sadd.s32 $0x3200, s10  }
0xe: {  	s0 =	smax.u32 s0, $0x1;
	[dreg:$0xd] =	wrdreg s10;
	s20 =	sshll.u32 s10, $0x6  }
0xf: {  	[dreg:$0x17] =	wrdreg s0;
	s21 =	sadd.s32 s30, s20  }
0x10: {  	s22 =	sadd.s32 s31, s20;
	[dreg:$0xe] =	wrdreg s21  }
0x11: {  	s2 =	sadd.s32 s2, s20;
	[dreg:$0xf] =	wrdreg s22  }
0x12: {  	s23 =	sadd.s32 s3, s20;
	[dreg:$0x10] =	wrdreg s2  }
0x13: {  	s24 =	sadd.s32 s4, s20;
	[dreg:$0x11] =	wrdreg s23  }
0x14: {  	s25 =	sadd.s32 s5, s20;
	[dreg:$0x12] =	wrdreg s24  }
0x15: {  	s26 =	sadd.s32 s7, s20;
	[dreg:$0x13] =	wrdreg s25  }
0x16: {  	s28 =	simm.s32 $0x1;
	s29 =	sadd.s32 s8, s20;
	[dreg:$0x14] =	wrdreg s26  }
0x17: {  	s18 =	simm.s32 $0x2;
	s1 =	sadd.s32 s9, s20;
	[dreg:$0x15] =	wrdreg s29  }
0x18: {  	s15 =	sadd.s32 $0x600, s6;
	[dreg:$0x16] =	wrdreg s1;
	s2 =	simm.s32 $0x0  }
.LBB2_1:
0x19: {  	[dreg:$0x18] =	wrdreg s2  }
0x1a: {  	s0 =	rddreg [dreg:$0x9];
	s1 =	simm.s32 $0x12000;
	s7 =	simm.s32 $0x5  }
0x1b: {  	[tilespmem:s1], [sflag:$0x5] =	stream.linear.gather [hbm4b:s0+s12], $0x200, $0x38;
	[tilespmem:$0x14200] =	vst v63  }
0x1c: {  	_ =	swait.ge [sflag:s7], $0x200  }
0x1d: {  	[sflag:s7] =	ssyncset.done $0x0  }
0x1e: {  	s8 =	rddreg [dreg:$0xe];
	[sflag:s7] =	ssyncadd.s32 $0xFFFFFE00  }
0x1f: {  	[tilespmem:s12], [sflag:$0x1] =	stream.linear.gather [hbm4b:s8+s12], $0x1000, $0x38;
	[tilespmem:$0x14200] =	vst v63  }
0x20: {  	s10 =	simm.s32 $0x1000;
	s9 =	rddreg [dreg:$0xf]  }
0x21: {  	[tilespmem:s10], [sflag:$0x1] =	stream.linear.gather [hbm4b:s9+s12], $0x1000, $0x38;
	[tilespmem:$0x14200] =	vst v63  }
0x22: {  	s13 =	simm.s32 $0x2000;
	s11 =	rddreg [dreg:$0x10]  }
0x23: {  	[tilespmem:s13], [sflag:$0x1] =	stream.linear.gather [hbm4b:s11+s12], $0x1000, $0x38;
	[tilespmem:$0x14200] =	vst v63  }
0x24: {  	s16 =	simm.s32 $0x3000;
	s14 =	rddreg [dreg:$0x11]  }
0x25: {  	[tilespmem:s16], [sflag:$0x1] =	stream.linear.gather [hbm4b:s14+s12], $0x1000, $0x38;
	[tilespmem:$0x14200] =	vst v63  }
0x26: {  	s19 =	simm.s32 $0x4000;
	s17 =	rddreg [dreg:$0x12]  }
0x27: {  	[tilespmem:s19], [sflag:$0x1] =	stream.linear.gather [hbm4b:s17+s12], $0x1000, $0x38;
	[tilespmem:$0x14200] =	vst v63  }
0x28: {  	s21 =	simm.s32 $0x5000;
	s20 =	rddreg [dreg:$0x13]  }
0x29: {  	[tilespmem:s21], [sflag:$0x1] =	stream.linear.gather [hbm4b:s20+s12], $0x1000, $0x38;
	[tilespmem:$0x14200] =	vst v63  }
0x2a: {  	s23 =	simm.s32 $0x6000;
	s22 =	rddreg [dreg:$0x14]  }
0x2b: {  	[tilespmem:s23], [sflag:$0x1] =	stream.linear.gather [hbm4b:s22+s12], $0x1000, $0x38;
	[tilespmem:$0x14200] =	vst v63  }
0x2c: {  	s25 =	simm.s32 $0x7000;
	s24 =	rddreg [dreg:$0x15]  }
0x2d: {  	[tilespmem:s25], [sflag:$0x1] =	stream.linear.gather [hbm4b:s24+s12], $0x1000, $0x38;
	[tilespmem:$0x14200] =	vst v63  }
0x2e: {  	s29 =	simm.s32 $0x8000;
	s26 =	rddreg [dreg:$0x16];
	s20 =	simm.s32 $0x0  }
0x2f: {  	[tilespmem:s29], [sflag:$0x1] =	stream.linear.gather [hbm4b:s26+s12], $0x1000, $0x38;
	[tilespmem:$0x14200] =	vst v63  }
.LBB2_2:
0x30: {  	s22 =	sshll.u32 s20, $0x4;
	s0 =	rddreg [dreg:$0xd]  }
0x31: {  	s21 =	sadd.s32 s0, s22  }
0x32: {  	s0 =	sshll.u32 s21, $0x6  }
0x33: {  	s0 =	sand.u32 $0x1FFFFC00, s0  }
0x34: {  	s0 =	sor.u32 $0x200, s0  }
0x35: {  	s2 =	simm.s32 $0x9000;
	s1 =	sadd.s32 s30, s0  }
0x36: {  	[tilespmem:s2], [sflag:$0x2] =	stream.linear.gather [hbm4b:s1+s12], $0x1000, $0x38;
	[tilespmem:$0x14200] =	vst v63  }
0x37: {  	s4 =	simm.s32 $0xA000;
	s5 =	rddreg [dreg:$0x2];
	s3 =	sadd.s32 s31, s0  }
0x38: {  	[tilespmem:s4], [sflag:$0x2] =	stream.linear.gather [hbm4b:s3+s12], $0x1000, $0x38;
	[tilespmem:$0x14200] =	vst v63  }
0x39: {  	s6 =	simm.s32 $0xB000;
	s7 =	rddreg [dreg:$0x3];
	s1 =	sadd.s32 s5, s0  }
0x3a: {  	[tilespmem:s6], [sflag:$0x2] =	stream.linear.gather [hbm4b:s1+s12], $0x1000, $0x38;
	[tilespmem:$0x14200] =	vst v63  }
0x3b: {  	s8 =	simm.s32 $0xC000;
	s9 =	rddreg [dreg:$0x4];
	s1 =	sadd.s32 s7, s0  }
0x3c: {  	[tilespmem:s8], [sflag:$0x2] =	stream.linear.gather [hbm4b:s1+s12], $0x1000, $0x38;
	[tilespmem:$0x14200] =	vst v63  }
0x3d: {  	s10 =	simm.s32 $0xD000;
	s11 =	rddreg [dreg:$0x5];
	s1 =	sadd.s32 s9, s0  }
0x3e: {  	[tilespmem:s10], [sflag:$0x2] =	stream.linear.gather [hbm4b:s1+s12], $0x1000, $0x38;
	[tilespmem:$0x14200] =	vst v63  }
0x3f: {  	s16 =	simm.s32 $0xE000;
	s17 =	rddreg [dreg:$0x6];
	s1 =	sadd.s32 s11, s0  }
0x40: {  	[tilespmem:s16], [sflag:$0x2] =	stream.linear.gather [hbm4b:s1+s12], $0x1000, $0x38;
	[tilespmem:$0x14200] =	vst v63  }
0x41: {  	s19 =	simm.s32 $0xF000;
	s23 =	rddreg [dreg:$0x7];
	s1 =	sadd.s32 s17, s0  }
0x42: {  	[tilespmem:s19], [sflag:$0x2] =	stream.linear.gather [hbm4b:s1+s12], $0x1000, $0x38;
	[tilespmem:$0x14200] =	vst v63  }
0x43: {  	s24 =	simm.s32 $0x10000;
	s25 =	rddreg [dreg:$0x8];
	s1 =	sadd.s32 s23, s0  }
0x44: {  	[tilespmem:s24], [sflag:$0x2] =	stream.linear.gather [hbm4b:s1+s12], $0x1000, $0x38;
	[tilespmem:$0x14200] =	vst v63  }
0x45: {  	s26 =	simm.s32 $0x11000;
	s0 =	sadd.s32 s25, s0  }
0x46: {  	[tilespmem:s26], [sflag:$0x2] =	stream.linear.gather [hbm4b:s0+s12], $0x1000, $0x38;
	[tilespmem:$0x14200] =	vst v63  }
0x47: {  	_ =	swait.ge [sflag:s28], $0x1000  }
0x48: {  	[sflag:s28] =	ssyncset.done $0x0  }
0x49: {  	[sflag:s28] =	ssyncadd.s32 $0xFFFFF000  }
0x4a: {  	_ =	swait.ge [sflag:s28], $0x1000  }
0x4b: {  	[sflag:s28] =	ssyncset.done $0x0  }
0x4c: {  	[sflag:s28] =	ssyncadd.s32 $0xFFFFF000  }
0x4d: {  	_ =	swait.ge [sflag:s28], $0x1000  }
0x4e: {  	[sflag:s28] =	ssyncset.done $0x0  }
0x4f: {  	[sflag:s28] =	ssyncadd.s32 $0xFFFFF000  }
0x50: {  	_ =	swait.ge [sflag:s28], $0x1000  }
0x51: {  	[sflag:s28] =	ssyncset.done $0x0  }
0x52: {  	[sflag:s28] =	ssyncadd.s32 $0xFFFFF000  }
0x53: {  	_ =	swait.ge [sflag:s28], $0x1000  }
0x54: {  	[sflag:s28] =	ssyncset.done $0x0  }
0x55: {  	[sflag:s28] =	ssyncadd.s32 $0xFFFFF000  }
0x56: {  	_ =	swait.ge [sflag:s28], $0x1000  }
0x57: {  	[sflag:s28] =	ssyncset.done $0x0  }
0x58: {  	[sflag:s28] =	ssyncadd.s32 $0xFFFFF000  }
0x59: {  	_ =	swait.ge [sflag:s28], $0x1000  }
0x5a: {  	[sflag:s28] =	ssyncset.done $0x0  }
0x5b: {  	[sflag:s28] =	ssyncadd.s32 $0xFFFFF000  }
0x5c: {  	_ =	swait.ge [sflag:s28], $0x1000  }
0x5d: {  	s13 =	smov.u32 s30;
	s14 =	smov.u32 s31;
	[sflag:s28] =	ssyncset.done $0x0  }
0x5e: {  	p0 =	seq.s32 s20, $0x0;
	s29 =	simm.s32 $0x5040;
	[sflag:s28] =	ssyncadd.s32 $0xFFFFF000  }
0x5f: {  	s30 =	simm.s32 $0x4040;
	s31 =	simm.s32 $0x3040;
	_ =	swait.ge [sflag:s28], $0x1000  }
0x60: {  	s6 =	simm.s32 $0x1040;
	s10 =	simm.s32 $0x2040;
	[sflag:s28] =	ssyncset.done $0x0  }
0x61: {  	s11 =	simm.s32 $0x40;
	s0 =	simm.s32 @!p0 $0x3;
	[sflag:s28] =	ssyncadd.s32 $0xFFFFF000  }
0x62: {  	s17 =	simm.s32 $0x7040;
	s23 =	smin.u32 s21, $0x3FE8;
	_ =	swait.ge @!p0 [sflag:s0], $0x1000  }
0x63: {  	s25 =	simm.s32 $0x8040;
	s19 =	simm.s32 $0x6040;
	[sflag:s0] =	ssyncset.done @!p0 $0x0  }
0x64: {  	s24 =	simm.s32 $0x0;
	s26 =	simm.s32 $0x12240;
	[sflag:s0] =	ssyncadd.s32 @!p0 $0xFFFFF000  }
.LBB2_3:
0x65: {  	s0 =	simm.s32 $0x12040  }
0x66: {  	v9 =	vld [tilespmem:s0+$0x30]  }
0x67: {  	v10 =	vld [tilespmem:s0+$0x20]  }
0x68: {  	v11 =	vld [tilespmem:s0+$0x10]  }
0x69: {  	v62 =	vmov s11;
	v12 =	vld [tilespmem:s0+$0x0]  }
0x6a: {  	v3 =	vmov s6;
	v15 =	vld [tilespmem:s0+$0xFFFFFFF0]  }
0x6b: {  	v6 =	vmov s10;
	v23 =	vld [tilespmem:s0+$0xFFFFFFC0]  }
0x6c: {  	v4 =	vmov s31;
	v21 =	vld [tilespmem:s0+$0xFFFFFFD0]  }
0x6d: {  	v63 =	vmov s30;
	s16 =	simm.s32 $0x0;
	v20 =	vld [tilespmem:s0+$0xFFFFFFE0]  }
0x6e: {  	v0 =	vmov s29;
	v7 =	vld.idx.msk [tilespmem:v62+s16+$0x30 ss:$0x1], $0xffff  }
0x6f: {  	v1 =	vmov s19;
	v8 =	vld.idx.msk [tilespmem:v3+s16+$0x30 ss:$0x1], $0xffff  }
0x70: {  	v13 =	vld.idx.msk [tilespmem:v6+s16+$0x30 ss:$0x1], $0xffff  }
0x71: {  	v14 =	vld.idx.msk [tilespmem:v4+s16+$0x30 ss:$0x1], $0xffff  }
0x72: {  	v16 =	vld.idx.msk [tilespmem:v63+s16+$0x30 ss:$0x1], $0xffff  }
0x73: {  	v17 =	vld.idx.msk [tilespmem:v0+s16+$0x30 ss:$0x1], $0xffff  }
0x74: {  	v18 =	vld.idx.msk [tilespmem:v1+s16+$0x30 ss:$0x1], $0xffff  }
0x75: {  	v19 =	vld.idx.msk [tilespmem:v62+s16+$0x20 ss:$0x1], $0xffff  }
0x76: {  	v22 =	vld.idx.msk [tilespmem:v3+s16+$0x20 ss:$0x1], $0xffff  }
0x77: {  	v24 =	vld.idx.msk [tilespmem:v6+s16+$0x20 ss:$0x1], $0xffff  }
0x78: {  	v29 =	vld.idx.msk [tilespmem:v4+s16+$0x20 ss:$0x1], $0xffff  }
0x79: {  	v30 =	vld.idx.msk [tilespmem:v63+s16+$0x20 ss:$0x1], $0xffff  }
0x7a: {  	v31 =	vld.idx.msk [tilespmem:v0+s16+$0x20 ss:$0x1], $0xffff  }
0x7b: {  	v32 =	vld.idx.msk [tilespmem:v1+s16+$0x20 ss:$0x1], $0xffff  }
0x7c: {  	v33 =	vld.idx.msk [tilespmem:v62+s16+$0x10 ss:$0x1], $0xffff  }
0x7d: {  	v38 =	vld.idx.msk [tilespmem:v3+s16+$0x10 ss:$0x1], $0xffff  }
0x7e: {  	v39 =	vld.idx.msk [tilespmem:v6+s16+$0x10 ss:$0x1], $0xffff  }
0x7f: {  	v40 =	vld.idx.msk [tilespmem:v4+s16+$0x10 ss:$0x1], $0xffff  }
0x80: {  	v41 =	vld.idx.msk [tilespmem:v63+s16+$0x10 ss:$0x1], $0xffff  }
0x81: {  	v46 =	vld.idx.msk [tilespmem:v0+s16+$0x10 ss:$0x1], $0xffff  }
0x82: {  	v47 =	vld.idx.msk [tilespmem:v1+s16+$0x10 ss:$0x1], $0xffff  }
0x83: {  	v48 =	vld.idx.msk [tilespmem:v62+s16+$0x0 ss:$0x1], $0xffff  }
0x84: {  	v49 =	vld.idx.msk [tilespmem:v3+s16+$0x0 ss:$0x1], $0xffff  }
0x85: {  	v50 =	vld.idx.msk [tilespmem:v6+s16+$0x0 ss:$0x1], $0xffff  }
0x86: {  	v51 =	vld.idx.msk [tilespmem:v4+s16+$0x0 ss:$0x1], $0xffff  }
0x87: {  	v52 =	vld.idx.msk [tilespmem:v63+s16+$0x0 ss:$0x1], $0xffff  }
0x88: {  	v34 =	vld.idx.msk [tilespmem:v62+s16+$0xFFFFFFC0 ss:$0x1], $0xffff  }
0x89: {  	v53 =	vld.idx.msk [tilespmem:v0+s16+$0x0 ss:$0x1], $0xffff;
	v54 =	vmul.f32 v7, v9;
	v27 =	vmul.f32 v8, v9  }
0x8a: {  	v37 =	vld.idx.msk [tilespmem:v62+s16+$0xFFFFFFD0 ss:$0x1], $0xffff;
	v28 =	vmul.f32 v13, v9;
	v5 =	vmul.f32 v14, v9  }
0x8b: {  	v55 =	vld.idx.msk [tilespmem:v3+s16+$0xFFFFFFF0 ss:$0x1], $0xffff;
	v26 =	vmul.f32 v16, v9;
	v2 =	vmul.f32 v17, v9  }
0x8c: {  	v56 =	vld.idx.msk [tilespmem:v6+s16+$0xFFFFFFE0 ss:$0x1], $0xffff;
	v8 =	vmul.f32 v19, v10;
	v59 =	vmul.f32 v18, v9  }
0x8d: {  	v61 =	vld.idx.msk [tilespmem:v6+s16+$0xFFFFFFD0 ss:$0x1], $0xffff;
	v16 =	vmul.f32 v34, v23;
	v35 =	vmul.f32 v22, v10  }
0x8e: {  	v7 =	vld.idx.msk [tilespmem:v62+s16+$0xFFFFFFE0 ss:$0x1], $0xffff;
	v36 =	vmul.f32 v24, v10;
	v34 =	vmul.f32 v29, v10  }
0x8f: {  	v22 =	vld.idx.msk [tilespmem:v62+s16+$0xFFFFFFF0 ss:$0x1], $0xffff;
	v29 =	vmul.f32 v37, v21;
	v37 =	vmul.f32 v30, v10  }
0x90: {  	v30 =	vld.idx.msk [tilespmem:v6+s16+$0xFFFFFFF0 ss:$0x1], $0xffff;
	v17 =	vmul.f32 v31, v10;
	v60 =	vmul.f32 v32, v10  }
0x91: {  	v18 =	vimm.f32 $0.0e+00;
	v31 =	vld.idx.msk [tilespmem:v3+s16+$0xFFFFFFE0 ss:$0x1], $0xffff;
	v33 =	vmul.f32 v33, v11;
	v42 =	vmul.f32 v38, v11  }
0x92: {  	v43 =	vmul.f32 v39, v11;
	v38 =	vld.idx.msk [tilespmem:v3+s16+$0xFFFFFFD0 ss:$0x1], $0xffff;
	v44 =	vmul.f32 v40, v11;
	v24 =	vadd.f32 v16, v18  }
0x93: {  	v45 =	vmul.f32 v41, v11;
	v40 =	vld.idx.msk [tilespmem:v3+s16+$0xFFFFFFC0 ss:$0x1], $0xffff;
	v57 =	vmul.f32 v49, v12  }
0x94: {  	v41 =	vld.idx.msk [tilespmem:v6+s16+$0xFFFFFFC0 ss:$0x1], $0xffff;
	v58 =	vmul.f32 v50, v12;
	v24 =	vadd.f32 v29, v24;
	v7 =	vmul.f32 v7, v20  }
0x95: {  	v49 =	vld.idx.msk [tilespmem:v63+s16+$0xFFFFFFC0 ss:$0x1], $0xffff;
	v32 =	vmul.f32 v53, v12;
	v39 =	vmul.f32 v61, v21  }
0x96: {  	v50 =	vld.idx.msk [tilespmem:v4+s16+$0xFFFFFFD0 ss:$0x1], $0xffff;
	v61 =	vmov s25;
	v7 =	vadd.f32 v7, v24;
	v24 =	vmul.f32 v22, v15  }
0x97: {  	v19 =	vld.idx.msk [tilespmem:v1+s16+$0x0 ss:$0x1], $0xffff;
	v53 =	vmul.f32 v56, v20;
	[tilespmem:$0x1FFE0] =	vst v61;
	v29 =	vmul.f32 v48, v12  }
0x98: {  	v61 =	vld.idx.msk [tilespmem:v0+s16+$0xFFFFFFE0 ss:$0x1], $0xffff;
	v30 =	vmul.f32 v30, v15;
	v31 =	vmul.f32 v31, v20;
	v7 =	vadd.f32 v24, v7  }
0x99: {  	[tilespmem:$0x1FFA0] =	vst v2;
	v48 =	vld.idx.msk [tilespmem:v4+s16+$0xFFFFFFC0 ss:$0x1], $0xffff;
	v38 =	vmul.f32 v38, v21;
	v40 =	vmul.f32 v40, v23  }
0x9a: {  	[tilespmem:$0x1FFB0] =	vst v59;
	v41 =	vmul.f32 v41, v23;
	v49 =	vmul.f32 v49, v23;
	v7 =	vadd.f32 v29, v7  }
0x9b: {  	[tilespmem:$0x1FFC0] =	vst v60;
	v2 =	vld.idx.msk [tilespmem:v4+s16+$0xFFFFFFF0 ss:$0x1], $0xffff;
	v50 =	vmul.f32 v50, v21;
	v22 =	vmul.f32 v46, v11  }
0x9c: {  	v60 =	vld.idx.msk [tilespmem:v63+s16+$0xFFFFFFD0 ss:$0x1], $0xffff;
	v46 =	vmul.f32 v51, v12;
	v40 =	vadd.f32 v40, v18;
	v24 =	vmul.f32 v47, v11  }
0x9d: {  	v47 =	vmul.f32 v52, v12;
	v52 =	vld.idx.msk [tilespmem:v4+s16+$0xFFFFFFE0 ss:$0x1], $0xffff;
	v29 =	vmul.f32 v19, v12;
	v19 =	vadd.f32 v33, v7  }
0x9e: {  	v41 =	vadd.f32 v41, v18;
	v48 =	vmul.f32 v48, v23;
	v38 =	vadd.f32 v38, v40;
	v7 =	vmovc v1  }
0x9f: {  	v51 =	vmul.f32 v55, v15;
	v55 =	vld.idx.msk [tilespmem:v63+s16+$0xFFFFFFE0 ss:$0x1], $0xffff;
	v49 =	vadd.f32 v49, v18;
	v19 =	vadd.f32 v8, v19  }
0xa0: {  	v59 =	vld.idx.msk [tilespmem:v0+s16+$0xFFFFFFF0 ss:$0x1], $0xffff;
	v2 =	vmul.f32 v2, v15;
	v48 =	vadd.f32 v48, v18;
	v31 =	vadd.f32 v31, v38  }
0xa1: {  	v39 =	vadd.f32 v39, v41;
	v33 =	vmul.f32 v60, v21;
	v19 =	vadd.f32 v54, v19;
	v54 =	vld.idx.msk [tilespmem:v63+s16+$0xFFFFFFF0 ss:$0x1], $0xffff  }
0xa2: {  	v38 =	vld.idx.msk [tilespmem:v0+s16+$0xFFFFFFD0 ss:$0x1], $0xffff;
	v41 =	vadd.f32 v50, v48;
	v31 =	vadd.f32 v51, v31;
	v40 =	vmul.f32 v52, v20  }
0xa3: {  	v1 =	vmov s17;
	v33 =	vadd.f32 v33, v49;
	v49 =	vadd.f32 v53, v39;
	v60 =	vld.idx.msk [tilespmem:v7+s16+$0xFFFFFFF0 ss:$0x1], $0xffff  }
0xa4: {  	v48 =	vmul.f32 v55, v20;
	v50 =	vmul.f32 v61, v20;
	v41 =	vadd.f32 v40, v41;
	v40 =	vld.idx.msk [tilespmem:v0+s16+$0xFFFFFFC0 ss:$0x1], $0xffff  }
0xa5: {  	v55 =	vadd.f32 v57, v31;
	v31 =	vimm.f32 $0.0e+00;
	v30 =	vadd.f32 v30, v49;
	v52 =	vld.idx.msk [tilespmem:v7+s16+$0xFFFFFFE0 ss:$0x1], $0xffff  }
0xa6: {  	v33 =	vadd.f32 v48, v33;
	v48 =	vmul.f32 v59, v15;
	v39 =	vld.idx.msk [tilespmem:v7+s16+$0xFFFFFFD0 ss:$0x1], $0xffff;
	v54 =	vmul.f32 v54, v15  }
0xa7: {  	[tilespmem:$0x1FFD0] =	vst v3;
	v53 =	vadd.f32 v2, v41;
	v56 =	vadd.f32 v58, v30;
	v30 =	vimm.f32 $0.0e+00;
	v41 =	vld.idx.msk [tilespmem:v7+s16+$0xFFFFFFC0 ss:$0x1], $0xffff  }
0xa8: {  	s1 =	simm.s32 $0x1000;
	[tilespmem:$0x1FFF0] =	vst v1;
	v59 =	vmovc v0;
	v51 =	vld.idx.msk [tilespmem:v1+s16+$0xFFFFFFC0 ss:$0x1], $0xffff;
	v54 =	vadd.f32 v54, v33;
	v33 =	vimm.f32 $0.0e+00;
	v49 =	vmul.f32 v60, v15  }
.LBB2_4:
0xa9: {  	v0 =	vld [tilespmem:$0x1FFE0]  }
0xaa: {  	v2 =	vld [tilespmem:$0x1FFF0];
	_ =	sdelay $0x1  }
0xab: {  	v58 =	vadd.f32 v42, v55;
	_ =	sdelay $0x1  }
0xac: {  	v35 =	vadd.f32 v35, v58;
	v58 =	vmul.f32 v41, v23;
	_ =	sdelay $0x1  }
0xad: {  	v25 =	vadd.f32 v58, v33;
	v58 =	vld [tilespmem:$0x1FFA0]  }
0xae: {  	v57 =	vld.idx.msk [tilespmem:v0+s16+$0xFFFFFFC0 ss:$0x1], $0xffff  }
0xaf: {  	v47 =	vadd.f32 v47, v54;
	v54 =	vld.idx.msk [tilespmem:v2+s16+$0xFFFFFFD0 ss:$0x1], $0xffff  }
0xb0: {  	v60 =	vadd.f32 v43, v56;
	v55 =	vld.idx.msk [tilespmem:v0+s16+$0xFFFFFFD0 ss:$0x1], $0xffff  }
0xb1: {  	v46 =	vadd.f32 v46, v53;
	v1 =	vadd.f32 v45, v47;
	v56 =	vld.idx.msk [tilespmem:v2+s16+$0xFFFFFFE0 ss:$0x1], $0xffff  }
0xb2: {  	v36 =	vadd.f32 v36, v60;
	v60 =	vld.idx.msk [tilespmem:v0+s16+$0xFFFFFFE0 ss:$0x1], $0xffff  }
0xb3: {  	v61 =	vadd.f32 v44, v46;
	v37 =	vadd.f32 v37, v1;
	v1 =	vld.idx.msk [tilespmem:v2+s16+$0xFFFFFFF0 ss:$0x1], $0xffff  }
0xb4: {  	v53 =	vmul.f32 v38, v21;
	v43 =	vmul.f32 v39, v21;
	v38 =	vadd.f32 v27, v35;
	v27 =	vld.idx.msk [tilespmem:v0+s16+$0xFFFFFFF0 ss:$0x1], $0xffff  }
0xb5: {  	v34 =	vadd.f32 v34, v61;
	v61 =	vmul.f32 v51, v23;
	v39 =	vadd.f32 v28, v36;
	v28 =	vld.idx.msk [tilespmem:v2+s16+$0x0 ss:$0x1], $0xffff  }
0xb6: {  	v41 =	vadd.f32 v26, v37;
	v26 =	vmul.f32 v54, v21;
	v21 =	vmul.f32 v55, v21;
	v55 =	vld.idx.msk [tilespmem:v2+s16+$0x10 ss:$0x1], $0xffff  }
0xb7: {  	v54 =	vmul.f32 v56, v20;
	v56 =	vld.idx.msk [tilespmem:v2+s16+$0x20 ss:$0x1], $0xffff  }
0xb8: {  	v45 =	vmul.f32 v40, v23;
	v31 =	vadd.f32 v61, v31;
	v23 =	vmul.f32 v57, v23;
	v57 =	vld [tilespmem:$0x1FFC0]  }
0xb9: {  	v52 =	vmul.f32 v52, v20;
	v20 =	vmul.f32 v60, v20;
	v60 =	vld [tilespmem:$0x1FFB0]  }
0xba: {  	v23 =	vadd.f32 v23, v30;
	v30 =	vld.idx.msk [tilespmem:v0+s16+$0x0 ss:$0x1], $0xffff;
	v26 =	vadd.f32 v26, v31;
	v31 =	vmul.f32 v1, v15  }
0xbb: {  	v15 =	vmul.f32 v27, v15;
	v27 =	vmul.f32 v28, v12;
	v28 =	vld.idx.msk [tilespmem:v2+s16+$0x30 ss:$0x1], $0xffff  }
0xbc: {  	v1 =	vld [tilespmem:$0x1FFD0];
	v21 =	vadd.f32 v21, v23  }
0xbd: {  	v18 =	vadd.f32 v45, v18;
	v23 =	vld.idx.msk [tilespmem:v0+s16+$0x10 ss:$0x1], $0xffff;
	v26 =	vadd.f32 v54, v26  }
0xbe: {  	s0 =	sadd.s32 $0x80, s0;
	v20 =	vadd.f32 v20, v21;
	v21 =	vld.idx.msk [tilespmem:v0+s16+$0x20 ss:$0x1], $0xffff  }
0xbf: {  	v18 =	vadd.f32 v53, v18;
	v26 =	vadd.f32 v31, v26;
	v31 =	vld [tilespmem:s0+$0x20]  }
0xc0: {  	v12 =	vmul.f32 v30, v12;
	v30 =	vld [tilespmem:s0+$0x30]  }
0xc1: {  	v18 =	vadd.f32 v50, v18;
	v15 =	vadd.f32 v15, v20;
	v20 =	vld.idx.msk [tilespmem:v0+s16+$0x30 ss:$0x1], $0xffff;
	s16 =	sshra.s32 s1, $0x2  }
0xc2: {  	v26 =	vadd.f32 v27, v26;
	v27 =	vld.idx.msk [tilespmem:v62+s16+$0x30 ss:$0x1], $0xffff  }
0xc3: {  	v18 =	vadd.f32 v48, v18;
	v13 =	vld.idx.msk [tilespmem:v59+s16+$0x30 ss:$0x1], $0xffff  }
0xc4: {  	v14 =	vld.idx.msk [tilespmem:v7+s16+$0x30 ss:$0x1], $0xffff  }
0xc5: {  	v18 =	vadd.f32 v32, v18;
	v32 =	vld.idx.msk [tilespmem:v6+s16+$0x20 ss:$0x1], $0xffff  }
0xc6: {  	v40 =	vadd.f32 v5, v34;
	v34 =	vld.idx.msk [tilespmem:v4+s16+$0x20 ss:$0x1], $0xffff  }
0xc7: {  	v37 =	vld.idx.msk [tilespmem:v63+s16+$0x20 ss:$0x1], $0xffff  }
0xc8: {  	v42 =	vld.idx.msk [tilespmem:v59+s16+$0x20 ss:$0x1], $0xffff  }
0xc9: {  	v25 =	vadd.f32 v43, v25;
	v43 =	vld.idx.msk [tilespmem:v7+s16+$0x20 ss:$0x1], $0xffff  }
0xca: {  	v44 =	vld.idx.msk [tilespmem:v62+s16+$0x10 ss:$0x1], $0xffff  }
0xcb: {  	v46 =	vld.idx.msk [tilespmem:v6+s16+$0x10 ss:$0x1], $0xffff  }
0xcc: {  	v25 =	vadd.f32 v52, v25;
	v47 =	vld.idx.msk [tilespmem:v4+s16+$0x10 ss:$0x1], $0xffff  }
0xcd: {  	v48 =	vld.idx.msk [tilespmem:v63+s16+$0x10 ss:$0x1], $0xffff  }
0xce: {  	v25 =	vadd.f32 v49, v25;
	v49 =	vld.idx.msk [tilespmem:v59+s16+$0x10 ss:$0x1], $0xffff  }
0xcf: {  	v50 =	vld.idx.msk [tilespmem:v7+s16+$0x10 ss:$0x1], $0xffff  }
0xd0: {  	v51 =	vld.idx.msk [tilespmem:v62+s16+$0x0 ss:$0x1], $0xffff  }
0xd1: {  	v53 =	vld.idx.msk [tilespmem:v6+s16+$0x0 ss:$0x1], $0xffff  }
0xd2: {  	v54 =	vld.idx.msk [tilespmem:v4+s16+$0x0 ss:$0x1], $0xffff  }
0xd3: {  	v25 =	vadd.f32 v29, v25;
	v29 =	vmul.f32 v55, v11;
	v55 =	vld.idx.msk [tilespmem:v63+s16+$0x0 ss:$0x1], $0xffff  }
0xd4: {  	v35 =	vld.idx.msk [tilespmem:v62+s16+$0xFFFFFFC0 ss:$0x1], $0xffff;
	v12 =	vadd.f32 v12, v15  }
0xd5: {  	v15 =	vadd.f32 v22, v18;
	v18 =	vadd.f32 v24, v25;
	v24 =	vld.idx.msk [tilespmem:v1+s16+$0x30 ss:$0x1], $0xffff  }
0xd6: {  	v25 =	vld.idx.msk [tilespmem:v6+s16+$0x30 ss:$0x1], $0xffff  }
0xd7: {  	v11 =	vmul.f32 v23, v11;
	v23 =	vadd.f32 v29, v26;
	v29 =	vld.idx.msk [tilespmem:v1+s16+$0x20 ss:$0x1], $0xffff  }
0xd8: {  	v45 =	vld.idx.msk [tilespmem:v1+s16+$0x10 ss:$0x1], $0xffff  }
0xd9: {  	v52 =	vld.idx.msk [tilespmem:v1+s16+$0x0 ss:$0x1], $0xffff  }
0xda: {  	v22 =	vmul.f32 v56, v10;
	v56 =	vld.idx.msk [tilespmem:v59+s16+$0x0 ss:$0x1], $0xffff  }
0xdb: {  	v11 =	vadd.f32 v11, v12;
	v12 =	vadd.f32 v17, v15;
	v17 =	vld.idx.msk [tilespmem:v4+s16+$0x30 ss:$0x1], $0xffff  }
0xdc: {  	v3 =	vmul.f32 v21, v10;
	v21 =	vadd.f32 v22, v23;
	v22 =	vld.idx.msk [tilespmem:v63+s16+$0x30 ss:$0x1], $0xffff  }
0xdd: {  	v16 =	vmul.f32 v28, v9;
	v15 =	vadd.f32 v57, v18;
	v57 =	vld.idx.msk [tilespmem:v7+s16+$0x0 ss:$0x1], $0xffff  }
0xde: {  	v23 =	vld [tilespmem:s0+$0xFFFFFFC0]  }
0xdf: {  	v10 =	vmov v31;
	v31 =	vadd.f32 v16, v21;
	v16 =	vld.idx.msk [tilespmem:v62+s16+$0x20 ss:$0x1], $0xffff  }
0xe0: {  	v0 =	vadd.f32 v58, v12;
	v12 =	vld [tilespmem:s0+$0x0]  }
0xe1: {  	v33 =	vadd.f32 v60, v15;
	v15 =	vld [tilespmem:s0+$0xFFFFFFF0]  }
0xe2: {  	v58 =	vld.idx.msk [tilespmem:v62+s16+$0xFFFFFFD0 ss:$0x1], $0xffff  }
0xe3: {  	v20 =	vmul.f32 v20, v9;
	v9 =	vmov v30;
	v21 =	vld [tilespmem:s0+$0xFFFFFFD0]  }
0xe4: {  	v11 =	vadd.f32 v3, v11;
	v36 =	vmul.f32 v14, v9;
	v14 =	vld.idx.msk [tilespmem:v1+s16+$0xFFFFFFD0 ss:$0x1], $0xffff  }
0xe5: {  	v8 =	vmul.f32 v27, v9;
	v27 =	vmul.f32 v24, v9;
	v24 =	vld.idx.msk [tilespmem:v62+s16+$0xFFFFFFE0 ss:$0x1], $0xffff  }
0xe6: {  	v61 =	vmul.f32 v13, v9;
	v34 =	vmul.f32 v34, v10;
	v30 =	vadd.f32 v20, v11;
	v11 =	vld [tilespmem:s0+$0x10]  }
0xe7: {  	v37 =	vmul.f32 v37, v10;
	v43 =	vmul.f32 v43, v10;
	v20 =	vld [tilespmem:s0+$0xFFFFFFE0]  }
0xe8: {  	v28 =	vmul.f32 v25, v9;
	v25 =	vmul.f32 v42, v10;
	[tilespmem:$0x1FFA0] =	vst v61;
	v61 =	vld.idx.msk [tilespmem:v1+s16+$0xFFFFFFF0 ss:$0x1], $0xffff  }
0xe9: {  	[tilespmem:$0x1FF90] =	vst v0;
	v26 =	vmul.f32 v22, v9;
	v0 =	vmul.f32 v35, v23;
	v22 =	vld.idx.msk [tilespmem:v62+s16+$0xFFFFFFF0 ss:$0x1], $0xffff  }
0xea: {  	[tilespmem:$0x1FFB0] =	vst v36;
	v36 =	vmul.f32 v32, v10;
	v5 =	vmul.f32 v17, v9;
	v17 =	vld.idx.msk [tilespmem:v6+s16+$0xFFFFFFE0 ss:$0x1], $0xffff  }
0xeb: {  	v35 =	vmul.f32 v29, v10;
	v19 =	vadd.f32 v0, v19;
	v29 =	vmul.f32 v58, v21;
	v58 =	vld.idx.msk [tilespmem:v6+s16+$0xFFFFFFF0 ss:$0x1], $0xffff  }
0xec: {  	v60 =	vmul.f32 v16, v10;
	v16 =	vmov v62;
	v62 =	vld.idx.msk [tilespmem:v1+s16+$0xFFFFFFE0 ss:$0x1], $0xffff;
	v18 =	vmul.f32 v52, v12  }
0xed: {  	v1 =	vld.idx.msk [tilespmem:v1+s16+$0xFFFFFFC0 ss:$0x1], $0xffff;
	v3 =	vmul.f32 v53, v12;
	v19 =	vadd.f32 v29, v19;
	v24 =	vmul.f32 v24, v20  }
0xee: {  	v0 =	vld.idx.msk [tilespmem:v6+s16+$0xFFFFFFD0 ss:$0x1], $0xffff;
	v32 =	vmul.f32 v56, v12;
	v14 =	vmul.f32 v14, v21  }
0xef: {  	v52 =	vld.idx.msk [tilespmem:v63+s16+$0xFFFFFFD0 ss:$0x1], $0xffff;
	v13 =	vmul.f32 v44, v11;
	v19 =	vadd.f32 v24, v19;
	v24 =	vmul.f32 v22, v15  }
0xf0: {  	[tilespmem:$0x1FFC0] =	vst v43;
	v42 =	vmul.f32 v45, v11;
	v45 =	vmul.f32 v48, v11;
	v48 =	vld.idx.msk [tilespmem:v6+s16+$0xFFFFFFC0 ss:$0x1], $0xffff  }
0xf1: {  	v43 =	vmul.f32 v46, v11;
	v29 =	vmul.f32 v51, v12;
	v51 =	vld.idx.msk [tilespmem:v4+s16+$0xFFFFFFD0 ss:$0x1], $0xffff;
	v19 =	vadd.f32 v24, v19  }
0xf2: {  	v53 =	vmul.f32 v61, v15;
	v61 =	vld.idx.msk [tilespmem:v63+s16+$0xFFFFFFF0 ss:$0x1], $0xffff;
	v1 =	vmul.f32 v1, v23  }
0xf3: {  	v44 =	vmul.f32 v47, v11;
	v22 =	vmul.f32 v49, v11;
	v49 =	vld.idx.msk [tilespmem:v4+s16+$0xFFFFFFC0 ss:$0x1], $0xffff;
	v19 =	vadd.f32 v29, v19  }
0xf4: {  	v46 =	vmul.f32 v54, v12;
	v24 =	vmul.f32 v50, v11;
	v50 =	vld.idx.msk [tilespmem:v63+s16+$0xFFFFFFC0 ss:$0x1], $0xffff;
	v1 =	vadd.f32 v1, v38  }
0xf5: {  	v47 =	vmul.f32 v55, v12;
	v54 =	vmul.f32 v58, v15;
	v58 =	vld.idx.msk [tilespmem:v63+s16+$0xFFFFFFE0 ss:$0x1], $0xffff;
	v13 =	vadd.f32 v13, v19  }
0xf6: {  	v55 =	vmul.f32 v62, v20;
	v38 =	vmul.f32 v51, v21;
	v51 =	vld.idx.msk [tilespmem:v2+s16+$0xFFFFFFC0 ss:$0x1], $0xffff;
	v1 =	vadd.f32 v14, v1  }
0xf7: {  	v48 =	vmul.f32 v48, v23;
	v29 =	vmul.f32 v57, v12;
	v57 =	vld.idx.msk [tilespmem:v4+s16+$0xFFFFFFE0 ss:$0x1], $0xffff;
	v13 =	vadd.f32 v60, v13  }
0xf8: {  	v0 =	vmul.f32 v0, v21;
	v49 =	vmul.f32 v49, v23;
	v14 =	vld.idx.msk [tilespmem:v59+s16+$0xFFFFFFE0 ss:$0x1], $0xffff;
	v1 =	vadd.f32 v55, v1  }
0xf9: {  	v50 =	vmul.f32 v50, v23;
	v60 =	vld.idx.msk [tilespmem:v4+s16+$0xFFFFFFF0 ss:$0x1], $0xffff;
	v19 =	vadd.f32 v8, v13;
	v13 =	vadd.f32 v48, v39  }
0xfa: {  	v56 =	vmul.f32 v17, v20;
	v1 =	vadd.f32 v53, v1;
	v48 =	vld.idx.msk [tilespmem:v59+s16+$0xFFFFFFF0 ss:$0x1], $0xffff;
	v39 =	vadd.f32 v49, v40  }
0xfb: {  	v52 =	vmul.f32 v52, v21;
	v40 =	vadd.f32 v50, v41;
	v49 =	vld.idx.msk [tilespmem:v7+s16+$0xFFFFFFF0 ss:$0x1], $0xffff;
	v0 =	vadd.f32 v0, v13  }
0xfc: {  	p1 =	sne.s32 s1, $0x3000;
	v41 =	vld.idx.msk [tilespmem:v7+s16+$0xFFFFFFC0 ss:$0x1], $0xffff;
	v55 =	vadd.f32 v18, v1;
	v13 =	vmul.f32 v57, v20;
	v50 =	vadd.f32 v38, v39  }
.Ltmp0:
0xfd: {  	v18 =	vld [tilespmem:$0x1FF90];
	v40 =	vadd.f32 v52, v40;
	v57 =	vmul.f32 v58, v20;
	v0 =	vadd.f32 v56, v0;
	(pc) =	sbr.rel @p1 .LBB2_4-.Ltmp0, $4  }
0xfe: {  	v17 =	vmovc v25;
	v62 =	vmov v16;
	v52 =	vld.idx.msk [tilespmem:v7+s16+$0xFFFFFFE0 ss:$0x1], $0xffff;
	v58 =	vmul.f32 v60, v15;
	v13 =	vadd.f32 v13, v50  }
0xff: {  	v61 =	vmul.f32 v61, v15;
	v38 =	vld.idx.msk [tilespmem:v59+s16+$0xFFFFFFD0 ss:$0x1], $0xffff;
	v60 =	vadd.f32 v57, v40;
	v0 =	vadd.f32 v54, v0  }
0x100: {  	v39 =	vld.idx.msk [tilespmem:v7+s16+$0xFFFFFFD0 ss:$0x1], $0xffff;
	v50 =	vmul.f32 v14, v20;
	v48 =	vmul.f32 v48, v15;
	v53 =	vadd.f32 v58, v13  }
0x101: {  	s1 =	sadd.s32 $0x1000, s1;
	v40 =	vld.idx.msk [tilespmem:v59+s16+$0xFFFFFFC0 ss:$0x1], $0xffff;
	v49 =	vmul.f32 v49, v15;
	v54 =	vadd.f32 v61, v60;
	v56 =	vadd.f32 v3, v0  }
0x102: {  	v16 =	vld [tilespmem:$0x1FFE0]  }
0x103: {  	v8 =	vld [tilespmem:$0x1FFF0];
	_ =	sdelay $0x6  }
0x104: {  	v14 =	vld.idx.msk [tilespmem:v16+s16+$0xFFFFFFC0 ss:$0x1], $0xffff  }
0x105: {  	v0 =	vadd.f32 v46, v53;
	v60 =	vmul.f32 v40, v23;
	v40 =	vmul.f32 v41, v23;
	v57 =	vld.idx.msk [tilespmem:v8+s16+$0xFFFFFFD0 ss:$0x1], $0xffff  }
0x106: {  	v58 =	vld.idx.msk [tilespmem:v16+s16+$0xFFFFFFD0 ss:$0x1], $0xffff  }
0x107: {  	v0 =	vadd.f32 v44, v0;
	v39 =	vmul.f32 v39, v21;
	v44 =	vadd.f32 v40, v33;
	v61 =	vld.idx.msk [tilespmem:v8+s16+$0xFFFFFFE0 ss:$0x1], $0xffff  }
0x108: {  	v3 =	vadd.f32 v42, v55;
	v2 =	vmul.f32 v52, v20;
	v13 =	vadd.f32 v43, v56;
	v41 =	vld.idx.msk [tilespmem:v16+s16+$0xFFFFFFE0 ss:$0x1], $0xffff  }
0x109: {  	v43 =	vmul.f32 v51, v23;
	v25 =	vld.idx.msk [tilespmem:v8+s16+$0xFFFFFFF0 ss:$0x1], $0xffff;
	v14 =	vmul.f32 v14, v23;
	v23 =	vadd.f32 v39, v44  }
0x10a: {  	v1 =	vadd.f32 v47, v54;
	v38 =	vmul.f32 v38, v21;
	v18 =	vadd.f32 v60, v18;
	v47 =	vld.idx.msk [tilespmem:v8+s16+$0x0 ss:$0x1], $0xffff  }
0x10b: {  	v3 =	vadd.f32 v35, v3;
	v53 =	vld.idx.msk [tilespmem:v8+s16+$0x10 ss:$0x1], $0xffff;
	v2 =	vadd.f32 v2, v23  }
0x10c: {  	v1 =	vadd.f32 v45, v1;
	v18 =	vadd.f32 v38, v18;
	v60 =	vld.idx.msk [tilespmem:v8+s16+$0x30 ss:$0x1], $0xffff  }
0x10d: {  	v13 =	vadd.f32 v36, v13;
	v46 =	vmul.f32 v57, v21;
	v57 =	vld.idx.msk [tilespmem:v8+s16+$0x20 ss:$0x1], $0xffff;
	v2 =	vadd.f32 v49, v2  }
0x10e: {  	v0 =	vadd.f32 v34, v0;
	v18 =	vadd.f32 v50, v18;
	v8 =	vld [tilespmem:$0x1FFC0]  }
0x10f: {  	v13 =	vadd.f32 v28, v13;
	v2 =	vadd.f32 v29, v2  }
0x110: {  	v28 =	vadd.f32 v43, v31;
	v45 =	vld.idx.msk [tilespmem:v16+s16+$0xFFFFFFF0 ss:$0x1], $0xffff;
	v18 =	vadd.f32 v48, v18  }
0x111: {  	v51 =	vmul.f32 v58, v21;
	v14 =	vadd.f32 v14, v30;
	v2 =	vadd.f32 v24, v2  }
0x112: {  	v52 =	vld.idx.msk [tilespmem:v16+s16+$0x0 ss:$0x1], $0xffff;
	v34 =	vmul.f32 v61, v20;
	v18 =	vadd.f32 v32, v18;
	v28 =	vadd.f32 v46, v28  }
0x113: {  	v20 =	vmul.f32 v41, v20;
	v14 =	vadd.f32 v51, v14;
	v2 =	vadd.f32 v8, v2;
	v8 =	vld [tilespmem:$0x1FFA0]  }
0x114: {  	v54 =	vld.idx.msk [tilespmem:v16+s16+$0x10 ss:$0x1], $0xffff;
	v55 =	vmul.f32 v25, v15;
	v18 =	vadd.f32 v22, v18;
	v56 =	vadd.f32 v34, v28  }
0x115: {  	(xrf2) =	vadd.scan.msk.f32 $0xffff, v19;
	v3 =	vadd.f32 v27, v3;
	v15 =	vmul.f32 v45, v15;
	v14 =	vadd.f32 v20, v14  }
0x116: {  	v58 =	vmul.f32 v47, v12;
	v17 =	vadd.f32 v17, v18;
	v20 =	vld.idx.msk [tilespmem:v16+s16+$0x20 ss:$0x1], $0xffff;
	v23 =	vadd.f32 v55, v56  }
0x117: {  	(xrf2) =	vadd.scan.msk.f32 $0xffff, v3;
	v12 =	vmul.f32 v52, v12;
	v14 =	vadd.f32 v15, v14;
	v15 =	vld.idx.msk [tilespmem:v16+s16+$0x30 ss:$0x1], $0xffff  }
0x118: {  	(xrf2) =	vadd.scan.msk.f32 $0xffff, v13;
	v61 =	vmul.f32 v53, v11;
	v23 =	vadd.f32 v58, v23;
	v13 =	vadd.f32 v8, v17;
	v8 =	vld [tilespmem:$0x1FFB0]  }
0x119: {  	v1 =	vadd.f32 v37, v1;
	v11 =	vmul.f32 v54, v11;
	v12 =	vadd.f32 v12, v14  }
0x11a: {  	v0 =	vadd.f32 v5, v0;
	v14 =	vmul.f32 v57, v10;
	v19 =	vadd.f32 v61, v23  }
0x11b: {  	v1 =	vadd.f32 v26, v1;
	v10 =	vmul.f32 v20, v10;
	v3 =	vadd.f32 v11, v12  }
0x11c: {  	(xrf2) =	vadd.scan.msk.f32 $0xffff, v0;
	v11 =	vmul.f32 v60, v9;
	v12 =	vadd.f32 v14, v19  }
0x11d: {  	(xrf2) =	vadd.scan.msk.f32 $0xffff, v1;
	v32 =	vadd.f32 v10, v3;
	v3 =	vmul.f32 v15, v9;
	v2 =	vadd.f32 v8, v2  }
0x11e: {  	v33 =	vadd.f32 v11, v12;
	(xrf2) =	vadd.scan.msk.f32 $0xffff, v13  }
0x11f: {  	v0 =	vadd.f32 v3, v32;
	(xrf2) =	vadd.scan.msk.f32 $0xffff, v2  }
0x120: {  	(xrf2) =	vadd.scan.msk.f32 $0xffff, v33  }
0x121: {  	(xrf2) =	vadd.scan.msk.f32 $0xffff, v0;
	_ =	sdelay $0x1  }
0x122: {  	v34, _, _ =	vpop (xrf2)  }
0x123: {  	v35, _, _ =	vpop (xrf2);
	(v2sf) =	vpush v34, $0xF  }
0x124: {  	v36, _, _ =	vpop (xrf2);
	(v2sf) =	vpush v35, $0xF  }
0x125: {  	v37, _, _ =	vpop (xrf2);
	(v2sf) =	vpush v36, $0xF  }
0x126: {  	v38, _, _ =	vpop (xrf2);
	(v2sf) =	vpush v37, $0xF  }
0x127: {  	(v2sf) =	vpush v38, $0xF;
	v39, _, _ =	vpop (xrf2)  }
0x128: {  	(v2sf) =	vpush v39, $0xF;
	v40, _, _ =	vpop (xrf2)  }
0x129: {  	v41, _, _ =	vpop (xrf2);
	(v2sf) =	vpush v40, $0xF  }
0x12a: {  	(v2sf) =	vpush v41, $0xF;
	v42, _, _ =	vpop (xrf2)  }
0x12b: {  	(v2sf) =	vpush v42, $0xF;
	_ =	sdelay $0x6  }
0x12c: {  	s0 =	spop (v2sf)  }
0x12d: {  	s1 =	spop (v2sf)  }
0x12e: {  	s16 =	spop (v2sf);
	s2 =	smax.f32 s0, s1  }
0x12f: {  	s3 =	spop (v2sf);
	s2 =	smax.f32 s2, s16  }
0x130: {  	s4 =	spop (v2sf);
	s2 =	smax.f32 s2, s3  }
0x131: {  	s2 =	smax.f32 s2, s4;
	s5 =	spop (v2sf)  }
0x132: {  	s2 =	smax.f32 s2, s5;
	s7 =	spop (v2sf)  }
0x133: {  	s8 =	spop (v2sf);
	s2 =	smax.f32 s2, s7  }
0x134: {  	s9 =	spop (v2sf);
	s2 =	smax.f32 s2, s8  }
0x135: {  	s2 =	smax.f32 s2, s9  }
0x136: {  	s0 =	ssub.f32 s0, s2  }
0x137: {  	s1 =	ssub.f32 s1, s2  }
0x138: {  	v43 =	vmov s0  }
0x139: {  	v44 =	vmov s1;
	s1 =	ssub.f32 s16, s2;
	v0 =	vmul.f32 $1.442695020e+00, v43  }
0x13a: {  	s3 =	ssub.f32 s3, s2;
	v1 =	vmul.f32 $1.442695020e+00, v44  }
0x13b: {  	v45 =	vmov s1;
	v0 =	vbroadcast v0, $0x0  }
0x13c: {  	s4 =	ssub.f32 s4, s2;
	v3 =	vmov s3;
	v1 =	vbroadcast v1, $0x0;
	v2 =	vmul.f32 $1.442695020e+00, v45  }
0x13d: {  	v46 =	vmul.f32 $1.442695020e+00, v3;
	(erf) = vpow2.f32 v0  }
0x13e: {  	v48 =	vmov s4;
	v47 =	vbroadcast v2, $0x0;
	(erf) = vpow2.f32 v1  }
0x13f: {  	s5 =	ssub.f32 s5, s2;
	v49 =	vmul.f32 $1.442695020e+00, v48  }
0x140: {  	s7 =	ssub.f32 s7, s2;
	v0 =	vbroadcast v46, $0x0;
	(erf) = vpow2.f32 v47  }
0x141: {  	v50 =	vmov s5;
	v1 =	vbroadcast v49, $0x0  }
0x142: {  	s8 =	ssub.f32 s8, s2;
	v51 =	vmov s7;
	(erf) = vpow2.f32 v0;
	v0 =	vmul.f32 $1.442695020e+00, v50  }
0x143: {  	v2 =	vmul.f32 $1.442695020e+00, v51  }
0x144: {  	v53 =	vmov s8;
	s16 =	ssub.f32 s9, s2;
	(erf) = vpow2.f32 v1;
	v0 =	vbroadcast v0, $0x0  }
0x145: {  	v54 =	vmul.f32 $1.442695020e+00, v53  }
0x146: {  	v56 =	vmov s16;
	v52 =	vbroadcast v2, $0x0;
	v3 =	vpop (erf);
	(erf) = vpow2.f32 v0  }
0x147: {  	v1 =	vmul.f32 $1.442695020e+00, v56;
	v55 =	vpop (erf)  }
0x148: {  	v0 =	vbroadcast v54, $0x0;
	(erf) = vpow2.f32 v52;
	v9 =	vadd.f32 v55, v3  }
0x149: {  	v11 =	vpop (erf)  }
0x14a: {  	v57 =	vbroadcast v1, $0x0;
	(erf) = vpow2.f32 v0;
	v58 =	vadd.f32 v9, v11  }
0x14b: {  	v12 =	vpop (erf)  }
0x14c: {  	(erf) = vpow2.f32 v57;
	v60 =	vadd.f32 v58, v12  }
0x14d: {  	v61 =	vpop (erf)  }
0x14e: {  	v0 =	vadd.f32 v60, v61  }
0x14f: {  	v14 =	vpop (erf)  }
0x150: {  	v0 =	vadd.f32 v0, v14  }
0x151: {  	v15 =	vpop (erf)  }
0x152: {  	v0 =	vadd.f32 v0, v15  }
0x153: {  	v16 =	vpop (erf)  }
0x154: {  	v0 =	vadd.f32 v0, v16  }
0x155: {  	v17 =	vpop (erf)  }
0x156: {  	v0 =	vadd.f32 v0, v17;
	_ =	sdelay $0x1  }
0x157: {  	(erf) = vrcp.f32 v0;
	_ =	sdelay $0x8  }
0x158: {  	v0 =	vpop (erf)  }
0x159: {  	v5 =	vld [tilespmem:$0x1FFD0];
	v9 =	vmul.f32 v0, v3  }
0x15a: {  	v10 =	vmul.f32 v0, v55;
	v11 =	vmul.f32 v0, v11  }
0x15b: {  	v12 =	vmul.f32 v0, v12;
	v13 =	vmul.f32 v0, v61  }
0x15c: {  	v14 =	vmul.f32 v0, v14;
	v15 =	vmul.f32 v0, v15  }
0x15d: {  	v18 =	vmov s26;
	s0 =	simm.s32 $0x0;
	v16 =	vmul.f32 v0, v16;
	v17 =	vmul.f32 v0, v17  }
.LBB2_6:
0x15e: {  	v8 =	vld [tilespmem:$0x1FFF0]  }
0x15f: {  	s1 =	sshra.s32 s0, $0x2;
	v24 =	vld [tilespmem:$0x1FFE0]  }
0x160: {  	v0 =	vld.idx.msk [tilespmem:v62+s1+$0xFFFFFFC0 ss:$0x1], $0xffff  }
0x161: {  	v1 =	vld.idx.msk [tilespmem:v5+s1+$0xFFFFFFC0 ss:$0x1], $0xffff  }
0x162: {  	v2 =	vld.idx.msk [tilespmem:v6+s1+$0xFFFFFFC0 ss:$0x1], $0xffff  }
0x163: {  	v3 =	vld.idx.msk [tilespmem:v4+s1+$0xFFFFFFC0 ss:$0x1], $0xffff  }
0x164: {  	v19 =	vld.idx.msk [tilespmem:v63+s1+$0xFFFFFFC0 ss:$0x1], $0xffff  }
0x165: {  	v20 =	vld.idx.msk [tilespmem:v59+s1+$0xFFFFFFC0 ss:$0x1], $0xffff  }
0x166: {  	v21 =	vld.idx.msk [tilespmem:v8+s1+$0xFFFFFFC0 ss:$0x1], $0xffff  }
0x167: {  	v22 =	vld.idx.msk [tilespmem:v24+s1+$0xFFFFFFC0 ss:$0x1], $0xffff;
	_ =	sdelay $0x1  }
0x168: {  	v23 =	vld.idx.msk [tilespmem:v7+s1+$0xFFFFFFC0 ss:$0x1], $0xffff;
	v1 =	vmul.f32 v1, v10;
	v19 =	vmul.f32 v19, v13  }
0x169: {  	v2 =	vmul.f32 v2, v11;
	v20 =	vmul.f32 v20, v14  }
0x16a: {  	v0 =	vmul.f32 v0, v9;
	v3 =	vmul.f32 v3, v12;
	v1 =	vadd.f32 v19, v1  }
0x16b: {  	v2 =	vadd.f32 v20, v2;
	v19 =	vmul.f32 v21, v16;
	v20 =	vmul.f32 v22, v17  }
0x16c: {  	v0 =	vadd.f32 v3, v0  }
0x16d: {  	v3 =	vmul.f32 v23, v15;
	v1 =	vadd.f32 v19, v1;
	v2 =	vadd.f32 v20, v2;
	_ =	sdelay $0x1  }
0x16e: {  	v0 =	vadd.f32 v3, v0;
	v1 =	vadd.f32 v2, v1;
	_ =	sdelay $0x1  }
0x16f: {  	v0 =	vadd.f32 v1, v0;
	_ =	sdelay $0x1  }
0x170: {  	[tilespmem:v18+s1+$0xFFFFFFC0 ss:$0x1] =	vst.idx.msk $0xffff, v0  }
0x171: {  	v0 =	vld.idx.msk [tilespmem:v62+s1+$0xFFFFFFD0 ss:$0x1], $0xffff  }
0x172: {  	v26 =	vld.idx.msk [tilespmem:v5+s1+$0xFFFFFFD0 ss:$0x1], $0xffff  }
0x173: {  	v27 =	vld.idx.msk [tilespmem:v6+s1+$0xFFFFFFD0 ss:$0x1], $0xffff  }
0x174: {  	v3 =	vld.idx.msk [tilespmem:v4+s1+$0xFFFFFFD0 ss:$0x1], $0xffff  }
0x175: {  	v19 =	vld.idx.msk [tilespmem:v63+s1+$0xFFFFFFD0 ss:$0x1], $0xffff  }
0x176: {  	v20 =	vld.idx.msk [tilespmem:v59+s1+$0xFFFFFFD0 ss:$0x1], $0xffff  }
0x177: {  	v28 =	vld.idx.msk [tilespmem:v8+s1+$0xFFFFFFD0 ss:$0x1], $0xffff  }
0x178: {  	v29 =	vld.idx.msk [tilespmem:v24+s1+$0xFFFFFFD0 ss:$0x1], $0xffff;
	_ =	sdelay $0x1  }
0x179: {  	v30 =	vld.idx.msk [tilespmem:v7+s1+$0xFFFFFFD0 ss:$0x1], $0xffff;
	v1 =	vmul.f32 v26, v10;
	v19 =	vmul.f32 v19, v13  }
0x17a: {  	v2 =	vmul.f32 v27, v11;
	v20 =	vmul.f32 v20, v14  }
0x17b: {  	v0 =	vmul.f32 v0, v9;
	v3 =	vmul.f32 v3, v12;
	v1 =	vadd.f32 v19, v1  }
0x17c: {  	v2 =	vadd.f32 v20, v2;
	v19 =	vmul.f32 v28, v16;
	v20 =	vmul.f32 v29, v17  }
0x17d: {  	v0 =	vadd.f32 v3, v0  }
0x17e: {  	v3 =	vmul.f32 v30, v15;
	v1 =	vadd.f32 v19, v1;
	v2 =	vadd.f32 v20, v2;
	_ =	sdelay $0x1  }
0x17f: {  	v0 =	vadd.f32 v3, v0;
	v1 =	vadd.f32 v2, v1;
	_ =	sdelay $0x1  }
0x180: {  	v0 =	vadd.f32 v1, v0;
	_ =	sdelay $0x1  }
0x181: {  	[tilespmem:v18+s1+$0xFFFFFFD0 ss:$0x1] =	vst.idx.msk $0xffff, v0  }
0x182: {  	v0 =	vld.idx.msk [tilespmem:v62+s1+$0xFFFFFFE0 ss:$0x1], $0xffff  }
0x183: {  	v31 =	vld.idx.msk [tilespmem:v5+s1+$0xFFFFFFE0 ss:$0x1], $0xffff  }
0x184: {  	v32 =	vld.idx.msk [tilespmem:v6+s1+$0xFFFFFFE0 ss:$0x1], $0xffff  }
0x185: {  	v3 =	vld.idx.msk [tilespmem:v4+s1+$0xFFFFFFE0 ss:$0x1], $0xffff  }
0x186: {  	v19 =	vld.idx.msk [tilespmem:v63+s1+$0xFFFFFFE0 ss:$0x1], $0xffff  }
0x187: {  	v20 =	vld.idx.msk [tilespmem:v59+s1+$0xFFFFFFE0 ss:$0x1], $0xffff  }
0x188: {  	v33 =	vld.idx.msk [tilespmem:v8+s1+$0xFFFFFFE0 ss:$0x1], $0xffff  }
0x189: {  	v34 =	vld.idx.msk [tilespmem:v24+s1+$0xFFFFFFE0 ss:$0x1], $0xffff;
	_ =	sdelay $0x1  }
0x18a: {  	v35 =	vld.idx.msk [tilespmem:v7+s1+$0xFFFFFFE0 ss:$0x1], $0xffff;
	v1 =	vmul.f32 v31, v10;
	v19 =	vmul.f32 v19, v13  }
0x18b: {  	v2 =	vmul.f32 v32, v11;
	v20 =	vmul.f32 v20, v14  }
0x18c: {  	v0 =	vmul.f32 v0, v9;
	v3 =	vmul.f32 v3, v12;
	v1 =	vadd.f32 v19, v1  }
0x18d: {  	v2 =	vadd.f32 v20, v2;
	v19 =	vmul.f32 v33, v16;
	v20 =	vmul.f32 v34, v17  }
0x18e: {  	v0 =	vadd.f32 v3, v0  }
0x18f: {  	v3 =	vmul.f32 v35, v15;
	v1 =	vadd.f32 v19, v1;
	v2 =	vadd.f32 v20, v2;
	_ =	sdelay $0x1  }
0x190: {  	v0 =	vadd.f32 v3, v0;
	v1 =	vadd.f32 v2, v1;
	_ =	sdelay $0x1  }
0x191: {  	v0 =	vadd.f32 v1, v0;
	_ =	sdelay $0x1  }
0x192: {  	[tilespmem:v18+s1+$0xFFFFFFE0 ss:$0x1] =	vst.idx.msk $0xffff, v0  }
0x193: {  	v0 =	vld.idx.msk [tilespmem:v62+s1+$0xFFFFFFF0 ss:$0x1], $0xffff  }
0x194: {  	v36 =	vld.idx.msk [tilespmem:v5+s1+$0xFFFFFFF0 ss:$0x1], $0xffff  }
0x195: {  	v37 =	vld.idx.msk [tilespmem:v6+s1+$0xFFFFFFF0 ss:$0x1], $0xffff  }
0x196: {  	v3 =	vld.idx.msk [tilespmem:v4+s1+$0xFFFFFFF0 ss:$0x1], $0xffff  }
0x197: {  	v19 =	vld.idx.msk [tilespmem:v63+s1+$0xFFFFFFF0 ss:$0x1], $0xffff  }
0x198: {  	v20 =	vld.idx.msk [tilespmem:v59+s1+$0xFFFFFFF0 ss:$0x1], $0xffff  }
0x199: {  	v38 =	vld.idx.msk [tilespmem:v8+s1+$0xFFFFFFF0 ss:$0x1], $0xffff  }
0x19a: {  	v39 =	vld.idx.msk [tilespmem:v24+s1+$0xFFFFFFF0 ss:$0x1], $0xffff;
	_ =	sdelay $0x1  }
0x19b: {  	v40 =	vld.idx.msk [tilespmem:v7+s1+$0xFFFFFFF0 ss:$0x1], $0xffff;
	v1 =	vmul.f32 v36, v10;
	v19 =	vmul.f32 v19, v13  }
0x19c: {  	v2 =	vmul.f32 v37, v11;
	v20 =	vmul.f32 v20, v14  }
0x19d: {  	v0 =	vmul.f32 v0, v9;
	v3 =	vmul.f32 v3, v12;
	v1 =	vadd.f32 v19, v1  }
0x19e: {  	v2 =	vadd.f32 v20, v2;
	v19 =	vmul.f32 v38, v16;
	v20 =	vmul.f32 v39, v17  }
0x19f: {  	v0 =	vadd.f32 v3, v0  }
0x1a0: {  	v3 =	vmul.f32 v40, v15;
	v1 =	vadd.f32 v19, v1;
	v2 =	vadd.f32 v20, v2;
	_ =	sdelay $0x1  }
0x1a1: {  	v0 =	vadd.f32 v3, v0;
	v1 =	vadd.f32 v2, v1;
	_ =	sdelay $0x1  }
0x1a2: {  	v0 =	vadd.f32 v1, v0;
	_ =	sdelay $0x1  }
0x1a3: {  	[tilespmem:v18+s1+$0xFFFFFFF0 ss:$0x1] =	vst.idx.msk $0xffff, v0  }
0x1a4: {  	v0 =	vld.idx.msk [tilespmem:v62+s1+$0x0 ss:$0x1], $0xffff  }
0x1a5: {  	v41 =	vld.idx.msk [tilespmem:v5+s1+$0x0 ss:$0x1], $0xffff  }
0x1a6: {  	v42 =	vld.idx.msk [tilespmem:v6+s1+$0x0 ss:$0x1], $0xffff  }
0x1a7: {  	v3 =	vld.idx.msk [tilespmem:v4+s1+$0x0 ss:$0x1], $0xffff  }
0x1a8: {  	v19 =	vld.idx.msk [tilespmem:v63+s1+$0x0 ss:$0x1], $0xffff  }
0x1a9: {  	v20 =	vld.idx.msk [tilespmem:v59+s1+$0x0 ss:$0x1], $0xffff  }
0x1aa: {  	v43 =	vld.idx.msk [tilespmem:v8+s1+$0x0 ss:$0x1], $0xffff  }
0x1ab: {  	v44 =	vld.idx.msk [tilespmem:v24+s1+$0x0 ss:$0x1], $0xffff;
	_ =	sdelay $0x1  }
0x1ac: {  	v45 =	vld.idx.msk [tilespmem:v7+s1+$0x0 ss:$0x1], $0xffff;
	v1 =	vmul.f32 v41, v10;
	v19 =	vmul.f32 v19, v13  }
0x1ad: {  	v2 =	vmul.f32 v42, v11;
	v20 =	vmul.f32 v20, v14  }
0x1ae: {  	v0 =	vmul.f32 v0, v9;
	v3 =	vmul.f32 v3, v12;
	v1 =	vadd.f32 v19, v1  }
0x1af: {  	v2 =	vadd.f32 v20, v2;
	v19 =	vmul.f32 v43, v16;
	v20 =	vmul.f32 v44, v17  }
0x1b0: {  	v0 =	vadd.f32 v3, v0  }
0x1b1: {  	v3 =	vmul.f32 v45, v15;
	v1 =	vadd.f32 v19, v1;
	v2 =	vadd.f32 v20, v2;
	_ =	sdelay $0x1  }
0x1b2: {  	v0 =	vadd.f32 v3, v0;
	v1 =	vadd.f32 v2, v1;
	_ =	sdelay $0x1  }
0x1b3: {  	v0 =	vadd.f32 v1, v0;
	_ =	sdelay $0x1  }
0x1b4: {  	[tilespmem:v18+s1+$0x0 ss:$0x1] =	vst.idx.msk $0xffff, v0  }
0x1b5: {  	v0 =	vld.idx.msk [tilespmem:v62+s1+$0x10 ss:$0x1], $0xffff  }
0x1b6: {  	v46 =	vld.idx.msk [tilespmem:v5+s1+$0x10 ss:$0x1], $0xffff  }
0x1b7: {  	v47 =	vld.idx.msk [tilespmem:v6+s1+$0x10 ss:$0x1], $0xffff  }
0x1b8: {  	v3 =	vld.idx.msk [tilespmem:v4+s1+$0x10 ss:$0x1], $0xffff  }
0x1b9: {  	v19 =	vld.idx.msk [tilespmem:v63+s1+$0x10 ss:$0x1], $0xffff  }
0x1ba: {  	v20 =	vld.idx.msk [tilespmem:v59+s1+$0x10 ss:$0x1], $0xffff  }
0x1bb: {  	v48 =	vld.idx.msk [tilespmem:v8+s1+$0x10 ss:$0x1], $0xffff  }
0x1bc: {  	v49 =	vld.idx.msk [tilespmem:v24+s1+$0x10 ss:$0x1], $0xffff;
	_ =	sdelay $0x1  }
0x1bd: {  	v50 =	vld.idx.msk [tilespmem:v7+s1+$0x10 ss:$0x1], $0xffff;
	v1 =	vmul.f32 v46, v10;
	v19 =	vmul.f32 v19, v13  }
0x1be: {  	v2 =	vmul.f32 v47, v11;
	v20 =	vmul.f32 v20, v14  }
0x1bf: {  	v0 =	vmul.f32 v0, v9;
	v3 =	vmul.f32 v3, v12;
	v1 =	vadd.f32 v19, v1  }
0x1c0: {  	v2 =	vadd.f32 v20, v2;
	v19 =	vmul.f32 v48, v16;
	v20 =	vmul.f32 v49, v17  }
0x1c1: {  	v0 =	vadd.f32 v3, v0  }
0x1c2: {  	v3 =	vmul.f32 v50, v15;
	v1 =	vadd.f32 v19, v1;
	v2 =	vadd.f32 v20, v2;
	_ =	sdelay $0x1  }
0x1c3: {  	v0 =	vadd.f32 v3, v0;
	v1 =	vadd.f32 v2, v1;
	_ =	sdelay $0x1  }
0x1c4: {  	v0 =	vadd.f32 v1, v0;
	_ =	sdelay $0x1  }
0x1c5: {  	[tilespmem:v18+s1+$0x10 ss:$0x1] =	vst.idx.msk $0xffff, v0  }
0x1c6: {  	v0 =	vld.idx.msk [tilespmem:v62+s1+$0x20 ss:$0x1], $0xffff  }
0x1c7: {  	v51 =	vld.idx.msk [tilespmem:v5+s1+$0x20 ss:$0x1], $0xffff  }
0x1c8: {  	v52 =	vld.idx.msk [tilespmem:v6+s1+$0x20 ss:$0x1], $0xffff  }
0x1c9: {  	v3 =	vld.idx.msk [tilespmem:v4+s1+$0x20 ss:$0x1], $0xffff  }
0x1ca: {  	v19 =	vld.idx.msk [tilespmem:v63+s1+$0x20 ss:$0x1], $0xffff  }
0x1cb: {  	v20 =	vld.idx.msk [tilespmem:v59+s1+$0x20 ss:$0x1], $0xffff  }
0x1cc: {  	v53 =	vld.idx.msk [tilespmem:v8+s1+$0x20 ss:$0x1], $0xffff  }
0x1cd: {  	v54 =	vld.idx.msk [tilespmem:v24+s1+$0x20 ss:$0x1], $0xffff;
	_ =	sdelay $0x1  }
0x1ce: {  	v55 =	vld.idx.msk [tilespmem:v7+s1+$0x20 ss:$0x1], $0xffff;
	v1 =	vmul.f32 v51, v10;
	v19 =	vmul.f32 v19, v13  }
0x1cf: {  	v2 =	vmul.f32 v52, v11;
	v20 =	vmul.f32 v20, v14  }
0x1d0: {  	v0 =	vmul.f32 v0, v9;
	v3 =	vmul.f32 v3, v12;
	v1 =	vadd.f32 v19, v1  }
0x1d1: {  	v2 =	vadd.f32 v20, v2;
	v19 =	vmul.f32 v53, v16;
	v20 =	vmul.f32 v54, v17  }
0x1d2: {  	v0 =	vadd.f32 v3, v0  }
0x1d3: {  	v3 =	vmul.f32 v55, v15;
	v1 =	vadd.f32 v19, v1;
	v2 =	vadd.f32 v20, v2;
	_ =	sdelay $0x1  }
0x1d4: {  	v0 =	vadd.f32 v3, v0;
	v1 =	vadd.f32 v2, v1;
	_ =	sdelay $0x1  }
0x1d5: {  	v0 =	vadd.f32 v1, v0;
	_ =	sdelay $0x1  }
0x1d6: {  	[tilespmem:v18+s1+$0x20 ss:$0x1] =	vst.idx.msk $0xffff, v0  }
0x1d7: {  	v0 =	vld.idx.msk [tilespmem:v62+s1+$0x30 ss:$0x1], $0xffff  }
0x1d8: {  	v56 =	vld.idx.msk [tilespmem:v5+s1+$0x30 ss:$0x1], $0xffff  }
0x1d9: {  	v57 =	vld.idx.msk [tilespmem:v6+s1+$0x30 ss:$0x1], $0xffff  }
0x1da: {  	v3 =	vld.idx.msk [tilespmem:v4+s1+$0x30 ss:$0x1], $0xffff  }
0x1db: {  	v19 =	vld.idx.msk [tilespmem:v63+s1+$0x30 ss:$0x1], $0xffff  }
0x1dc: {  	v20 =	vld.idx.msk [tilespmem:v59+s1+$0x30 ss:$0x1], $0xffff  }
0x1dd: {  	v58 =	vld.idx.msk [tilespmem:v8+s1+$0x30 ss:$0x1], $0xffff  }
0x1de: {  	v60 =	vld.idx.msk [tilespmem:v24+s1+$0x30 ss:$0x1], $0xffff;
	_ =	sdelay $0x1  }
0x1df: {  	v61 =	vld.idx.msk [tilespmem:v7+s1+$0x30 ss:$0x1], $0xffff;
	v1 =	vmul.f32 v56, v10;
	v19 =	vmul.f32 v19, v13  }
0x1e0: {  	v2 =	vmul.f32 v57, v11;
	v20 =	vmul.f32 v20, v14  }
0x1e1: {  	v0 =	vmul.f32 v0, v9;
	v3 =	vmul.f32 v3, v12;
	v1 =	vadd.f32 v19, v1  }
0x1e2: {  	v2 =	vadd.f32 v20, v2;
	v19 =	vmul.f32 v58, v16;
	v20 =	vmul.f32 v60, v17  }
0x1e3: {  	v0 =	vadd.f32 v3, v0  }
0x1e4: {  	v3 =	vmul.f32 v61, v15;
	v1 =	vadd.f32 v19, v1;
	v2 =	vadd.f32 v20, v2  }
0x1e5: {  	p1 =	sne.s32 s0, $0x3000  }
.Ltmp1:
0x1e6: {  	v0 =	vadd.f32 v3, v0;
	v1 =	vadd.f32 v2, v1;
	(pc) =	sbr.rel @p1 .LBB2_6-.Ltmp1, $3  }
0x1e7: {  	_ = 	snop  }
0x1e8: {  	v0 =	vadd.f32 v1, v0;
	_ =	sdelay $0x1  }
0x1e9: {  	s0 =	sadd.s32 $0x1000, s0;
	[tilespmem:v18+s1+$0x30 ss:$0x1] =	vst.idx.msk $0xffff, v0  }
0x1ea: {  	s24 =	sadd.s32 $0x1, s24  }
0x1eb: {  	p1 =	sne.s32 s24, $0x8  }
.Ltmp2:
0x1ec: {  	_ = 	snop;
	(pc) =	sbr.rel @p1 .LBB2_3-.Ltmp2, $4  }
0x1ed: {  	s25 =	sadd.s32 $0x80, s25  }
0x1ee: {  	s17 =	sadd.s32 $0x80, s17;
	s19 =	sadd.s32 $0x80, s19;
	s29 =	sadd.s32 $0x80, s29  }
0x1ef: {  	s30 =	sadd.s32 $0x80, s30;
	s31 =	sadd.s32 $0x80, s31;
	s10 =	sadd.s32 $0x80, s10  }
0x1f0: {  	s6 =	sadd.s32 $0x80, s6;
	s11 =	sadd.s32 $0x80, s11;
	s26 =	sadd.s32 $0x80, s26  }
0x1f1: {  	s0 =	rddreg [dreg:$0xc]  }
0x1f2: {  	s0 =	sadd.s32 s0, s22  }
0x1f3: {  	s0 =	sshll.u32 s0, $0x6  }
0x1f4: {  	s1 =	simm.s32 $0x12200;
	s5 =	sshll.u32 s23, $0x6;
	s0 =	sadd.s32 s15, s0  }
0x1f5: {  	[hbm4b:s0+s12] =	stream.linear.scatter [tilespmem:s1], [sflag:$0x3], $0x1000, $0x38;
	[tilespmem:$0x14200] =	vst v63  }
0x1f6: {  	s0 =	sadd.s32 $0x400, s5  }
0x1f7: {  	s30 =	smov.u32 s13;
	s31 =	smov.u32 s14;
	s6 =	sadd.s32 s13, s0  }
0x1f8: {  	[tilespmem:s12], [sflag:$0x1] =	stream.linear.gather [hbm4b:s6+s12], $0x1000, $0x38;
	[tilespmem:$0x14200] =	vst v63  }
0x1f9: {  	s2 =	simm.s32 $0x1000;
	s8 =	rddreg [dreg:$0x2];
	s7 =	sadd.s32 s14, s0  }
0x1fa: {  	[tilespmem:s2], [sflag:$0x1] =	stream.linear.gather [hbm4b:s7+s12], $0x1000, $0x38;
	[tilespmem:$0x14200] =	vst v63  }
0x1fb: {  	s9 =	simm.s32 $0x2000;
	s10 =	rddreg [dreg:$0x3];
	s1 =	sadd.s32 s8, s0  }
0x1fc: {  	[tilespmem:s9], [sflag:$0x1] =	stream.linear.gather [hbm4b:s1+s12], $0x1000, $0x38;
	[tilespmem:$0x14200] =	vst v63  }
0x1fd: {  	s11 =	simm.s32 $0x3000;
	s13 =	rddreg [dreg:$0x4];
	s1 =	sadd.s32 s10, s0  }
0x1fe: {  	[tilespmem:s11], [sflag:$0x1] =	stream.linear.gather [hbm4b:s1+s12], $0x1000, $0x38;
	[tilespmem:$0x14200] =	vst v63  }
0x1ff: {  	s16 =	rddreg [dreg:$0x5];
	s14 =	simm.s32 $0x4000;
	s1 =	sadd.s32 s13, s0  }
0x200: {  	[tilespmem:s14], [sflag:$0x1] =	stream.linear.gather [hbm4b:s1+s12], $0x1000, $0x38;
	[tilespmem:$0x14200] =	vst v63  }
0x201: {  	s17 =	simm.s32 $0x5000;
	s19 =	rddreg [dreg:$0x6];
	s1 =	sadd.s32 s16, s0  }
0x202: {  	[tilespmem:s17], [sflag:$0x1] =	stream.linear.gather [hbm4b:s1+s12], $0x1000, $0x38;
	[tilespmem:$0x14200] =	vst v63  }
0x203: {  	s23 =	rddreg [dreg:$0x7];
	s22 =	simm.s32 $0x6000;
	s1 =	sadd.s32 s19, s0  }
0x204: {  	[tilespmem:s22], [sflag:$0x1] =	stream.linear.gather [hbm4b:s1+s12], $0x1000, $0x38;
	[tilespmem:$0x14200] =	vst v63  }
0x205: {  	s24 =	simm.s32 $0x7000;
	s25 =	rddreg [dreg:$0x8];
	s1 =	sadd.s32 s23, s0  }
0x206: {  	[tilespmem:s24], [sflag:$0x1] =	stream.linear.gather [hbm4b:s1+s12], $0x1000, $0x38;
	[tilespmem:$0x14200] =	vst v63  }
0x207: {  	s26 =	simm.s32 $0x8000;
	s0 =	sadd.s32 s25, s0  }
0x208: {  	[tilespmem:s26], [sflag:$0x1] =	stream.linear.gather [hbm4b:s0+s12], $0x1000, $0x38;
	[tilespmem:$0x14200] =	vst v63  }
0x209: {  	_ =	swait.ge [sflag:s18], $0x1000  }
0x20a: {  	[sflag:s18] =	ssyncset.done $0x0  }
0x20b: {  	[sflag:s18] =	ssyncadd.s32 $0xFFFFF000  }
0x20c: {  	_ =	swait.ge [sflag:s18], $0x1000  }
0x20d: {  	[sflag:s18] =	ssyncset.done $0x0  }
0x20e: {  	[sflag:s18] =	ssyncadd.s32 $0xFFFFF000  }
0x20f: {  	_ =	swait.ge [sflag:s18], $0x1000  }
0x210: {  	[sflag:s18] =	ssyncset.done $0x0  }
0x211: {  	[sflag:s18] =	ssyncadd.s32 $0xFFFFF000  }
0x212: {  	_ =	swait.ge [sflag:s18], $0x1000  }
0x213: {  	[sflag:s18] =	ssyncset.done $0x0  }
0x214: {  	[sflag:s18] =	ssyncadd.s32 $0xFFFFF000  }
0x215: {  	_ =	swait.ge [sflag:s18], $0x1000  }
0x216: {  	[sflag:s18] =	ssyncset.done $0x0  }
0x217: {  	[sflag:s18] =	ssyncadd.s32 $0xFFFFF000  }
0x218: {  	_ =	swait.ge [sflag:s18], $0x1000  }
0x219: {  	[sflag:s18] =	ssyncset.done $0x0  }
0x21a: {  	[sflag:s18] =	ssyncadd.s32 $0xFFFFF000  }
0x21b: {  	_ =	swait.ge [sflag:s18], $0x1000  }
0x21c: {  	[sflag:s18] =	ssyncset.done $0x0  }
0x21d: {  	[sflag:s18] =	ssyncadd.s32 $0xFFFFF000  }
0x21e: {  	_ =	swait.ge [sflag:s18], $0x1000  }
0x21f: {  	[sflag:s18] =	ssyncset.done $0x0  }
0x220: {  	[sflag:s18] =	ssyncadd.s32 $0xFFFFF000  }
0x221: {  	s29 =	simm.s32 $0xC040;
	s6 =	simm.s32 $0xA040;
	_ =	swait.ge [sflag:s18], $0x1000  }
0x222: {  	s10 =	simm.s32 $0xB040;
	s11 =	simm.s32 $0x9040;
	[sflag:s18] =	ssyncset.done $0x0  }
0x223: {  	s17 =	simm.s32 $0x10040;
	s0 =	simm.s32 @!p0 $0x4;
	[sflag:s18] =	ssyncadd.s32 $0xFFFFF000  }
0x224: {  	s19 =	simm.s32 $0xF040;
	s22 =	simm.s32 $0x0;
	_ =	swait.ge @!p0 [sflag:s0], $0x1000  }
0x225: {  	s23 =	simm.s32 $0x11040;
	s25 =	simm.s32 $0xD040;
	[sflag:s0] =	ssyncset.done @!p0 $0x0  }
0x226: {  	s24 =	simm.s32 $0xE040;
	s26 =	simm.s32 $0x13240;
	[sflag:s0] =	ssyncadd.s32 @!p0 $0xFFFFF000  }
.LBB2_9:
0x227: {  	s0 =	simm.s32 $0x12040  }
0x228: {  	v9 =	vld [tilespmem:s0+$0x30]  }
0x229: {  	v10 =	vld [tilespmem:s0+$0x20]  }
0x22a: {  	v11 =	vld [tilespmem:s0+$0x10]  }
0x22b: {  	v62 =	vmov s11;
	v12 =	vld [tilespmem:s0+$0x0]  }
0x22c: {  	v3 =	vmov s6;
	v15 =	vld [tilespmem:s0+$0xFFFFFFF0]  }
0x22d: {  	v6 =	vmov s10;
	v23 =	vld [tilespmem:s0+$0xFFFFFFC0]  }
0x22e: {  	v4 =	vmov s29;
	v21 =	vld [tilespmem:s0+$0xFFFFFFD0]  }
0x22f: {  	v63 =	vmov s25;
	s16 =	simm.s32 $0x0;
	v20 =	vld [tilespmem:s0+$0xFFFFFFE0]  }
0x230: {  	v0 =	vmov s24;
	v7 =	vld.idx.msk [tilespmem:v62+s16+$0x30 ss:$0x1], $0xffff  }
0x231: {  	v1 =	vmov s19;
	v8 =	vld.idx.msk [tilespmem:v3+s16+$0x30 ss:$0x1], $0xffff  }
0x232: {  	v13 =	vld.idx.msk [tilespmem:v6+s16+$0x30 ss:$0x1], $0xffff  }
0x233: {  	v14 =	vld.idx.msk [tilespmem:v4+s16+$0x30 ss:$0x1], $0xffff  }
0x234: {  	v16 =	vld.idx.msk [tilespmem:v63+s16+$0x30 ss:$0x1], $0xffff  }
0x235: {  	v17 =	vld.idx.msk [tilespmem:v0+s16+$0x30 ss:$0x1], $0xffff  }
0x236: {  	v18 =	vld.idx.msk [tilespmem:v1+s16+$0x30 ss:$0x1], $0xffff  }
0x237: {  	v19 =	vld.idx.msk [tilespmem:v62+s16+$0x20 ss:$0x1], $0xffff  }
0x238: {  	v22 =	vld.idx.msk [tilespmem:v3+s16+$0x20 ss:$0x1], $0xffff  }
0x239: {  	v24 =	vld.idx.msk [tilespmem:v6+s16+$0x20 ss:$0x1], $0xffff  }
0x23a: {  	v29 =	vld.idx.msk [tilespmem:v4+s16+$0x20 ss:$0x1], $0xffff  }
0x23b: {  	v30 =	vld.idx.msk [tilespmem:v63+s16+$0x20 ss:$0x1], $0xffff  }
0x23c: {  	v31 =	vld.idx.msk [tilespmem:v0+s16+$0x20 ss:$0x1], $0xffff  }
0x23d: {  	v32 =	vld.idx.msk [tilespmem:v1+s16+$0x20 ss:$0x1], $0xffff  }
0x23e: {  	v33 =	vld.idx.msk [tilespmem:v62+s16+$0x10 ss:$0x1], $0xffff  }
0x23f: {  	v38 =	vld.idx.msk [tilespmem:v3+s16+$0x10 ss:$0x1], $0xffff  }
0x240: {  	v39 =	vld.idx.msk [tilespmem:v6+s16+$0x10 ss:$0x1], $0xffff  }
0x241: {  	v40 =	vld.idx.msk [tilespmem:v4+s16+$0x10 ss:$0x1], $0xffff  }
0x242: {  	v41 =	vld.idx.msk [tilespmem:v63+s16+$0x10 ss:$0x1], $0xffff  }
0x243: {  	v46 =	vld.idx.msk [tilespmem:v0+s16+$0x10 ss:$0x1], $0xffff  }
0x244: {  	v47 =	vld.idx.msk [tilespmem:v1+s16+$0x10 ss:$0x1], $0xffff  }
0x245: {  	v48 =	vld.idx.msk [tilespmem:v62+s16+$0x0 ss:$0x1], $0xffff  }
0x246: {  	v49 =	vld.idx.msk [tilespmem:v3+s16+$0x0 ss:$0x1], $0xffff  }
0x247: {  	v50 =	vld.idx.msk [tilespmem:v6+s16+$0x0 ss:$0x1], $0xffff  }
0x248: {  	v51 =	vld.idx.msk [tilespmem:v4+s16+$0x0 ss:$0x1], $0xffff  }
0x249: {  	v52 =	vld.idx.msk [tilespmem:v63+s16+$0x0 ss:$0x1], $0xffff  }
0x24a: {  	v34 =	vld.idx.msk [tilespmem:v62+s16+$0xFFFFFFC0 ss:$0x1], $0xffff  }
0x24b: {  	v53 =	vld.idx.msk [tilespmem:v0+s16+$0x0 ss:$0x1], $0xffff;
	v54 =	vmul.f32 v7, v9;
	v27 =	vmul.f32 v8, v9  }
0x24c: {  	v37 =	vld.idx.msk [tilespmem:v62+s16+$0xFFFFFFD0 ss:$0x1], $0xffff;
	v28 =	vmul.f32 v13, v9;
	v5 =	vmul.f32 v14, v9  }
0x24d: {  	v55 =	vld.idx.msk [tilespmem:v3+s16+$0xFFFFFFF0 ss:$0x1], $0xffff;
	v26 =	vmul.f32 v16, v9;
	v2 =	vmul.f32 v17, v9  }
0x24e: {  	v56 =	vld.idx.msk [tilespmem:v6+s16+$0xFFFFFFE0 ss:$0x1], $0xffff;
	v8 =	vmul.f32 v19, v10;
	v59 =	vmul.f32 v18, v9  }
0x24f: {  	v61 =	vld.idx.msk [tilespmem:v6+s16+$0xFFFFFFD0 ss:$0x1], $0xffff;
	v16 =	vmul.f32 v34, v23;
	v35 =	vmul.f32 v22, v10  }
0x250: {  	v7 =	vld.idx.msk [tilespmem:v62+s16+$0xFFFFFFE0 ss:$0x1], $0xffff;
	v36 =	vmul.f32 v24, v10;
	v34 =	vmul.f32 v29, v10  }
0x251: {  	v22 =	vld.idx.msk [tilespmem:v62+s16+$0xFFFFFFF0 ss:$0x1], $0xffff;
	v29 =	vmul.f32 v37, v21;
	v37 =	vmul.f32 v30, v10  }
0x252: {  	v30 =	vld.idx.msk [tilespmem:v6+s16+$0xFFFFFFF0 ss:$0x1], $0xffff;
	v17 =	vmul.f32 v31, v10;
	v60 =	vmul.f32 v32, v10  }
0x253: {  	v18 =	vimm.f32 $0.0e+00;
	v31 =	vld.idx.msk [tilespmem:v3+s16+$0xFFFFFFE0 ss:$0x1], $0xffff;
	v33 =	vmul.f32 v33, v11;
	v42 =	vmul.f32 v38, v11  }
0x254: {  	v43 =	vmul.f32 v39, v11;
	v38 =	vld.idx.msk [tilespmem:v3+s16+$0xFFFFFFD0 ss:$0x1], $0xffff;
	v44 =	vmul.f32 v40, v11;
	v24 =	vadd.f32 v16, v18  }
0x255: {  	v45 =	vmul.f32 v41, v11;
	v40 =	vld.idx.msk [tilespmem:v3+s16+$0xFFFFFFC0 ss:$0x1], $0xffff;
	v57 =	vmul.f32 v49, v12  }
0x256: {  	v41 =	vld.idx.msk [tilespmem:v6+s16+$0xFFFFFFC0 ss:$0x1], $0xffff;
	v58 =	vmul.f32 v50, v12;
	v24 =	vadd.f32 v29, v24;
	v7 =	vmul.f32 v7, v20  }
0x257: {  	v49 =	vld.idx.msk [tilespmem:v63+s16+$0xFFFFFFC0 ss:$0x1], $0xffff;
	v32 =	vmul.f32 v53, v12;
	v39 =	vmul.f32 v61, v21  }
0x258: {  	v50 =	vld.idx.msk [tilespmem:v4+s16+$0xFFFFFFD0 ss:$0x1], $0xffff;
	v61 =	vmov s23;
	v7 =	vadd.f32 v7, v24;
	v24 =	vmul.f32 v22, v15  }
0x259: {  	v19 =	vld.idx.msk [tilespmem:v1+s16+$0x0 ss:$0x1], $0xffff;
	v53 =	vmul.f32 v56, v20;
	[tilespmem:$0x1FF70] =	vst v61;
	v29 =	vmul.f32 v48, v12  }
0x25a: {  	v61 =	vld.idx.msk [tilespmem:v0+s16+$0xFFFFFFE0 ss:$0x1], $0xffff;
	v30 =	vmul.f32 v30, v15;
	v31 =	vmul.f32 v31, v20;
	v7 =	vadd.f32 v24, v7  }
0x25b: {  	[tilespmem:$0x1FF30] =	vst v2;
	v48 =	vld.idx.msk [tilespmem:v4+s16+$0xFFFFFFC0 ss:$0x1], $0xffff;
	v38 =	vmul.f32 v38, v21;
	v40 =	vmul.f32 v40, v23  }
0x25c: {  	[tilespmem:$0x1FF40] =	vst v59;
	v41 =	vmul.f32 v41, v23;
	v49 =	vmul.f32 v49, v23;
	v7 =	vadd.f32 v29, v7  }
0x25d: {  	[tilespmem:$0x1FF50] =	vst v60;
	v2 =	vld.idx.msk [tilespmem:v4+s16+$0xFFFFFFF0 ss:$0x1], $0xffff;
	v50 =	vmul.f32 v50, v21;
	v22 =	vmul.f32 v46, v11  }
0x25e: {  	v60 =	vld.idx.msk [tilespmem:v63+s16+$0xFFFFFFD0 ss:$0x1], $0xffff;
	v46 =	vmul.f32 v51, v12;
	v40 =	vadd.f32 v40, v18;
	v24 =	vmul.f32 v47, v11  }
0x25f: {  	v47 =	vmul.f32 v52, v12;
	v52 =	vld.idx.msk [tilespmem:v4+s16+$0xFFFFFFE0 ss:$0x1], $0xffff;
	v29 =	vmul.f32 v19, v12;
	v19 =	vadd.f32 v33, v7  }
0x260: {  	v41 =	vadd.f32 v41, v18;
	v48 =	vmul.f32 v48, v23;
	v38 =	vadd.f32 v38, v40;
	v7 =	vmovc v1  }
0x261: {  	v51 =	vmul.f32 v55, v15;
	v55 =	vld.idx.msk [tilespmem:v63+s16+$0xFFFFFFE0 ss:$0x1], $0xffff;
	v49 =	vadd.f32 v49, v18;
	v19 =	vadd.f32 v8, v19  }
0x262: {  	v59 =	vld.idx.msk [tilespmem:v0+s16+$0xFFFFFFF0 ss:$0x1], $0xffff;
	v2 =	vmul.f32 v2, v15;
	v48 =	vadd.f32 v48, v18;
	v31 =	vadd.f32 v31, v38  }
0x263: {  	v39 =	vadd.f32 v39, v41;
	v33 =	vmul.f32 v60, v21;
	v19 =	vadd.f32 v54, v19;
	v54 =	vld.idx.msk [tilespmem:v63+s16+$0xFFFFFFF0 ss:$0x1], $0xffff  }
0x264: {  	v38 =	vld.idx.msk [tilespmem:v0+s16+$0xFFFFFFD0 ss:$0x1], $0xffff;
	v41 =	vadd.f32 v50, v48;
	v31 =	vadd.f32 v51, v31;
	v40 =	vmul.f32 v52, v20  }
0x265: {  	v1 =	vmov s17;
	v33 =	vadd.f32 v33, v49;
	v49 =	vadd.f32 v53, v39;
	v60 =	vld.idx.msk [tilespmem:v7+s16+$0xFFFFFFF0 ss:$0x1], $0xffff  }
0x266: {  	v48 =	vmul.f32 v55, v20;
	v50 =	vmul.f32 v61, v20;
	v41 =	vadd.f32 v40, v41;
	v40 =	vld.idx.msk [tilespmem:v0+s16+$0xFFFFFFC0 ss:$0x1], $0xffff  }
0x267: {  	v55 =	vadd.f32 v57, v31;
	v31 =	vimm.f32 $0.0e+00;
	v30 =	vadd.f32 v30, v49;
	v52 =	vld.idx.msk [tilespmem:v7+s16+$0xFFFFFFE0 ss:$0x1], $0xffff  }
0x268: {  	v33 =	vadd.f32 v48, v33;
	v48 =	vmul.f32 v59, v15;
	v39 =	vld.idx.msk [tilespmem:v7+s16+$0xFFFFFFD0 ss:$0x1], $0xffff;
	v54 =	vmul.f32 v54, v15  }
0x269: {  	[tilespmem:$0x1FF60] =	vst v3;
	v53 =	vadd.f32 v2, v41;
	v56 =	vadd.f32 v58, v30;
	v30 =	vimm.f32 $0.0e+00;
	v41 =	vld.idx.msk [tilespmem:v7+s16+$0xFFFFFFC0 ss:$0x1], $0xffff  }
0x26a: {  	s1 =	simm.s32 $0x1000;
	[tilespmem:$0x1FF80] =	vst v1;
	v59 =	vmovc v0;
	v51 =	vld.idx.msk [tilespmem:v1+s16+$0xFFFFFFC0 ss:$0x1], $0xffff;
	v54 =	vadd.f32 v54, v33;
	v33 =	vimm.f32 $0.0e+00;
	v49 =	vmul.f32 v60, v15  }
.LBB2_10:
0x26b: {  	v0 =	vld [tilespmem:$0x1FF70]  }
0x26c: {  	v2 =	vld [tilespmem:$0x1FF80];
	_ =	sdelay $0x1  }
0x26d: {  	v58 =	vadd.f32 v42, v55;
	_ =	sdelay $0x1  }
0x26e: {  	v35 =	vadd.f32 v35, v58;
	v58 =	vmul.f32 v41, v23;
	_ =	sdelay $0x1  }
0x26f: {  	v25 =	vadd.f32 v58, v33;
	v58 =	vld [tilespmem:$0x1FF30]  }
0x270: {  	v57 =	vld.idx.msk [tilespmem:v0+s16+$0xFFFFFFC0 ss:$0x1], $0xffff  }
0x271: {  	v47 =	vadd.f32 v47, v54;
	v54 =	vld.idx.msk [tilespmem:v2+s16+$0xFFFFFFD0 ss:$0x1], $0xffff  }
0x272: {  	v60 =	vadd.f32 v43, v56;
	v55 =	vld.idx.msk [tilespmem:v0+s16+$0xFFFFFFD0 ss:$0x1], $0xffff  }
0x273: {  	v46 =	vadd.f32 v46, v53;
	v1 =	vadd.f32 v45, v47;
	v56 =	vld.idx.msk [tilespmem:v2+s16+$0xFFFFFFE0 ss:$0x1], $0xffff  }
0x274: {  	v36 =	vadd.f32 v36, v60;
	v60 =	vld.idx.msk [tilespmem:v0+s16+$0xFFFFFFE0 ss:$0x1], $0xffff  }
0x275: {  	v61 =	vadd.f32 v44, v46;
	v37 =	vadd.f32 v37, v1;
	v1 =	vld.idx.msk [tilespmem:v2+s16+$0xFFFFFFF0 ss:$0x1], $0xffff  }
0x276: {  	v53 =	vmul.f32 v38, v21;
	v43 =	vmul.f32 v39, v21;
	v38 =	vadd.f32 v27, v35;
	v27 =	vld.idx.msk [tilespmem:v0+s16+$0xFFFFFFF0 ss:$0x1], $0xffff  }
0x277: {  	v34 =	vadd.f32 v34, v61;
	v61 =	vmul.f32 v51, v23;
	v39 =	vadd.f32 v28, v36;
	v28 =	vld.idx.msk [tilespmem:v2+s16+$0x0 ss:$0x1], $0xffff  }
0x278: {  	v41 =	vadd.f32 v26, v37;
	v26 =	vmul.f32 v54, v21;
	v21 =	vmul.f32 v55, v21;
	v55 =	vld.idx.msk [tilespmem:v2+s16+$0x10 ss:$0x1], $0xffff  }
0x279: {  	v54 =	vmul.f32 v56, v20;
	v56 =	vld.idx.msk [tilespmem:v2+s16+$0x20 ss:$0x1], $0xffff  }
0x27a: {  	v45 =	vmul.f32 v40, v23;
	v31 =	vadd.f32 v61, v31;
	v23 =	vmul.f32 v57, v23;
	v57 =	vld [tilespmem:$0x1FF50]  }
0x27b: {  	v52 =	vmul.f32 v52, v20;
	v20 =	vmul.f32 v60, v20;
	v60 =	vld [tilespmem:$0x1FF40]  }
0x27c: {  	v23 =	vadd.f32 v23, v30;
	v30 =	vld.idx.msk [tilespmem:v0+s16+$0x0 ss:$0x1], $0xffff;
	v26 =	vadd.f32 v26, v31;
	v31 =	vmul.f32 v1, v15  }
0x27d: {  	v15 =	vmul.f32 v27, v15;
	v27 =	vmul.f32 v28, v12;
	v28 =	vld.idx.msk [tilespmem:v2+s16+$0x30 ss:$0x1], $0xffff  }
0x27e: {  	v1 =	vld [tilespmem:$0x1FF60];
	v21 =	vadd.f32 v21, v23  }
0x27f: {  	v18 =	vadd.f32 v45, v18;
	v23 =	vld.idx.msk [tilespmem:v0+s16+$0x10 ss:$0x1], $0xffff;
	v26 =	vadd.f32 v54, v26  }
0x280: {  	s0 =	sadd.s32 $0x80, s0;
	v20 =	vadd.f32 v20, v21;
	v21 =	vld.idx.msk [tilespmem:v0+s16+$0x20 ss:$0x1], $0xffff  }
0x281: {  	v18 =	vadd.f32 v53, v18;
	v26 =	vadd.f32 v31, v26;
	v31 =	vld [tilespmem:s0+$0x20]  }
0x282: {  	v12 =	vmul.f32 v30, v12;
	v30 =	vld [tilespmem:s0+$0x30]  }
0x283: {  	v18 =	vadd.f32 v50, v18;
	v15 =	vadd.f32 v15, v20;
	v20 =	vld.idx.msk [tilespmem:v0+s16+$0x30 ss:$0x1], $0xffff;
	s16 =	sshra.s32 s1, $0x2  }
0x284: {  	v26 =	vadd.f32 v27, v26;
	v27 =	vld.idx.msk [tilespmem:v62+s16+$0x30 ss:$0x1], $0xffff  }
0x285: {  	v18 =	vadd.f32 v48, v18;
	v13 =	vld.idx.msk [tilespmem:v59+s16+$0x30 ss:$0x1], $0xffff  }
0x286: {  	v14 =	vld.idx.msk [tilespmem:v7+s16+$0x30 ss:$0x1], $0xffff  }
0x287: {  	v18 =	vadd.f32 v32, v18;
	v32 =	vld.idx.msk [tilespmem:v6+s16+$0x20 ss:$0x1], $0xffff  }
0x288: {  	v40 =	vadd.f32 v5, v34;
	v34 =	vld.idx.msk [tilespmem:v4+s16+$0x20 ss:$0x1], $0xffff  }
0x289: {  	v37 =	vld.idx.msk [tilespmem:v63+s16+$0x20 ss:$0x1], $0xffff  }
0x28a: {  	v42 =	vld.idx.msk [tilespmem:v59+s16+$0x20 ss:$0x1], $0xffff  }
0x28b: {  	v25 =	vadd.f32 v43, v25;
	v43 =	vld.idx.msk [tilespmem:v7+s16+$0x20 ss:$0x1], $0xffff  }
0x28c: {  	v44 =	vld.idx.msk [tilespmem:v62+s16+$0x10 ss:$0x1], $0xffff  }
0x28d: {  	v46 =	vld.idx.msk [tilespmem:v6+s16+$0x10 ss:$0x1], $0xffff  }
0x28e: {  	v25 =	vadd.f32 v52, v25;
	v47 =	vld.idx.msk [tilespmem:v4+s16+$0x10 ss:$0x1], $0xffff  }
0x28f: {  	v48 =	vld.idx.msk [tilespmem:v63+s16+$0x10 ss:$0x1], $0xffff  }
0x290: {  	v25 =	vadd.f32 v49, v25;
	v49 =	vld.idx.msk [tilespmem:v59+s16+$0x10 ss:$0x1], $0xffff  }
0x291: {  	v50 =	vld.idx.msk [tilespmem:v7+s16+$0x10 ss:$0x1], $0xffff  }
0x292: {  	v51 =	vld.idx.msk [tilespmem:v62+s16+$0x0 ss:$0x1], $0xffff  }
0x293: {  	v53 =	vld.idx.msk [tilespmem:v6+s16+$0x0 ss:$0x1], $0xffff  }
0x294: {  	v54 =	vld.idx.msk [tilespmem:v4+s16+$0x0 ss:$0x1], $0xffff  }
0x295: {  	v25 =	vadd.f32 v29, v25;
	v29 =	vmul.f32 v55, v11;
	v55 =	vld.idx.msk [tilespmem:v63+s16+$0x0 ss:$0x1], $0xffff  }
0x296: {  	v35 =	vld.idx.msk [tilespmem:v62+s16+$0xFFFFFFC0 ss:$0x1], $0xffff;
	v12 =	vadd.f32 v12, v15  }
0x297: {  	v15 =	vadd.f32 v22, v18;
	v18 =	vadd.f32 v24, v25;
	v24 =	vld.idx.msk [tilespmem:v1+s16+$0x30 ss:$0x1], $0xffff  }
0x298: {  	v25 =	vld.idx.msk [tilespmem:v6+s16+$0x30 ss:$0x1], $0xffff  }
0x299: {  	v11 =	vmul.f32 v23, v11;
	v23 =	vadd.f32 v29, v26;
	v29 =	vld.idx.msk [tilespmem:v1+s16+$0x20 ss:$0x1], $0xffff  }
0x29a: {  	v45 =	vld.idx.msk [tilespmem:v1+s16+$0x10 ss:$0x1], $0xffff  }
0x29b: {  	v52 =	vld.idx.msk [tilespmem:v1+s16+$0x0 ss:$0x1], $0xffff  }
0x29c: {  	v22 =	vmul.f32 v56, v10;
	v56 =	vld.idx.msk [tilespmem:v59+s16+$0x0 ss:$0x1], $0xffff  }
0x29d: {  	v11 =	vadd.f32 v11, v12;
	v12 =	vadd.f32 v17, v15;
	v17 =	vld.idx.msk [tilespmem:v4+s16+$0x30 ss:$0x1], $0xffff  }
0x29e: {  	v3 =	vmul.f32 v21, v10;
	v21 =	vadd.f32 v22, v23;
	v22 =	vld.idx.msk [tilespmem:v63+s16+$0x30 ss:$0x1], $0xffff  }
0x29f: {  	v16 =	vmul.f32 v28, v9;
	v15 =	vadd.f32 v57, v18;
	v57 =	vld.idx.msk [tilespmem:v7+s16+$0x0 ss:$0x1], $0xffff  }
0x2a0: {  	v23 =	vld [tilespmem:s0+$0xFFFFFFC0]  }
0x2a1: {  	v10 =	vmov v31;
	v31 =	vadd.f32 v16, v21;
	v16 =	vld.idx.msk [tilespmem:v62+s16+$0x20 ss:$0x1], $0xffff  }
0x2a2: {  	v0 =	vadd.f32 v58, v12;
	v12 =	vld [tilespmem:s0+$0x0]  }
0x2a3: {  	v33 =	vadd.f32 v60, v15;
	v15 =	vld [tilespmem:s0+$0xFFFFFFF0]  }
0x2a4: {  	v58 =	vld.idx.msk [tilespmem:v62+s16+$0xFFFFFFD0 ss:$0x1], $0xffff  }
0x2a5: {  	v20 =	vmul.f32 v20, v9;
	v9 =	vmov v30;
	v21 =	vld [tilespmem:s0+$0xFFFFFFD0]  }
0x2a6: {  	v11 =	vadd.f32 v3, v11;
	v36 =	vmul.f32 v14, v9;
	v14 =	vld.idx.msk [tilespmem:v1+s16+$0xFFFFFFD0 ss:$0x1], $0xffff  }
0x2a7: {  	v8 =	vmul.f32 v27, v9;
	v27 =	vmul.f32 v24, v9;
	v24 =	vld.idx.msk [tilespmem:v62+s16+$0xFFFFFFE0 ss:$0x1], $0xffff  }
0x2a8: {  	v61 =	vmul.f32 v13, v9;
	v34 =	vmul.f32 v34, v10;
	v30 =	vadd.f32 v20, v11;
	v11 =	vld [tilespmem:s0+$0x10]  }
0x2a9: {  	v37 =	vmul.f32 v37, v10;
	v43 =	vmul.f32 v43, v10;
	v20 =	vld [tilespmem:s0+$0xFFFFFFE0]  }
0x2aa: {  	v28 =	vmul.f32 v25, v9;
	v25 =	vmul.f32 v42, v10;
	[tilespmem:$0x1FF30] =	vst v61;
	v61 =	vld.idx.msk [tilespmem:v1+s16+$0xFFFFFFF0 ss:$0x1], $0xffff  }
0x2ab: {  	[tilespmem:$0x1FF20] =	vst v0;
	v26 =	vmul.f32 v22, v9;
	v0 =	vmul.f32 v35, v23;
	v22 =	vld.idx.msk [tilespmem:v62+s16+$0xFFFFFFF0 ss:$0x1], $0xffff  }
0x2ac: {  	[tilespmem:$0x1FF40] =	vst v36;
	v36 =	vmul.f32 v32, v10;
	v5 =	vmul.f32 v17, v9;
	v17 =	vld.idx.msk [tilespmem:v6+s16+$0xFFFFFFE0 ss:$0x1], $0xffff  }
0x2ad: {  	v35 =	vmul.f32 v29, v10;
	v19 =	vadd.f32 v0, v19;
	v29 =	vmul.f32 v58, v21;
	v58 =	vld.idx.msk [tilespmem:v6+s16+$0xFFFFFFF0 ss:$0x1], $0xffff  }
0x2ae: {  	v60 =	vmul.f32 v16, v10;
	v16 =	vmov v62;
	v62 =	vld.idx.msk [tilespmem:v1+s16+$0xFFFFFFE0 ss:$0x1], $0xffff;
	v18 =	vmul.f32 v52, v12  }
0x2af: {  	v1 =	vld.idx.msk [tilespmem:v1+s16+$0xFFFFFFC0 ss:$0x1], $0xffff;
	v3 =	vmul.f32 v53, v12;
	v19 =	vadd.f32 v29, v19;
	v24 =	vmul.f32 v24, v20  }
0x2b0: {  	v0 =	vld.idx.msk [tilespmem:v6+s16+$0xFFFFFFD0 ss:$0x1], $0xffff;
	v32 =	vmul.f32 v56, v12;
	v14 =	vmul.f32 v14, v21  }
0x2b1: {  	v52 =	vld.idx.msk [tilespmem:v63+s16+$0xFFFFFFD0 ss:$0x1], $0xffff;
	v13 =	vmul.f32 v44, v11;
	v19 =	vadd.f32 v24, v19;
	v24 =	vmul.f32 v22, v15  }
0x2b2: {  	[tilespmem:$0x1FF50] =	vst v43;
	v42 =	vmul.f32 v45, v11;
	v45 =	vmul.f32 v48, v11;
	v48 =	vld.idx.msk [tilespmem:v6+s16+$0xFFFFFFC0 ss:$0x1], $0xffff  }
0x2b3: {  	v43 =	vmul.f32 v46, v11;
	v29 =	vmul.f32 v51, v12;
	v51 =	vld.idx.msk [tilespmem:v4+s16+$0xFFFFFFD0 ss:$0x1], $0xffff;
	v19 =	vadd.f32 v24, v19  }
0x2b4: {  	v53 =	vmul.f32 v61, v15;
	v61 =	vld.idx.msk [tilespmem:v63+s16+$0xFFFFFFF0 ss:$0x1], $0xffff;
	v1 =	vmul.f32 v1, v23  }
0x2b5: {  	v44 =	vmul.f32 v47, v11;
	v22 =	vmul.f32 v49, v11;
	v49 =	vld.idx.msk [tilespmem:v4+s16+$0xFFFFFFC0 ss:$0x1], $0xffff;
	v19 =	vadd.f32 v29, v19  }
0x2b6: {  	v46 =	vmul.f32 v54, v12;
	v24 =	vmul.f32 v50, v11;
	v50 =	vld.idx.msk [tilespmem:v63+s16+$0xFFFFFFC0 ss:$0x1], $0xffff;
	v1 =	vadd.f32 v1, v38  }
0x2b7: {  	v47 =	vmul.f32 v55, v12;
	v54 =	vmul.f32 v58, v15;
	v58 =	vld.idx.msk [tilespmem:v63+s16+$0xFFFFFFE0 ss:$0x1], $0xffff;
	v13 =	vadd.f32 v13, v19  }
0x2b8: {  	v55 =	vmul.f32 v62, v20;
	v38 =	vmul.f32 v51, v21;
	v51 =	vld.idx.msk [tilespmem:v2+s16+$0xFFFFFFC0 ss:$0x1], $0xffff;
	v1 =	vadd.f32 v14, v1  }
0x2b9: {  	v48 =	vmul.f32 v48, v23;
	v29 =	vmul.f32 v57, v12;
	v57 =	vld.idx.msk [tilespmem:v4+s16+$0xFFFFFFE0 ss:$0x1], $0xffff;
	v13 =	vadd.f32 v60, v13  }
0x2ba: {  	v0 =	vmul.f32 v0, v21;
	v49 =	vmul.f32 v49, v23;
	v14 =	vld.idx.msk [tilespmem:v59+s16+$0xFFFFFFE0 ss:$0x1], $0xffff;
	v1 =	vadd.f32 v55, v1  }
0x2bb: {  	v50 =	vmul.f32 v50, v23;
	v60 =	vld.idx.msk [tilespmem:v4+s16+$0xFFFFFFF0 ss:$0x1], $0xffff;
	v19 =	vadd.f32 v8, v13;
	v13 =	vadd.f32 v48, v39  }
0x2bc: {  	v56 =	vmul.f32 v17, v20;
	v1 =	vadd.f32 v53, v1;
	v48 =	vld.idx.msk [tilespmem:v59+s16+$0xFFFFFFF0 ss:$0x1], $0xffff;
	v39 =	vadd.f32 v49, v40  }
0x2bd: {  	v52 =	vmul.f32 v52, v21;
	v40 =	vadd.f32 v50, v41;
	v49 =	vld.idx.msk [tilespmem:v7+s16+$0xFFFFFFF0 ss:$0x1], $0xffff;
	v0 =	vadd.f32 v0, v13  }
0x2be: {  	p0 =	sne.s32 s1, $0x3000;
	v41 =	vld.idx.msk [tilespmem:v7+s16+$0xFFFFFFC0 ss:$0x1], $0xffff;
	v55 =	vadd.f32 v18, v1;
	v13 =	vmul.f32 v57, v20;
	v50 =	vadd.f32 v38, v39  }
.Ltmp3:
0x2bf: {  	v18 =	vld [tilespmem:$0x1FF20];
	v40 =	vadd.f32 v52, v40;
	v57 =	vmul.f32 v58, v20;
	v0 =	vadd.f32 v56, v0;
	(pc) =	sbr.rel @p0 .LBB2_10-.Ltmp3, $4  }
0x2c0: {  	v17 =	vmovc v25;
	v62 =	vmov v16;
	v52 =	vld.idx.msk [tilespmem:v7+s16+$0xFFFFFFE0 ss:$0x1], $0xffff;
	v58 =	vmul.f32 v60, v15;
	v13 =	vadd.f32 v13, v50  }
0x2c1: {  	v61 =	vmul.f32 v61, v15;
	v38 =	vld.idx.msk [tilespmem:v59+s16+$0xFFFFFFD0 ss:$0x1], $0xffff;
	v60 =	vadd.f32 v57, v40;
	v0 =	vadd.f32 v54, v0  }
0x2c2: {  	v39 =	vld.idx.msk [tilespmem:v7+s16+$0xFFFFFFD0 ss:$0x1], $0xffff;
	v50 =	vmul.f32 v14, v20;
	v48 =	vmul.f32 v48, v15;
	v53 =	vadd.f32 v58, v13  }
0x2c3: {  	s1 =	sadd.s32 $0x1000, s1;
	v40 =	vld.idx.msk [tilespmem:v59+s16+$0xFFFFFFC0 ss:$0x1], $0xffff;
	v49 =	vmul.f32 v49, v15;
	v54 =	vadd.f32 v61, v60;
	v56 =	vadd.f32 v3, v0  }
0x2c4: {  	v16 =	vld [tilespmem:$0x1FF70]  }
0x2c5: {  	v8 =	vld [tilespmem:$0x1FF80];
	_ =	sdelay $0x6  }
0x2c6: {  	v14 =	vld.idx.msk [tilespmem:v16+s16+$0xFFFFFFC0 ss:$0x1], $0xffff  }
0x2c7: {  	v0 =	vadd.f32 v46, v53;
	v60 =	vmul.f32 v40, v23;
	v40 =	vmul.f32 v41, v23;
	v57 =	vld.idx.msk [tilespmem:v8+s16+$0xFFFFFFD0 ss:$0x1], $0xffff  }
0x2c8: {  	v58 =	vld.idx.msk [tilespmem:v16+s16+$0xFFFFFFD0 ss:$0x1], $0xffff  }
0x2c9: {  	v0 =	vadd.f32 v44, v0;
	v39 =	vmul.f32 v39, v21;
	v44 =	vadd.f32 v40, v33;
	v61 =	vld.idx.msk [tilespmem:v8+s16+$0xFFFFFFE0 ss:$0x1], $0xffff  }
0x2ca: {  	v3 =	vadd.f32 v42, v55;
	v2 =	vmul.f32 v52, v20;
	v13 =	vadd.f32 v43, v56;
	v41 =	vld.idx.msk [tilespmem:v16+s16+$0xFFFFFFE0 ss:$0x1], $0xffff  }
0x2cb: {  	v43 =	vmul.f32 v51, v23;
	v25 =	vld.idx.msk [tilespmem:v8+s16+$0xFFFFFFF0 ss:$0x1], $0xffff;
	v14 =	vmul.f32 v14, v23;
	v23 =	vadd.f32 v39, v44  }
0x2cc: {  	v1 =	vadd.f32 v47, v54;
	v38 =	vmul.f32 v38, v21;
	v18 =	vadd.f32 v60, v18;
	v47 =	vld.idx.msk [tilespmem:v8+s16+$0x0 ss:$0x1], $0xffff  }
0x2cd: {  	v3 =	vadd.f32 v35, v3;
	v53 =	vld.idx.msk [tilespmem:v8+s16+$0x10 ss:$0x1], $0xffff;
	v2 =	vadd.f32 v2, v23  }
0x2ce: {  	v1 =	vadd.f32 v45, v1;
	v18 =	vadd.f32 v38, v18;
	v60 =	vld.idx.msk [tilespmem:v8+s16+$0x30 ss:$0x1], $0xffff  }
0x2cf: {  	v13 =	vadd.f32 v36, v13;
	v46 =	vmul.f32 v57, v21;
	v57 =	vld.idx.msk [tilespmem:v8+s16+$0x20 ss:$0x1], $0xffff;
	v2 =	vadd.f32 v49, v2  }
0x2d0: {  	v0 =	vadd.f32 v34, v0;
	v18 =	vadd.f32 v50, v18;
	v8 =	vld [tilespmem:$0x1FF50]  }
0x2d1: {  	v13 =	vadd.f32 v28, v13;
	v2 =	vadd.f32 v29, v2  }
0x2d2: {  	v28 =	vadd.f32 v43, v31;
	v45 =	vld.idx.msk [tilespmem:v16+s16+$0xFFFFFFF0 ss:$0x1], $0xffff;
	v18 =	vadd.f32 v48, v18  }
0x2d3: {  	v51 =	vmul.f32 v58, v21;
	v14 =	vadd.f32 v14, v30;
	v2 =	vadd.f32 v24, v2  }
0x2d4: {  	v52 =	vld.idx.msk [tilespmem:v16+s16+$0x0 ss:$0x1], $0xffff;
	v34 =	vmul.f32 v61, v20;
	v18 =	vadd.f32 v32, v18;
	v28 =	vadd.f32 v46, v28  }
0x2d5: {  	v20 =	vmul.f32 v41, v20;
	v14 =	vadd.f32 v51, v14;
	v2 =	vadd.f32 v8, v2;
	v8 =	vld [tilespmem:$0x1FF30]  }
0x2d6: {  	v54 =	vld.idx.msk [tilespmem:v16+s16+$0x10 ss:$0x1], $0xffff;
	v55 =	vmul.f32 v25, v15;
	v18 =	vadd.f32 v22, v18;
	v56 =	vadd.f32 v34, v28  }
0x2d7: {  	(xrf2) =	vadd.scan.msk.f32 $0xffff, v19;
	v3 =	vadd.f32 v27, v3;
	v15 =	vmul.f32 v45, v15;
	v14 =	vadd.f32 v20, v14  }
0x2d8: {  	v58 =	vmul.f32 v47, v12;
	v17 =	vadd.f32 v17, v18;
	v20 =	vld.idx.msk [tilespmem:v16+s16+$0x20 ss:$0x1], $0xffff;
	v23 =	vadd.f32 v55, v56  }
0x2d9: {  	(xrf2) =	vadd.scan.msk.f32 $0xffff, v3;
	v12 =	vmul.f32 v52, v12;
	v14 =	vadd.f32 v15, v14;
	v15 =	vld.idx.msk [tilespmem:v16+s16+$0x30 ss:$0x1], $0xffff  }
0x2da: {  	(xrf2) =	vadd.scan.msk.f32 $0xffff, v13;
	v61 =	vmul.f32 v53, v11;
	v23 =	vadd.f32 v58, v23;
	v13 =	vadd.f32 v8, v17;
	v8 =	vld [tilespmem:$0x1FF40]  }
0x2db: {  	v1 =	vadd.f32 v37, v1;
	v11 =	vmul.f32 v54, v11;
	v12 =	vadd.f32 v12, v14  }
0x2dc: {  	v0 =	vadd.f32 v5, v0;
	v14 =	vmul.f32 v57, v10;
	v19 =	vadd.f32 v61, v23  }
0x2dd: {  	v1 =	vadd.f32 v26, v1;
	v10 =	vmul.f32 v20, v10;
	v3 =	vadd.f32 v11, v12  }
0x2de: {  	(xrf2) =	vadd.scan.msk.f32 $0xffff, v0;
	v11 =	vmul.f32 v60, v9;
	v12 =	vadd.f32 v14, v19  }
0x2df: {  	(xrf2) =	vadd.scan.msk.f32 $0xffff, v1;
	v32 =	vadd.f32 v10, v3;
	v3 =	vmul.f32 v15, v9;
	v2 =	vadd.f32 v8, v2  }
0x2e0: {  	v33 =	vadd.f32 v11, v12;
	(xrf2) =	vadd.scan.msk.f32 $0xffff, v13  }
0x2e1: {  	v0 =	vadd.f32 v3, v32;
	(xrf2) =	vadd.scan.msk.f32 $0xffff, v2  }
0x2e2: {  	(xrf2) =	vadd.scan.msk.f32 $0xffff, v33  }
0x2e3: {  	(xrf2) =	vadd.scan.msk.f32 $0xffff, v0;
	_ =	sdelay $0x1  }
0x2e4: {  	v34, _, _ =	vpop (xrf2)  }
0x2e5: {  	v35, _, _ =	vpop (xrf2);
	(v2sf) =	vpush v34, $0xF  }
0x2e6: {  	v36, _, _ =	vpop (xrf2);
	(v2sf) =	vpush v35, $0xF  }
0x2e7: {  	v37, _, _ =	vpop (xrf2);
	(v2sf) =	vpush v36, $0xF  }
0x2e8: {  	v38, _, _ =	vpop (xrf2);
	(v2sf) =	vpush v37, $0xF  }
0x2e9: {  	(v2sf) =	vpush v38, $0xF;
	v39, _, _ =	vpop (xrf2)  }
0x2ea: {  	(v2sf) =	vpush v39, $0xF;
	v40, _, _ =	vpop (xrf2)  }
0x2eb: {  	v41, _, _ =	vpop (xrf2);
	(v2sf) =	vpush v40, $0xF  }
0x2ec: {  	(v2sf) =	vpush v41, $0xF;
	v42, _, _ =	vpop (xrf2)  }
0x2ed: {  	(v2sf) =	vpush v42, $0xF;
	_ =	sdelay $0x6  }
0x2ee: {  	s0 =	spop (v2sf)  }
0x2ef: {  	s1 =	spop (v2sf)  }
0x2f0: {  	s2 =	spop (v2sf);
	s3 =	smax.f32 s0, s1  }
0x2f1: {  	s4 =	spop (v2sf);
	s3 =	smax.f32 s3, s2  }
0x2f2: {  	s5 =	spop (v2sf);
	s3 =	smax.f32 s3, s4  }
0x2f3: {  	s3 =	smax.f32 s3, s5;
	s7 =	spop (v2sf)  }
0x2f4: {  	s3 =	smax.f32 s3, s7;
	s8 =	spop (v2sf)  }
0x2f5: {  	s9 =	spop (v2sf);
	s3 =	smax.f32 s3, s8  }
0x2f6: {  	s16 =	spop (v2sf);
	s3 =	smax.f32 s3, s9  }
0x2f7: {  	s3 =	smax.f32 s3, s16  }
0x2f8: {  	s0 =	ssub.f32 s0, s3  }
0x2f9: {  	s1 =	ssub.f32 s1, s3  }
0x2fa: {  	v43 =	vmov s0  }
0x2fb: {  	s2 =	ssub.f32 s2, s3;
	v44 =	vmov s1;
	v0 =	vmul.f32 $1.442695020e+00, v43  }
0x2fc: {  	s4 =	ssub.f32 s4, s3;
	v1 =	vmul.f32 $1.442695020e+00, v44  }
0x2fd: {  	v45 =	vmov s2;
	v0 =	vbroadcast v0, $0x0  }
0x2fe: {  	s5 =	ssub.f32 s5, s3;
	v3 =	vmov s4;
	v2 =	vmul.f32 $1.442695020e+00, v45;
	v1 =	vbroadcast v1, $0x0  }
0x2ff: {  	v46 =	vmul.f32 $1.442695020e+00, v3;
	(erf) = vpow2.f32 v0  }
0x300: {  	v48 =	vmov s5;
	v47 =	vbroadcast v2, $0x0;
	(erf) = vpow2.f32 v1  }
0x301: {  	s7 =	ssub.f32 s7, s3;
	v49 =	vmul.f32 $1.442695020e+00, v48  }
0x302: {  	s13 =	ssub.f32 s8, s3;
	v0 =	vbroadcast v46, $0x0;
	(erf) = vpow2.f32 v47  }
0x303: {  	v50 =	vmov s7;
	v1 =	vbroadcast v49, $0x0  }
0x304: {  	s14 =	ssub.f32 s9, s3;
	v51 =	vmov s13;
	(erf) = vpow2.f32 v0;
	v0 =	vmul.f32 $1.442695020e+00, v50  }
0x305: {  	v2 =	vmul.f32 $1.442695020e+00, v51  }
0x306: {  	s16 =	ssub.f32 s16, s3;
	v53 =	vmov s14;
	(erf) = vpow2.f32 v1;
	v0 =	vbroadcast v0, $0x0  }
0x307: {  	v54 =	vmul.f32 $1.442695020e+00, v53  }
0x308: {  	v56 =	vmov s16;
	v52 =	vbroadcast v2, $0x0;
	v3 =	vpop (erf);
	(erf) = vpow2.f32 v0  }
0x309: {  	v1 =	vmul.f32 $1.442695020e+00, v56;
	v55 =	vpop (erf)  }
0x30a: {  	v0 =	vbroadcast v54, $0x0;
	(erf) = vpow2.f32 v52;
	v9 =	vadd.f32 v55, v3  }
0x30b: {  	v11 =	vpop (erf)  }
0x30c: {  	v57 =	vbroadcast v1, $0x0;
	(erf) = vpow2.f32 v0;
	v58 =	vadd.f32 v9, v11  }
0x30d: {  	v12 =	vpop (erf)  }
0x30e: {  	(erf) = vpow2.f32 v57;
	v60 =	vadd.f32 v58, v12  }
0x30f: {  	v61 =	vpop (erf)  }
0x310: {  	v0 =	vadd.f32 v60, v61  }
0x311: {  	v14 =	vpop (erf)  }
0x312: {  	v0 =	vadd.f32 v0, v14  }
0x313: {  	v15 =	vpop (erf)  }
0x314: {  	v0 =	vadd.f32 v0, v15  }
0x315: {  	v16 =	vpop (erf)  }
0x316: {  	v0 =	vadd.f32 v0, v16  }
0x317: {  	v17 =	vpop (erf)  }
0x318: {  	v0 =	vadd.f32 v0, v17;
	_ =	sdelay $0x1  }
0x319: {  	(erf) = vrcp.f32 v0;
	_ =	sdelay $0x8  }
0x31a: {  	v0 =	vpop (erf)  }
0x31b: {  	v5 =	vld [tilespmem:$0x1FF60];
	v9 =	vmul.f32 v0, v3  }
0x31c: {  	v10 =	vmul.f32 v0, v55;
	v11 =	vmul.f32 v0, v11  }
0x31d: {  	v12 =	vmul.f32 v0, v12;
	v13 =	vmul.f32 v0, v61  }
0x31e: {  	v14 =	vmul.f32 v0, v14;
	v15 =	vmul.f32 v0, v15  }
0x31f: {  	v18 =	vmov s26;
	s0 =	simm.s32 $0x0;
	v16 =	vmul.f32 v0, v16;
	v17 =	vmul.f32 v0, v17  }
.LBB2_12:
0x320: {  	v8 =	vld [tilespmem:$0x1FF80]  }
0x321: {  	s1 =	sshra.s32 s0, $0x2;
	v24 =	vld [tilespmem:$0x1FF70]  }
0x322: {  	v0 =	vld.idx.msk [tilespmem:v62+s1+$0xFFFFFFC0 ss:$0x1], $0xffff  }
0x323: {  	v1 =	vld.idx.msk [tilespmem:v5+s1+$0xFFFFFFC0 ss:$0x1], $0xffff  }
0x324: {  	v2 =	vld.idx.msk [tilespmem:v6+s1+$0xFFFFFFC0 ss:$0x1], $0xffff  }
0x325: {  	v3 =	vld.idx.msk [tilespmem:v4+s1+$0xFFFFFFC0 ss:$0x1], $0xffff  }
0x326: {  	v19 =	vld.idx.msk [tilespmem:v63+s1+$0xFFFFFFC0 ss:$0x1], $0xffff  }
0x327: {  	v20 =	vld.idx.msk [tilespmem:v59+s1+$0xFFFFFFC0 ss:$0x1], $0xffff  }
0x328: {  	v21 =	vld.idx.msk [tilespmem:v8+s1+$0xFFFFFFC0 ss:$0x1], $0xffff  }
0x329: {  	v22 =	vld.idx.msk [tilespmem:v24+s1+$0xFFFFFFC0 ss:$0x1], $0xffff;
	_ =	sdelay $0x1  }
0x32a: {  	v23 =	vld.idx.msk [tilespmem:v7+s1+$0xFFFFFFC0 ss:$0x1], $0xffff;
	v1 =	vmul.f32 v1, v10;
	v19 =	vmul.f32 v19, v13  }
0x32b: {  	v2 =	vmul.f32 v2, v11;
	v20 =	vmul.f32 v20, v14  }
0x32c: {  	v0 =	vmul.f32 v0, v9;
	v3 =	vmul.f32 v3, v12;
	v1 =	vadd.f32 v19, v1  }
0x32d: {  	v2 =	vadd.f32 v20, v2;
	v19 =	vmul.f32 v21, v16;
	v20 =	vmul.f32 v22, v17  }
0x32e: {  	v0 =	vadd.f32 v3, v0  }
0x32f: {  	v3 =	vmul.f32 v23, v15;
	v1 =	vadd.f32 v19, v1;
	v2 =	vadd.f32 v20, v2;
	_ =	sdelay $0x1  }
0x330: {  	v0 =	vadd.f32 v3, v0;
	v1 =	vadd.f32 v2, v1;
	_ =	sdelay $0x1  }
0x331: {  	v0 =	vadd.f32 v1, v0;
	_ =	sdelay $0x1  }
0x332: {  	[tilespmem:v18+s1+$0xFFFFFFC0 ss:$0x1] =	vst.idx.msk $0xffff, v0  }
0x333: {  	v0 =	vld.idx.msk [tilespmem:v62+s1+$0xFFFFFFD0 ss:$0x1], $0xffff  }
0x334: {  	v26 =	vld.idx.msk [tilespmem:v5+s1+$0xFFFFFFD0 ss:$0x1], $0xffff  }
0x335: {  	v27 =	vld.idx.msk [tilespmem:v6+s1+$0xFFFFFFD0 ss:$0x1], $0xffff  }
0x336: {  	v3 =	vld.idx.msk [tilespmem:v4+s1+$0xFFFFFFD0 ss:$0x1], $0xffff  }
0x337: {  	v19 =	vld.idx.msk [tilespmem:v63+s1+$0xFFFFFFD0 ss:$0x1], $0xffff  }
0x338: {  	v20 =	vld.idx.msk [tilespmem:v59+s1+$0xFFFFFFD0 ss:$0x1], $0xffff  }
0x339: {  	v28 =	vld.idx.msk [tilespmem:v8+s1+$0xFFFFFFD0 ss:$0x1], $0xffff  }
0x33a: {  	v29 =	vld.idx.msk [tilespmem:v24+s1+$0xFFFFFFD0 ss:$0x1], $0xffff;
	_ =	sdelay $0x1  }
0x33b: {  	v30 =	vld.idx.msk [tilespmem:v7+s1+$0xFFFFFFD0 ss:$0x1], $0xffff;
	v1 =	vmul.f32 v26, v10;
	v19 =	vmul.f32 v19, v13  }
0x33c: {  	v2 =	vmul.f32 v27, v11;
	v20 =	vmul.f32 v20, v14  }
0x33d: {  	v0 =	vmul.f32 v0, v9;
	v3 =	vmul.f32 v3, v12;
	v1 =	vadd.f32 v19, v1  }
0x33e: {  	v2 =	vadd.f32 v20, v2;
	v19 =	vmul.f32 v28, v16;
	v20 =	vmul.f32 v29, v17  }
0x33f: {  	v0 =	vadd.f32 v3, v0  }
0x340: {  	v3 =	vmul.f32 v30, v15;
	v1 =	vadd.f32 v19, v1;
	v2 =	vadd.f32 v20, v2;
	_ =	sdelay $0x1  }
0x341: {  	v0 =	vadd.f32 v3, v0;
	v1 =	vadd.f32 v2, v1;
	_ =	sdelay $0x1  }
0x342: {  	v0 =	vadd.f32 v1, v0;
	_ =	sdelay $0x1  }
0x343: {  	[tilespmem:v18+s1+$0xFFFFFFD0 ss:$0x1] =	vst.idx.msk $0xffff, v0  }
0x344: {  	v0 =	vld.idx.msk [tilespmem:v62+s1+$0xFFFFFFE0 ss:$0x1], $0xffff  }
0x345: {  	v31 =	vld.idx.msk [tilespmem:v5+s1+$0xFFFFFFE0 ss:$0x1], $0xffff  }
0x346: {  	v32 =	vld.idx.msk [tilespmem:v6+s1+$0xFFFFFFE0 ss:$0x1], $0xffff  }
0x347: {  	v3 =	vld.idx.msk [tilespmem:v4+s1+$0xFFFFFFE0 ss:$0x1], $0xffff  }
0x348: {  	v19 =	vld.idx.msk [tilespmem:v63+s1+$0xFFFFFFE0 ss:$0x1], $0xffff  }
0x349: {  	v20 =	vld.idx.msk [tilespmem:v59+s1+$0xFFFFFFE0 ss:$0x1], $0xffff  }
0x34a: {  	v33 =	vld.idx.msk [tilespmem:v8+s1+$0xFFFFFFE0 ss:$0x1], $0xffff  }
0x34b: {  	v34 =	vld.idx.msk [tilespmem:v24+s1+$0xFFFFFFE0 ss:$0x1], $0xffff;
	_ =	sdelay $0x1  }
0x34c: {  	v35 =	vld.idx.msk [tilespmem:v7+s1+$0xFFFFFFE0 ss:$0x1], $0xffff;
	v1 =	vmul.f32 v31, v10;
	v19 =	vmul.f32 v19, v13  }
0x34d: {  	v2 =	vmul.f32 v32, v11;
	v20 =	vmul.f32 v20, v14  }
0x34e: {  	v0 =	vmul.f32 v0, v9;
	v3 =	vmul.f32 v3, v12;
	v1 =	vadd.f32 v19, v1  }
0x34f: {  	v2 =	vadd.f32 v20, v2;
	v19 =	vmul.f32 v33, v16;
	v20 =	vmul.f32 v34, v17  }
0x350: {  	v0 =	vadd.f32 v3, v0  }
0x351: {  	v3 =	vmul.f32 v35, v15;
	v1 =	vadd.f32 v19, v1;
	v2 =	vadd.f32 v20, v2;
	_ =	sdelay $0x1  }
0x352: {  	v0 =	vadd.f32 v3, v0;
	v1 =	vadd.f32 v2, v1;
	_ =	sdelay $0x1  }
0x353: {  	v0 =	vadd.f32 v1, v0;
	_ =	sdelay $0x1  }
0x354: {  	[tilespmem:v18+s1+$0xFFFFFFE0 ss:$0x1] =	vst.idx.msk $0xffff, v0  }
0x355: {  	v0 =	vld.idx.msk [tilespmem:v62+s1+$0xFFFFFFF0 ss:$0x1], $0xffff  }
0x356: {  	v36 =	vld.idx.msk [tilespmem:v5+s1+$0xFFFFFFF0 ss:$0x1], $0xffff  }
0x357: {  	v37 =	vld.idx.msk [tilespmem:v6+s1+$0xFFFFFFF0 ss:$0x1], $0xffff  }
0x358: {  	v3 =	vld.idx.msk [tilespmem:v4+s1+$0xFFFFFFF0 ss:$0x1], $0xffff  }
0x359: {  	v19 =	vld.idx.msk [tilespmem:v63+s1+$0xFFFFFFF0 ss:$0x1], $0xffff  }
0x35a: {  	v20 =	vld.idx.msk [tilespmem:v59+s1+$0xFFFFFFF0 ss:$0x1], $0xffff  }
0x35b: {  	v38 =	vld.idx.msk [tilespmem:v8+s1+$0xFFFFFFF0 ss:$0x1], $0xffff  }
0x35c: {  	v39 =	vld.idx.msk [tilespmem:v24+s1+$0xFFFFFFF0 ss:$0x1], $0xffff;
	_ =	sdelay $0x1  }
0x35d: {  	v40 =	vld.idx.msk [tilespmem:v7+s1+$0xFFFFFFF0 ss:$0x1], $0xffff;
	v1 =	vmul.f32 v36, v10;
	v19 =	vmul.f32 v19, v13  }
0x35e: {  	v2 =	vmul.f32 v37, v11;
	v20 =	vmul.f32 v20, v14  }
0x35f: {  	v0 =	vmul.f32 v0, v9;
	v3 =	vmul.f32 v3, v12;
	v1 =	vadd.f32 v19, v1  }
0x360: {  	v2 =	vadd.f32 v20, v2;
	v19 =	vmul.f32 v38, v16;
	v20 =	vmul.f32 v39, v17  }
0x361: {  	v0 =	vadd.f32 v3, v0  }
0x362: {  	v3 =	vmul.f32 v40, v15;
	v1 =	vadd.f32 v19, v1;
	v2 =	vadd.f32 v20, v2;
	_ =	sdelay $0x1  }
0x363: {  	v0 =	vadd.f32 v3, v0;
	v1 =	vadd.f32 v2, v1;
	_ =	sdelay $0x1  }
0x364: {  	v0 =	vadd.f32 v1, v0;
	_ =	sdelay $0x1  }
0x365: {  	[tilespmem:v18+s1+$0xFFFFFFF0 ss:$0x1] =	vst.idx.msk $0xffff, v0  }
0x366: {  	v0 =	vld.idx.msk [tilespmem:v62+s1+$0x0 ss:$0x1], $0xffff  }
0x367: {  	v41 =	vld.idx.msk [tilespmem:v5+s1+$0x0 ss:$0x1], $0xffff  }
0x368: {  	v42 =	vld.idx.msk [tilespmem:v6+s1+$0x0 ss:$0x1], $0xffff  }
0x369: {  	v3 =	vld.idx.msk [tilespmem:v4+s1+$0x0 ss:$0x1], $0xffff  }
0x36a: {  	v19 =	vld.idx.msk [tilespmem:v63+s1+$0x0 ss:$0x1], $0xffff  }
0x36b: {  	v20 =	vld.idx.msk [tilespmem:v59+s1+$0x0 ss:$0x1], $0xffff  }
0x36c: {  	v43 =	vld.idx.msk [tilespmem:v8+s1+$0x0 ss:$0x1], $0xffff  }
0x36d: {  	v44 =	vld.idx.msk [tilespmem:v24+s1+$0x0 ss:$0x1], $0xffff;
	_ =	sdelay $0x1  }
0x36e: {  	v45 =	vld.idx.msk [tilespmem:v7+s1+$0x0 ss:$0x1], $0xffff;
	v1 =	vmul.f32 v41, v10;
	v19 =	vmul.f32 v19, v13  }
0x36f: {  	v2 =	vmul.f32 v42, v11;
	v20 =	vmul.f32 v20, v14  }
0x370: {  	v0 =	vmul.f32 v0, v9;
	v3 =	vmul.f32 v3, v12;
	v1 =	vadd.f32 v19, v1  }
0x371: {  	v2 =	vadd.f32 v20, v2;
	v19 =	vmul.f32 v43, v16;
	v20 =	vmul.f32 v44, v17  }
0x372: {  	v0 =	vadd.f32 v3, v0  }
0x373: {  	v3 =	vmul.f32 v45, v15;
	v1 =	vadd.f32 v19, v1;
	v2 =	vadd.f32 v20, v2;
	_ =	sdelay $0x1  }
0x374: {  	v0 =	vadd.f32 v3, v0;
	v1 =	vadd.f32 v2, v1;
	_ =	sdelay $0x1  }
0x375: {  	v0 =	vadd.f32 v1, v0;
	_ =	sdelay $0x1  }
0x376: {  	[tilespmem:v18+s1+$0x0 ss:$0x1] =	vst.idx.msk $0xffff, v0  }
0x377: {  	v0 =	vld.idx.msk [tilespmem:v62+s1+$0x10 ss:$0x1], $0xffff  }
0x378: {  	v46 =	vld.idx.msk [tilespmem:v5+s1+$0x10 ss:$0x1], $0xffff  }
0x379: {  	v47 =	vld.idx.msk [tilespmem:v6+s1+$0x10 ss:$0x1], $0xffff  }
0x37a: {  	v3 =	vld.idx.msk [tilespmem:v4+s1+$0x10 ss:$0x1], $0xffff  }
0x37b: {  	v19 =	vld.idx.msk [tilespmem:v63+s1+$0x10 ss:$0x1], $0xffff  }
0x37c: {  	v20 =	vld.idx.msk [tilespmem:v59+s1+$0x10 ss:$0x1], $0xffff  }
0x37d: {  	v48 =	vld.idx.msk [tilespmem:v8+s1+$0x10 ss:$0x1], $0xffff  }
0x37e: {  	v49 =	vld.idx.msk [tilespmem:v24+s1+$0x10 ss:$0x1], $0xffff;
	_ =	sdelay $0x1  }
0x37f: {  	v50 =	vld.idx.msk [tilespmem:v7+s1+$0x10 ss:$0x1], $0xffff;
	v1 =	vmul.f32 v46, v10;
	v19 =	vmul.f32 v19, v13  }
0x380: {  	v2 =	vmul.f32 v47, v11;
	v20 =	vmul.f32 v20, v14  }
0x381: {  	v0 =	vmul.f32 v0, v9;
	v3 =	vmul.f32 v3, v12;
	v1 =	vadd.f32 v19, v1  }
0x382: {  	v2 =	vadd.f32 v20, v2;
	v19 =	vmul.f32 v48, v16;
	v20 =	vmul.f32 v49, v17  }
0x383: {  	v0 =	vadd.f32 v3, v0  }
0x384: {  	v3 =	vmul.f32 v50, v15;
	v1 =	vadd.f32 v19, v1;
	v2 =	vadd.f32 v20, v2;
	_ =	sdelay $0x1  }
0x385: {  	v0 =	vadd.f32 v3, v0;
	v1 =	vadd.f32 v2, v1;
	_ =	sdelay $0x1  }
0x386: {  	v0 =	vadd.f32 v1, v0;
	_ =	sdelay $0x1  }
0x387: {  	[tilespmem:v18+s1+$0x10 ss:$0x1] =	vst.idx.msk $0xffff, v0  }
0x388: {  	v0 =	vld.idx.msk [tilespmem:v62+s1+$0x20 ss:$0x1], $0xffff  }
0x389: {  	v51 =	vld.idx.msk [tilespmem:v5+s1+$0x20 ss:$0x1], $0xffff  }
0x38a: {  	v52 =	vld.idx.msk [tilespmem:v6+s1+$0x20 ss:$0x1], $0xffff  }
0x38b: {  	v3 =	vld.idx.msk [tilespmem:v4+s1+$0x20 ss:$0x1], $0xffff  }
0x38c: {  	v19 =	vld.idx.msk [tilespmem:v63+s1+$0x20 ss:$0x1], $0xffff  }
0x38d: {  	v20 =	vld.idx.msk [tilespmem:v59+s1+$0x20 ss:$0x1], $0xffff  }
0x38e: {  	v53 =	vld.idx.msk [tilespmem:v8+s1+$0x20 ss:$0x1], $0xffff  }
0x38f: {  	v54 =	vld.idx.msk [tilespmem:v24+s1+$0x20 ss:$0x1], $0xffff;
	_ =	sdelay $0x1  }
0x390: {  	v55 =	vld.idx.msk [tilespmem:v7+s1+$0x20 ss:$0x1], $0xffff;
	v1 =	vmul.f32 v51, v10;
	v19 =	vmul.f32 v19, v13  }
0x391: {  	v2 =	vmul.f32 v52, v11;
	v20 =	vmul.f32 v20, v14  }
0x392: {  	v0 =	vmul.f32 v0, v9;
	v3 =	vmul.f32 v3, v12;
	v1 =	vadd.f32 v19, v1  }
0x393: {  	v2 =	vadd.f32 v20, v2;
	v19 =	vmul.f32 v53, v16;
	v20 =	vmul.f32 v54, v17  }
0x394: {  	v0 =	vadd.f32 v3, v0  }
0x395: {  	v3 =	vmul.f32 v55, v15;
	v1 =	vadd.f32 v19, v1;
	v2 =	vadd.f32 v20, v2;
	_ =	sdelay $0x1  }
0x396: {  	v0 =	vadd.f32 v3, v0;
	v1 =	vadd.f32 v2, v1;
	_ =	sdelay $0x1  }
0x397: {  	v0 =	vadd.f32 v1, v0;
	_ =	sdelay $0x1  }
0x398: {  	[tilespmem:v18+s1+$0x20 ss:$0x1] =	vst.idx.msk $0xffff, v0  }
0x399: {  	v0 =	vld.idx.msk [tilespmem:v62+s1+$0x30 ss:$0x1], $0xffff  }
0x39a: {  	v56 =	vld.idx.msk [tilespmem:v5+s1+$0x30 ss:$0x1], $0xffff  }
0x39b: {  	v57 =	vld.idx.msk [tilespmem:v6+s1+$0x30 ss:$0x1], $0xffff  }
0x39c: {  	v3 =	vld.idx.msk [tilespmem:v4+s1+$0x30 ss:$0x1], $0xffff  }
0x39d: {  	v19 =	vld.idx.msk [tilespmem:v63+s1+$0x30 ss:$0x1], $0xffff  }
0x39e: {  	v20 =	vld.idx.msk [tilespmem:v59+s1+$0x30 ss:$0x1], $0xffff  }
0x39f: {  	v58 =	vld.idx.msk [tilespmem:v8+s1+$0x30 ss:$0x1], $0xffff  }
0x3a0: {  	v60 =	vld.idx.msk [tilespmem:v24+s1+$0x30 ss:$0x1], $0xffff;
	_ =	sdelay $0x1  }
0x3a1: {  	v61 =	vld.idx.msk [tilespmem:v7+s1+$0x30 ss:$0x1], $0xffff;
	v1 =	vmul.f32 v56, v10;
	v19 =	vmul.f32 v19, v13  }
0x3a2: {  	v2 =	vmul.f32 v57, v11;
	v20 =	vmul.f32 v20, v14  }
0x3a3: {  	v0 =	vmul.f32 v0, v9;
	v3 =	vmul.f32 v3, v12;
	v1 =	vadd.f32 v19, v1  }
0x3a4: {  	v2 =	vadd.f32 v20, v2;
	v19 =	vmul.f32 v58, v16;
	v20 =	vmul.f32 v60, v17  }
0x3a5: {  	v0 =	vadd.f32 v3, v0  }
0x3a6: {  	v3 =	vmul.f32 v61, v15;
	v1 =	vadd.f32 v19, v1;
	v2 =	vadd.f32 v20, v2  }
0x3a7: {  	p0 =	sne.s32 s0, $0x3000  }
.Ltmp4:
0x3a8: {  	v0 =	vadd.f32 v3, v0;
	v1 =	vadd.f32 v2, v1;
	(pc) =	sbr.rel @p0 .LBB2_12-.Ltmp4, $3  }
0x3a9: {  	_ = 	snop  }
0x3aa: {  	v0 =	vadd.f32 v1, v0;
	_ =	sdelay $0x1  }
0x3ab: {  	s0 =	sadd.s32 $0x1000, s0;
	[tilespmem:v18+s1+$0x30 ss:$0x1] =	vst.idx.msk $0xffff, v0  }
0x3ac: {  	s22 =	sadd.s32 $0x1, s22  }
0x3ad: {  	p0 =	sne.s32 s22, $0x8  }
.Ltmp5:
0x3ae: {  	_ = 	snop;
	(pc) =	sbr.rel @p0 .LBB2_9-.Ltmp5, $4  }
0x3af: {  	s23 =	sadd.s32 $0x80, s23  }
0x3b0: {  	s17 =	sadd.s32 $0x80, s17;
	s19 =	sadd.s32 $0x80, s19;
	s24 =	sadd.s32 $0x80, s24  }
0x3b1: {  	s25 =	sadd.s32 $0x80, s25;
	s29 =	sadd.s32 $0x80, s29;
	s10 =	sadd.s32 $0x80, s10  }
0x3b2: {  	s6 =	sadd.s32 $0x80, s6;
	s11 =	sadd.s32 $0x80, s11;
	s26 =	sadd.s32 $0x80, s26  }
0x3b3: {  	s20 =	sadd.s32 $0x1, s20  }
0x3b4: {  	p0 =	sne.s32 s20, $0x7  }
.Ltmp6:
0x3b5: {  	s0 =	sshll.u32 s21, $0x9;
	(pc) =	sbr.rel @p0 .LBB2_2-.Ltmp6, $4  }
0x3b6: {  	s0 =	sadd.s32 $0xFF9C1000, s0  }
0x3b7: {  	s0 =	sshrl.u32 s0, $0x3  }
0x3b8: {  	s1 =	simm.s32 $0x13200;
	s0 =	sadd.s32 s15, s0  }
0x3b9: {  	[hbm4b:s0+s12] =	stream.linear.scatter [tilespmem:s1], [sflag:$0x4], $0x1000, $0x38;
	[tilespmem:$0x14200] =	vst v63  }
0x3ba: {  	_ =	swait.ge [sflag:s28], $0x1000  }
0x3bb: {  	[sflag:s28] =	ssyncset.done $0x0  }
0x3bc: {  	[sflag:s28] =	ssyncadd.s32 $0xFFFFF000  }
0x3bd: {  	_ =	swait.ge [sflag:s28], $0x1000  }
0x3be: {  	[sflag:s28] =	ssyncset.done $0x0  }
0x3bf: {  	[sflag:s28] =	ssyncadd.s32 $0xFFFFF000  }
0x3c0: {  	_ =	swait.ge [sflag:s28], $0x1000  }
0x3c1: {  	[sflag:s28] =	ssyncset.done $0x0  }
0x3c2: {  	[sflag:s28] =	ssyncadd.s32 $0xFFFFF000  }
0x3c3: {  	_ =	swait.ge [sflag:s28], $0x1000  }
0x3c4: {  	[sflag:s28] =	ssyncset.done $0x0  }
0x3c5: {  	[sflag:s28] =	ssyncadd.s32 $0xFFFFF000  }
0x3c6: {  	_ =	swait.ge [sflag:s28], $0x1000  }
0x3c7: {  	[sflag:s28] =	ssyncset.done $0x0  }
0x3c8: {  	[sflag:s28] =	ssyncadd.s32 $0xFFFFF000  }
0x3c9: {  	_ =	swait.ge [sflag:s28], $0x1000  }
0x3ca: {  	[sflag:s28] =	ssyncset.done $0x0  }
0x3cb: {  	[sflag:s28] =	ssyncadd.s32 $0xFFFFF000  }
0x3cc: {  	_ =	swait.ge [sflag:s28], $0x1000  }
0x3cd: {  	[sflag:s28] =	ssyncset.done $0x0  }
0x3ce: {  	[sflag:s28] =	ssyncadd.s32 $0xFFFFF000  }
0x3cf: {  	_ =	swait.ge [sflag:s28], $0x1000  }
0x3d0: {  	[sflag:s28] =	ssyncset.done $0x0  }
0x3d1: {  	[sflag:s28] =	ssyncadd.s32 $0xFFFFF000  }
0x3d2: {  	_ =	swait.ge [sflag:s28], $0x1000  }
0x3d3: {  	[sflag:s28] =	ssyncset.done $0x0  }
0x3d4: {  	s0 =	simm.s32 $0x3;
	[sflag:s28] =	ssyncadd.s32 $0xFFFFF000  }
0x3d5: {  	_ =	swait.ge [sflag:s0], $0x1000  }
0x3d6: {  	[sflag:s0] =	ssyncset.done $0x0  }
0x3d7: {  	s1 =	simm.s32 $0x4;
	[sflag:s0] =	ssyncadd.s32 $0xFFFFF000  }
0x3d8: {  	_ =	swait.ge [sflag:s1], $0x1000  }
0x3d9: {  	s2 =	rddreg [dreg:$0x18]  }
0x3da: {  	s29 =	rddreg [dreg:$0x17];
	s2 =	sadd.s32 $0x1, s2  }
0x3db: {  	p0 =	sne.s32 s2, s29  }
.Ltmp7:
0x3dc: {  	_ = 	snop;
	(pc) =	sbr.rel @p0 .LBB2_1-.Ltmp7, $3  }
0x3dd: {  	_ =	sdelay $0x1  }
0x3de: {  	[sflag:s1] =	ssyncset.done $0x0  }
0x3df: {  	[sflag:s1] =	ssyncadd.s32 $0xFFFFF000  }
0x3e0: {  	_ =	sfence.sel $0x180000  }
0x3e1: {  	[bflag:$0x0] =	sbarrier.arrive $0xFFFF  }
0x3e2: {  	_ =	strace $0x90000047  }
0x3e3: {  	s0 =	stileid.u32;
	[bflag:$0x2] =	sbarrier.arrive $0xFFFF  }
0x3e4: {  	p0 =	sne.s32 s0, $0x0;
	s0 =	rddreg [dreg:$0xb]  }
0x3e5: {  	s0 =	sadd.s32 @!p0 $0x100000, s0  }
0x3e6: {  	[sflag:s0] =	ssyncadd.tile.s32 @!p0 $0x1;
	_ =	shalt  }
.Lfunc_end2:
_tile_overlayer_lowered:
.L_overlay_start_2:
0x3e7: {  	(tag) =	ssettag $0x2  }
0x3e8: {  	s0 =	rddreg [dreg:$0x0];
	s2 =	stileid.u32  }
0x3e9: {  	s1 =	rddreg [dreg:$0x1];
	p0 =	sne.s32 s2, $0x0  }
0x3ea: {  	s3 =	rddreg [dreg:$0x2];
	[bflag:$0x3] =	sbarrier.arrive $0xFFFF;
	s2 =	simm.s32 @!p0 $0x1C05  }
0x3eb: {  	[timem:s3], [sflag:s2] =	dma.local @!p0 [hbm:s0], s1  }
0x3ec: {  	s0 =	simm.s32 @!p0 $0x5  }
0x3ed: {  	_ =	swait.ge @!p0 [sflag:s0], s1  }
0x3ee: {  	s1 =	ssub.s32 @!p0 $0x0, s1;
	[sflag:s0] =	ssyncset.done @!p0 $0x0  }
0x3ef: {  	[sflag:s0] =	ssyncadd.s32 @!p0 s1  }
0x3f0: {  	[bflag:$0x3] =	sbarrier.arrive $0xFFFF  }
0x3f1: {  	_ =	shalt  }

</sc_bundles>
